<compile_context>
chip_gen: v7x
topology: tpu7x:2x2x1
jax: 0.10.2.dev20260603
libtpu: 0.0.44.dev20260713+nightly
codegen_flags: <defaults>
</compile_context>

<pallas_src>
import jax
import jax.numpy as jnp
from jax import lax
from jax.experimental import pallas as pl
from jax.experimental.pallas import tpu as pltpu
from jax.experimental.pallas import tpu_sc as plsc

N = 50000
E = 800000
IN_DIM = 128
D = 64

NC, NS = 2, 16
NW = NC * NS
NV = 50400
EP = 819200
ROWF = 80
NACC = 50176
TPR = NACC // NS
CH = 128
SB = 1024
RB = 112

_SC_PARAMS = pltpu.CompilerParams(
    needs_layout_passes=False, use_tc_tiling_on_sc=False)


def _rsqrt(x):
    i = lax.bitcast_convert_type(x, jnp.int32)
    i = jnp.int32(0x5F3759DF) - lax.shift_right_arithmetic(i, 1)
    y = lax.bitcast_convert_type(i, jnp.float32)
    for _ in range(3):
        y = y * (1.5 - 0.5 * x * y * y)
    return y



def _proj_body(h_ref, wq_ref, wk_ref, wv_ref, wg_ref,
               a_ref, b_ref, v0_ref, v1_ref):
    hb = h_ref[...]
    kb = jnp.dot(hb, wk_ref[...], preferred_element_type=jnp.float32)
    qb = jnp.dot(hb, wq_ref[...], preferred_element_type=jnp.float32)
    vb = jnp.dot(hb, wv_ref[...], preferred_element_type=jnp.float32)
    gb = jnp.dot(hb, wg_ref[...], preferred_element_type=jnp.float32)
    a_ref[...] = jnp.concatenate([kb, gb], axis=1)
    b_ref[...] = jnp.concatenate([qb, gb], axis=1)
    v0_ref[...] = vb[:, :32]
    v1_ref[...] = vb[:, 32:]


def _proj(hp, wq, wk, wv, wgp):
    rb = 400
    return pl.pallas_call(
        _proj_body,
        grid=(NV // rb,),
        in_specs=[
            pl.BlockSpec((rb, IN_DIM), lambda i: (i, 0)),
            pl.BlockSpec((IN_DIM, D), lambda i: (0, 0)),
            pl.BlockSpec((IN_DIM, D), lambda i: (0, 0)),
            pl.BlockSpec((IN_DIM, D), lambda i: (0, 0)),
            pl.BlockSpec((IN_DIM, 16), lambda i: (0, 0)),
        ],
        out_specs=[
            pl.BlockSpec((rb, ROWF), lambda i: (i, 0)),
            pl.BlockSpec((rb, ROWF), lambda i: (i, 0)),
            pl.BlockSpec((rb, 32), lambda i: (i, 0)),
            pl.BlockSpec((rb, 32), lambda i: (i, 0)),
        ],
        out_shape=[
            jax.ShapeDtypeStruct((NV, ROWF), jnp.float32),
            jax.ShapeDtypeStruct((NV, ROWF), jnp.float32),
            jax.ShapeDtypeStruct((NV, 32), jnp.float32),
            jax.ShapeDtypeStruct((NV, 32), jnp.float32),
        ],
    )(hp, wq, wk, wv, wgp)



def _edge_weight_body(a_hbm, b_hbm, src_hbm, dst_hbm, zeros_z,
                      w_hbm, zpart_hbm,
                      sidx, didx, a_v, b_v, wbuf, val_z, ezbuf, zbuf,
                      acc_z, sem):
    c = lax.axis_index("c")
    s = lax.axis_index("s")
    wid = s * NC + c
    per_tile = EP // NW
    n_super = per_tile // SB
    lanes = lax.iota(jnp.int32, 16)

    pltpu.sync_copy(zeros_z, acc_z.at[pl.ds(pl.multiple_of(s * TPR, 8), TPR)])
    plsc.subcore_barrier()

    def superblock(sb_i, _):
        sb_base = pl.multiple_of(wid * per_tile + sb_i * SB, SB)
        row0 = pl.multiple_of(sb_base // CH, 8)
        pltpu.sync_copy(src_hbm.at[pl.ds(row0, SB // CH)], sidx)
        pltpu.sync_copy(dst_hbm.at[pl.ds(row0, SB // CH)], didx)

        def chunk(k, _):
            pltpu.async_copy(a_hbm.at[sidx.at[k]], a_v, sem).wait()
            pltpu.async_copy(b_hbm.at[didx.at[k]], b_v, sem).wait()

            def group(g, _):
                svs, g2s = [], []
                for e in range(16):
                    r = g * 16 + e
                    acc = (a_v[r, pl.ds(0, 16)] * b_v[r, pl.ds(0, 16)]
                           + a_v[r, pl.ds(16, 16)] * b_v[r, pl.ds(16, 16)]
                           + a_v[r, pl.ds(32, 16)] * b_v[r, pl.ds(32, 16)]
                           + a_v[r, pl.ds(48, 16)] * b_v[r, pl.ds(48, 16)])
                    gd = a_v[r, pl.ds(64, 16)] - b_v[r, pl.ds(64, 16)]
                    svs.append(jnp.where(lanes == e, jnp.sum(acc), 0.0))
                    g2s.append(jnp.where(lanes == e, jnp.sum(gd * gd), 0.0))
                while len(svs) > 1:
                    svs = [x + y for x, y in zip(svs[::2], svs[1::2])]
                    g2s = [x + y for x, y in zip(g2s[::2], g2s[1::2])]
                sv, g2 = svs[0], g2s[0] + 1e-6
                score = jnp.exp(jnp.clip(sv * 0.125, -5.0, 5.0))
                dist = -(g2 * _rsqrt(g2))
                distance = jnp.exp(jnp.clip(dist * 0.125, -5.0, 5.0))
                wbuf[pl.ds(k * CH + g * 16, 16)] = score * distance
                for e in range(16):
                    val_z[g * 16 + e, pl.ds(0, 16)] = jnp.where(
                        lanes == 0, score[e], 0.0)
                return 0

            lax.fori_loop(0, CH // 16, group, 0)
            pltpu.sync_copy(val_z, acc_z.at[didx.at[k]], add=True)
            return 0

        lax.fori_loop(0, SB // CH, chunk, 0)
        pltpu.sync_copy(wbuf, w_hbm.at[pl.ds(sb_base, SB)])
        return 0

    lax.fori_loop(0, n_super, superblock, 0)
    plsc.subcore_barrier()

    def zchunk(j, _):
        r0 = pl.multiple_of(s * TPR + j * RB, 8)
        pltpu.sync_copy(acc_z.at[pl.ds(r0, RB)], ezbuf)

        def t16(t, _):
            zv = jnp.zeros((16,), jnp.float32)
            for e in range(16):
                zv = jnp.where(lanes == e, ezbuf[t * 16 + e, pl.ds(0, 16)][0], zv)
            zbuf[pl.ds(t * 16, 16)] = zv
            return 0

        lax.fori_loop(0, RB // 16, t16, 0)
        pltpu.sync_copy(zbuf, zpart_hbm.at[c, pl.ds(r0, RB)])
        return 0

    lax.fori_loop(0, TPR // RB, zchunk, 0)


def _edge_weights(a, b, src2d, dst2d, zeros_z):
    mesh = plsc.VectorSubcoreMesh(core_axis_name="c", subcore_axis_name="s")
    f = pl.kernel(
        _edge_weight_body,
        out_type=[
            jax.ShapeDtypeStruct((EP,), jnp.float32),
            jax.ShapeDtypeStruct((NC, NACC), jnp.float32),
        ],
        mesh=mesh,
        scratch_types=[
            pltpu.VMEM((SB // CH, CH), jnp.int32),
            pltpu.VMEM((SB // CH, CH), jnp.int32),
            pltpu.VMEM((CH, ROWF), jnp.float32),
            pltpu.VMEM((CH, ROWF), jnp.float32),
            pltpu.VMEM((SB,), jnp.float32),
            pltpu.VMEM((CH, 16), jnp.float32),
            pltpu.VMEM((RB, 16), jnp.float32),
            pltpu.VMEM((RB,), jnp.float32),
            pltpu.VMEM_SHARED((NACC, 16), jnp.float32),
            pltpu.SemaphoreType.DMA,
        ],
        compiler_params=_SC_PARAMS,
    )
    return f(a, b, src2d, dst2d, zeros_z)



def _agg_body(vtab_hbm, src_hbm, dst_hbm, w_hbm, zpart_hbm, zeros_hbm,
              out_hbm,
              sidx, didx, vidx, w_v, v_v, val_v, evbuf, ovbuf, zb0, zb1,
              acc, sem):
    c = lax.axis_index("c")
    s = lax.axis_index("s")
    per_tile = EP // NS
    n_super = per_tile // SB
    voff = c * NV
    lanes = lax.iota(jnp.int32, 16)

    pltpu.sync_copy(zeros_hbm, acc.at[pl.ds(pl.multiple_of(s * TPR, 8), TPR)])
    plsc.subcore_barrier()

    def superblock(sb_i, _):
        sb_base = pl.multiple_of(s * per_tile + sb_i * SB, SB)
        row0 = pl.multiple_of(sb_base // CH, 8)
        pltpu.sync_copy(src_hbm.at[pl.ds(row0, SB // CH)], sidx)
        pltpu.sync_copy(dst_hbm.at[pl.ds(row0, SB // CH)], didx)
        pltpu.sync_copy(w_hbm.at[pl.ds(sb_base, SB)], w_v)

        def chunk(k, _):
            for j in range(CH // 16):
                vidx[pl.ds(j * 16, 16)] = sidx[k, pl.ds(j * 16, 16)] + voff
            pltpu.async_copy(vtab_hbm.at[vidx], v_v, sem).wait()

            def group(g, _):
                base16 = k * CH + g * 16
                w16 = w_v[pl.ds(base16, 16)]
                for e in range(16):
                    r = g * 16 + e
                    w = w16[e]
                    val_v[r, pl.ds(0, 16)] = v_v[r, pl.ds(0, 16)] * w
                    val_v[r, pl.ds(16, 16)] = v_v[r, pl.ds(16, 16)] * w
                return 0

            lax.fori_loop(0, CH // 16, group, 0)
            pltpu.sync_copy(val_v, acc.at[didx.at[k]], add=True)
            return 0

        lax.fori_loop(0, SB // CH, chunk, 0)
        return 0

    lax.fori_loop(0, n_super, superblock, 0)
    plsc.subcore_barrier()

    def ep_chunk(j, _):
        r0 = pl.multiple_of(s * TPR + j * RB, 8)
        pltpu.sync_copy(acc.at[pl.ds(r0, RB)], evbuf)
        pltpu.sync_copy(zpart_hbm.at[0, pl.ds(r0, RB)], zb0)
        pltpu.sync_copy(zpart_hbm.at[1, pl.ds(r0, RB)], zb1)

        def t16(t, _):
            z16 = zb0[pl.ds(t * 16, 16)] + zb1[pl.ds(t * 16, 16)]
            inv = 1.0 / jnp.where(z16 > 0.0, z16, 1.0)
            for e in range(16):
                r = t * 16 + e
                iv = inv[e]
                ovbuf[r, pl.ds(0, 16)] = evbuf[r, pl.ds(0, 16)] * iv
                ovbuf[r, pl.ds(16, 16)] = evbuf[r, pl.ds(16, 16)] * iv
            return 0

        lax.fori_loop(0, RB // 16, t16, 0)

        @pl.when(c == 0)
        def _():
            pltpu.sync_copy(ovbuf, out_hbm.at[pl.ds(r0, RB), pl.ds(0, 32)])

        @pl.when(c == 1)
        def _():
            pltpu.sync_copy(ovbuf, out_hbm.at[pl.ds(r0, RB), pl.ds(32, 32)])
        return 0

    lax.fori_loop(0, TPR // RB, ep_chunk, 0)


def _aggregate(vtab, src2d, dst2d, w, zpart, zeros_acc):
    mesh = plsc.VectorSubcoreMesh(core_axis_name="c", subcore_axis_name="s")
    f = pl.kernel(
        _agg_body,
        out_type=jax.ShapeDtypeStruct((NACC, D), jnp.float32),
        mesh=mesh,
        scratch_types=[
            pltpu.VMEM((SB // CH, CH), jnp.int32),
            pltpu.VMEM((SB // CH, CH), jnp.int32),
            pltpu.VMEM((CH,), jnp.int32),
            pltpu.VMEM((SB,), jnp.float32),
            pltpu.VMEM((CH, 32), jnp.float32),
            pltpu.VMEM((CH, 32), jnp.float32),
            pltpu.VMEM((RB, 32), jnp.float32),
            pltpu.VMEM((RB, 32), jnp.float32),
            pltpu.VMEM((RB,), jnp.float32),
            pltpu.VMEM((RB,), jnp.float32),
            pltpu.VMEM_SHARED((NACC, 32), jnp.float32),
            pltpu.SemaphoreType.DMA,
        ],
        compiler_params=_SC_PARAMS,
    )
    return f(vtab, src2d, dst2d, w, zpart, zeros_acc)



@jax.jit
def kernel(h, edge_index, WQ, WK, WV, WG):
    hp = jnp.zeros((NV, IN_DIM), jnp.float32).at[:N].set(h)
    wgp = jnp.zeros((IN_DIM, 16), jnp.float32).at[:, :3].set(WG)
    a, b, v0, v1 = _proj(hp, WQ, WK, WV, wgp)
    vtab = jnp.concatenate([v0, v1], axis=0)

    pad = jnp.full((EP - E,), N, jnp.int32)
    src2d = jnp.concatenate([edge_index[0], pad]).reshape(EP // CH, CH)
    dst2d = jnp.concatenate([edge_index[1], pad]).reshape(EP // CH, CH)

    zeros_z = jnp.zeros((TPR, 16), jnp.float32)
    w, zpart = _edge_weights(a, b, src2d, dst2d, zeros_z)
    zeros_acc = jnp.zeros((TPR, 32), jnp.float32)
    outf = _aggregate(vtab, src2d, dst2d, w, zpart, zeros_acc)
    return outf[:N].reshape(N, 1, D)

# --- scband reference (transcript-rebuilt; emitter-appended) ---
"""Pipeline reference for scband-multi-head-attention-layer-73418170958216 (READ-ONLY COPY).

The authoritative reference and input builder live on the scoring server;
editing this copy changes nothing except your own understanding.
"""

import jax, jax.numpy as jnp
import numpy as np

N = 50000
E = 800000
IN_DIM = 128
OUT_DIM = 64
H = 1

def setup_inputs(seed: int = 0) -> dict:
    key = jax.random.key(seed)
    ks = jax.random.split(key, 8)
    h = jax.random.normal(ks[0], (N, IN_DIM), dtype=jnp.float32)
    edge_index = jax.random.randint(ks[1], (2, E), 0, N, dtype=jnp.int32)
    s = 1.0 / np.sqrt(IN_DIM)
    WQ = jax.random.normal(ks[2], (IN_DIM, OUT_DIM * H), dtype=jnp.float32) * s
    WK = jax.random.normal(ks[3], (IN_DIM, OUT_DIM * H), dtype=jnp.float32) * s
    WV = jax.random.normal(ks[4], (IN_DIM, OUT_DIM * H), dtype=jnp.float32) * s
    WG = jax.random.normal(ks[5], (IN_DIM, 3 * H), dtype=jnp.float32) * s
    return {"h": h, "edge_index": edge_index, "WQ": WQ, "WK": WK, "WV": WV, "WG": WG}


def reference(h, edge_index, WQ, WK, WV, WG):
    D = OUT_DIM
    K_h = (h @ WK).reshape(-1, H, D)
    Q_h = (h @ WQ).reshape(-1, H, D)
    V_h = (h @ WV).reshape(-1, H, D)
    G_h = (h @ WG).reshape(-1, H, 3)
    src = edge_index[0]
    dst = edge_index[1]
    scale = np.sqrt(D).astype(np.float32)
    # src_dot_dst('K_h','Q_h','score') then scaled_exp
    score = (K_h[src] * Q_h[dst]).sum(-1, keepdims=True)  # [E,H,1]
    score_e = jnp.exp(jnp.clip(score / scale, -5.0, 5.0))
    # RelativePositionMessage
    dist = -jnp.sqrt(((G_h[src] - G_h[dst]) ** 2).sum(-1) + 1e-06)  # [E,H]
    distance = jnp.exp(jnp.clip(dist / scale, -5.0, 5.0))
    weight = score_e.reshape(-1, 1, 1) * distance.reshape(-1, 1, 1)  # [E,1,1] (H=1)
    v1 = weight * V_h[src]  # [E,H,D]
    # fn.sum aggregation at dst
    wV = jax.ops.segment_sum(v1, dst, num_segments=N)  # [N,H,D]
    z = jax.ops.segment_sum(score_e, dst, num_segments=N)  # [N,H,1]
    z_t = jnp.tile(z.reshape(-1, 1, 1), (1, 1, D))  # [N,1,D]
    mask = z_t > 0
    head_out = jnp.where(mask, wV / jnp.where(mask, z_t, 1.0), wV)
    return head_out

if __name__ == "__main__":
    import jax
    _d = setup_inputs()
    print(jax.jit(kernel)(*tuple(_d.values())))

</pallas_src>

<mosaic_0001>
#map = affine_map<(d0, d1) -> (0, 0)>
#map1 = affine_map<(d0, d1) -> (0)>
module attributes {stable_mosaic.version = 14 : i64} {
  func.func @_edge_weight_body(%arg0: i32, %arg1: i32, %arg2: memref<50400x80xf32, #tpu.memory_space<hbm>>, %arg3: memref<50400x80xf32, #tpu.memory_space<hbm>>, %arg4: memref<6400x128xi32, #tpu.memory_space<hbm>>, %arg5: memref<6400x128xi32, #tpu.memory_space<hbm>>, %arg6: memref<3136x16xf32, #tpu.memory_space<hbm>>, %arg7: memref<819200xf32, #tpu.memory_space<hbm>>, %arg8: memref<2x50176xf32, #tpu.memory_space<hbm>>, %arg9: memref<8x128xi32, #tpu.memory_space<vmem>>, %arg10: memref<8x128xi32, #tpu.memory_space<vmem>>, %arg11: memref<128x80xf32, #tpu.memory_space<vmem>>, %arg12: memref<128x80xf32, #tpu.memory_space<vmem>>, %arg13: memref<1024xf32, #tpu.memory_space<vmem>>, %arg14: memref<128x16xf32, #tpu.memory_space<vmem>>, %arg15: memref<112x16xf32, #tpu.memory_space<vmem>>, %arg16: memref<112xf32, #tpu.memory_space<vmem>>, %arg17: memref<50176x16xf32, #tpu.memory_space<vmem_shared>>, %arg18: memref<!tpu.dma_semaphore, #tpu.memory_space<semaphore_mem>>) attributes {dimension_semantics = [#tpu.dimension_semantics<core_parallel>, #tpu.dimension_semantics<subcore_parallel>], iteration_bounds = array<i64: 2, 16>, scalar_prefetch = 0 : i64, scratch_operands = 10 : i64, tpu.core_type = #tpu.core_type<sc_vector_subcore>, window_params = [{transform_indices = #map}, {transform_indices = #map}, {transform_indices = #map}, {transform_indices = #map}, {transform_indices = #map}, {transform_indices = #map1}, {transform_indices = #map}]} {
    %mul3A = arith.constant 2 : i32
    %mul3A_0 = arith.muli %arg1, %mul3A : i32
    %add3A = arith.addi %mul3A_0, %arg0 : i32
    %iota3A = tpu.iota {dimensions = array<i32: 0>} : vector<16xi32>
    %mul3A_1 = arith.constant 3136 : i32
    %mul3A_2 = arith.muli %arg1, %mul3A_1 : i32
    %multiple_of3A = tpu.assume_multiple %mul3A_2, 8 : i32
    "tpu.region"() ({
      %run_scoped3A = tpu.sem_alloc : memref<!tpu.dma_semaphore, #tpu.memory_space<semaphore_mem>>
      %dma_start3A = arith.constant 0 : i32
      %dma_start3A_17 = tpu.memref_slice %arg17[%multiple_of3A, %dma_start3A] : memref<50176x16xf32, #tpu.memory_space<vmem_shared>> -> memref<3136x16xf32, #tpu.memory_space<vmem_shared>>
      tpu.enqueue_dma source(%arg6 : memref<3136x16xf32, #tpu.memory_space<hbm>>) target(%dma_start3A_17 : memref<3136x16xf32, #tpu.memory_space<vmem_shared>>) target_semaphore(%run_scoped3A : memref<!tpu.dma_semaphore, #tpu.memory_space<semaphore_mem>>)
      %dma_wait3A = arith.constant 0 : i32
      %dma_wait3A_18 = tpu.memref_slice %arg17[%multiple_of3A, %dma_wait3A] : memref<50176x16xf32, #tpu.memory_space<vmem_shared>> -> memref<3136x16xf32, #tpu.memory_space<vmem_shared>>
      tpu.wait_dma2 semaphore(%run_scoped3A : memref<!tpu.dma_semaphore, #tpu.memory_space<semaphore_mem>>) src(%arg6 : memref<3136x16xf32, #tpu.memory_space<hbm>>) dst(%dma_wait3A_18 : memref<3136x16xf32, #tpu.memory_space<vmem_shared>>)
      tpu.yield
    }) : () -> ()
    %barrier3A = arith.constant 0 : index
    tpu.barrier barrier_id(%barrier3A)
    %scan3A = arith.constant 0 : i32
    %scan3A_3 = arith.constant 0 : i32
    %scan3A_4 = arith.constant 25 : i32
    %scan3A_5 = arith.addi %scan3A_3, %scan3A_4 : i32
    %scan3A_6 = arith.constant 1 : i32
    %scan3A_7 = scf.for %scan3A_17 = %scan3A_3 to %scan3A_5 step %scan3A_6 iter_args(%scan3A_18 = %scan3A) -> (i32)  : i32 {
      %mul3A_19 = arith.constant 25600 : i32
      %mul3A_20 = arith.muli %add3A, %mul3A_19 : i32
      %mul3A_21 = arith.constant 1024 : i32
      %mul3A_22 = arith.muli %scan3A_17, %mul3A_21 : i32
      %add3A_23 = arith.addi %mul3A_20, %mul3A_22 : i32
      %multiple_of3A_24 = tpu.assume_multiple %add3A_23, 1024 : i32
      %jit3A = arith.constant 128 : i32
      %div3A = arith.divsi %multiple_of3A_24, %jit3A : i32
      %sign3A = arith.constant 0 : i32
      %sign3A_25 = arith.cmpi sgt, %multiple_of3A_24, %sign3A : i32
      %sign3A_26 = arith.extui %sign3A_25 : i1 to i32
      %sign3A_27 = arith.constant 0 : i32
      %sign3A_28 = arith.cmpi slt, %multiple_of3A_24, %sign3A_27 : i32
      %sign3A_29 = arith.extui %sign3A_28 : i1 to i32
      %sign3A_30 = arith.subi %sign3A_26, %sign3A_29 : i32
      %sign3A_31 = arith.constant 0 : i32
      %sign3A_32 = arith.cmpi sgt, %jit3A, %sign3A_31 : i32
      %sign3A_33 = arith.extui %sign3A_32 : i1 to i32
      %sign3A_34 = arith.constant 0 : i32
      %sign3A_35 = arith.cmpi slt, %jit3A, %sign3A_34 : i32
      %sign3A_36 = arith.extui %sign3A_35 : i1 to i32
      %sign3A_37 = arith.subi %sign3A_33, %sign3A_36 : i32
      %ne3A = arith.cmpi ne, %sign3A_30, %sign3A_37 : i32
      %rem3A = arith.remsi %multiple_of3A_24, %jit3A : i32
      %ne3A_38 = arith.constant 0 : i32
      %ne3A_39 = arith.cmpi ne, %rem3A, %ne3A_38 : i32
      %and3A = arith.andi %ne3A, %ne3A_39 : i1
      %sub3A = arith.constant 1 : i32
      %sub3A_40 = arith.subi %div3A, %sub3A : i32
      %select_n3A = arith.select %and3A, %sub3A_40, %div3A : i32
      %multiple_of3A_41 = tpu.assume_multiple %select_n3A, 8 : i32
      "tpu.region"() ({
        %run_scoped3A = tpu.sem_alloc : memref<!tpu.dma_semaphore, #tpu.memory_space<semaphore_mem>>
        %dma_start3A = arith.constant 0 : i32
        %dma_start3A_50 = tpu.memref_slice %arg4[%multiple_of3A_41, %dma_start3A] : memref<6400x128xi32, #tpu.memory_space<hbm>> -> memref<8x128xi32, #tpu.memory_space<hbm>>
        %dma_start3A_51 = arith.constant 0 : i32
        %dma_start3A_52 = tpu.memref_slice %arg4[%multiple_of3A_41, %dma_start3A_51] : memref<6400x128xi32, #tpu.memory_space<hbm>> -> memref<8x128xi32, #tpu.memory_space<hbm>>
        tpu.enqueue_dma source(%dma_start3A_52 : memref<8x128xi32, #tpu.memory_space<hbm>>) target(%arg9 : memref<8x128xi32, #tpu.memory_space<vmem>>) target_semaphore(%run_scoped3A : memref<!tpu.dma_semaphore, #tpu.memory_space<semaphore_mem>>)
        %dma_wait3A = arith.constant 0 : i32
        %dma_wait3A_53 = tpu.memref_slice %arg4[%multiple_of3A_41, %dma_wait3A] : memref<6400x128xi32, #tpu.memory_space<hbm>> -> memref<8x128xi32, #tpu.memory_space<hbm>>
        %dma_wait3A_54 = arith.constant 0 : i32
        %dma_wait3A_55 = tpu.memref_slice %arg4[%multiple_of3A_41, %dma_wait3A_54] : memref<6400x128xi32, #tpu.memory_space<hbm>> -> memref<8x128xi32, #tpu.memory_space<hbm>>
        tpu.wait_dma2 semaphore(%run_scoped3A : memref<!tpu.dma_semaphore, #tpu.memory_space<semaphore_mem>>) src(%dma_wait3A_55 : memref<8x128xi32, #tpu.memory_space<hbm>>) dst(%arg9 : memref<8x128xi32, #tpu.memory_space<vmem>>)
        tpu.yield
      }) : () -> ()
      "tpu.region"() ({
        %run_scoped3A = tpu.sem_alloc : memref<!tpu.dma_semaphore, #tpu.memory_space<semaphore_mem>>
        %dma_start3A = arith.constant 0 : i32
        %dma_start3A_50 = tpu.memref_slice %arg5[%multiple_of3A_41, %dma_start3A] : memref<6400x128xi32, #tpu.memory_space<hbm>> -> memref<8x128xi32, #tpu.memory_space<hbm>>
        %dma_start3A_51 = arith.constant 0 : i32
        %dma_start3A_52 = tpu.memref_slice %arg5[%multiple_of3A_41, %dma_start3A_51] : memref<6400x128xi32, #tpu.memory_space<hbm>> -> memref<8x128xi32, #tpu.memory_space<hbm>>
        tpu.enqueue_dma source(%dma_start3A_52 : memref<8x128xi32, #tpu.memory_space<hbm>>) target(%arg10 : memref<8x128xi32, #tpu.memory_space<vmem>>) target_semaphore(%run_scoped3A : memref<!tpu.dma_semaphore, #tpu.memory_space<semaphore_mem>>)
        %dma_wait3A = arith.constant 0 : i32
        %dma_wait3A_53 = tpu.memref_slice %arg5[%multiple_of3A_41, %dma_wait3A] : memref<6400x128xi32, #tpu.memory_space<hbm>> -> memref<8x128xi32, #tpu.memory_space<hbm>>
        %dma_wait3A_54 = arith.constant 0 : i32
        %dma_wait3A_55 = tpu.memref_slice %arg5[%multiple_of3A_41, %dma_wait3A_54] : memref<6400x128xi32, #tpu.memory_space<hbm>> -> memref<8x128xi32, #tpu.memory_space<hbm>>
        tpu.wait_dma2 semaphore(%run_scoped3A : memref<!tpu.dma_semaphore, #tpu.memory_space<semaphore_mem>>) src(%dma_wait3A_55 : memref<8x128xi32, #tpu.memory_space<hbm>>) dst(%arg10 : memref<8x128xi32, #tpu.memory_space<vmem>>)
        tpu.yield
      }) : () -> ()
      %scan3A_42 = arith.constant 0 : i32
      %scan3A_43 = arith.constant 0 : i32
      %scan3A_44 = arith.constant 8 : i32
      %scan3A_45 = arith.addi %scan3A_43, %scan3A_44 : i32
      %scan3A_46 = arith.constant 1 : i32
      %scan3A_47 = scf.for %scan3A_50 = %scan3A_43 to %scan3A_45 step %scan3A_46 iter_args(%scan3A_51 = %scan3A_42) -> (i32)  : i32 {
        %dma_start3A = arith.constant 0 : i32
        %dma_start3A_52 = tpu.memref_slice %arg9[%scan3A_50, %dma_start3A] : memref<8x128xi32, #tpu.memory_space<vmem>> -> memref<1x128xi32, #tpu.memory_space<vmem>>
        %dma_start3A_53 = tpu.memref_squeeze %dma_start3A_52 : memref<1x128xi32, #tpu.memory_space<vmem>> -> memref<128xi32, #tpu.memory_space<vmem>>
        %dma_start3A_54 = arith.constant 0 : i32
        %dma_start3A_55 = arith.constant 0 : i32
        %dma_start3A_56 = tpu.memref_slice %arg2[%dma_start3A_54, %dma_start3A_55] : memref<50400x80xf32, #tpu.memory_space<hbm>> -> memref<50400x80xf32, #tpu.memory_space<hbm>>
        tpu.enqueue_indirect_dma source(%dma_start3A_56 : memref<50400x80xf32, #tpu.memory_space<hbm>>) target(%arg11 : memref<128x80xf32, #tpu.memory_space<vmem>>) offsets(%dma_start3A_53 : memref<128xi32, #tpu.memory_space<vmem>>) semaphore(%arg18 : memref<!tpu.dma_semaphore, #tpu.memory_space<semaphore_mem>>)
        %dma_wait3A = arith.constant 0 : i32
        %dma_wait3A_57 = tpu.memref_slice %arg9[%scan3A_50, %dma_wait3A] : memref<8x128xi32, #tpu.memory_space<vmem>> -> memref<1x128xi32, #tpu.memory_space<vmem>>
        %dma_wait3A_58 = tpu.memref_squeeze %dma_wait3A_57 : memref<1x128xi32, #tpu.memory_space<vmem>> -> memref<128xi32, #tpu.memory_space<vmem>>
        %dma_wait3A_59 = arith.constant 0 : i32
        %dma_wait3A_60 = arith.constant 0 : i32
        %dma_wait3A_61 = tpu.memref_slice %arg2[%dma_wait3A_59, %dma_wait3A_60] : memref<50400x80xf32, #tpu.memory_space<hbm>> -> memref<50400x80xf32, #tpu.memory_space<hbm>>
        tpu.wait_indirect_dma semaphore(%arg18 : memref<!tpu.dma_semaphore, #tpu.memory_space<semaphore_mem>>) src(%dma_wait3A_61 : memref<50400x80xf32, #tpu.memory_space<hbm>>) dst(%arg11 : memref<128x80xf32, #tpu.memory_space<vmem>>)
        %dma_start3A_62 = arith.constant 0 : i32
        %dma_start3A_63 = tpu.memref_slice %arg10[%scan3A_50, %dma_start3A_62] : memref<8x128xi32, #tpu.memory_space<vmem>> -> memref<1x128xi32, #tpu.memory_space<vmem>>
        %dma_start3A_64 = tpu.memref_squeeze %dma_start3A_63 : memref<1x128xi32, #tpu.memory_space<vmem>> -> memref<128xi32, #tpu.memory_space<vmem>>
        %dma_start3A_65 = arith.constant 0 : i32
        %dma_start3A_66 = arith.constant 0 : i32
        %dma_start3A_67 = tpu.memref_slice %arg3[%dma_start3A_65, %dma_start3A_66] : memref<50400x80xf32, #tpu.memory_space<hbm>> -> memref<50400x80xf32, #tpu.memory_space<hbm>>
        tpu.enqueue_indirect_dma source(%dma_start3A_67 : memref<50400x80xf32, #tpu.memory_space<hbm>>) target(%arg12 : memref<128x80xf32, #tpu.memory_space<vmem>>) offsets(%dma_start3A_64 : memref<128xi32, #tpu.memory_space<vmem>>) semaphore(%arg18 : memref<!tpu.dma_semaphore, #tpu.memory_space<semaphore_mem>>)
        %dma_wait3A_68 = arith.constant 0 : i32
        %dma_wait3A_69 = tpu.memref_slice %arg10[%scan3A_50, %dma_wait3A_68] : memref<8x128xi32, #tpu.memory_space<vmem>> -> memref<1x128xi32, #tpu.memory_space<vmem>>
        %dma_wait3A_70 = tpu.memref_squeeze %dma_wait3A_69 : memref<1x128xi32, #tpu.memory_space<vmem>> -> memref<128xi32, #tpu.memory_space<vmem>>
        %dma_wait3A_71 = arith.constant 0 : i32
        %dma_wait3A_72 = arith.constant 0 : i32
        %dma_wait3A_73 = tpu.memref_slice %arg3[%dma_wait3A_71, %dma_wait3A_72] : memref<50400x80xf32, #tpu.memory_space<hbm>> -> memref<50400x80xf32, #tpu.memory_space<hbm>>
        tpu.wait_indirect_dma semaphore(%arg18 : memref<!tpu.dma_semaphore, #tpu.memory_space<semaphore_mem>>) src(%dma_wait3A_73 : memref<50400x80xf32, #tpu.memory_space<hbm>>) dst(%arg12 : memref<128x80xf32, #tpu.memory_space<vmem>>)
        %scan3A_74 = arith.constant 0 : i32
        %scan3A_75 = arith.constant 0 : i32
        %scan3A_76 = arith.constant 8 : i32
        %scan3A_77 = arith.addi %scan3A_75, %scan3A_76 : i32
        %scan3A_78 = arith.constant 1 : i32
        %scan3A_79 = scf.for %scan3A_82 = %scan3A_75 to %scan3A_77 step %scan3A_78 iter_args(%scan3A_83 = %scan3A_74) -> (i32)  : i32 {
          %mul3A_84 = arith.constant 16 : i32
          %mul3A_85 = arith.muli %scan3A_82, %mul3A_84 : i32
          %add3A_86 = arith.constant 0 : i32
          %add3A_87 = arith.addi %mul3A_85, %add3A_86 : i32
          %get3A = arith.index_cast %add3A_87 : i32 to index
          %get3A_88 = arith.constant 0 : index
          %get3A_89 = tpu.vector_load %arg11[%get3A, %get3A_88] {strides = array<i32>} : memref<128x80xf32, #tpu.memory_space<vmem>>, vector<16xf32>,
          %get3A_90 = arith.index_cast %add3A_87 : i32 to index
          %get3A_91 = arith.constant 0 : index
          %get3A_92 = tpu.vector_load %arg12[%get3A_90, %get3A_91] {strides = array<i32>} : memref<128x80xf32, #tpu.memory_space<vmem>>, vector<16xf32>,
          %mul3A_93 = arith.mulf %get3A_89, %get3A_92 : vector<16xf32>
          %get3A_94 = arith.index_cast %add3A_87 : i32 to index
          %get3A_95 = arith.constant 16 : index
          %get3A_96 = tpu.vector_load %arg11[%get3A_94, %get3A_95] {strides = array<i32>} : memref<128x80xf32, #tpu.memory_space<vmem>>, vector<16xf32>,
          %get3A_97 = arith.index_cast %add3A_87 : i32 to index
          %get3A_98 = arith.constant 16 : index
          %get3A_99 = tpu.vector_load %arg12[%get3A_97, %get3A_98] {strides = array<i32>} : memref<128x80xf32, #tpu.memory_space<vmem>>, vector<16xf32>,
          %mul3A_100 = arith.mulf %get3A_96, %get3A_99 : vector<16xf32>
          %add3A_101 = arith.addf %mul3A_93, %mul3A_100 : vector<16xf32>
          %get3A_102 = arith.index_cast %add3A_87 : i32 to index
          %get3A_103 = arith.constant 32 : index
          %get3A_104 = tpu.vector_load %arg11[%get3A_102, %get3A_103] {strides = array<i32>} : memref<128x80xf32, #tpu.memory_space<vmem>>, vector<16xf32>,
          %get3A_105 = arith.index_cast %add3A_87 : i32 to index
          %get3A_106 = arith.constant 32 : index
          %get3A_107 = tpu.vector_load %arg12[%get3A_105, %get3A_106] {strides = array<i32>} : memref<128x80xf32, #tpu.memory_space<vmem>>, vector<16xf32>,
          %mul3A_108 = arith.mulf %get3A_104, %get3A_107 : vector<16xf32>
          %add3A_109 = arith.addf %add3A_101, %mul3A_108 : vector<16xf32>
          %get3A_110 = arith.index_cast %add3A_87 : i32 to index
          %get3A_111 = arith.constant 48 : index
          %get3A_112 = tpu.vector_load %arg11[%get3A_110, %get3A_111] {strides = array<i32>} : memref<128x80xf32, #tpu.memory_space<vmem>>, vector<16xf32>,
          %get3A_113 = arith.index_cast %add3A_87 : i32 to index
          %get3A_114 = arith.constant 48 : index
          %get3A_115 = tpu.vector_load %arg12[%get3A_113, %get3A_114] {strides = array<i32>} : memref<128x80xf32, #tpu.memory_space<vmem>>, vector<16xf32>,
          %mul3A_116 = arith.mulf %get3A_112, %get3A_115 : vector<16xf32>
          %add3A_117 = arith.addf %add3A_109, %mul3A_116 : vector<16xf32>
          %get3A_118 = arith.index_cast %add3A_87 : i32 to index
          %get3A_119 = arith.constant 64 : index
          %get3A_120 = tpu.vector_load %arg11[%get3A_118, %get3A_119] {strides = array<i32>} : memref<128x80xf32, #tpu.memory_space<vmem>>, vector<16xf32>,
          %get3A_121 = arith.index_cast %add3A_87 : i32 to index
          %get3A_122 = arith.constant 64 : index
          %get3A_123 = tpu.vector_load %arg12[%get3A_121, %get3A_122] {strides = array<i32>} : memref<128x80xf32, #tpu.memory_space<vmem>>, vector<16xf32>,
          %sub3A_124 = arith.subf %get3A_120, %get3A_123 : vector<16xf32>
          %eq3A = arith.constant 0 : i32
          %eq3A_125 = vector.broadcast %eq3A : i32 to vector<16xi32>
          %eq3A_126 = arith.cmpi eq, %iota3A, %eq3A_125 : vector<16xi32>
          %reduce_sum3A = arith.constant true
          %reduce_sum3A_127 = vector.broadcast %reduce_sum3A : i1 to vector<16xi1>
          %reduce_sum3A_128 = tpu.scan <sum>, %add3A_117 masked %reduce_sum3A_127 : vector<16xf32>, vector<16xi1> -> vector<16xf32>
          %reduce_sum3A_129 = vector.extract %reduce_sum3A_128[15] : f32 from vector<16xf32>
          %jit3A_130 = arith.constant 0.000000e+00 : f32
          %broadcast_in_dim3A = vector.broadcast %reduce_sum3A_129 : f32 to vector<16xf32>
          %broadcast_in_dim3A_131 = vector.broadcast %jit3A_130 : f32 to vector<16xf32>
          %select_n3A_132 = arith.select %eq3A_126, %broadcast_in_dim3A, %broadcast_in_dim3A_131 : vector<16xi1>, vector<16xf32>
          %eq3A_133 = arith.constant 0 : i32
          %eq3A_134 = vector.broadcast %eq3A_133 : i32 to vector<16xi32>
          %eq3A_135 = arith.cmpi eq, %iota3A, %eq3A_134 : vector<16xi32>
          %mul3A_136 = arith.mulf %sub3A_124, %sub3A_124 : vector<16xf32>
          %reduce_sum3A_137 = arith.constant true
          %reduce_sum3A_138 = vector.broadcast %reduce_sum3A_137 : i1 to vector<16xi1>
          %reduce_sum3A_139 = tpu.scan <sum>, %mul3A_136 masked %reduce_sum3A_138 : vector<16xf32>, vector<16xi1> -> vector<16xf32>
          %reduce_sum3A_140 = vector.extract %reduce_sum3A_139[15] : f32 from vector<16xf32>
          %jit3A_141 = arith.constant 0.000000e+00 : f32
          %broadcast_in_dim3A_142 = vector.broadcast %reduce_sum3A_140 : f32 to vector<16xf32>
          %broadcast_in_dim3A_143 = vector.broadcast %jit3A_141 : f32 to vector<16xf32>
          %select_n3A_144 = arith.select %eq3A_135, %broadcast_in_dim3A_142, %broadcast_in_dim3A_143 : vector<16xi1>, vector<16xf32>
          %mul3A_145 = arith.constant 16 : i32
          %mul3A_146 = arith.muli %scan3A_82, %mul3A_145 : i32
          %add3A_147 = arith.constant 1 : i32
          %add3A_148 = arith.addi %mul3A_146, %add3A_147 : i32
          %get3A_149 = arith.index_cast %add3A_148 : i32 to index
          %get3A_150 = arith.constant 0 : index
          %get3A_151 = tpu.vector_load %arg11[%get3A_149, %get3A_150] {strides = array<i32>} : memref<128x80xf32, #tpu.memory_space<vmem>>, vector<16xf32>,
          %get3A_152 = arith.index_cast %add3A_148 : i32 to index
          %get3A_153 = arith.constant 0 : index
          %get3A_154 = tpu.vector_load %arg12[%get3A_152, %get3A_153] {strides = array<i32>} : memref<128x80xf32, #tpu.memory_space<vmem>>, vector<16xf32>,
          %mul3A_155 = arith.mulf %get3A_151, %get3A_154 : vector<16xf32>
          %get3A_156 = arith.index_cast %add3A_148 : i32 to index
          %get3A_157 = arith.constant 16 : index
          %get3A_158 = tpu.vector_load %arg11[%get3A_156, %get3A_157] {strides = array<i32>} : memref<128x80xf32, #tpu.memory_space<vmem>>, vector<16xf32>,
          %get3A_159 = arith.index_cast %add3A_148 : i32 to index
          %get3A_160 = arith.constant 16 : index
          %get3A_161 = tpu.vector_load %arg12[%get3A_159, %get3A_160] {strides = array<i32>} : memref<128x80xf32, #tpu.memory_space<vmem>>, vector<16xf32>,
          %mul3A_162 = arith.mulf %get3A_158, %get3A_161 : vector<16xf32>
          %add3A_163 = arith.addf %mul3A_155, %mul3A_162 : vector<16xf32>
          %get3A_164 = arith.index_cast %add3A_148 : i32 to index
          %get3A_165 = arith.constant 32 : index
          %get3A_166 = tpu.vector_load %arg11[%get3A_164, %get3A_165] {strides = array<i32>} : memref<128x80xf32, #tpu.memory_space<vmem>>, vector<16xf32>,
          %get3A_167 = arith.index_cast %add3A_148 : i32 to index
          %get3A_168 = arith.constant 32 : index
          %get3A_169 = tpu.vector_load %arg12[%get3A_167, %get3A_168] {strides = array<i32>} : memref<128x80xf32, #tpu.memory_space<vmem>>, vector<16xf32>,
          %mul3A_170 = arith.mulf %get3A_166, %get3A_169 : vector<16xf32>
          %add3A_171 = arith.addf %add3A_163, %mul3A_170 : vector<16xf32>
          %get3A_172 = arith.index_cast %add3A_148 : i32 to index
          %get3A_173 = arith.constant 48 : index
          %get3A_174 = tpu.vector_load %arg11[%get3A_172, %get3A_173] {strides = array<i32>} : memref<128x80xf32, #tpu.memory_space<vmem>>, vector<16xf32>,
          %get3A_175 = arith.index_cast %add3A_148 : i32 to index
          %get3A_176 = arith.constant 48 : index
          %get3A_177 = tpu.vector_load %arg12[%get3A_175, %get3A_176] {strides = array<i32>} : memref<128x80xf32, #tpu.memory_space<vmem>>, vector<16xf32>,
          %mul3A_178 = arith.mulf %get3A_174, %get3A_177 : vector<16xf32>
          %add3A_179 = arith.addf %add3A_171, %mul3A_178 : vector<16xf32>
          %get3A_180 = arith.index_cast %add3A_148 : i32 to index
          %get3A_181 = arith.constant 64 : index
          %get3A_182 = tpu.vector_load %arg11[%get3A_180, %get3A_181] {strides = array<i32>} : memref<128x80xf32, #tpu.memory_space<vmem>>, vector<16xf32>,
          %get3A_183 = arith.index_cast %add3A_148 : i32 to index
          %get3A_184 = arith.constant 64 : index
          %get3A_185 = tpu.vector_load %arg12[%get3A_183, %get3A_184] {strides = array<i32>} : memref<128x80xf32, #tpu.memory_space<vmem>>, vector<16xf32>,
          %sub3A_186 = arith.subf %get3A_182, %get3A_185 : vector<16xf32>
          %eq3A_187 = arith.constant 1 : i32
          %eq3A_188 = vector.broadcast %eq3A_187 : i32 to vector<16xi32>
          %eq3A_189 = arith.cmpi eq, %iota3A, %eq3A_188 : vector<16xi32>
          %reduce_sum3A_190 = arith.constant true
          %reduce_sum3A_191 = vector.broadcast %reduce_sum3A_190 : i1 to vector<16xi1>
          %reduce_sum3A_192 = tpu.scan <sum>, %add3A_179 masked %reduce_sum3A_191 : vector<16xf32>, vector<16xi1> -> vector<16xf32>
          %reduce_sum3A_193 = vector.extract %reduce_sum3A_192[15] : f32 from vector<16xf32>
          %jit3A_194 = arith.constant 0.000000e+00 : f32
          %broadcast_in_dim3A_195 = vector.broadcast %reduce_sum3A_193 : f32 to vector<16xf32>
          %broadcast_in_dim3A_196 = vector.broadcast %jit3A_194 : f32 to vector<16xf32>
          %select_n3A_197 = arith.select %eq3A_189, %broadcast_in_dim3A_195, %broadcast_in_dim3A_196 : vector<16xi1>, vector<16xf32>
          %eq3A_198 = arith.constant 1 : i32
          %eq3A_199 = vector.broadcast %eq3A_198 : i32 to vector<16xi32>
          %eq3A_200 = arith.cmpi eq, %iota3A, %eq3A_199 : vector<16xi32>
          %mul3A_201 = arith.mulf %sub3A_186, %sub3A_186 : vector<16xf32>
          %reduce_sum3A_202 = arith.constant true
          %reduce_sum3A_203 = vector.broadcast %reduce_sum3A_202 : i1 to vector<16xi1>
          %reduce_sum3A_204 = tpu.scan <sum>, %mul3A_201 masked %reduce_sum3A_203 : vector<16xf32>, vector<16xi1> -> vector<16xf32>
          %reduce_sum3A_205 = vector.extract %reduce_sum3A_204[15] : f32 from vector<16xf32>
          %jit3A_206 = arith.constant 0.000000e+00 : f32
          %broadcast_in_dim3A_207 = vector.broadcast %reduce_sum3A_205 : f32 to vector<16xf32>
          %broadcast_in_dim3A_208 = vector.broadcast %jit3A_206 : f32 to vector<16xf32>
          %select_n3A_209 = arith.select %eq3A_200, %broadcast_in_dim3A_207, %broadcast_in_dim3A_208 : vector<16xi1>, vector<16xf32>
          %mul3A_210 = arith.constant 16 : i32
          %mul3A_211 = arith.muli %scan3A_82, %mul3A_210 : i32
          %add3A_212 = arith.constant 2 : i32
          %add3A_213 = arith.addi %mul3A_211, %add3A_212 : i32
          %get3A_214 = arith.index_cast %add3A_213 : i32 to index
          %get3A_215 = arith.constant 0 : index
          %get3A_216 = tpu.vector_load %arg11[%get3A_214, %get3A_215] {strides = array<i32>} : memref<128x80xf32, #tpu.memory_space<vmem>>, vector<16xf32>,
          %get3A_217 = arith.index_cast %add3A_213 : i32 to index
          %get3A_218 = arith.constant 0 : index
          %get3A_219 = tpu.vector_load %arg12[%get3A_217, %get3A_218] {strides = array<i32>} : memref<128x80xf32, #tpu.memory_space<vmem>>, vector<16xf32>,
          %mul3A_220 = arith.mulf %get3A_216, %get3A_219 : vector<16xf32>
          %get3A_221 = arith.index_cast %add3A_213 : i32 to index
          %get3A_222 = arith.constant 16 : index
          %get3A_223 = tpu.vector_load %arg11[%get3A_221, %get3A_222] {strides = array<i32>} : memref<128x80xf32, #tpu.memory_space<vmem>>, vector<16xf32>,
          %get3A_224 = arith.index_cast %add3A_213 : i32 to index
          %get3A_225 = arith.constant 16 : index
          %get3A_226 = tpu.vector_load %arg12[%get3A_224, %get3A_225] {strides = array<i32>} : memref<128x80xf32, #tpu.memory_space<vmem>>, vector<16xf32>,
          %mul3A_227 = arith.mulf %get3A_223, %get3A_226 : vector<16xf32>
          %add3A_228 = arith.addf %mul3A_220, %mul3A_227 : vector<16xf32>
          %get3A_229 = arith.index_cast %add3A_213 : i32 to index
          %get3A_230 = arith.constant 32 : index
          %get3A_231 = tpu.vector_load %arg11[%get3A_229, %get3A_230] {strides = array<i32>} : memref<128x80xf32, #tpu.memory_space<vmem>>, vector<16xf32>,
          %get3A_232 = arith.index_cast %add3A_213 : i32 to index
          %get3A_233 = arith.constant 32 : index
          %get3A_234 = tpu.vector_load %arg12[%get3A_232, %get3A_233] {strides = array<i32>} : memref<128x80xf32, #tpu.memory_space<vmem>>, vector<16xf32>,
          %mul3A_235 = arith.mulf %get3A_231, %get3A_234 : vector<16xf32>
          %add3A_236 = arith.addf %add3A_228, %mul3A_235 : vector<16xf32>
          %get3A_237 = arith.index_cast %add3A_213 : i32 to index
          %get3A_238 = arith.constant 48 : index
          %get3A_239 = tpu.vector_load %arg11[%get3A_237, %get3A_238] {strides = array<i32>} : memref<128x80xf32, #tpu.memory_space<vmem>>, vector<16xf32>,
          %get3A_240 = arith.index_cast %add3A_213 : i32 to index
          %get3A_241 = arith.constant 48 : index
          %get3A_242 = tpu.vector_load %arg12[%get3A_240, %get3A_241] {strides = array<i32>} : memref<128x80xf32, #tpu.memory_space<vmem>>, vector<16xf32>,
          %mul3A_243 = arith.mulf %get3A_239, %get3A_242 : vector<16xf32>
          %add3A_244 = arith.addf %add3A_236, %mul3A_243 : vector<16xf32>
          %get3A_245 = arith.index_cast %add3A_213 : i32 to index
          %get3A_246 = arith.constant 64 : index
          %get3A_247 = tpu.vector_load %arg11[%get3A_245, %get3A_246] {strides = array<i32>} : memref<128x80xf32, #tpu.memory_space<vmem>>, vector<16xf32>,
          %get3A_248 = arith.index_cast %add3A_213 : i32 to index
          %get3A_249 = arith.constant 64 : index
          %get3A_250 = tpu.vector_load %arg12[%get3A_248, %get3A_249] {strides = array<i32>} : memref<128x80xf32, #tpu.memory_space<vmem>>, vector<16xf32>,
          %sub3A_251 = arith.subf %get3A_247, %get3A_250 : vector<16xf32>
          %eq3A_252 = arith.constant 2 : i32
          %eq3A_253 = vector.broadcast %eq3A_252 : i32 to vector<16xi32>
          %eq3A_254 = arith.cmpi eq, %iota3A, %eq3A_253 : vector<16xi32>
          %reduce_sum3A_255 = arith.constant true
          %reduce_sum3A_256 = vector.broadcast %reduce_sum3A_255 : i1 to vector<16xi1>
          %reduce_sum3A_257 = tpu.scan <sum>, %add3A_244 masked %reduce_sum3A_256 : vector<16xf32>, vector<16xi1> -> vector<16xf32>
          %reduce_sum3A_258 = vector.extract %reduce_sum3A_257[15] : f32 from vector<16xf32>
          %jit3A_259 = arith.constant 0.000000e+00 : f32
          %broadcast_in_dim3A_260 = vector.broadcast %reduce_sum3A_258 : f32 to vector<16xf32>
          %broadcast_in_dim3A_261 = vector.broadcast %jit3A_259 : f32 to vector<16xf32>
          %select_n3A_262 = arith.select %eq3A_254, %broadcast_in_dim3A_260, %broadcast_in_dim3A_261 : vector<16xi1>, vector<16xf32>
          %eq3A_263 = arith.constant 2 : i32
          %eq3A_264 = vector.broadcast %eq3A_263 : i32 to vector<16xi32>
          %eq3A_265 = arith.cmpi eq, %iota3A, %eq3A_264 : vector<16xi32>
          %mul3A_266 = arith.mulf %sub3A_251, %sub3A_251 : vector<16xf32>
          %reduce_sum3A_267 = arith.constant true
          %reduce_sum3A_268 = vector.broadcast %reduce_sum3A_267 : i1 to vector<16xi1>
          %reduce_sum3A_269 = tpu.scan <sum>, %mul3A_266 masked %reduce_sum3A_268 : vector<16xf32>, vector<16xi1> -> vector<16xf32>
          %reduce_sum3A_270 = vector.extract %reduce_sum3A_269[15] : f32 from vector<16xf32>
          %jit3A_271 = arith.constant 0.000000e+00 : f32
          %broadcast_in_dim3A_272 = vector.broadcast %reduce_sum3A_270 : f32 to vector<16xf32>
          %broadcast_in_dim3A_273 = vector.broadcast %jit3A_271 : f32 to vector<16xf32>
          %select_n3A_274 = arith.select %eq3A_265, %broadcast_in_dim3A_272, %broadcast_in_dim3A_273 : vector<16xi1>, vector<16xf32>
          %mul3A_275 = arith.constant 16 : i32
          %mul3A_276 = arith.muli %scan3A_82, %mul3A_275 : i32
          %add3A_277 = arith.constant 3 : i32
          %add3A_278 = arith.addi %mul3A_276, %add3A_277 : i32
          %get3A_279 = arith.index_cast %add3A_278 : i32 to index
          %get3A_280 = arith.constant 0 : index
          %get3A_281 = tpu.vector_load %arg11[%get3A_279, %get3A_280] {strides = array<i32>} : memref<128x80xf32, #tpu.memory_space<vmem>>, vector<16xf32>,
          %get3A_282 = arith.index_cast %add3A_278 : i32 to index
          %get3A_283 = arith.constant 0 : index
          %get3A_284 = tpu.vector_load %arg12[%get3A_282, %get3A_283] {strides = array<i32>} : memref<128x80xf32, #tpu.memory_space<vmem>>, vector<16xf32>,
          %mul3A_285 = arith.mulf %get3A_281, %get3A_284 : vector<16xf32>
          %get3A_286 = arith.index_cast %add3A_278 : i32 to index
          %get3A_287 = arith.constant 16 : index
          %get3A_288 = tpu.vector_load %arg11[%get3A_286, %get3A_287] {strides = array<i32>} : memref<128x80xf32, #tpu.memory_space<vmem>>, vector<16xf32>,
          %get3A_289 = arith.index_cast %add3A_278 : i32 to index
          %get3A_290 = arith.constant 16 : index
          %get3A_291 = tpu.vector_load %arg12[%get3A_289, %get3A_290] {strides = array<i32>} : memref<128x80xf32, #tpu.memory_space<vmem>>, vector<16xf32>,
          %mul3A_292 = arith.mulf %get3A_288, %get3A_291 : vector<16xf32>
          %add3A_293 = arith.addf %mul3A_285, %mul3A_292 : vector<16xf32>
          %get3A_294 = arith.index_cast %add3A_278 : i32 to index
          %get3A_295 = arith.constant 32 : index
          %get3A_296 = tpu.vector_load %arg11[%get3A_294, %get3A_295] {strides = array<i32>} : memref<128x80xf32, #tpu.memory_space<vmem>>, vector<16xf32>,
          %get3A_297 = arith.index_cast %add3A_278 : i32 to index
          %get3A_298 = arith.constant 32 : index
          %get3A_299 = tpu.vector_load %arg12[%get3A_297, %get3A_298] {strides = array<i32>} : memref<128x80xf32, #tpu.memory_space<vmem>>, vector<16xf32>,
          %mul3A_300 = arith.mulf %get3A_296, %get3A_299 : vector<16xf32>
          %add3A_301 = arith.addf %add3A_293, %mul3A_300 : vector<16xf32>
          %get3A_302 = arith.index_cast %add3A_278 : i32 to index
          %get3A_303 = arith.constant 48 : index
          %get3A_304 = tpu.vector_load %arg11[%get3A_302, %get3A_303] {strides = array<i32>} : memref<128x80xf32, #tpu.memory_space<vmem>>, vector<16xf32>,
          %get3A_305 = arith.index_cast %add3A_278 : i32 to index
          %get3A_306 = arith.constant 48 : index
          %get3A_307 = tpu.vector_load %arg12[%get3A_305, %get3A_306] {strides = array<i32>} : memref<128x80xf32, #tpu.memory_space<vmem>>, vector<16xf32>,
          %mul3A_308 = arith.mulf %get3A_304, %get3A_307 : vector<16xf32>
          %add3A_309 = arith.addf %add3A_301, %mul3A_308 : vector<16xf32>
          %get3A_310 = arith.index_cast %add3A_278 : i32 to index
          %get3A_311 = arith.constant 64 : index
          %get3A_312 = tpu.vector_load %arg11[%get3A_310, %get3A_311] {strides = array<i32>} : memref<128x80xf32, #tpu.memory_space<vmem>>, vector<16xf32>,
          %get3A_313 = arith.index_cast %add3A_278 : i32 to index
          %get3A_314 = arith.constant 64 : index
          %get3A_315 = tpu.vector_load %arg12[%get3A_313, %get3A_314] {strides = array<i32>} : memref<128x80xf32, #tpu.memory_space<vmem>>, vector<16xf32>,
          %sub3A_316 = arith.subf %get3A_312, %get3A_315 : vector<16xf32>
          %eq3A_317 = arith.constant 3 : i32
          %eq3A_318 = vector.broadcast %eq3A_317 : i32 to vector<16xi32>
          %eq3A_319 = arith.cmpi eq, %iota3A, %eq3A_318 : vector<16xi32>
          %reduce_sum3A_320 = arith.constant true
          %reduce_sum3A_321 = vector.broadcast %reduce_sum3A_320 : i1 to vector<16xi1>
          %reduce_sum3A_322 = tpu.scan <sum>, %add3A_309 masked %reduce_sum3A_321 : vector<16xf32>, vector<16xi1> -> vector<16xf32>
          %reduce_sum3A_323 = vector.extract %reduce_sum3A_322[15] : f32 from vector<16xf32>
          %jit3A_324 = arith.constant 0.000000e+00 : f32
          %broadcast_in_dim3A_325 = vector.broadcast %reduce_sum3A_323 : f32 to vector<16xf32>
          %broadcast_in_dim3A_326 = vector.broadcast %jit3A_324 : f32 to vector<16xf32>
          %select_n3A_327 = arith.select %eq3A_319, %broadcast_in_dim3A_325, %broadcast_in_dim3A_326 : vector<16xi1>, vector<16xf32>
          %eq3A_328 = arith.constant 3 : i32
          %eq3A_329 = vector.broadcast %eq3A_328 : i32 to vector<16xi32>
          %eq3A_330 = arith.cmpi eq, %iota3A, %eq3A_329 : vector<16xi32>
          %mul3A_331 = arith.mulf %sub3A_316, %sub3A_316 : vector<16xf32>
          %reduce_sum3A_332 = arith.constant true
          %reduce_sum3A_333 = vector.broadcast %reduce_sum3A_332 : i1 to vector<16xi1>
          %reduce_sum3A_334 = tpu.scan <sum>, %mul3A_331 masked %reduce_sum3A_333 : vector<16xf32>, vector<16xi1> -> vector<16xf32>
          %reduce_sum3A_335 = vector.extract %reduce_sum3A_334[15] : f32 from vector<16xf32>
          %jit3A_336 = arith.constant 0.000000e+00 : f32
          %broadcast_in_dim3A_337 = vector.broadcast %reduce_sum3A_335 : f32 to vector<16xf32>
          %broadcast_in_dim3A_338 = vector.broadcast %jit3A_336 : f32 to vector<16xf32>
          %select_n3A_339 = arith.select %eq3A_330, %broadcast_in_dim3A_337, %broadcast_in_dim3A_338 : vector<16xi1>, vector<16xf32>
          %mul3A_340 = arith.constant 16 : i32
          %mul3A_341 = arith.muli %scan3A_82, %mul3A_340 : i32
          %add3A_342 = arith.constant 4 : i32
          %add3A_343 = arith.addi %mul3A_341, %add3A_342 : i32
          %get3A_344 = arith.index_cast %add3A_343 : i32 to index
          %get3A_345 = arith.constant 0 : index
          %get3A_346 = tpu.vector_load %arg11[%get3A_344, %get3A_345] {strides = array<i32>} : memref<128x80xf32, #tpu.memory_space<vmem>>, vector<16xf32>,
          %get3A_347 = arith.index_cast %add3A_343 : i32 to index
          %get3A_348 = arith.constant 0 : index
          %get3A_349 = tpu.vector_load %arg12[%get3A_347, %get3A_348] {strides = array<i32>} : memref<128x80xf32, #tpu.memory_space<vmem>>, vector<16xf32>,
          %mul3A_350 = arith.mulf %get3A_346, %get3A_349 : vector<16xf32>
          %get3A_351 = arith.index_cast %add3A_343 : i32 to index
          %get3A_352 = arith.constant 16 : index
          %get3A_353 = tpu.vector_load %arg11[%get3A_351, %get3A_352] {strides = array<i32>} : memref<128x80xf32, #tpu.memory_space<vmem>>, vector<16xf32>,
          %get3A_354 = arith.index_cast %add3A_343 : i32 to index
          %get3A_355 = arith.constant 16 : index
          %get3A_356 = tpu.vector_load %arg12[%get3A_354, %get3A_355] {strides = array<i32>} : memref<128x80xf32, #tpu.memory_space<vmem>>, vector<16xf32>,
          %mul3A_357 = arith.mulf %get3A_353, %get3A_356 : vector<16xf32>
          %add3A_358 = arith.addf %mul3A_350, %mul3A_357 : vector<16xf32>
          %get3A_359 = arith.index_cast %add3A_343 : i32 to index
          %get3A_360 = arith.constant 32 : index
          %get3A_361 = tpu.vector_load %arg11[%get3A_359, %get3A_360] {strides = array<i32>} : memref<128x80xf32, #tpu.memory_space<vmem>>, vector<16xf32>,
          %get3A_362 = arith.index_cast %add3A_343 : i32 to index
          %get3A_363 = arith.constant 32 : index
          %get3A_364 = tpu.vector_load %arg12[%get3A_362, %get3A_363] {strides = array<i32>} : memref<128x80xf32, #tpu.memory_space<vmem>>, vector<16xf32>,
          %mul3A_365 = arith.mulf %get3A_361, %get3A_364 : vector<16xf32>
          %add3A_366 = arith.addf %add3A_358, %mul3A_365 : vector<16xf32>
          %get3A_367 = arith.index_cast %add3A_343 : i32 to index
          %get3A_368 = arith.constant 48 : index
          %get3A_369 = tpu.vector_load %arg11[%get3A_367, %get3A_368] {strides = array<i32>} : memref<128x80xf32, #tpu.memory_space<vmem>>, vector<16xf32>,
          %get3A_370 = arith.index_cast %add3A_343 : i32 to index
          %get3A_371 = arith.constant 48 : index
          %get3A_372 = tpu.vector_load %arg12[%get3A_370, %get3A_371] {strides = array<i32>} : memref<128x80xf32, #tpu.memory_space<vmem>>, vector<16xf32>,
          %mul3A_373 = arith.mulf %get3A_369, %get3A_372 : vector<16xf32>
          %add3A_374 = arith.addf %add3A_366, %mul3A_373 : vector<16xf32>
          %get3A_375 = arith.index_cast %add3A_343 : i32 to index
          %get3A_376 = arith.constant 64 : index
          %get3A_377 = tpu.vector_load %arg11[%get3A_375, %get3A_376] {strides = array<i32>} : memref<128x80xf32, #tpu.memory_space<vmem>>, vector<16xf32>,
          %get3A_378 = arith.index_cast %add3A_343 : i32 to index
          %get3A_379 = arith.constant 64 : index
          %get3A_380 = tpu.vector_load %arg12[%get3A_378, %get3A_379] {strides = array<i32>} : memref<128x80xf32, #tpu.memory_space<vmem>>, vector<16xf32>,
          %sub3A_381 = arith.subf %get3A_377, %get3A_380 : vector<16xf32>
          %eq3A_382 = arith.constant 4 : i32
          %eq3A_383 = vector.broadcast %eq3A_382 : i32 to vector<16xi32>
          %eq3A_384 = arith.cmpi eq, %iota3A, %eq3A_383 : vector<16xi32>
          %reduce_sum3A_385 = arith.constant true
          %reduce_sum3A_386 = vector.broadcast %reduce_sum3A_385 : i1 to vector<16xi1>
          %reduce_sum3A_387 = tpu.scan <sum>, %add3A_374 masked %reduce_sum3A_386 : vector<16xf32>, vector<16xi1> -> vector<16xf32>
          %reduce_sum3A_388 = vector.extract %reduce_sum3A_387[15] : f32 from vector<16xf32>
          %jit3A_389 = arith.constant 0.000000e+00 : f32
          %broadcast_in_dim3A_390 = vector.broadcast %reduce_sum3A_388 : f32 to vector<16xf32>
          %broadcast_in_dim3A_391 = vector.broadcast %jit3A_389 : f32 to vector<16xf32>
          %select_n3A_392 = arith.select %eq3A_384, %broadcast_in_dim3A_390, %broadcast_in_dim3A_391 : vector<16xi1>, vector<16xf32>
          %eq3A_393 = arith.constant 4 : i32
          %eq3A_394 = vector.broadcast %eq3A_393 : i32 to vector<16xi32>
          %eq3A_395 = arith.cmpi eq, %iota3A, %eq3A_394 : vector<16xi32>
          %mul3A_396 = arith.mulf %sub3A_381, %sub3A_381 : vector<16xf32>
          %reduce_sum3A_397 = arith.constant true
          %reduce_sum3A_398 = vector.broadcast %reduce_sum3A_397 : i1 to vector<16xi1>
          %reduce_sum3A_399 = tpu.scan <sum>, %mul3A_396 masked %reduce_sum3A_398 : vector<16xf32>, vector<16xi1> -> vector<16xf32>
          %reduce_sum3A_400 = vector.extract %reduce_sum3A_399[15] : f32 from vector<16xf32>
          %jit3A_401 = arith.constant 0.000000e+00 : f32
          %broadcast_in_dim3A_402 = vector.broadcast %reduce_sum3A_400 : f32 to vector<16xf32>
          %broadcast_in_dim3A_403 = vector.broadcast %jit3A_401 : f32 to vector<16xf32>
          %select_n3A_404 = arith.select %eq3A_395, %broadcast_in_dim3A_402, %broadcast_in_dim3A_403 : vector<16xi1>, vector<16xf32>
          %mul3A_405 = arith.constant 16 : i32
          %mul3A_406 = arith.muli %scan3A_82, %mul3A_405 : i32
          %add3A_407 = arith.constant 5 : i32
          %add3A_408 = arith.addi %mul3A_406, %add3A_407 : i32
          %get3A_409 = arith.index_cast %add3A_408 : i32 to index
          %get3A_410 = arith.constant 0 : index
          %get3A_411 = tpu.vector_load %arg11[%get3A_409, %get3A_410] {strides = array<i32>} : memref<128x80xf32, #tpu.memory_space<vmem>>, vector<16xf32>,
          %get3A_412 = arith.index_cast %add3A_408 : i32 to index
          %get3A_413 = arith.constant 0 : index
          %get3A_414 = tpu.vector_load %arg12[%get3A_412, %get3A_413] {strides = array<i32>} : memref<128x80xf32, #tpu.memory_space<vmem>>, vector<16xf32>,
          %mul3A_415 = arith.mulf %get3A_411, %get3A_414 : vector<16xf32>
          %get3A_416 = arith.index_cast %add3A_408 : i32 to index
          %get3A_417 = arith.constant 16 : index
          %get3A_418 = tpu.vector_load %arg11[%get3A_416, %get3A_417] {strides = array<i32>} : memref<128x80xf32, #tpu.memory_space<vmem>>, vector<16xf32>,
          %get3A_419 = arith.index_cast %add3A_408 : i32 to index
          %get3A_420 = arith.constant 16 : index
          %get3A_421 = tpu.vector_load %arg12[%get3A_419, %get3A_420] {strides = array<i32>} : memref<128x80xf32, #tpu.memory_space<vmem>>, vector<16xf32>,
          %mul3A_422 = arith.mulf %get3A_418, %get3A_421 : vector<16xf32>
          %add3A_423 = arith.addf %mul3A_415, %mul3A_422 : vector<16xf32>
          %get3A_424 = arith.index_cast %add3A_408 : i32 to index
          %get3A_425 = arith.constant 32 : index
          %get3A_426 = tpu.vector_load %arg11[%get3A_424, %get3A_425] {strides = array<i32>} : memref<128x80xf32, #tpu.memory_space<vmem>>, vector<16xf32>,
          %get3A_427 = arith.index_cast %add3A_408 : i32 to index
          %get3A_428 = arith.constant 32 : index
          %get3A_429 = tpu.vector_load %arg12[%get3A_427, %get3A_428] {strides = array<i32>} : memref<128x80xf32, #tpu.memory_space<vmem>>, vector<16xf32>,
          %mul3A_430 = arith.mulf %get3A_426, %get3A_429 : vector<16xf32>
          %add3A_431 = arith.addf %add3A_423, %mul3A_430 : vector<16xf32>
          %get3A_432 = arith.index_cast %add3A_408 : i32 to index
          %get3A_433 = arith.constant 48 : index
          %get3A_434 = tpu.vector_load %arg11[%get3A_432, %get3A_433] {strides = array<i32>} : memref<128x80xf32, #tpu.memory_space<vmem>>, vector<16xf32>,
          %get3A_435 = arith.index_cast %add3A_408 : i32 to index
          %get3A_436 = arith.constant 48 : index
          %get3A_437 = tpu.vector_load %arg12[%get3A_435, %get3A_436] {strides = array<i32>} : memref<128x80xf32, #tpu.memory_space<vmem>>, vector<16xf32>,
          %mul3A_438 = arith.mulf %get3A_434, %get3A_437 : vector<16xf32>
          %add3A_439 = arith.addf %add3A_431, %mul3A_438 : vector<16xf32>
          %get3A_440 = arith.index_cast %add3A_408 : i32 to index
          %get3A_441 = arith.constant 64 : index
          %get3A_442 = tpu.vector_load %arg11[%get3A_440, %get3A_441] {strides = array<i32>} : memref<128x80xf32, #tpu.memory_space<vmem>>, vector<16xf32>,
          %get3A_443 = arith.index_cast %add3A_408 : i32 to index
          %get3A_444 = arith.constant 64 : index
          %get3A_445 = tpu.vector_load %arg12[%get3A_443, %get3A_444] {strides = array<i32>} : memref<128x80xf32, #tpu.memory_space<vmem>>, vector<16xf32>,
          %sub3A_446 = arith.subf %get3A_442, %get3A_445 : vector<16xf32>
          %eq3A_447 = arith.constant 5 : i32
          %eq3A_448 = vector.broadcast %eq3A_447 : i32 to vector<16xi32>
          %eq3A_449 = arith.cmpi eq, %iota3A, %eq3A_448 : vector<16xi32>
          %reduce_sum3A_450 = arith.constant true
          %reduce_sum3A_451 = vector.broadcast %reduce_sum3A_450 : i1 to vector<16xi1>
          %reduce_sum3A_452 = tpu.scan <sum>, %add3A_439 masked %reduce_sum3A_451 : vector<16xf32>, vector<16xi1> -> vector<16xf32>
          %reduce_sum3A_453 = vector.extract %reduce_sum3A_452[15] : f32 from vector<16xf32>
          %jit3A_454 = arith.constant 0.000000e+00 : f32
          %broadcast_in_dim3A_455 = vector.broadcast %reduce_sum3A_453 : f32 to vector<16xf32>
          %broadcast_in_dim3A_456 = vector.broadcast %jit3A_454 : f32 to vector<16xf32>
          %select_n3A_457 = arith.select %eq3A_449, %broadcast_in_dim3A_455, %broadcast_in_dim3A_456 : vector<16xi1>, vector<16xf32>
          %eq3A_458 = arith.constant 5 : i32
          %eq3A_459 = vector.broadcast %eq3A_458 : i32 to vector<16xi32>
          %eq3A_460 = arith.cmpi eq, %iota3A, %eq3A_459 : vector<16xi32>
          %mul3A_461 = arith.mulf %sub3A_446, %sub3A_446 : vector<16xf32>
          %reduce_sum3A_462 = arith.constant true
          %reduce_sum3A_463 = vector.broadcast %reduce_sum3A_462 : i1 to vector<16xi1>
          %reduce_sum3A_464 = tpu.scan <sum>, %mul3A_461 masked %reduce_sum3A_463 : vector<16xf32>, vector<16xi1> -> vector<16xf32>
          %reduce_sum3A_465 = vector.extract %reduce_sum3A_464[15] : f32 from vector<16xf32>
          %jit3A_466 = arith.constant 0.000000e+00 : f32
          %broadcast_in_dim3A_467 = vector.broadcast %reduce_sum3A_465 : f32 to vector<16xf32>
          %broadcast_in_dim3A_468 = vector.broadcast %jit3A_466 : f32 to vector<16xf32>
          %select_n3A_469 = arith.select %eq3A_460, %broadcast_in_dim3A_467, %broadcast_in_dim3A_468 : vector<16xi1>, vector<16xf32>
          %mul3A_470 = arith.constant 16 : i32
          %mul3A_471 = arith.muli %scan3A_82, %mul3A_470 : i32
          %add3A_472 = arith.constant 6 : i32
          %add3A_473 = arith.addi %mul3A_471, %add3A_472 : i32
          %get3A_474 = arith.index_cast %add3A_473 : i32 to index
          %get3A_475 = arith.constant 0 : index
          %get3A_476 = tpu.vector_load %arg11[%get3A_474, %get3A_475] {strides = array<i32>} : memref<128x80xf32, #tpu.memory_space<vmem>>, vector<16xf32>,
          %get3A_477 = arith.index_cast %add3A_473 : i32 to index
          %get3A_478 = arith.constant 0 : index
          %get3A_479 = tpu.vector_load %arg12[%get3A_477, %get3A_478] {strides = array<i32>} : memref<128x80xf32, #tpu.memory_space<vmem>>, vector<16xf32>,
          %mul3A_480 = arith.mulf %get3A_476, %get3A_479 : vector<16xf32>
          %get3A_481 = arith.index_cast %add3A_473 : i32 to index
          %get3A_482 = arith.constant 16 : index
          %get3A_483 = tpu.vector_load %arg11[%get3A_481, %get3A_482] {strides = array<i32>} : memref<128x80xf32, #tpu.memory_space<vmem>>, vector<16xf32>,
          %get3A_484 = arith.index_cast %add3A_473 : i32 to index
          %get3A_485 = arith.constant 16 : index
          %get3A_486 = tpu.vector_load %arg12[%get3A_484, %get3A_485] {strides = array<i32>} : memref<128x80xf32, #tpu.memory_space<vmem>>, vector<16xf32>,
          %mul3A_487 = arith.mulf %get3A_483, %get3A_486 : vector<16xf32>
          %add3A_488 = arith.addf %mul3A_480, %mul3A_487 : vector<16xf32>
          %get3A_489 = arith.index_cast %add3A_473 : i32 to index
          %get3A_490 = arith.constant 32 : index
          %get3A_491 = tpu.vector_load %arg11[%get3A_489, %get3A_490] {strides = array<i32>} : memref<128x80xf32, #tpu.memory_space<vmem>>, vector<16xf32>,
          %get3A_492 = arith.index_cast %add3A_473 : i32 to index
          %get3A_493 = arith.constant 32 : index
          %get3A_494 = tpu.vector_load %arg12[%get3A_492, %get3A_493] {strides = array<i32>} : memref<128x80xf32, #tpu.memory_space<vmem>>, vector<16xf32>,
          %mul3A_495 = arith.mulf %get3A_491, %get3A_494 : vector<16xf32>
          %add3A_496 = arith.addf %add3A_488, %mul3A_495 : vector<16xf32>
          %get3A_497 = arith.index_cast %add3A_473 : i32 to index
          %get3A_498 = arith.constant 48 : index
          %get3A_499 = tpu.vector_load %arg11[%get3A_497, %get3A_498] {strides = array<i32>} : memref<128x80xf32, #tpu.memory_space<vmem>>, vector<16xf32>,
          %get3A_500 = arith.index_cast %add3A_473 : i32 to index
          %get3A_501 = arith.constant 48 : index
          %get3A_502 = tpu.vector_load %arg12[%get3A_500, %get3A_501] {strides = array<i32>} : memref<128x80xf32, #tpu.memory_space<vmem>>, vector<16xf32>,
          %mul3A_503 = arith.mulf %get3A_499, %get3A_502 : vector<16xf32>
          %add3A_504 = arith.addf %add3A_496, %mul3A_503 : vector<16xf32>
          %get3A_505 = arith.index_cast %add3A_473 : i32 to index
          %get3A_506 = arith.constant 64 : index
          %get3A_507 = tpu.vector_load %arg11[%get3A_505, %get3A_506] {strides = array<i32>} : memref<128x80xf32, #tpu.memory_space<vmem>>, vector<16xf32>,
          %get3A_508 = arith.index_cast %add3A_473 : i32 to index
          %get3A_509 = arith.constant 64 : index
          %get3A_510 = tpu.vector_load %arg12[%get3A_508, %get3A_509] {strides = array<i32>} : memref<128x80xf32, #tpu.memory_space<vmem>>, vector<16xf32>,
          %sub3A_511 = arith.subf %get3A_507, %get3A_510 : vector<16xf32>
          %eq3A_512 = arith.constant 6 : i32
          %eq3A_513 = vector.broadcast %eq3A_512 : i32 to vector<16xi32>
          %eq3A_514 = arith.cmpi eq, %iota3A, %eq3A_513 : vector<16xi32>
          %reduce_sum3A_515 = arith.constant true
          %reduce_sum3A_516 = vector.broadcast %reduce_sum3A_515 : i1 to vector<16xi1>
          %reduce_sum3A_517 = tpu.scan <sum>, %add3A_504 masked %reduce_sum3A_516 : vector<16xf32>, vector<16xi1> -> vector<16xf32>
          %reduce_sum3A_518 = vector.extract %reduce_sum3A_517[15] : f32 from vector<16xf32>
          %jit3A_519 = arith.constant 0.000000e+00 : f32
          %broadcast_in_dim3A_520 = vector.broadcast %reduce_sum3A_518 : f32 to vector<16xf32>
          %broadcast_in_dim3A_521 = vector.broadcast %jit3A_519 : f32 to vector<16xf32>
          %select_n3A_522 = arith.select %eq3A_514, %broadcast_in_dim3A_520, %broadcast_in_dim3A_521 : vector<16xi1>, vector<16xf32>
          %eq3A_523 = arith.constant 6 : i32
          %eq3A_524 = vector.broadcast %eq3A_523 : i32 to vector<16xi32>
          %eq3A_525 = arith.cmpi eq, %iota3A, %eq3A_524 : vector<16xi32>
          %mul3A_526 = arith.mulf %sub3A_511, %sub3A_511 : vector<16xf32>
          %reduce_sum3A_527 = arith.constant true
          %reduce_sum3A_528 = vector.broadcast %reduce_sum3A_527 : i1 to vector<16xi1>
          %reduce_sum3A_529 = tpu.scan <sum>, %mul3A_526 masked %reduce_sum3A_528 : vector<16xf32>, vector<16xi1> -> vector<16xf32>
          %reduce_sum3A_530 = vector.extract %reduce_sum3A_529[15] : f32 from vector<16xf32>
          %jit3A_531 = arith.constant 0.000000e+00 : f32
          %broadcast_in_dim3A_532 = vector.broadcast %reduce_sum3A_530 : f32 to vector<16xf32>
          %broadcast_in_dim3A_533 = vector.broadcast %jit3A_531 : f32 to vector<16xf32>
          %select_n3A_534 = arith.select %eq3A_525, %broadcast_in_dim3A_532, %broadcast_in_dim3A_533 : vector<16xi1>, vector<16xf32>
          %mul3A_535 = arith.constant 16 : i32
          %mul3A_536 = arith.muli %scan3A_82, %mul3A_535 : i32
          %add3A_537 = arith.constant 7 : i32
          %add3A_538 = arith.addi %mul3A_536, %add3A_537 : i32
          %get3A_539 = arith.index_cast %add3A_538 : i32 to index
          %get3A_540 = arith.constant 0 : index
          %get3A_541 = tpu.vector_load %arg11[%get3A_539, %get3A_540] {strides = array<i32>} : memref<128x80xf32, #tpu.memory_space<vmem>>, vector<16xf32>,
          %get3A_542 = arith.index_cast %add3A_538 : i32 to index
          %get3A_543 = arith.constant 0 : index
          %get3A_544 = tpu.vector_load %arg12[%get3A_542, %get3A_543] {strides = array<i32>} : memref<128x80xf32, #tpu.memory_space<vmem>>, vector<16xf32>,
          %mul3A_545 = arith.mulf %get3A_541, %get3A_544 : vector<16xf32>
          %get3A_546 = arith.index_cast %add3A_538 : i32 to index
          %get3A_547 = arith.constant 16 : index
          %get3A_548 = tpu.vector_load %arg11[%get3A_546, %get3A_547] {strides = array<i32>} : memref<128x80xf32, #tpu.memory_space<vmem>>, vector<16xf32>,
          %get3A_549 = arith.index_cast %add3A_538 : i32 to index
          %get3A_550 = arith.constant 16 : index
          %get3A_551 = tpu.vector_load %arg12[%get3A_549, %get3A_550] {strides = array<i32>} : memref<128x80xf32, #tpu.memory_space<vmem>>, vector<16xf32>,
          %mul3A_552 = arith.mulf %get3A_548, %get3A_551 : vector<16xf32>
          %add3A_553 = arith.addf %mul3A_545, %mul3A_552 : vector<16xf32>
          %get3A_554 = arith.index_cast %add3A_538 : i32 to index
          %get3A_555 = arith.constant 32 : index
          %get3A_556 = tpu.vector_load %arg11[%get3A_554, %get3A_555] {strides = array<i32>} : memref<128x80xf32, #tpu.memory_space<vmem>>, vector<16xf32>,
          %get3A_557 = arith.index_cast %add3A_538 : i32 to index
          %get3A_558 = arith.constant 32 : index
          %get3A_559 = tpu.vector_load %arg12[%get3A_557, %get3A_558] {strides = array<i32>} : memref<128x80xf32, #tpu.memory_space<vmem>>, vector<16xf32>,
          %mul3A_560 = arith.mulf %get3A_556, %get3A_559 : vector<16xf32>
          %add3A_561 = arith.addf %add3A_553, %mul3A_560 : vector<16xf32>
          %get3A_562 = arith.index_cast %add3A_538 : i32 to index
          %get3A_563 = arith.constant 48 : index
          %get3A_564 = tpu.vector_load %arg11[%get3A_562, %get3A_563] {strides = array<i32>} : memref<128x80xf32, #tpu.memory_space<vmem>>, vector<16xf32>,
          %get3A_565 = arith.index_cast %add3A_538 : i32 to index
          %get3A_566 = arith.constant 48 : index
          %get3A_567 = tpu.vector_load %arg12[%get3A_565, %get3A_566] {strides = array<i32>} : memref<128x80xf32, #tpu.memory_space<vmem>>, vector<16xf32>,
          %mul3A_568 = arith.mulf %get3A_564, %get3A_567 : vector<16xf32>
          %add3A_569 = arith.addf %add3A_561, %mul3A_568 : vector<16xf32>
          %get3A_570 = arith.index_cast %add3A_538 : i32 to index
          %get3A_571 = arith.constant 64 : index
          %get3A_572 = tpu.vector_load %arg11[%get3A_570, %get3A_571] {strides = array<i32>} : memref<128x80xf32, #tpu.memory_space<vmem>>, vector<16xf32>,
          %get3A_573 = arith.index_cast %add3A_538 : i32 to index
          %get3A_574 = arith.constant 64 : index
          %get3A_575 = tpu.vector_load %arg12[%get3A_573, %get3A_574] {strides = array<i32>} : memref<128x80xf32, #tpu.memory_space<vmem>>, vector<16xf32>,
          %sub3A_576 = arith.subf %get3A_572, %get3A_575 : vector<16xf32>
          %eq3A_577 = arith.constant 7 : i32
          %eq3A_578 = vector.broadcast %eq3A_577 : i32 to vector<16xi32>
          %eq3A_579 = arith.cmpi eq, %iota3A, %eq3A_578 : vector<16xi32>
          %reduce_sum3A_580 = arith.constant true
          %reduce_sum3A_581 = vector.broadcast %reduce_sum3A_580 : i1 to vector<16xi1>
          %reduce_sum3A_582 = tpu.scan <sum>, %add3A_569 masked %reduce_sum3A_581 : vector<16xf32>, vector<16xi1> -> vector<16xf32>
          %reduce_sum3A_583 = vector.extract %reduce_sum3A_582[15] : f32 from vector<16xf32>
          %jit3A_584 = arith.constant 0.000000e+00 : f32
          %broadcast_in_dim3A_585 = vector.broadcast %reduce_sum3A_583 : f32 to vector<16xf32>
          %broadcast_in_dim3A_586 = vector.broadcast %jit3A_584 : f32 to vector<16xf32>
          %select_n3A_587 = arith.select %eq3A_579, %broadcast_in_dim3A_585, %broadcast_in_dim3A_586 : vector<16xi1>, vector<16xf32>
          %eq3A_588 = arith.constant 7 : i32
          %eq3A_589 = vector.broadcast %eq3A_588 : i32 to vector<16xi32>
          %eq3A_590 = arith.cmpi eq, %iota3A, %eq3A_589 : vector<16xi32>
          %mul3A_591 = arith.mulf %sub3A_576, %sub3A_576 : vector<16xf32>
          %reduce_sum3A_592 = arith.constant true
          %reduce_sum3A_593 = vector.broadcast %reduce_sum3A_592 : i1 to vector<16xi1>
          %reduce_sum3A_594 = tpu.scan <sum>, %mul3A_591 masked %reduce_sum3A_593 : vector<16xf32>, vector<16xi1> -> vector<16xf32>
          %reduce_sum3A_595 = vector.extract %reduce_sum3A_594[15] : f32 from vector<16xf32>
          %jit3A_596 = arith.constant 0.000000e+00 : f32
          %broadcast_in_dim3A_597 = vector.broadcast %reduce_sum3A_595 : f32 to vector<16xf32>
          %broadcast_in_dim3A_598 = vector.broadcast %jit3A_596 : f32 to vector<16xf32>
          %select_n3A_599 = arith.select %eq3A_590, %broadcast_in_dim3A_597, %broadcast_in_dim3A_598 : vector<16xi1>, vector<16xf32>
          %mul3A_600 = arith.constant 16 : i32
          %mul3A_601 = arith.muli %scan3A_82, %mul3A_600 : i32
          %add3A_602 = arith.constant 8 : i32
          %add3A_603 = arith.addi %mul3A_601, %add3A_602 : i32
          %get3A_604 = arith.index_cast %add3A_603 : i32 to index
          %get3A_605 = arith.constant 0 : index
          %get3A_606 = tpu.vector_load %arg11[%get3A_604, %get3A_605] {strides = array<i32>} : memref<128x80xf32, #tpu.memory_space<vmem>>, vector<16xf32>,
          %get3A_607 = arith.index_cast %add3A_603 : i32 to index
          %get3A_608 = arith.constant 0 : index
          %get3A_609 = tpu.vector_load %arg12[%get3A_607, %get3A_608] {strides = array<i32>} : memref<128x80xf32, #tpu.memory_space<vmem>>, vector<16xf32>,
          %mul3A_610 = arith.mulf %get3A_606, %get3A_609 : vector<16xf32>
          %get3A_611 = arith.index_cast %add3A_603 : i32 to index
          %get3A_612 = arith.constant 16 : index
          %get3A_613 = tpu.vector_load %arg11[%get3A_611, %get3A_612] {strides = array<i32>} : memref<128x80xf32, #tpu.memory_space<vmem>>, vector<16xf32>,
          %get3A_614 = arith.index_cast %add3A_603 : i32 to index
          %get3A_615 = arith.constant 16 : index
          %get3A_616 = tpu.vector_load %arg12[%get3A_614, %get3A_615] {strides = array<i32>} : memref<128x80xf32, #tpu.memory_space<vmem>>, vector<16xf32>,
          %mul3A_617 = arith.mulf %get3A_613, %get3A_616 : vector<16xf32>
          %add3A_618 = arith.addf %mul3A_610, %mul3A_617 : vector<16xf32>
          %get3A_619 = arith.index_cast %add3A_603 : i32 to index
          %get3A_620 = arith.constant 32 : index
          %get3A_621 = tpu.vector_load %arg11[%get3A_619, %get3A_620] {strides = array<i32>} : memref<128x80xf32, #tpu.memory_space<vmem>>, vector<16xf32>,
          %get3A_622 = arith.index_cast %add3A_603 : i32 to index
          %get3A_623 = arith.constant 32 : index
          %get3A_624 = tpu.vector_load %arg12[%get3A_622, %get3A_623] {strides = array<i32>} : memref<128x80xf32, #tpu.memory_space<vmem>>, vector<16xf32>,
          %mul3A_625 = arith.mulf %get3A_621, %get3A_624 : vector<16xf32>
          %add3A_626 = arith.addf %add3A_618, %mul3A_625 : vector<16xf32>
          %get3A_627 = arith.index_cast %add3A_603 : i32 to index
          %get3A_628 = arith.constant 48 : index
          %get3A_629 = tpu.vector_load %arg11[%get3A_627, %get3A_628] {strides = array<i32>} : memref<128x80xf32, #tpu.memory_space<vmem>>, vector<16xf32>,
          %get3A_630 = arith.index_cast %add3A_603 : i32 to index
          %get3A_631 = arith.constant 48 : index
          %get3A_632 = tpu.vector_load %arg12[%get3A_630, %get3A_631] {strides = array<i32>} : memref<128x80xf32, #tpu.memory_space<vmem>>, vector<16xf32>,
          %mul3A_633 = arith.mulf %get3A_629, %get3A_632 : vector<16xf32>
          %add3A_634 = arith.addf %add3A_626, %mul3A_633 : vector<16xf32>
          %get3A_635 = arith.index_cast %add3A_603 : i32 to index
          %get3A_636 = arith.constant 64 : index
          %get3A_637 = tpu.vector_load %arg11[%get3A_635, %get3A_636] {strides = array<i32>} : memref<128x80xf32, #tpu.memory_space<vmem>>, vector<16xf32>,
          %get3A_638 = arith.index_cast %add3A_603 : i32 to index
          %get3A_639 = arith.constant 64 : index
          %get3A_640 = tpu.vector_load %arg12[%get3A_638, %get3A_639] {strides = array<i32>} : memref<128x80xf32, #tpu.memory_space<vmem>>, vector<16xf32>,
          %sub3A_641 = arith.subf %get3A_637, %get3A_640 : vector<16xf32>
          %eq3A_642 = arith.constant 8 : i32
          %eq3A_643 = vector.broadcast %eq3A_642 : i32 to vector<16xi32>
          %eq3A_644 = arith.cmpi eq, %iota3A, %eq3A_643 : vector<16xi32>
          %reduce_sum3A_645 = arith.constant true
          %reduce_sum3A_646 = vector.broadcast %reduce_sum3A_645 : i1 to vector<16xi1>
          %reduce_sum3A_647 = tpu.scan <sum>, %add3A_634 masked %reduce_sum3A_646 : vector<16xf32>, vector<16xi1> -> vector<16xf32>
          %reduce_sum3A_648 = vector.extract %reduce_sum3A_647[15] : f32 from vector<16xf32>
          %jit3A_649 = arith.constant 0.000000e+00 : f32
          %broadcast_in_dim3A_650 = vector.broadcast %reduce_sum3A_648 : f32 to vector<16xf32>
          %broadcast_in_dim3A_651 = vector.broadcast %jit3A_649 : f32 to vector<16xf32>
          %select_n3A_652 = arith.select %eq3A_644, %broadcast_in_dim3A_650, %broadcast_in_dim3A_651 : vector<16xi1>, vector<16xf32>
          %eq3A_653 = arith.constant 8 : i32
          %eq3A_654 = vector.broadcast %eq3A_653 : i32 to vector<16xi32>
          %eq3A_655 = arith.cmpi eq, %iota3A, %eq3A_654 : vector<16xi32>
          %mul3A_656 = arith.mulf %sub3A_641, %sub3A_641 : vector<16xf32>
          %reduce_sum3A_657 = arith.constant true
          %reduce_sum3A_658 = vector.broadcast %reduce_sum3A_657 : i1 to vector<16xi1>
          %reduce_sum3A_659 = tpu.scan <sum>, %mul3A_656 masked %reduce_sum3A_658 : vector<16xf32>, vector<16xi1> -> vector<16xf32>
          %reduce_sum3A_660 = vector.extract %reduce_sum3A_659[15] : f32 from vector<16xf32>
          %jit3A_661 = arith.constant 0.000000e+00 : f32
          %broadcast_in_dim3A_662 = vector.broadcast %reduce_sum3A_660 : f32 to vector<16xf32>
          %broadcast_in_dim3A_663 = vector.broadcast %jit3A_661 : f32 to vector<16xf32>
          %select_n3A_664 = arith.select %eq3A_655, %broadcast_in_dim3A_662, %broadcast_in_dim3A_663 : vector<16xi1>, vector<16xf32>
          %mul3A_665 = arith.constant 16 : i32
          %mul3A_666 = arith.muli %scan3A_82, %mul3A_665 : i32
          %add3A_667 = arith.constant 9 : i32
          %add3A_668 = arith.addi %mul3A_666, %add3A_667 : i32
          %get3A_669 = arith.index_cast %add3A_668 : i32 to index
          %get3A_670 = arith.constant 0 : index
          %get3A_671 = tpu.vector_load %arg11[%get3A_669, %get3A_670] {strides = array<i32>} : memref<128x80xf32, #tpu.memory_space<vmem>>, vector<16xf32>,
          %get3A_672 = arith.index_cast %add3A_668 : i32 to index
          %get3A_673 = arith.constant 0 : index
          %get3A_674 = tpu.vector_load %arg12[%get3A_672, %get3A_673] {strides = array<i32>} : memref<128x80xf32, #tpu.memory_space<vmem>>, vector<16xf32>,
          %mul3A_675 = arith.mulf %get3A_671, %get3A_674 : vector<16xf32>
          %get3A_676 = arith.index_cast %add3A_668 : i32 to index
          %get3A_677 = arith.constant 16 : index
          %get3A_678 = tpu.vector_load %arg11[%get3A_676, %get3A_677] {strides = array<i32>} : memref<128x80xf32, #tpu.memory_space<vmem>>, vector<16xf32>,
          %get3A_679 = arith.index_cast %add3A_668 : i32 to index
          %get3A_680 = arith.constant 16 : index
          %get3A_681 = tpu.vector_load %arg12[%get3A_679, %get3A_680] {strides = array<i32>} : memref<128x80xf32, #tpu.memory_space<vmem>>, vector<16xf32>,
          %mul3A_682 = arith.mulf %get3A_678, %get3A_681 : vector<16xf32>
          %add3A_683 = arith.addf %mul3A_675, %mul3A_682 : vector<16xf32>
          %get3A_684 = arith.index_cast %add3A_668 : i32 to index
          %get3A_685 = arith.constant 32 : index
          %get3A_686 = tpu.vector_load %arg11[%get3A_684, %get3A_685] {strides = array<i32>} : memref<128x80xf32, #tpu.memory_space<vmem>>, vector<16xf32>,
          %get3A_687 = arith.index_cast %add3A_668 : i32 to index
          %get3A_688 = arith.constant 32 : index
          %get3A_689 = tpu.vector_load %arg12[%get3A_687, %get3A_688] {strides = array<i32>} : memref<128x80xf32, #tpu.memory_space<vmem>>, vector<16xf32>,
          %mul3A_690 = arith.mulf %get3A_686, %get3A_689 : vector<16xf32>
          %add3A_691 = arith.addf %add3A_683, %mul3A_690 : vector<16xf32>
          %get3A_692 = arith.index_cast %add3A_668 : i32 to index
          %get3A_693 = arith.constant 48 : index
          %get3A_694 = tpu.vector_load %arg11[%get3A_692, %get3A_693] {strides = array<i32>} : memref<128x80xf32, #tpu.memory_space<vmem>>, vector<16xf32>,
          %get3A_695 = arith.index_cast %add3A_668 : i32 to index
          %get3A_696 = arith.constant 48 : index
          %get3A_697 = tpu.vector_load %arg12[%get3A_695, %get3A_696] {strides = array<i32>} : memref<128x80xf32, #tpu.memory_space<vmem>>, vector<16xf32>,
          %mul3A_698 = arith.mulf %get3A_694, %get3A_697 : vector<16xf32>
          %add3A_699 = arith.addf %add3A_691, %mul3A_698 : vector<16xf32>
          %get3A_700 = arith.index_cast %add3A_668 : i32 to index
          %get3A_701 = arith.constant 64 : index
          %get3A_702 = tpu.vector_load %arg11[%get3A_700, %get3A_701] {strides = array<i32>} : memref<128x80xf32, #tpu.memory_space<vmem>>, vector<16xf32>,
          %get3A_703 = arith.index_cast %add3A_668 : i32 to index
          %get3A_704 = arith.constant 64 : index
          %get3A_705 = tpu.vector_load %arg12[%get3A_703, %get3A_704] {strides = array<i32>} : memref<128x80xf32, #tpu.memory_space<vmem>>, vector<16xf32>,
          %sub3A_706 = arith.subf %get3A_702, %get3A_705 : vector<16xf32>
          %eq3A_707 = arith.constant 9 : i32
          %eq3A_708 = vector.broadcast %eq3A_707 : i32 to vector<16xi32>
          %eq3A_709 = arith.cmpi eq, %iota3A, %eq3A_708 : vector<16xi32>
          %reduce_sum3A_710 = arith.constant true
          %reduce_sum3A_711 = vector.broadcast %reduce_sum3A_710 : i1 to vector<16xi1>
          %reduce_sum3A_712 = tpu.scan <sum>, %add3A_699 masked %reduce_sum3A_711 : vector<16xf32>, vector<16xi1> -> vector<16xf32>
          %reduce_sum3A_713 = vector.extract %reduce_sum3A_712[15] : f32 from vector<16xf32>
          %jit3A_714 = arith.constant 0.000000e+00 : f32
          %broadcast_in_dim3A_715 = vector.broadcast %reduce_sum3A_713 : f32 to vector<16xf32>
          %broadcast_in_dim3A_716 = vector.broadcast %jit3A_714 : f32 to vector<16xf32>
          %select_n3A_717 = arith.select %eq3A_709, %broadcast_in_dim3A_715, %broadcast_in_dim3A_716 : vector<16xi1>, vector<16xf32>
          %eq3A_718 = arith.constant 9 : i32
          %eq3A_719 = vector.broadcast %eq3A_718 : i32 to vector<16xi32>
          %eq3A_720 = arith.cmpi eq, %iota3A, %eq3A_719 : vector<16xi32>
          %mul3A_721 = arith.mulf %sub3A_706, %sub3A_706 : vector<16xf32>
          %reduce_sum3A_722 = arith.constant true
          %reduce_sum3A_723 = vector.broadcast %reduce_sum3A_722 : i1 to vector<16xi1>
          %reduce_sum3A_724 = tpu.scan <sum>, %mul3A_721 masked %reduce_sum3A_723 : vector<16xf32>, vector<16xi1> -> vector<16xf32>
          %reduce_sum3A_725 = vector.extract %reduce_sum3A_724[15] : f32 from vector<16xf32>
          %jit3A_726 = arith.constant 0.000000e+00 : f32
          %broadcast_in_dim3A_727 = vector.broadcast %reduce_sum3A_725 : f32 to vector<16xf32>
          %broadcast_in_dim3A_728 = vector.broadcast %jit3A_726 : f32 to vector<16xf32>
          %select_n3A_729 = arith.select %eq3A_720, %broadcast_in_dim3A_727, %broadcast_in_dim3A_728 : vector<16xi1>, vector<16xf32>
          %mul3A_730 = arith.constant 16 : i32
          %mul3A_731 = arith.muli %scan3A_82, %mul3A_730 : i32
          %add3A_732 = arith.constant 10 : i32
          %add3A_733 = arith.addi %mul3A_731, %add3A_732 : i32
          %get3A_734 = arith.index_cast %add3A_733 : i32 to index
          %get3A_735 = arith.constant 0 : index
          %get3A_736 = tpu.vector_load %arg11[%get3A_734, %get3A_735] {strides = array<i32>} : memref<128x80xf32, #tpu.memory_space<vmem>>, vector<16xf32>,
          %get3A_737 = arith.index_cast %add3A_733 : i32 to index
          %get3A_738 = arith.constant 0 : index
          %get3A_739 = tpu.vector_load %arg12[%get3A_737, %get3A_738] {strides = array<i32>} : memref<128x80xf32, #tpu.memory_space<vmem>>, vector<16xf32>,
          %mul3A_740 = arith.mulf %get3A_736, %get3A_739 : vector<16xf32>
          %get3A_741 = arith.index_cast %add3A_733 : i32 to index
          %get3A_742 = arith.constant 16 : index
          %get3A_743 = tpu.vector_load %arg11[%get3A_741, %get3A_742] {strides = array<i32>} : memref<128x80xf32, #tpu.memory_space<vmem>>, vector<16xf32>,
          %get3A_744 = arith.index_cast %add3A_733 : i32 to index
          %get3A_745 = arith.constant 16 : index
          %get3A_746 = tpu.vector_load %arg12[%get3A_744, %get3A_745] {strides = array<i32>} : memref<128x80xf32, #tpu.memory_space<vmem>>, vector<16xf32>,
          %mul3A_747 = arith.mulf %get3A_743, %get3A_746 : vector<16xf32>
          %add3A_748 = arith.addf %mul3A_740, %mul3A_747 : vector<16xf32>
          %get3A_749 = arith.index_cast %add3A_733 : i32 to index
          %get3A_750 = arith.constant 32 : index
          %get3A_751 = tpu.vector_load %arg11[%get3A_749, %get3A_750] {strides = array<i32>} : memref<128x80xf32, #tpu.memory_space<vmem>>, vector<16xf32>,
          %get3A_752 = arith.index_cast %add3A_733 : i32 to index
          %get3A_753 = arith.constant 32 : index
          %get3A_754 = tpu.vector_load %arg12[%get3A_752, %get3A_753] {strides = array<i32>} : memref<128x80xf32, #tpu.memory_space<vmem>>, vector<16xf32>,
          %mul3A_755 = arith.mulf %get3A_751, %get3A_754 : vector<16xf32>
          %add3A_756 = arith.addf %add3A_748, %mul3A_755 : vector<16xf32>
          %get3A_757 = arith.index_cast %add3A_733 : i32 to index
          %get3A_758 = arith.constant 48 : index
          %get3A_759 = tpu.vector_load %arg11[%get3A_757, %get3A_758] {strides = array<i32>} : memref<128x80xf32, #tpu.memory_space<vmem>>, vector<16xf32>,
          %get3A_760 = arith.index_cast %add3A_733 : i32 to index
          %get3A_761 = arith.constant 48 : index
          %get3A_762 = tpu.vector_load %arg12[%get3A_760, %get3A_761] {strides = array<i32>} : memref<128x80xf32, #tpu.memory_space<vmem>>, vector<16xf32>,
          %mul3A_763 = arith.mulf %get3A_759, %get3A_762 : vector<16xf32>
          %add3A_764 = arith.addf %add3A_756, %mul3A_763 : vector<16xf32>
          %get3A_765 = arith.index_cast %add3A_733 : i32 to index
          %get3A_766 = arith.constant 64 : index
          %get3A_767 = tpu.vector_load %arg11[%get3A_765, %get3A_766] {strides = array<i32>} : memref<128x80xf32, #tpu.memory_space<vmem>>, vector<16xf32>,
          %get3A_768 = arith.index_cast %add3A_733 : i32 to index
          %get3A_769 = arith.constant 64 : index
          %get3A_770 = tpu.vector_load %arg12[%get3A_768, %get3A_769] {strides = array<i32>} : memref<128x80xf32, #tpu.memory_space<vmem>>, vector<16xf32>,
          %sub3A_771 = arith.subf %get3A_767, %get3A_770 : vector<16xf32>
          %eq3A_772 = arith.constant 10 : i32
          %eq3A_773 = vector.broadcast %eq3A_772 : i32 to vector<16xi32>
          %eq3A_774 = arith.cmpi eq, %iota3A, %eq3A_773 : vector<16xi32>
          %reduce_sum3A_775 = arith.constant true
          %reduce_sum3A_776 = vector.broadcast %reduce_sum3A_775 : i1 to vector<16xi1>
          %reduce_sum3A_777 = tpu.scan <sum>, %add3A_764 masked %reduce_sum3A_776 : vector<16xf32>, vector<16xi1> -> vector<16xf32>
          %reduce_sum3A_778 = vector.extract %reduce_sum3A_777[15] : f32 from vector<16xf32>
          %jit3A_779 = arith.constant 0.000000e+00 : f32
          %broadcast_in_dim3A_780 = vector.broadcast %reduce_sum3A_778 : f32 to vector<16xf32>
          %broadcast_in_dim3A_781 = vector.broadcast %jit3A_779 : f32 to vector<16xf32>
          %select_n3A_782 = arith.select %eq3A_774, %broadcast_in_dim3A_780, %broadcast_in_dim3A_781 : vector<16xi1>, vector<16xf32>
          %eq3A_783 = arith.constant 10 : i32
          %eq3A_784 = vector.broadcast %eq3A_783 : i32 to vector<16xi32>
          %eq3A_785 = arith.cmpi eq, %iota3A, %eq3A_784 : vector<16xi32>
          %mul3A_786 = arith.mulf %sub3A_771, %sub3A_771 : vector<16xf32>
          %reduce_sum3A_787 = arith.constant true
          %reduce_sum3A_788 = vector.broadcast %reduce_sum3A_787 : i1 to vector<16xi1>
          %reduce_sum3A_789 = tpu.scan <sum>, %mul3A_786 masked %reduce_sum3A_788 : vector<16xf32>, vector<16xi1> -> vector<16xf32>
          %reduce_sum3A_790 = vector.extract %reduce_sum3A_789[15] : f32 from vector<16xf32>
          %jit3A_791 = arith.constant 0.000000e+00 : f32
          %broadcast_in_dim3A_792 = vector.broadcast %reduce_sum3A_790 : f32 to vector<16xf32>
          %broadcast_in_dim3A_793 = vector.broadcast %jit3A_791 : f32 to vector<16xf32>
          %select_n3A_794 = arith.select %eq3A_785, %broadcast_in_dim3A_792, %broadcast_in_dim3A_793 : vector<16xi1>, vector<16xf32>
          %mul3A_795 = arith.constant 16 : i32
          %mul3A_796 = arith.muli %scan3A_82, %mul3A_795 : i32
          %add3A_797 = arith.constant 11 : i32
          %add3A_798 = arith.addi %mul3A_796, %add3A_797 : i32
          %get3A_799 = arith.index_cast %add3A_798 : i32 to index
          %get3A_800 = arith.constant 0 : index
          %get3A_801 = tpu.vector_load %arg11[%get3A_799, %get3A_800] {strides = array<i32>} : memref<128x80xf32, #tpu.memory_space<vmem>>, vector<16xf32>,
          %get3A_802 = arith.index_cast %add3A_798 : i32 to index
          %get3A_803 = arith.constant 0 : index
          %get3A_804 = tpu.vector_load %arg12[%get3A_802, %get3A_803] {strides = array<i32>} : memref<128x80xf32, #tpu.memory_space<vmem>>, vector<16xf32>,
          %mul3A_805 = arith.mulf %get3A_801, %get3A_804 : vector<16xf32>
          %get3A_806 = arith.index_cast %add3A_798 : i32 to index
          %get3A_807 = arith.constant 16 : index
          %get3A_808 = tpu.vector_load %arg11[%get3A_806, %get3A_807] {strides = array<i32>} : memref<128x80xf32, #tpu.memory_space<vmem>>, vector<16xf32>,
          %get3A_809 = arith.index_cast %add3A_798 : i32 to index
          %get3A_810 = arith.constant 16 : index
          %get3A_811 = tpu.vector_load %arg12[%get3A_809, %get3A_810] {strides = array<i32>} : memref<128x80xf32, #tpu.memory_space<vmem>>, vector<16xf32>,
          %mul3A_812 = arith.mulf %get3A_808, %get3A_811 : vector<16xf32>
          %add3A_813 = arith.addf %mul3A_805, %mul3A_812 : vector<16xf32>
          %get3A_814 = arith.index_cast %add3A_798 : i32 to index
          %get3A_815 = arith.constant 32 : index
          %get3A_816 = tpu.vector_load %arg11[%get3A_814, %get3A_815] {strides = array<i32>} : memref<128x80xf32, #tpu.memory_space<vmem>>, vector<16xf32>,
          %get3A_817 = arith.index_cast %add3A_798 : i32 to index
          %get3A_818 = arith.constant 32 : index
          %get3A_819 = tpu.vector_load %arg12[%get3A_817, %get3A_818] {strides = array<i32>} : memref<128x80xf32, #tpu.memory_space<vmem>>, vector<16xf32>,
          %mul3A_820 = arith.mulf %get3A_816, %get3A_819 : vector<16xf32>
          %add3A_821 = arith.addf %add3A_813, %mul3A_820 : vector<16xf32>
          %get3A_822 = arith.index_cast %add3A_798 : i32 to index
          %get3A_823 = arith.constant 48 : index
          %get3A_824 = tpu.vector_load %arg11[%get3A_822, %get3A_823] {strides = array<i32>} : memref<128x80xf32, #tpu.memory_space<vmem>>, vector<16xf32>,
          %get3A_825 = arith.index_cast %add3A_798 : i32 to index
          %get3A_826 = arith.constant 48 : index
          %get3A_827 = tpu.vector_load %arg12[%get3A_825, %get3A_826] {strides = array<i32>} : memref<128x80xf32, #tpu.memory_space<vmem>>, vector<16xf32>,
          %mul3A_828 = arith.mulf %get3A_824, %get3A_827 : vector<16xf32>
          %add3A_829 = arith.addf %add3A_821, %mul3A_828 : vector<16xf32>
          %get3A_830 = arith.index_cast %add3A_798 : i32 to index
          %get3A_831 = arith.constant 64 : index
          %get3A_832 = tpu.vector_load %arg11[%get3A_830, %get3A_831] {strides = array<i32>} : memref<128x80xf32, #tpu.memory_space<vmem>>, vector<16xf32>,
          %get3A_833 = arith.index_cast %add3A_798 : i32 to index
          %get3A_834 = arith.constant 64 : index
          %get3A_835 = tpu.vector_load %arg12[%get3A_833, %get3A_834] {strides = array<i32>} : memref<128x80xf32, #tpu.memory_space<vmem>>, vector<16xf32>,
          %sub3A_836 = arith.subf %get3A_832, %get3A_835 : vector<16xf32>
          %eq3A_837 = arith.constant 11 : i32
          %eq3A_838 = vector.broadcast %eq3A_837 : i32 to vector<16xi32>
          %eq3A_839 = arith.cmpi eq, %iota3A, %eq3A_838 : vector<16xi32>
          %reduce_sum3A_840 = arith.constant true
          %reduce_sum3A_841 = vector.broadcast %reduce_sum3A_840 : i1 to vector<16xi1>
          %reduce_sum3A_842 = tpu.scan <sum>, %add3A_829 masked %reduce_sum3A_841 : vector<16xf32>, vector<16xi1> -> vector<16xf32>
          %reduce_sum3A_843 = vector.extract %reduce_sum3A_842[15] : f32 from vector<16xf32>
          %jit3A_844 = arith.constant 0.000000e+00 : f32
          %broadcast_in_dim3A_845 = vector.broadcast %reduce_sum3A_843 : f32 to vector<16xf32>
          %broadcast_in_dim3A_846 = vector.broadcast %jit3A_844 : f32 to vector<16xf32>
          %select_n3A_847 = arith.select %eq3A_839, %broadcast_in_dim3A_845, %broadcast_in_dim3A_846 : vector<16xi1>, vector<16xf32>
          %eq3A_848 = arith.constant 11 : i32
          %eq3A_849 = vector.broadcast %eq3A_848 : i32 to vector<16xi32>
          %eq3A_850 = arith.cmpi eq, %iota3A, %eq3A_849 : vector<16xi32>
          %mul3A_851 = arith.mulf %sub3A_836, %sub3A_836 : vector<16xf32>
          %reduce_sum3A_852 = arith.constant true
          %reduce_sum3A_853 = vector.broadcast %reduce_sum3A_852 : i1 to vector<16xi1>
          %reduce_sum3A_854 = tpu.scan <sum>, %mul3A_851 masked %reduce_sum3A_853 : vector<16xf32>, vector<16xi1> -> vector<16xf32>
          %reduce_sum3A_855 = vector.extract %reduce_sum3A_854[15] : f32 from vector<16xf32>
          %jit3A_856 = arith.constant 0.000000e+00 : f32
          %broadcast_in_dim3A_857 = vector.broadcast %reduce_sum3A_855 : f32 to vector<16xf32>
          %broadcast_in_dim3A_858 = vector.broadcast %jit3A_856 : f32 to vector<16xf32>
          %select_n3A_859 = arith.select %eq3A_850, %broadcast_in_dim3A_857, %broadcast_in_dim3A_858 : vector<16xi1>, vector<16xf32>
          %mul3A_860 = arith.constant 16 : i32
          %mul3A_861 = arith.muli %scan3A_82, %mul3A_860 : i32
          %add3A_862 = arith.constant 12 : i32
          %add3A_863 = arith.addi %mul3A_861, %add3A_862 : i32
          %get3A_864 = arith.index_cast %add3A_863 : i32 to index
          %get3A_865 = arith.constant 0 : index
          %get3A_866 = tpu.vector_load %arg11[%get3A_864, %get3A_865] {strides = array<i32>} : memref<128x80xf32, #tpu.memory_space<vmem>>, vector<16xf32>,
          %get3A_867 = arith.index_cast %add3A_863 : i32 to index
          %get3A_868 = arith.constant 0 : index
          %get3A_869 = tpu.vector_load %arg12[%get3A_867, %get3A_868] {strides = array<i32>} : memref<128x80xf32, #tpu.memory_space<vmem>>, vector<16xf32>,
          %mul3A_870 = arith.mulf %get3A_866, %get3A_869 : vector<16xf32>
          %get3A_871 = arith.index_cast %add3A_863 : i32 to index
          %get3A_872 = arith.constant 16 : index
          %get3A_873 = tpu.vector_load %arg11[%get3A_871, %get3A_872] {strides = array<i32>} : memref<128x80xf32, #tpu.memory_space<vmem>>, vector<16xf32>,
          %get3A_874 = arith.index_cast %add3A_863 : i32 to index
          %get3A_875 = arith.constant 16 : index
          %get3A_876 = tpu.vector_load %arg12[%get3A_874, %get3A_875] {strides = array<i32>} : memref<128x80xf32, #tpu.memory_space<vmem>>, vector<16xf32>,
          %mul3A_877 = arith.mulf %get3A_873, %get3A_876 : vector<16xf32>
          %add3A_878 = arith.addf %mul3A_870, %mul3A_877 : vector<16xf32>
          %get3A_879 = arith.index_cast %add3A_863 : i32 to index
          %get3A_880 = arith.constant 32 : index
          %get3A_881 = tpu.vector_load %arg11[%get3A_879, %get3A_880] {strides = array<i32>} : memref<128x80xf32, #tpu.memory_space<vmem>>, vector<16xf32>,
          %get3A_882 = arith.index_cast %add3A_863 : i32 to index
          %get3A_883 = arith.constant 32 : index
          %get3A_884 = tpu.vector_load %arg12[%get3A_882, %get3A_883] {strides = array<i32>} : memref<128x80xf32, #tpu.memory_space<vmem>>, vector<16xf32>,
          %mul3A_885 = arith.mulf %get3A_881, %get3A_884 : vector<16xf32>
          %add3A_886 = arith.addf %add3A_878, %mul3A_885 : vector<16xf32>
          %get3A_887 = arith.index_cast %add3A_863 : i32 to index
          %get3A_888 = arith.constant 48 : index
          %get3A_889 = tpu.vector_load %arg11[%get3A_887, %get3A_888] {strides = array<i32>} : memref<128x80xf32, #tpu.memory_space<vmem>>, vector<16xf32>,
          %get3A_890 = arith.index_cast %add3A_863 : i32 to index
          %get3A_891 = arith.constant 48 : index
          %get3A_892 = tpu.vector_load %arg12[%get3A_890, %get3A_891] {strides = array<i32>} : memref<128x80xf32, #tpu.memory_space<vmem>>, vector<16xf32>,
          %mul3A_893 = arith.mulf %get3A_889, %get3A_892 : vector<16xf32>
          %add3A_894 = arith.addf %add3A_886, %mul3A_893 : vector<16xf32>
          %get3A_895 = arith.index_cast %add3A_863 : i32 to index
          %get3A_896 = arith.constant 64 : index
          %get3A_897 = tpu.vector_load %arg11[%get3A_895, %get3A_896] {strides = array<i32>} : memref<128x80xf32, #tpu.memory_space<vmem>>, vector<16xf32>,
          %get3A_898 = arith.index_cast %add3A_863 : i32 to index
          %get3A_899 = arith.constant 64 : index
          %get3A_900 = tpu.vector_load %arg12[%get3A_898, %get3A_899] {strides = array<i32>} : memref<128x80xf32, #tpu.memory_space<vmem>>, vector<16xf32>,
          %sub3A_901 = arith.subf %get3A_897, %get3A_900 : vector<16xf32>
          %eq3A_902 = arith.constant 12 : i32
          %eq3A_903 = vector.broadcast %eq3A_902 : i32 to vector<16xi32>
          %eq3A_904 = arith.cmpi eq, %iota3A, %eq3A_903 : vector<16xi32>
          %reduce_sum3A_905 = arith.constant true
          %reduce_sum3A_906 = vector.broadcast %reduce_sum3A_905 : i1 to vector<16xi1>
          %reduce_sum3A_907 = tpu.scan <sum>, %add3A_894 masked %reduce_sum3A_906 : vector<16xf32>, vector<16xi1> -> vector<16xf32>
          %reduce_sum3A_908 = vector.extract %reduce_sum3A_907[15] : f32 from vector<16xf32>
          %jit3A_909 = arith.constant 0.000000e+00 : f32
          %broadcast_in_dim3A_910 = vector.broadcast %reduce_sum3A_908 : f32 to vector<16xf32>
          %broadcast_in_dim3A_911 = vector.broadcast %jit3A_909 : f32 to vector<16xf32>
          %select_n3A_912 = arith.select %eq3A_904, %broadcast_in_dim3A_910, %broadcast_in_dim3A_911 : vector<16xi1>, vector<16xf32>
          %eq3A_913 = arith.constant 12 : i32
          %eq3A_914 = vector.broadcast %eq3A_913 : i32 to vector<16xi32>
          %eq3A_915 = arith.cmpi eq, %iota3A, %eq3A_914 : vector<16xi32>
          %mul3A_916 = arith.mulf %sub3A_901, %sub3A_901 : vector<16xf32>
          %reduce_sum3A_917 = arith.constant true
          %reduce_sum3A_918 = vector.broadcast %reduce_sum3A_917 : i1 to vector<16xi1>
          %reduce_sum3A_919 = tpu.scan <sum>, %mul3A_916 masked %reduce_sum3A_918 : vector<16xf32>, vector<16xi1> -> vector<16xf32>
          %reduce_sum3A_920 = vector.extract %reduce_sum3A_919[15] : f32 from vector<16xf32>
          %jit3A_921 = arith.constant 0.000000e+00 : f32
          %broadcast_in_dim3A_922 = vector.broadcast %reduce_sum3A_920 : f32 to vector<16xf32>
          %broadcast_in_dim3A_923 = vector.broadcast %jit3A_921 : f32 to vector<16xf32>
          %select_n3A_924 = arith.select %eq3A_915, %broadcast_in_dim3A_922, %broadcast_in_dim3A_923 : vector<16xi1>, vector<16xf32>
          %mul3A_925 = arith.constant 16 : i32
          %mul3A_926 = arith.muli %scan3A_82, %mul3A_925 : i32
          %add3A_927 = arith.constant 13 : i32
          %add3A_928 = arith.addi %mul3A_926, %add3A_927 : i32
          %get3A_929 = arith.index_cast %add3A_928 : i32 to index
          %get3A_930 = arith.constant 0 : index
          %get3A_931 = tpu.vector_load %arg11[%get3A_929, %get3A_930] {strides = array<i32>} : memref<128x80xf32, #tpu.memory_space<vmem>>, vector<16xf32>,
          %get3A_932 = arith.index_cast %add3A_928 : i32 to index
          %get3A_933 = arith.constant 0 : index
          %get3A_934 = tpu.vector_load %arg12[%get3A_932, %get3A_933] {strides = array<i32>} : memref<128x80xf32, #tpu.memory_space<vmem>>, vector<16xf32>,
          %mul3A_935 = arith.mulf %get3A_931, %get3A_934 : vector<16xf32>
          %get3A_936 = arith.index_cast %add3A_928 : i32 to index
          %get3A_937 = arith.constant 16 : index
          %get3A_938 = tpu.vector_load %arg11[%get3A_936, %get3A_937] {strides = array<i32>} : memref<128x80xf32, #tpu.memory_space<vmem>>, vector<16xf32>,
          %get3A_939 = arith.index_cast %add3A_928 : i32 to index
          %get3A_940 = arith.constant 16 : index
          %get3A_941 = tpu.vector_load %arg12[%get3A_939, %get3A_940] {strides = array<i32>} : memref<128x80xf32, #tpu.memory_space<vmem>>, vector<16xf32>,
          %mul3A_942 = arith.mulf %get3A_938, %get3A_941 : vector<16xf32>
          %add3A_943 = arith.addf %mul3A_935, %mul3A_942 : vector<16xf32>
          %get3A_944 = arith.index_cast %add3A_928 : i32 to index
          %get3A_945 = arith.constant 32 : index
          %get3A_946 = tpu.vector_load %arg11[%get3A_944, %get3A_945] {strides = array<i32>} : memref<128x80xf32, #tpu.memory_space<vmem>>, vector<16xf32>,
          %get3A_947 = arith.index_cast %add3A_928 : i32 to index
          %get3A_948 = arith.constant 32 : index
          %get3A_949 = tpu.vector_load %arg12[%get3A_947, %get3A_948] {strides = array<i32>} : memref<128x80xf32, #tpu.memory_space<vmem>>, vector<16xf32>,
          %mul3A_950 = arith.mulf %get3A_946, %get3A_949 : vector<16xf32>
          %add3A_951 = arith.addf %add3A_943, %mul3A_950 : vector<16xf32>
          %get3A_952 = arith.index_cast %add3A_928 : i32 to index
          %get3A_953 = arith.constant 48 : index
          %get3A_954 = tpu.vector_load %arg11[%get3A_952, %get3A_953] {strides = array<i32>} : memref<128x80xf32, #tpu.memory_space<vmem>>, vector<16xf32>,
          %get3A_955 = arith.index_cast %add3A_928 : i32 to index
          %get3A_956 = arith.constant 48 : index
          %get3A_957 = tpu.vector_load %arg12[%get3A_955, %get3A_956] {strides = array<i32>} : memref<128x80xf32, #tpu.memory_space<vmem>>, vector<16xf32>,
          %mul3A_958 = arith.mulf %get3A_954, %get3A_957 : vector<16xf32>
          %add3A_959 = arith.addf %add3A_951, %mul3A_958 : vector<16xf32>
          %get3A_960 = arith.index_cast %add3A_928 : i32 to index
          %get3A_961 = arith.constant 64 : index
          %get3A_962 = tpu.vector_load %arg11[%get3A_960, %get3A_961] {strides = array<i32>} : memref<128x80xf32, #tpu.memory_space<vmem>>, vector<16xf32>,
          %get3A_963 = arith.index_cast %add3A_928 : i32 to index
          %get3A_964 = arith.constant 64 : index
          %get3A_965 = tpu.vector_load %arg12[%get3A_963, %get3A_964] {strides = array<i32>} : memref<128x80xf32, #tpu.memory_space<vmem>>, vector<16xf32>,
          %sub3A_966 = arith.subf %get3A_962, %get3A_965 : vector<16xf32>
          %eq3A_967 = arith.constant 13 : i32
          %eq3A_968 = vector.broadcast %eq3A_967 : i32 to vector<16xi32>
          %eq3A_969 = arith.cmpi eq, %iota3A, %eq3A_968 : vector<16xi32>
          %reduce_sum3A_970 = arith.constant true
          %reduce_sum3A_971 = vector.broadcast %reduce_sum3A_970 : i1 to vector<16xi1>
          %reduce_sum3A_972 = tpu.scan <sum>, %add3A_959 masked %reduce_sum3A_971 : vector<16xf32>, vector<16xi1> -> vector<16xf32>
          %reduce_sum3A_973 = vector.extract %reduce_sum3A_972[15] : f32 from vector<16xf32>
          %jit3A_974 = arith.constant 0.000000e+00 : f32
          %broadcast_in_dim3A_975 = vector.broadcast %reduce_sum3A_973 : f32 to vector<16xf32>
          %broadcast_in_dim3A_976 = vector.broadcast %jit3A_974 : f32 to vector<16xf32>
          %select_n3A_977 = arith.select %eq3A_969, %broadcast_in_dim3A_975, %broadcast_in_dim3A_976 : vector<16xi1>, vector<16xf32>
          %eq3A_978 = arith.constant 13 : i32
          %eq3A_979 = vector.broadcast %eq3A_978 : i32 to vector<16xi32>
          %eq3A_980 = arith.cmpi eq, %iota3A, %eq3A_979 : vector<16xi32>
          %mul3A_981 = arith.mulf %sub3A_966, %sub3A_966 : vector<16xf32>
          %reduce_sum3A_982 = arith.constant true
          %reduce_sum3A_983 = vector.broadcast %reduce_sum3A_982 : i1 to vector<16xi1>
          %reduce_sum3A_984 = tpu.scan <sum>, %mul3A_981 masked %reduce_sum3A_983 : vector<16xf32>, vector<16xi1> -> vector<16xf32>
          %reduce_sum3A_985 = vector.extract %reduce_sum3A_984[15] : f32 from vector<16xf32>
          %jit3A_986 = arith.constant 0.000000e+00 : f32
          %broadcast_in_dim3A_987 = vector.broadcast %reduce_sum3A_985 : f32 to vector<16xf32>
          %broadcast_in_dim3A_988 = vector.broadcast %jit3A_986 : f32 to vector<16xf32>
          %select_n3A_989 = arith.select %eq3A_980, %broadcast_in_dim3A_987, %broadcast_in_dim3A_988 : vector<16xi1>, vector<16xf32>
          %mul3A_990 = arith.constant 16 : i32
          %mul3A_991 = arith.muli %scan3A_82, %mul3A_990 : i32
          %add3A_992 = arith.constant 14 : i32
          %add3A_993 = arith.addi %mul3A_991, %add3A_992 : i32
          %get3A_994 = arith.index_cast %add3A_993 : i32 to index
          %get3A_995 = arith.constant 0 : index
          %get3A_996 = tpu.vector_load %arg11[%get3A_994, %get3A_995] {strides = array<i32>} : memref<128x80xf32, #tpu.memory_space<vmem>>, vector<16xf32>,
          %get3A_997 = arith.index_cast %add3A_993 : i32 to index
          %get3A_998 = arith.constant 0 : index
          %get3A_999 = tpu.vector_load %arg12[%get3A_997, %get3A_998] {strides = array<i32>} : memref<128x80xf32, #tpu.memory_space<vmem>>, vector<16xf32>,
          %mul3A_1000 = arith.mulf %get3A_996, %get3A_999 : vector<16xf32>
          %get3A_1001 = arith.index_cast %add3A_993 : i32 to index
          %get3A_1002 = arith.constant 16 : index
          %get3A_1003 = tpu.vector_load %arg11[%get3A_1001, %get3A_1002] {strides = array<i32>} : memref<128x80xf32, #tpu.memory_space<vmem>>, vector<16xf32>,
          %get3A_1004 = arith.index_cast %add3A_993 : i32 to index
          %get3A_1005 = arith.constant 16 : index
          %get3A_1006 = tpu.vector_load %arg12[%get3A_1004, %get3A_1005] {strides = array<i32>} : memref<128x80xf32, #tpu.memory_space<vmem>>, vector<16xf32>,
          %mul3A_1007 = arith.mulf %get3A_1003, %get3A_1006 : vector<16xf32>
          %add3A_1008 = arith.addf %mul3A_1000, %mul3A_1007 : vector<16xf32>
          %get3A_1009 = arith.index_cast %add3A_993 : i32 to index
          %get3A_1010 = arith.constant 32 : index
          %get3A_1011 = tpu.vector_load %arg11[%get3A_1009, %get3A_1010] {strides = array<i32>} : memref<128x80xf32, #tpu.memory_space<vmem>>, vector<16xf32>,
          %get3A_1012 = arith.index_cast %add3A_993 : i32 to index
          %get3A_1013 = arith.constant 32 : index
          %get3A_1014 = tpu.vector_load %arg12[%get3A_1012, %get3A_1013] {strides = array<i32>} : memref<128x80xf32, #tpu.memory_space<vmem>>, vector<16xf32>,
          %mul3A_1015 = arith.mulf %get3A_1011, %get3A_1014 : vector<16xf32>
          %add3A_1016 = arith.addf %add3A_1008, %mul3A_1015 : vector<16xf32>
          %get3A_1017 = arith.index_cast %add3A_993 : i32 to index
          %get3A_1018 = arith.constant 48 : index
          %get3A_1019 = tpu.vector_load %arg11[%get3A_1017, %get3A_1018] {strides = array<i32>} : memref<128x80xf32, #tpu.memory_space<vmem>>, vector<16xf32>,
          %get3A_1020 = arith.index_cast %add3A_993 : i32 to index
          %get3A_1021 = arith.constant 48 : index
          %get3A_1022 = tpu.vector_load %arg12[%get3A_1020, %get3A_1021] {strides = array<i32>} : memref<128x80xf32, #tpu.memory_space<vmem>>, vector<16xf32>,
          %mul3A_1023 = arith.mulf %get3A_1019, %get3A_1022 : vector<16xf32>
          %add3A_1024 = arith.addf %add3A_1016, %mul3A_1023 : vector<16xf32>
          %get3A_1025 = arith.index_cast %add3A_993 : i32 to index
          %get3A_1026 = arith.constant 64 : index
          %get3A_1027 = tpu.vector_load %arg11[%get3A_1025, %get3A_1026] {strides = array<i32>} : memref<128x80xf32, #tpu.memory_space<vmem>>, vector<16xf32>,
          %get3A_1028 = arith.index_cast %add3A_993 : i32 to index
          %get3A_1029 = arith.constant 64 : index
          %get3A_1030 = tpu.vector_load %arg12[%get3A_1028, %get3A_1029] {strides = array<i32>} : memref<128x80xf32, #tpu.memory_space<vmem>>, vector<16xf32>,
          %sub3A_1031 = arith.subf %get3A_1027, %get3A_1030 : vector<16xf32>
          %eq3A_1032 = arith.constant 14 : i32
          %eq3A_1033 = vector.broadcast %eq3A_1032 : i32 to vector<16xi32>
          %eq3A_1034 = arith.cmpi eq, %iota3A, %eq3A_1033 : vector<16xi32>
          %reduce_sum3A_1035 = arith.constant true
          %reduce_sum3A_1036 = vector.broadcast %reduce_sum3A_1035 : i1 to vector<16xi1>
          %reduce_sum3A_1037 = tpu.scan <sum>, %add3A_1024 masked %reduce_sum3A_1036 : vector<16xf32>, vector<16xi1> -> vector<16xf32>
          %reduce_sum3A_1038 = vector.extract %reduce_sum3A_1037[15] : f32 from vector<16xf32>
          %jit3A_1039 = arith.constant 0.000000e+00 : f32
          %broadcast_in_dim3A_1040 = vector.broadcast %reduce_sum3A_1038 : f32 to vector<16xf32>
          %broadcast_in_dim3A_1041 = vector.broadcast %jit3A_1039 : f32 to vector<16xf32>
          %select_n3A_1042 = arith.select %eq3A_1034, %broadcast_in_dim3A_1040, %broadcast_in_dim3A_1041 : vector<16xi1>, vector<16xf32>
          %eq3A_1043 = arith.constant 14 : i32
          %eq3A_1044 = vector.broadcast %eq3A_1043 : i32 to vector<16xi32>
          %eq3A_1045 = arith.cmpi eq, %iota3A, %eq3A_1044 : vector<16xi32>
          %mul3A_1046 = arith.mulf %sub3A_1031, %sub3A_1031 : vector<16xf32>
          %reduce_sum3A_1047 = arith.constant true
          %reduce_sum3A_1048 = vector.broadcast %reduce_sum3A_1047 : i1 to vector<16xi1>
          %reduce_sum3A_1049 = tpu.scan <sum>, %mul3A_1046 masked %reduce_sum3A_1048 : vector<16xf32>, vector<16xi1> -> vector<16xf32>
          %reduce_sum3A_1050 = vector.extract %reduce_sum3A_1049[15] : f32 from vector<16xf32>
          %jit3A_1051 = arith.constant 0.000000e+00 : f32
          %broadcast_in_dim3A_1052 = vector.broadcast %reduce_sum3A_1050 : f32 to vector<16xf32>
          %broadcast_in_dim3A_1053 = vector.broadcast %jit3A_1051 : f32 to vector<16xf32>
          %select_n3A_1054 = arith.select %eq3A_1045, %broadcast_in_dim3A_1052, %broadcast_in_dim3A_1053 : vector<16xi1>, vector<16xf32>
          %mul3A_1055 = arith.constant 16 : i32
          %mul3A_1056 = arith.muli %scan3A_82, %mul3A_1055 : i32
          %add3A_1057 = arith.constant 15 : i32
          %add3A_1058 = arith.addi %mul3A_1056, %add3A_1057 : i32
          %get3A_1059 = arith.index_cast %add3A_1058 : i32 to index
          %get3A_1060 = arith.constant 0 : index
          %get3A_1061 = tpu.vector_load %arg11[%get3A_1059, %get3A_1060] {strides = array<i32>} : memref<128x80xf32, #tpu.memory_space<vmem>>, vector<16xf32>,
          %get3A_1062 = arith.index_cast %add3A_1058 : i32 to index
          %get3A_1063 = arith.constant 0 : index
          %get3A_1064 = tpu.vector_load %arg12[%get3A_1062, %get3A_1063] {strides = array<i32>} : memref<128x80xf32, #tpu.memory_space<vmem>>, vector<16xf32>,
          %mul3A_1065 = arith.mulf %get3A_1061, %get3A_1064 : vector<16xf32>
          %get3A_1066 = arith.index_cast %add3A_1058 : i32 to index
          %get3A_1067 = arith.constant 16 : index
          %get3A_1068 = tpu.vector_load %arg11[%get3A_1066, %get3A_1067] {strides = array<i32>} : memref<128x80xf32, #tpu.memory_space<vmem>>, vector<16xf32>,
          %get3A_1069 = arith.index_cast %add3A_1058 : i32 to index
          %get3A_1070 = arith.constant 16 : index
          %get3A_1071 = tpu.vector_load %arg12[%get3A_1069, %get3A_1070] {strides = array<i32>} : memref<128x80xf32, #tpu.memory_space<vmem>>, vector<16xf32>,
          %mul3A_1072 = arith.mulf %get3A_1068, %get3A_1071 : vector<16xf32>
          %add3A_1073 = arith.addf %mul3A_1065, %mul3A_1072 : vector<16xf32>
          %get3A_1074 = arith.index_cast %add3A_1058 : i32 to index
          %get3A_1075 = arith.constant 32 : index
          %get3A_1076 = tpu.vector_load %arg11[%get3A_1074, %get3A_1075] {strides = array<i32>} : memref<128x80xf32, #tpu.memory_space<vmem>>, vector<16xf32>,
          %get3A_1077 = arith.index_cast %add3A_1058 : i32 to index
          %get3A_1078 = arith.constant 32 : index
          %get3A_1079 = tpu.vector_load %arg12[%get3A_1077, %get3A_1078] {strides = array<i32>} : memref<128x80xf32, #tpu.memory_space<vmem>>, vector<16xf32>,
          %mul3A_1080 = arith.mulf %get3A_1076, %get3A_1079 : vector<16xf32>
          %add3A_1081 = arith.addf %add3A_1073, %mul3A_1080 : vector<16xf32>
          %get3A_1082 = arith.index_cast %add3A_1058 : i32 to index
          %get3A_1083 = arith.constant 48 : index
          %get3A_1084 = tpu.vector_load %arg11[%get3A_1082, %get3A_1083] {strides = array<i32>} : memref<128x80xf32, #tpu.memory_space<vmem>>, vector<16xf32>,
          %get3A_1085 = arith.index_cast %add3A_1058 : i32 to index
          %get3A_1086 = arith.constant 48 : index
          %get3A_1087 = tpu.vector_load %arg12[%get3A_1085, %get3A_1086] {strides = array<i32>} : memref<128x80xf32, #tpu.memory_space<vmem>>, vector<16xf32>,
          %mul3A_1088 = arith.mulf %get3A_1084, %get3A_1087 : vector<16xf32>
          %add3A_1089 = arith.addf %add3A_1081, %mul3A_1088 : vector<16xf32>
          %get3A_1090 = arith.index_cast %add3A_1058 : i32 to index
          %get3A_1091 = arith.constant 64 : index
          %get3A_1092 = tpu.vector_load %arg11[%get3A_1090, %get3A_1091] {strides = array<i32>} : memref<128x80xf32, #tpu.memory_space<vmem>>, vector<16xf32>,
          %get3A_1093 = arith.index_cast %add3A_1058 : i32 to index
          %get3A_1094 = arith.constant 64 : index
          %get3A_1095 = tpu.vector_load %arg12[%get3A_1093, %get3A_1094] {strides = array<i32>} : memref<128x80xf32, #tpu.memory_space<vmem>>, vector<16xf32>,
          %sub3A_1096 = arith.subf %get3A_1092, %get3A_1095 : vector<16xf32>
          %eq3A_1097 = arith.constant 15 : i32
          %eq3A_1098 = vector.broadcast %eq3A_1097 : i32 to vector<16xi32>
          %eq3A_1099 = arith.cmpi eq, %iota3A, %eq3A_1098 : vector<16xi32>
          %reduce_sum3A_1100 = arith.constant true
          %reduce_sum3A_1101 = vector.broadcast %reduce_sum3A_1100 : i1 to vector<16xi1>
          %reduce_sum3A_1102 = tpu.scan <sum>, %add3A_1089 masked %reduce_sum3A_1101 : vector<16xf32>, vector<16xi1> -> vector<16xf32>
          %reduce_sum3A_1103 = vector.extract %reduce_sum3A_1102[15] : f32 from vector<16xf32>
          %jit3A_1104 = arith.constant 0.000000e+00 : f32
          %broadcast_in_dim3A_1105 = vector.broadcast %reduce_sum3A_1103 : f32 to vector<16xf32>
          %broadcast_in_dim3A_1106 = vector.broadcast %jit3A_1104 : f32 to vector<16xf32>
          %select_n3A_1107 = arith.select %eq3A_1099, %broadcast_in_dim3A_1105, %broadcast_in_dim3A_1106 : vector<16xi1>, vector<16xf32>
          %eq3A_1108 = arith.constant 15 : i32
          %eq3A_1109 = vector.broadcast %eq3A_1108 : i32 to vector<16xi32>
          %eq3A_1110 = arith.cmpi eq, %iota3A, %eq3A_1109 : vector<16xi32>
          %mul3A_1111 = arith.mulf %sub3A_1096, %sub3A_1096 : vector<16xf32>
          %reduce_sum3A_1112 = arith.constant true
          %reduce_sum3A_1113 = vector.broadcast %reduce_sum3A_1112 : i1 to vector<16xi1>
          %reduce_sum3A_1114 = tpu.scan <sum>, %mul3A_1111 masked %reduce_sum3A_1113 : vector<16xf32>, vector<16xi1> -> vector<16xf32>
          %reduce_sum3A_1115 = vector.extract %reduce_sum3A_1114[15] : f32 from vector<16xf32>
          %jit3A_1116 = arith.constant 0.000000e+00 : f32
          %broadcast_in_dim3A_1117 = vector.broadcast %reduce_sum3A_1115 : f32 to vector<16xf32>
          %broadcast_in_dim3A_1118 = vector.broadcast %jit3A_1116 : f32 to vector<16xf32>
          %select_n3A_1119 = arith.select %eq3A_1110, %broadcast_in_dim3A_1117, %broadcast_in_dim3A_1118 : vector<16xi1>, vector<16xf32>
          %add3A_1120 = arith.addf %select_n3A_132, %select_n3A_197 : vector<16xf32>
          %add3A_1121 = arith.addf %select_n3A_262, %select_n3A_327 : vector<16xf32>
          %add3A_1122 = arith.addf %select_n3A_392, %select_n3A_457 : vector<16xf32>
          %add3A_1123 = arith.addf %select_n3A_522, %select_n3A_587 : vector<16xf32>
          %add3A_1124 = arith.addf %select_n3A_652, %select_n3A_717 : vector<16xf32>
          %add3A_1125 = arith.addf %select_n3A_782, %select_n3A_847 : vector<16xf32>
          %add3A_1126 = arith.addf %select_n3A_912, %select_n3A_977 : vector<16xf32>
          %add3A_1127 = arith.addf %select_n3A_1042, %select_n3A_1107 : vector<16xf32>
          %add3A_1128 = arith.addf %select_n3A_144, %select_n3A_209 : vector<16xf32>
          %add3A_1129 = arith.addf %select_n3A_274, %select_n3A_339 : vector<16xf32>
          %add3A_1130 = arith.addf %select_n3A_404, %select_n3A_469 : vector<16xf32>
          %add3A_1131 = arith.addf %select_n3A_534, %select_n3A_599 : vector<16xf32>
          %add3A_1132 = arith.addf %select_n3A_664, %select_n3A_729 : vector<16xf32>
          %add3A_1133 = arith.addf %select_n3A_794, %select_n3A_859 : vector<16xf32>
          %add3A_1134 = arith.addf %select_n3A_924, %select_n3A_989 : vector<16xf32>
          %add3A_1135 = arith.addf %select_n3A_1054, %select_n3A_1119 : vector<16xf32>
          %add3A_1136 = arith.addf %add3A_1120, %add3A_1121 : vector<16xf32>
          %add3A_1137 = arith.addf %add3A_1122, %add3A_1123 : vector<16xf32>
          %add3A_1138 = arith.addf %add3A_1124, %add3A_1125 : vector<16xf32>
          %add3A_1139 = arith.addf %add3A_1126, %add3A_1127 : vector<16xf32>
          %add3A_1140 = arith.addf %add3A_1128, %add3A_1129 : vector<16xf32>
          %add3A_1141 = arith.addf %add3A_1130, %add3A_1131 : vector<16xf32>
          %add3A_1142 = arith.addf %add3A_1132, %add3A_1133 : vector<16xf32>
          %add3A_1143 = arith.addf %add3A_1134, %add3A_1135 : vector<16xf32>
          %add3A_1144 = arith.addf %add3A_1136, %add3A_1137 : vector<16xf32>
          %add3A_1145 = arith.addf %add3A_1138, %add3A_1139 : vector<16xf32>
          %add3A_1146 = arith.addf %add3A_1140, %add3A_1141 : vector<16xf32>
          %add3A_1147 = arith.addf %add3A_1142, %add3A_1143 : vector<16xf32>
          %add3A_1148 = arith.addf %add3A_1144, %add3A_1145 : vector<16xf32>
          %add3A_1149 = arith.addf %add3A_1146, %add3A_1147 : vector<16xf32>
          %add3A_1150 = arith.constant 9.99999997E-7 : f32
          %add3A_1151 = vector.broadcast %add3A_1150 : f32 to vector<16xf32>
          %add3A_1152 = arith.addf %add3A_1149, %add3A_1151 : vector<16xf32>
          %mul3A_1153 = arith.constant 1.250000e-01 : f32
          %mul3A_1154 = vector.broadcast %mul3A_1153 : f32 to vector<16xf32>
          %mul3A_1155 = arith.mulf %add3A_1148, %mul3A_1154 : vector<16xf32>
          %jit3A_1156 = arith.constant -5.000000e+00 : f32
          %jit3A_1157 = arith.constant 5.000000e+00 : f32
          %max3A = vector.broadcast %jit3A_1156 : f32 to vector<16xf32>
          %max3A_1158 = arith.maximumf %max3A, %mul3A_1155 : vector<16xf32>
          %min3A = vector.broadcast %jit3A_1157 : f32 to vector<16xf32>
          %min3A_1159 = arith.minimumf %min3A, %max3A_1158 : vector<16xf32>
          %exp3A = math.exp %min3A_1159 : vector<16xf32>
          %bitcast_convert_type3A = tpu.bitcast %add3A_1152 : vector<16xf32> -> vector<16xi32>
          %shift_right_arithmetic3A = arith.constant 1 : i32
          %shift_right_arithmetic3A_1160 = vector.broadcast %shift_right_arithmetic3A : i32 to vector<16xi32>
          %shift_right_arithmetic3A_1161 = arith.shrsi %bitcast_convert_type3A, %shift_right_arithmetic3A_1160 : vector<16xi32>
          %sub3A_1162 = arith.constant 1597463007 : i32
          %sub3A_1163 = vector.broadcast %sub3A_1162 : i32 to vector<16xi32>
          %sub3A_1164 = arith.subi %sub3A_1163, %shift_right_arithmetic3A_1161 : vector<16xi32>
          %bitcast_convert_type3A_1165 = tpu.bitcast %sub3A_1164 : vector<16xi32> -> vector<16xf32>
          %mul3A_1166 = arith.constant 5.000000e-01 : f32
          %mul3A_1167 = vector.broadcast %mul3A_1166 : f32 to vector<16xf32>
          %mul3A_1168 = arith.mulf %mul3A_1167, %add3A_1152 : vector<16xf32>
          %mul3A_1169 = arith.mulf %mul3A_1168, %bitcast_convert_type3A_1165 : vector<16xf32>
          %mul3A_1170 = arith.mulf %mul3A_1169, %bitcast_convert_type3A_1165 : vector<16xf32>
          %sub3A_1171 = arith.constant 1.500000e+00 : f32
          %sub3A_1172 = vector.broadcast %sub3A_1171 : f32 to vector<16xf32>
          %sub3A_1173 = arith.subf %sub3A_1172, %mul3A_1170 : vector<16xf32>
          %mul3A_1174 = arith.mulf %bitcast_convert_type3A_1165, %sub3A_1173 : vector<16xf32>
          %mul3A_1175 = arith.constant 5.000000e-01 : f32
          %mul3A_1176 = vector.broadcast %mul3A_1175 : f32 to vector<16xf32>
          %mul3A_1177 = arith.mulf %mul3A_1176, %add3A_1152 : vector<16xf32>
          %mul3A_1178 = arith.mulf %mul3A_1177, %mul3A_1174 : vector<16xf32>
          %mul3A_1179 = arith.mulf %mul3A_1178, %mul3A_1174 : vector<16xf32>
          %sub3A_1180 = arith.constant 1.500000e+00 : f32
          %sub3A_1181 = vector.broadcast %sub3A_1180 : f32 to vector<16xf32>
          %sub3A_1182 = arith.subf %sub3A_1181, %mul3A_1179 : vector<16xf32>
          %mul3A_1183 = arith.mulf %mul3A_1174, %sub3A_1182 : vector<16xf32>
          %mul3A_1184 = arith.constant 5.000000e-01 : f32
          %mul3A_1185 = vector.broadcast %mul3A_1184 : f32 to vector<16xf32>
          %mul3A_1186 = arith.mulf %mul3A_1185, %add3A_1152 : vector<16xf32>
          %mul3A_1187 = arith.mulf %mul3A_1186, %mul3A_1183 : vector<16xf32>
          %mul3A_1188 = arith.mulf %mul3A_1187, %mul3A_1183 : vector<16xf32>
          %sub3A_1189 = arith.constant 1.500000e+00 : f32
          %sub3A_1190 = vector.broadcast %sub3A_1189 : f32 to vector<16xf32>
          %sub3A_1191 = arith.subf %sub3A_1190, %mul3A_1188 : vector<16xf32>
          %mul3A_1192 = arith.mulf %mul3A_1183, %sub3A_1191 : vector<16xf32>
          %mul3A_1193 = arith.mulf %add3A_1152, %mul3A_1192 : vector<16xf32>
          %neg3A = arith.constant 0.000000e+00 : f32
          %neg3A_1194 = vector.broadcast %neg3A : f32 to vector<16xf32>
          %neg3A_1195 = arith.subf %neg3A_1194, %mul3A_1193 : vector<16xf32>
          %mul3A_1196 = arith.constant 1.250000e-01 : f32
          %mul3A_1197 = vector.broadcast %mul3A_1196 : f32 to vector<16xf32>
          %mul3A_1198 = arith.mulf %neg3A_1195, %mul3A_1197 : vector<16xf32>
          %jit3A_1199 = arith.constant -5.000000e+00 : f32
          %jit3A_1200 = arith.constant 5.000000e+00 : f32
          %max3A_1201 = vector.broadcast %jit3A_1199 : f32 to vector<16xf32>
          %max3A_1202 = arith.maximumf %max3A_1201, %mul3A_1198 : vector<16xf32>
          %min3A_1203 = vector.broadcast %jit3A_1200 : f32 to vector<16xf32>
          %min3A_1204 = arith.minimumf %min3A_1203, %max3A_1202 : vector<16xf32>
          %exp3A_1205 = math.exp %min3A_1204 : vector<16xf32>
          %mul3A_1206 = arith.mulf %exp3A, %exp3A_1205 : vector<16xf32>
          %mul3A_1207 = arith.constant 128 : i32
          %mul3A_1208 = arith.muli %scan3A_50, %mul3A_1207 : i32
          %mul3A_1209 = arith.constant 16 : i32
          %mul3A_1210 = arith.muli %scan3A_82, %mul3A_1209 : i32
          %add3A_1211 = arith.addi %mul3A_1208, %mul3A_1210 : i32
          %swap3A = arith.index_cast %add3A_1211 : i32 to index
          %swap3A_1212 = tpu.vector_load %arg13[%swap3A] {strides = array<i32>} : memref<1024xf32, #tpu.memory_space<vmem>>, vector<16xf32>,
          tpu.vector_store %arg13[%swap3A], %mul3A_1206 {strides = array<i32>} : memref<1024xf32, #tpu.memory_space<vmem>>, vector<16xf32>,
          %eq3A_1213 = arith.constant 0 : i32
          %eq3A_1214 = vector.broadcast %eq3A_1213 : i32 to vector<16xi32>
          %eq3A_1215 = arith.cmpi eq, %iota3A, %eq3A_1214 : vector<16xi32>
          %slice3A = vector.extract_strided_slice %exp3A {offsets = [0], sizes = [1], strides = [1]} : vector<16xf32> to vector<1xf32>
          %squeeze3A = vector.extract %slice3A[0] : f32 from vector<1xf32>
          %jit3A_1216 = arith.constant 0.000000e+00 : f32
          %broadcast_in_dim3A_1217 = vector.broadcast %squeeze3A : f32 to vector<16xf32>
          %broadcast_in_dim3A_1218 = vector.broadcast %jit3A_1216 : f32 to vector<16xf32>
          %select_n3A_1219 = arith.select %eq3A_1215, %broadcast_in_dim3A_1217, %broadcast_in_dim3A_1218 : vector<16xi1>, vector<16xf32>
          %mul3A_1220 = arith.constant 16 : i32
          %mul3A_1221 = arith.muli %scan3A_82, %mul3A_1220 : i32
          %add3A_1222 = arith.constant 0 : i32
          %add3A_1223 = arith.addi %mul3A_1221, %add3A_1222 : i32
          %swap3A_1224 = arith.index_cast %add3A_1223 : i32 to index
          %swap3A_1225 = arith.constant 0 : index
          %swap3A_1226 = tpu.vector_load %arg14[%swap3A_1224, %swap3A_1225] {strides = array<i32>} : memref<128x16xf32, #tpu.memory_space<vmem>>, vector<16xf32>,
          tpu.vector_store %arg14[%swap3A_1224, %swap3A_1225], %select_n3A_1219 {strides = array<i32>} : memref<128x16xf32, #tpu.memory_space<vmem>>, vector<16xf32>,
          %eq3A_1227 = arith.constant 0 : i32
          %eq3A_1228 = vector.broadcast %eq3A_1227 : i32 to vector<16xi32>
          %eq3A_1229 = arith.cmpi eq, %iota3A, %eq3A_1228 : vector<16xi32>
          %slice3A_1230 = vector.extract_strided_slice %exp3A {offsets = [1], sizes = [1], strides = [1]} : vector<16xf32> to vector<1xf32>
          %squeeze3A_1231 = vector.extract %slice3A_1230[0] : f32 from vector<1xf32>
          %jit3A_1232 = arith.constant 0.000000e+00 : f32
          %broadcast_in_dim3A_1233 = vector.broadcast %squeeze3A_1231 : f32 to vector<16xf32>
          %broadcast_in_dim3A_1234 = vector.broadcast %jit3A_1232 : f32 to vector<16xf32>
          %select_n3A_1235 = arith.select %eq3A_1229, %broadcast_in_dim3A_1233, %broadcast_in_dim3A_1234 : vector<16xi1>, vector<16xf32>
          %mul3A_1236 = arith.constant 16 : i32
          %mul3A_1237 = arith.muli %scan3A_82, %mul3A_1236 : i32
          %add3A_1238 = arith.constant 1 : i32
          %add3A_1239 = arith.addi %mul3A_1237, %add3A_1238 : i32
          %swap3A_1240 = arith.index_cast %add3A_1239 : i32 to index
          %swap3A_1241 = arith.constant 0 : index
          %swap3A_1242 = tpu.vector_load %arg14[%swap3A_1240, %swap3A_1241] {strides = array<i32>} : memref<128x16xf32, #tpu.memory_space<vmem>>, vector<16xf32>,
          tpu.vector_store %arg14[%swap3A_1240, %swap3A_1241], %select_n3A_1235 {strides = array<i32>} : memref<128x16xf32, #tpu.memory_space<vmem>>, vector<16xf32>,
          %eq3A_1243 = arith.constant 0 : i32
          %eq3A_1244 = vector.broadcast %eq3A_1243 : i32 to vector<16xi32>
          %eq3A_1245 = arith.cmpi eq, %iota3A, %eq3A_1244 : vector<16xi32>
          %slice3A_1246 = vector.extract_strided_slice %exp3A {offsets = [2], sizes = [1], strides = [1]} : vector<16xf32> to vector<1xf32>
          %squeeze3A_1247 = vector.extract %slice3A_1246[0] : f32 from vector<1xf32>
          %jit3A_1248 = arith.constant 0.000000e+00 : f32
          %broadcast_in_dim3A_1249 = vector.broadcast %squeeze3A_1247 : f32 to vector<16xf32>
          %broadcast_in_dim3A_1250 = vector.broadcast %jit3A_1248 : f32 to vector<16xf32>
          %select_n3A_1251 = arith.select %eq3A_1245, %broadcast_in_dim3A_1249, %broadcast_in_dim3A_1250 : vector<16xi1>, vector<16xf32>
          %mul3A_1252 = arith.constant 16 : i32
          %mul3A_1253 = arith.muli %scan3A_82, %mul3A_1252 : i32
          %add3A_1254 = arith.constant 2 : i32
          %add3A_1255 = arith.addi %mul3A_1253, %add3A_1254 : i32
          %swap3A_1256 = arith.index_cast %add3A_1255 : i32 to index
          %swap3A_1257 = arith.constant 0 : index
          %swap3A_1258 = tpu.vector_load %arg14[%swap3A_1256, %swap3A_1257] {strides = array<i32>} : memref<128x16xf32, #tpu.memory_space<vmem>>, vector<16xf32>,
          tpu.vector_store %arg14[%swap3A_1256, %swap3A_1257], %select_n3A_1251 {strides = array<i32>} : memref<128x16xf32, #tpu.memory_space<vmem>>, vector<16xf32>,
          %eq3A_1259 = arith.constant 0 : i32
          %eq3A_1260 = vector.broadcast %eq3A_1259 : i32 to vector<16xi32>
          %eq3A_1261 = arith.cmpi eq, %iota3A, %eq3A_1260 : vector<16xi32>
          %slice3A_1262 = vector.extract_strided_slice %exp3A {offsets = [3], sizes = [1], strides = [1]} : vector<16xf32> to vector<1xf32>
          %squeeze3A_1263 = vector.extract %slice3A_1262[0] : f32 from vector<1xf32>
          %jit3A_1264 = arith.constant 0.000000e+00 : f32
          %broadcast_in_dim3A_1265 = vector.broadcast %squeeze3A_1263 : f32 to vector<16xf32>
          %broadcast_in_dim3A_1266 = vector.broadcast %jit3A_1264 : f32 to vector<16xf32>
          %select_n3A_1267 = arith.select %eq3A_1261, %broadcast_in_dim3A_1265, %broadcast_in_dim3A_1266 : vector<16xi1>, vector<16xf32>
          %mul3A_1268 = arith.constant 16 : i32
          %mul3A_1269 = arith.muli %scan3A_82, %mul3A_1268 : i32
          %add3A_1270 = arith.constant 3 : i32
          %add3A_1271 = arith.addi %mul3A_1269, %add3A_1270 : i32
          %swap3A_1272 = arith.index_cast %add3A_1271 : i32 to index
          %swap3A_1273 = arith.constant 0 : index
          %swap3A_1274 = tpu.vector_load %arg14[%swap3A_1272, %swap3A_1273] {strides = array<i32>} : memref<128x16xf32, #tpu.memory_space<vmem>>, vector<16xf32>,
          tpu.vector_store %arg14[%swap3A_1272, %swap3A_1273], %select_n3A_1267 {strides = array<i32>} : memref<128x16xf32, #tpu.memory_space<vmem>>, vector<16xf32>,
          %eq3A_1275 = arith.constant 0 : i32
          %eq3A_1276 = vector.broadcast %eq3A_1275 : i32 to vector<16xi32>
          %eq3A_1277 = arith.cmpi eq, %iota3A, %eq3A_1276 : vector<16xi32>
          %slice3A_1278 = vector.extract_strided_slice %exp3A {offsets = [4], sizes = [1], strides = [1]} : vector<16xf32> to vector<1xf32>
          %squeeze3A_1279 = vector.extract %slice3A_1278[0] : f32 from vector<1xf32>
          %jit3A_1280 = arith.constant 0.000000e+00 : f32
          %broadcast_in_dim3A_1281 = vector.broadcast %squeeze3A_1279 : f32 to vector<16xf32>
          %broadcast_in_dim3A_1282 = vector.broadcast %jit3A_1280 : f32 to vector<16xf32>
          %select_n3A_1283 = arith.select %eq3A_1277, %broadcast_in_dim3A_1281, %broadcast_in_dim3A_1282 : vector<16xi1>, vector<16xf32>
          %mul3A_1284 = arith.constant 16 : i32
          %mul3A_1285 = arith.muli %scan3A_82, %mul3A_1284 : i32
          %add3A_1286 = arith.constant 4 : i32
          %add3A_1287 = arith.addi %mul3A_1285, %add3A_1286 : i32
          %swap3A_1288 = arith.index_cast %add3A_1287 : i32 to index
          %swap3A_1289 = arith.constant 0 : index
          %swap3A_1290 = tpu.vector_load %arg14[%swap3A_1288, %swap3A_1289] {strides = array<i32>} : memref<128x16xf32, #tpu.memory_space<vmem>>, vector<16xf32>,
          tpu.vector_store %arg14[%swap3A_1288, %swap3A_1289], %select_n3A_1283 {strides = array<i32>} : memref<128x16xf32, #tpu.memory_space<vmem>>, vector<16xf32>,
          %eq3A_1291 = arith.constant 0 : i32
          %eq3A_1292 = vector.broadcast %eq3A_1291 : i32 to vector<16xi32>
          %eq3A_1293 = arith.cmpi eq, %iota3A, %eq3A_1292 : vector<16xi32>
          %slice3A_1294 = vector.extract_strided_slice %exp3A {offsets = [5], sizes = [1], strides = [1]} : vector<16xf32> to vector<1xf32>
          %squeeze3A_1295 = vector.extract %slice3A_1294[0] : f32 from vector<1xf32>
          %jit3A_1296 = arith.constant 0.000000e+00 : f32
          %broadcast_in_dim3A_1297 = vector.broadcast %squeeze3A_1295 : f32 to vector<16xf32>
          %broadcast_in_dim3A_1298 = vector.broadcast %jit3A_1296 : f32 to vector<16xf32>
          %select_n3A_1299 = arith.select %eq3A_1293, %broadcast_in_dim3A_1297, %broadcast_in_dim3A_1298 : vector<16xi1>, vector<16xf32>
          %mul3A_1300 = arith.constant 16 : i32
          %mul3A_1301 = arith.muli %scan3A_82, %mul3A_1300 : i32
          %add3A_1302 = arith.constant 5 : i32
          %add3A_1303 = arith.addi %mul3A_1301, %add3A_1302 : i32
          %swap3A_1304 = arith.index_cast %add3A_1303 : i32 to index
          %swap3A_1305 = arith.constant 0 : index
          %swap3A_1306 = tpu.vector_load %arg14[%swap3A_1304, %swap3A_1305] {strides = array<i32>} : memref<128x16xf32, #tpu.memory_space<vmem>>, vector<16xf32>,
          tpu.vector_store %arg14[%swap3A_1304, %swap3A_1305], %select_n3A_1299 {strides = array<i32>} : memref<128x16xf32, #tpu.memory_space<vmem>>, vector<16xf32>,
          %eq3A_1307 = arith.constant 0 : i32
          %eq3A_1308 = vector.broadcast %eq3A_1307 : i32 to vector<16xi32>
          %eq3A_1309 = arith.cmpi eq, %iota3A, %eq3A_1308 : vector<16xi32>
          %slice3A_1310 = vector.extract_strided_slice %exp3A {offsets = [6], sizes = [1], strides = [1]} : vector<16xf32> to vector<1xf32>
          %squeeze3A_1311 = vector.extract %slice3A_1310[0] : f32 from vector<1xf32>
          %jit3A_1312 = arith.constant 0.000000e+00 : f32
          %broadcast_in_dim3A_1313 = vector.broadcast %squeeze3A_1311 : f32 to vector<16xf32>
          %broadcast_in_dim3A_1314 = vector.broadcast %jit3A_1312 : f32 to vector<16xf32>
          %select_n3A_1315 = arith.select %eq3A_1309, %broadcast_in_dim3A_1313, %broadcast_in_dim3A_1314 : vector<16xi1>, vector<16xf32>
          %mul3A_1316 = arith.constant 16 : i32
          %mul3A_1317 = arith.muli %scan3A_82, %mul3A_1316 : i32
          %add3A_1318 = arith.constant 6 : i32
          %add3A_1319 = arith.addi %mul3A_1317, %add3A_1318 : i32
          %swap3A_1320 = arith.index_cast %add3A_1319 : i32 to index
          %swap3A_1321 = arith.constant 0 : index
          %swap3A_1322 = tpu.vector_load %arg14[%swap3A_1320, %swap3A_1321] {strides = array<i32>} : memref<128x16xf32, #tpu.memory_space<vmem>>, vector<16xf32>,
          tpu.vector_store %arg14[%swap3A_1320, %swap3A_1321], %select_n3A_1315 {strides = array<i32>} : memref<128x16xf32, #tpu.memory_space<vmem>>, vector<16xf32>,
          %eq3A_1323 = arith.constant 0 : i32
          %eq3A_1324 = vector.broadcast %eq3A_1323 : i32 to vector<16xi32>
          %eq3A_1325 = arith.cmpi eq, %iota3A, %eq3A_1324 : vector<16xi32>
          %slice3A_1326 = vector.extract_strided_slice %exp3A {offsets = [7], sizes = [1], strides = [1]} : vector<16xf32> to vector<1xf32>
          %squeeze3A_1327 = vector.extract %slice3A_1326[0] : f32 from vector<1xf32>
          %jit3A_1328 = arith.constant 0.000000e+00 : f32
          %broadcast_in_dim3A_1329 = vector.broadcast %squeeze3A_1327 : f32 to vector<16xf32>
          %broadcast_in_dim3A_1330 = vector.broadcast %jit3A_1328 : f32 to vector<16xf32>
          %select_n3A_1331 = arith.select %eq3A_1325, %broadcast_in_dim3A_1329, %broadcast_in_dim3A_1330 : vector<16xi1>, vector<16xf32>
          %mul3A_1332 = arith.constant 16 : i32
          %mul3A_1333 = arith.muli %scan3A_82, %mul3A_1332 : i32
          %add3A_1334 = arith.constant 7 : i32
          %add3A_1335 = arith.addi %mul3A_1333, %add3A_1334 : i32
          %swap3A_1336 = arith.index_cast %add3A_1335 : i32 to index
          %swap3A_1337 = arith.constant 0 : index
          %swap3A_1338 = tpu.vector_load %arg14[%swap3A_1336, %swap3A_1337] {strides = array<i32>} : memref<128x16xf32, #tpu.memory_space<vmem>>, vector<16xf32>,
          tpu.vector_store %arg14[%swap3A_1336, %swap3A_1337], %select_n3A_1331 {strides = array<i32>} : memref<128x16xf32, #tpu.memory_space<vmem>>, vector<16xf32>,
          %eq3A_1339 = arith.constant 0 : i32
          %eq3A_1340 = vector.broadcast %eq3A_1339 : i32 to vector<16xi32>
          %eq3A_1341 = arith.cmpi eq, %iota3A, %eq3A_1340 : vector<16xi32>
          %slice3A_1342 = vector.extract_strided_slice %exp3A {offsets = [8], sizes = [1], strides = [1]} : vector<16xf32> to vector<1xf32>
          %squeeze3A_1343 = vector.extract %slice3A_1342[0] : f32 from vector<1xf32>
          %jit3A_1344 = arith.constant 0.000000e+00 : f32
          %broadcast_in_dim3A_1345 = vector.broadcast %squeeze3A_1343 : f32 to vector<16xf32>
          %broadcast_in_dim3A_1346 = vector.broadcast %jit3A_1344 : f32 to vector<16xf32>
          %select_n3A_1347 = arith.select %eq3A_1341, %broadcast_in_dim3A_1345, %broadcast_in_dim3A_1346 : vector<16xi1>, vector<16xf32>
          %mul3A_1348 = arith.constant 16 : i32
          %mul3A_1349 = arith.muli %scan3A_82, %mul3A_1348 : i32
          %add3A_1350 = arith.constant 8 : i32
          %add3A_1351 = arith.addi %mul3A_1349, %add3A_1350 : i32
          %swap3A_1352 = arith.index_cast %add3A_1351 : i32 to index
          %swap3A_1353 = arith.constant 0 : index
          %swap3A_1354 = tpu.vector_load %arg14[%swap3A_1352, %swap3A_1353] {strides = array<i32>} : memref<128x16xf32, #tpu.memory_space<vmem>>, vector<16xf32>,
          tpu.vector_store %arg14[%swap3A_1352, %swap3A_1353], %select_n3A_1347 {strides = array<i32>} : memref<128x16xf32, #tpu.memory_space<vmem>>, vector<16xf32>,
          %eq3A_1355 = arith.constant 0 : i32
          %eq3A_1356 = vector.broadcast %eq3A_1355 : i32 to vector<16xi32>
          %eq3A_1357 = arith.cmpi eq, %iota3A, %eq3A_1356 : vector<16xi32>
          %slice3A_1358 = vector.extract_strided_slice %exp3A {offsets = [9], sizes = [1], strides = [1]} : vector<16xf32> to vector<1xf32>
          %squeeze3A_1359 = vector.extract %slice3A_1358[0] : f32 from vector<1xf32>
          %jit3A_1360 = arith.constant 0.000000e+00 : f32
          %broadcast_in_dim3A_1361 = vector.broadcast %squeeze3A_1359 : f32 to vector<16xf32>
          %broadcast_in_dim3A_1362 = vector.broadcast %jit3A_1360 : f32 to vector<16xf32>
          %select_n3A_1363 = arith.select %eq3A_1357, %broadcast_in_dim3A_1361, %broadcast_in_dim3A_1362 : vector<16xi1>, vector<16xf32>
          %mul3A_1364 = arith.constant 16 : i32
          %mul3A_1365 = arith.muli %scan3A_82, %mul3A_1364 : i32
          %add3A_1366 = arith.constant 9 : i32
          %add3A_1367 = arith.addi %mul3A_1365, %add3A_1366 : i32
          %swap3A_1368 = arith.index_cast %add3A_1367 : i32 to index
          %swap3A_1369 = arith.constant 0 : index
          %swap3A_1370 = tpu.vector_load %arg14[%swap3A_1368, %swap3A_1369] {strides = array<i32>} : memref<128x16xf32, #tpu.memory_space<vmem>>, vector<16xf32>,
          tpu.vector_store %arg14[%swap3A_1368, %swap3A_1369], %select_n3A_1363 {strides = array<i32>} : memref<128x16xf32, #tpu.memory_space<vmem>>, vector<16xf32>,
          %eq3A_1371 = arith.constant 0 : i32
          %eq3A_1372 = vector.broadcast %eq3A_1371 : i32 to vector<16xi32>
          %eq3A_1373 = arith.cmpi eq, %iota3A, %eq3A_1372 : vector<16xi32>
          %slice3A_1374 = vector.extract_strided_slice %exp3A {offsets = [10], sizes = [1], strides = [1]} : vector<16xf32> to vector<1xf32>
          %squeeze3A_1375 = vector.extract %slice3A_1374[0] : f32 from vector<1xf32>
          %jit3A_1376 = arith.constant 0.000000e+00 : f32
          %broadcast_in_dim3A_1377 = vector.broadcast %squeeze3A_1375 : f32 to vector<16xf32>
          %broadcast_in_dim3A_1378 = vector.broadcast %jit3A_1376 : f32 to vector<16xf32>
          %select_n3A_1379 = arith.select %eq3A_1373, %broadcast_in_dim3A_1377, %broadcast_in_dim3A_1378 : vector<16xi1>, vector<16xf32>
          %mul3A_1380 = arith.constant 16 : i32
          %mul3A_1381 = arith.muli %scan3A_82, %mul3A_1380 : i32
          %add3A_1382 = arith.constant 10 : i32
          %add3A_1383 = arith.addi %mul3A_1381, %add3A_1382 : i32
          %swap3A_1384 = arith.index_cast %add3A_1383 : i32 to index
          %swap3A_1385 = arith.constant 0 : index
          %swap3A_1386 = tpu.vector_load %arg14[%swap3A_1384, %swap3A_1385] {strides = array<i32>} : memref<128x16xf32, #tpu.memory_space<vmem>>, vector<16xf32>,
          tpu.vector_store %arg14[%swap3A_1384, %swap3A_1385], %select_n3A_1379 {strides = array<i32>} : memref<128x16xf32, #tpu.memory_space<vmem>>, vector<16xf32>,
          %eq3A_1387 = arith.constant 0 : i32
          %eq3A_1388 = vector.broadcast %eq3A_1387 : i32 to vector<16xi32>
          %eq3A_1389 = arith.cmpi eq, %iota3A, %eq3A_1388 : vector<16xi32>
          %slice3A_1390 = vector.extract_strided_slice %exp3A {offsets = [11], sizes = [1], strides = [1]} : vector<16xf32> to vector<1xf32>
          %squeeze3A_1391 = vector.extract %slice3A_1390[0] : f32 from vector<1xf32>
          %jit3A_1392 = arith.constant 0.000000e+00 : f32
          %broadcast_in_dim3A_1393 = vector.broadcast %squeeze3A_1391 : f32 to vector<16xf32>
          %broadcast_in_dim3A_1394 = vector.broadcast %jit3A_1392 : f32 to vector<16xf32>
          %select_n3A_1395 = arith.select %eq3A_1389, %broadcast_in_dim3A_1393, %broadcast_in_dim3A_1394 : vector<16xi1>, vector<16xf32>
          %mul3A_1396 = arith.constant 16 : i32
          %mul3A_1397 = arith.muli %scan3A_82, %mul3A_1396 : i32
          %add3A_1398 = arith.constant 11 : i32
          %add3A_1399 = arith.addi %mul3A_1397, %add3A_1398 : i32
          %swap3A_1400 = arith.index_cast %add3A_1399 : i32 to index
          %swap3A_1401 = arith.constant 0 : index
          %swap3A_1402 = tpu.vector_load %arg14[%swap3A_1400, %swap3A_1401] {strides = array<i32>} : memref<128x16xf32, #tpu.memory_space<vmem>>, vector<16xf32>,
          tpu.vector_store %arg14[%swap3A_1400, %swap3A_1401], %select_n3A_1395 {strides = array<i32>} : memref<128x16xf32, #tpu.memory_space<vmem>>, vector<16xf32>,
          %eq3A_1403 = arith.constant 0 : i32
          %eq3A_1404 = vector.broadcast %eq3A_1403 : i32 to vector<16xi32>
          %eq3A_1405 = arith.cmpi eq, %iota3A, %eq3A_1404 : vector<16xi32>
          %slice3A_1406 = vector.extract_strided_slice %exp3A {offsets = [12], sizes = [1], strides = [1]} : vector<16xf32> to vector<1xf32>
          %squeeze3A_1407 = vector.extract %slice3A_1406[0] : f32 from vector<1xf32>
          %jit3A_1408 = arith.constant 0.000000e+00 : f32
          %broadcast_in_dim3A_1409 = vector.broadcast %squeeze3A_1407 : f32 to vector<16xf32>
          %broadcast_in_dim3A_1410 = vector.broadcast %jit3A_1408 : f32 to vector<16xf32>
          %select_n3A_1411 = arith.select %eq3A_1405, %broadcast_in_dim3A_1409, %broadcast_in_dim3A_1410 : vector<16xi1>, vector<16xf32>
          %mul3A_1412 = arith.constant 16 : i32
          %mul3A_1413 = arith.muli %scan3A_82, %mul3A_1412 : i32
          %add3A_1414 = arith.constant 12 : i32
          %add3A_1415 = arith.addi %mul3A_1413, %add3A_1414 : i32
          %swap3A_1416 = arith.index_cast %add3A_1415 : i32 to index
          %swap3A_1417 = arith.constant 0 : index
          %swap3A_1418 = tpu.vector_load %arg14[%swap3A_1416, %swap3A_1417] {strides = array<i32>} : memref<128x16xf32, #tpu.memory_space<vmem>>, vector<16xf32>,
          tpu.vector_store %arg14[%swap3A_1416, %swap3A_1417], %select_n3A_1411 {strides = array<i32>} : memref<128x16xf32, #tpu.memory_space<vmem>>, vector<16xf32>,
          %eq3A_1419 = arith.constant 0 : i32
          %eq3A_1420 = vector.broadcast %eq3A_1419 : i32 to vector<16xi32>
          %eq3A_1421 = arith.cmpi eq, %iota3A, %eq3A_1420 : vector<16xi32>
          %slice3A_1422 = vector.extract_strided_slice %exp3A {offsets = [13], sizes = [1], strides = [1]} : vector<16xf32> to vector<1xf32>
          %squeeze3A_1423 = vector.extract %slice3A_1422[0] : f32 from vector<1xf32>
          %jit3A_1424 = arith.constant 0.000000e+00 : f32
          %broadcast_in_dim3A_1425 = vector.broadcast %squeeze3A_1423 : f32 to vector<16xf32>
          %broadcast_in_dim3A_1426 = vector.broadcast %jit3A_1424 : f32 to vector<16xf32>
          %select_n3A_1427 = arith.select %eq3A_1421, %broadcast_in_dim3A_1425, %broadcast_in_dim3A_1426 : vector<16xi1>, vector<16xf32>
          %mul3A_1428 = arith.constant 16 : i32
          %mul3A_1429 = arith.muli %scan3A_82, %mul3A_1428 : i32
          %add3A_1430 = arith.constant 13 : i32
          %add3A_1431 = arith.addi %mul3A_1429, %add3A_1430 : i32
          %swap3A_1432 = arith.index_cast %add3A_1431 : i32 to index
          %swap3A_1433 = arith.constant 0 : index
          %swap3A_1434 = tpu.vector_load %arg14[%swap3A_1432, %swap3A_1433] {strides = array<i32>} : memref<128x16xf32, #tpu.memory_space<vmem>>, vector<16xf32>,
          tpu.vector_store %arg14[%swap3A_1432, %swap3A_1433], %select_n3A_1427 {strides = array<i32>} : memref<128x16xf32, #tpu.memory_space<vmem>>, vector<16xf32>,
          %eq3A_1435 = arith.constant 0 : i32
          %eq3A_1436 = vector.broadcast %eq3A_1435 : i32 to vector<16xi32>
          %eq3A_1437 = arith.cmpi eq, %iota3A, %eq3A_1436 : vector<16xi32>
          %slice3A_1438 = vector.extract_strided_slice %exp3A {offsets = [14], sizes = [1], strides = [1]} : vector<16xf32> to vector<1xf32>
          %squeeze3A_1439 = vector.extract %slice3A_1438[0] : f32 from vector<1xf32>
          %jit3A_1440 = arith.constant 0.000000e+00 : f32
          %broadcast_in_dim3A_1441 = vector.broadcast %squeeze3A_1439 : f32 to vector<16xf32>
          %broadcast_in_dim3A_1442 = vector.broadcast %jit3A_1440 : f32 to vector<16xf32>
          %select_n3A_1443 = arith.select %eq3A_1437, %broadcast_in_dim3A_1441, %broadcast_in_dim3A_1442 : vector<16xi1>, vector<16xf32>
          %mul3A_1444 = arith.constant 16 : i32
          %mul3A_1445 = arith.muli %scan3A_82, %mul3A_1444 : i32
          %add3A_1446 = arith.constant 14 : i32
          %add3A_1447 = arith.addi %mul3A_1445, %add3A_1446 : i32
          %swap3A_1448 = arith.index_cast %add3A_1447 : i32 to index
          %swap3A_1449 = arith.constant 0 : index
          %swap3A_1450 = tpu.vector_load %arg14[%swap3A_1448, %swap3A_1449] {strides = array<i32>} : memref<128x16xf32, #tpu.memory_space<vmem>>, vector<16xf32>,
          tpu.vector_store %arg14[%swap3A_1448, %swap3A_1449], %select_n3A_1443 {strides = array<i32>} : memref<128x16xf32, #tpu.memory_space<vmem>>, vector<16xf32>,
          %eq3A_1451 = arith.constant 0 : i32
          %eq3A_1452 = vector.broadcast %eq3A_1451 : i32 to vector<16xi32>
          %eq3A_1453 = arith.cmpi eq, %iota3A, %eq3A_1452 : vector<16xi32>
          %slice3A_1454 = vector.extract_strided_slice %exp3A {offsets = [15], sizes = [1], strides = [1]} : vector<16xf32> to vector<1xf32>
          %squeeze3A_1455 = vector.extract %slice3A_1454[0] : f32 from vector<1xf32>
          %jit3A_1456 = arith.constant 0.000000e+00 : f32
          %broadcast_in_dim3A_1457 = vector.broadcast %squeeze3A_1455 : f32 to vector<16xf32>
          %broadcast_in_dim3A_1458 = vector.broadcast %jit3A_1456 : f32 to vector<16xf32>
          %select_n3A_1459 = arith.select %eq3A_1453, %broadcast_in_dim3A_1457, %broadcast_in_dim3A_1458 : vector<16xi1>, vector<16xf32>
          %mul3A_1460 = arith.constant 16 : i32
          %mul3A_1461 = arith.muli %scan3A_82, %mul3A_1460 : i32
          %add3A_1462 = arith.constant 15 : i32
          %add3A_1463 = arith.addi %mul3A_1461, %add3A_1462 : i32
          %swap3A_1464 = arith.index_cast %add3A_1463 : i32 to index
          %swap3A_1465 = arith.constant 0 : index
          %swap3A_1466 = tpu.vector_load %arg14[%swap3A_1464, %swap3A_1465] {strides = array<i32>} : memref<128x16xf32, #tpu.memory_space<vmem>>, vector<16xf32>,
          tpu.vector_store %arg14[%swap3A_1464, %swap3A_1465], %select_n3A_1459 {strides = array<i32>} : memref<128x16xf32, #tpu.memory_space<vmem>>, vector<16xf32>,
          %scan3A_1467 = arith.constant 0 : i32
          scf.yield %scan3A_1467 : i32
        }
        %scan3A_80 = arith.constant 8 : i32
        "tpu.region"() ({
          %run_scoped3A = tpu.sem_alloc : memref<!tpu.dma_semaphore, #tpu.memory_space<semaphore_mem>>
          %dma_start3A_82 = arith.constant 0 : i32
          %dma_start3A_83 = tpu.memref_slice %arg10[%scan3A_50, %dma_start3A_82] : memref<8x128xi32, #tpu.memory_space<vmem>> -> memref<1x128xi32, #tpu.memory_space<vmem>>
          %dma_start3A_84 = tpu.memref_squeeze %dma_start3A_83 : memref<1x128xi32, #tpu.memory_space<vmem>> -> memref<128xi32, #tpu.memory_space<vmem>>
          %dma_start3A_85 = arith.constant 0 : i32
          %dma_start3A_86 = arith.constant 0 : i32
          %dma_start3A_87 = tpu.memref_slice %arg17[%dma_start3A_85, %dma_start3A_86] : memref<50176x16xf32, #tpu.memory_space<vmem_shared>> -> memref<50176x16xf32, #tpu.memory_space<vmem_shared>>
          tpu.enqueue_indirect_dma source(%arg14 : memref<128x16xf32, #tpu.memory_space<vmem>>) target(%dma_start3A_87 : memref<50176x16xf32, #tpu.memory_space<vmem_shared>>) offsets(%dma_start3A_84 : memref<128xi32, #tpu.memory_space<vmem>>) semaphore(%run_scoped3A : memref<!tpu.dma_semaphore, #tpu.memory_space<semaphore_mem>>) {add = true}
          %dma_wait3A_88 = arith.constant 0 : i32
          %dma_wait3A_89 = tpu.memref_slice %arg10[%scan3A_50, %dma_wait3A_88] : memref<8x128xi32, #tpu.memory_space<vmem>> -> memref<1x128xi32, #tpu.memory_space<vmem>>
          %dma_wait3A_90 = tpu.memref_squeeze %dma_wait3A_89 : memref<1x128xi32, #tpu.memory_space<vmem>> -> memref<128xi32, #tpu.memory_space<vmem>>
          %dma_wait3A_91 = arith.constant 0 : i32
          %dma_wait3A_92 = arith.constant 0 : i32
          %dma_wait3A_93 = tpu.memref_slice %arg17[%dma_wait3A_91, %dma_wait3A_92] : memref<50176x16xf32, #tpu.memory_space<vmem_shared>> -> memref<50176x16xf32, #tpu.memory_space<vmem_shared>>
          tpu.wait_indirect_dma semaphore(%run_scoped3A : memref<!tpu.dma_semaphore, #tpu.memory_space<semaphore_mem>>) src(%arg14 : memref<128x16xf32, #tpu.memory_space<vmem>>) dst(%dma_wait3A_93 : memref<50176x16xf32, #tpu.memory_space<vmem_shared>>)
          tpu.yield
        }) : () -> ()
        %scan3A_81 = arith.constant 0 : i32
        scf.yield %scan3A_81 : i32
      }
      %scan3A_48 = arith.constant 8 : i32
      "tpu.region"() ({
        %run_scoped3A = tpu.sem_alloc : memref<!tpu.dma_semaphore, #tpu.memory_space<semaphore_mem>>
        %dma_start3A = tpu.memref_slice %arg7[%multiple_of3A_24] : memref<819200xf32, #tpu.memory_space<hbm>> -> memref<1024xf32, #tpu.memory_space<hbm>>
        %dma_start3A_50 = tpu.memref_slice %arg7[%multiple_of3A_24] : memref<819200xf32, #tpu.memory_space<hbm>> -> memref<1024xf32, #tpu.memory_space<hbm>>
        tpu.enqueue_dma source(%arg13 : memref<1024xf32, #tpu.memory_space<vmem>>) target(%dma_start3A_50 : memref<1024xf32, #tpu.memory_space<hbm>>) target_semaphore(%run_scoped3A : memref<!tpu.dma_semaphore, #tpu.memory_space<semaphore_mem>>)
        %dma_wait3A = tpu.memref_slice %arg7[%multiple_of3A_24] : memref<819200xf32, #tpu.memory_space<hbm>> -> memref<1024xf32, #tpu.memory_space<hbm>>
        %dma_wait3A_51 = tpu.memref_slice %arg7[%multiple_of3A_24] : memref<819200xf32, #tpu.memory_space<hbm>> -> memref<1024xf32, #tpu.memory_space<hbm>>
        tpu.wait_dma2 semaphore(%run_scoped3A : memref<!tpu.dma_semaphore, #tpu.memory_space<semaphore_mem>>) src(%arg13 : memref<1024xf32, #tpu.memory_space<vmem>>) dst(%dma_wait3A_51 : memref<1024xf32, #tpu.memory_space<hbm>>)
        tpu.yield
      }) : () -> ()
      %scan3A_49 = arith.constant 0 : i32
      scf.yield %scan3A_49 : i32
    }
    %scan3A_8 = arith.constant 25 : i32
    %barrier3A_9 = arith.constant 0 : index
    tpu.barrier barrier_id(%barrier3A_9)
    %scan3A_10 = arith.constant 0 : i32
    %scan3A_11 = arith.constant 0 : i32
    %scan3A_12 = arith.constant 28 : i32
    %scan3A_13 = arith.addi %scan3A_11, %scan3A_12 : i32
    %scan3A_14 = arith.constant 1 : i32
    %scan3A_15 = scf.for %scan3A_17 = %scan3A_11 to %scan3A_13 step %scan3A_14 iter_args(%scan3A_18 = %scan3A_10) -> (i32)  : i32 {
      %mul3A_19 = arith.constant 3136 : i32
      %mul3A_20 = arith.muli %arg1, %mul3A_19 : i32
      %mul3A_21 = arith.constant 112 : i32
      %mul3A_22 = arith.muli %scan3A_17, %mul3A_21 : i32
      %add3A_23 = arith.addi %mul3A_20, %mul3A_22 : i32
      %multiple_of3A_24 = tpu.assume_multiple %add3A_23, 8 : i32
      "tpu.region"() ({
        %run_scoped3A = tpu.sem_alloc : memref<!tpu.dma_semaphore, #tpu.memory_space<semaphore_mem>>
        %dma_start3A = arith.constant 0 : i32
        %dma_start3A_33 = tpu.memref_slice %arg17[%multiple_of3A_24, %dma_start3A] : memref<50176x16xf32, #tpu.memory_space<vmem_shared>> -> memref<112x16xf32, #tpu.memory_space<vmem_shared>>
        %dma_start3A_34 = arith.constant 0 : i32
        %dma_start3A_35 = tpu.memref_slice %arg17[%multiple_of3A_24, %dma_start3A_34] : memref<50176x16xf32, #tpu.memory_space<vmem_shared>> -> memref<112x16xf32, #tpu.memory_space<vmem_shared>>
        tpu.enqueue_dma source(%dma_start3A_35 : memref<112x16xf32, #tpu.memory_space<vmem_shared>>) target(%arg15 : memref<112x16xf32, #tpu.memory_space<vmem>>) target_semaphore(%run_scoped3A : memref<!tpu.dma_semaphore, #tpu.memory_space<semaphore_mem>>)
        %dma_wait3A = arith.constant 0 : i32
        %dma_wait3A_36 = tpu.memref_slice %arg17[%multiple_of3A_24, %dma_wait3A] : memref<50176x16xf32, #tpu.memory_space<vmem_shared>> -> memref<112x16xf32, #tpu.memory_space<vmem_shared>>
        %dma_wait3A_37 = arith.constant 0 : i32
        %dma_wait3A_38 = tpu.memref_slice %arg17[%multiple_of3A_24, %dma_wait3A_37] : memref<50176x16xf32, #tpu.memory_space<vmem_shared>> -> memref<112x16xf32, #tpu.memory_space<vmem_shared>>
        tpu.wait_dma2 semaphore(%run_scoped3A : memref<!tpu.dma_semaphore, #tpu.memory_space<semaphore_mem>>) src(%dma_wait3A_38 : memref<112x16xf32, #tpu.memory_space<vmem_shared>>) dst(%arg15 : memref<112x16xf32, #tpu.memory_space<vmem>>)
        tpu.yield
      }) : () -> ()
      %scan3A_25 = arith.constant 0 : i32
      %scan3A_26 = arith.constant 0 : i32
      %scan3A_27 = arith.constant 7 : i32
      %scan3A_28 = arith.addi %scan3A_26, %scan3A_27 : i32
      %scan3A_29 = arith.constant 1 : i32
      %scan3A_30 = scf.for %scan3A_33 = %scan3A_26 to %scan3A_28 step %scan3A_29 iter_args(%scan3A_34 = %scan3A_25) -> (i32)  : i32 {
        %broadcast_in_dim3A = arith.constant 0.000000e+00 : f32
        %broadcast_in_dim3A_35 = vector.broadcast %broadcast_in_dim3A : f32 to vector<16xf32>
        %eq3A = arith.constant 0 : i32
        %eq3A_36 = vector.broadcast %eq3A : i32 to vector<16xi32>
        %eq3A_37 = arith.cmpi eq, %iota3A, %eq3A_36 : vector<16xi32>
        %mul3A_38 = arith.constant 16 : i32
        %mul3A_39 = arith.muli %scan3A_33, %mul3A_38 : i32
        %add3A_40 = arith.constant 0 : i32
        %add3A_41 = arith.addi %mul3A_39, %add3A_40 : i32
        %get3A = arith.index_cast %add3A_41 : i32 to index
        %get3A_42 = arith.constant 0 : index
        %get3A_43 = tpu.vector_load %arg15[%get3A, %get3A_42] {strides = array<i32>} : memref<112x16xf32, #tpu.memory_space<vmem>>, vector<16xf32>,
        %slice3A = vector.extract_strided_slice %get3A_43 {offsets = [0], sizes = [1], strides = [1]} : vector<16xf32> to vector<1xf32>
        %squeeze3A = vector.extract %slice3A[0] : f32 from vector<1xf32>
        %broadcast_in_dim3A_44 = vector.broadcast %squeeze3A : f32 to vector<16xf32>
        %select_n3A = arith.select %eq3A_37, %broadcast_in_dim3A_44, %broadcast_in_dim3A_35 : vector<16xi1>, vector<16xf32>
        %eq3A_45 = arith.constant 1 : i32
        %eq3A_46 = vector.broadcast %eq3A_45 : i32 to vector<16xi32>
        %eq3A_47 = arith.cmpi eq, %iota3A, %eq3A_46 : vector<16xi32>
        %mul3A_48 = arith.constant 16 : i32
        %mul3A_49 = arith.muli %scan3A_33, %mul3A_48 : i32
        %add3A_50 = arith.constant 1 : i32
        %add3A_51 = arith.addi %mul3A_49, %add3A_50 : i32
        %get3A_52 = arith.index_cast %add3A_51 : i32 to index
        %get3A_53 = arith.constant 0 : index
        %get3A_54 = tpu.vector_load %arg15[%get3A_52, %get3A_53] {strides = array<i32>} : memref<112x16xf32, #tpu.memory_space<vmem>>, vector<16xf32>,
        %slice3A_55 = vector.extract_strided_slice %get3A_54 {offsets = [0], sizes = [1], strides = [1]} : vector<16xf32> to vector<1xf32>
        %squeeze3A_56 = vector.extract %slice3A_55[0] : f32 from vector<1xf32>
        %broadcast_in_dim3A_57 = vector.broadcast %squeeze3A_56 : f32 to vector<16xf32>
        %select_n3A_58 = arith.select %eq3A_47, %broadcast_in_dim3A_57, %select_n3A : vector<16xi1>, vector<16xf32>
        %eq3A_59 = arith.constant 2 : i32
        %eq3A_60 = vector.broadcast %eq3A_59 : i32 to vector<16xi32>
        %eq3A_61 = arith.cmpi eq, %iota3A, %eq3A_60 : vector<16xi32>
        %mul3A_62 = arith.constant 16 : i32
        %mul3A_63 = arith.muli %scan3A_33, %mul3A_62 : i32
        %add3A_64 = arith.constant 2 : i32
        %add3A_65 = arith.addi %mul3A_63, %add3A_64 : i32
        %get3A_66 = arith.index_cast %add3A_65 : i32 to index
        %get3A_67 = arith.constant 0 : index
        %get3A_68 = tpu.vector_load %arg15[%get3A_66, %get3A_67] {strides = array<i32>} : memref<112x16xf32, #tpu.memory_space<vmem>>, vector<16xf32>,
        %slice3A_69 = vector.extract_strided_slice %get3A_68 {offsets = [0], sizes = [1], strides = [1]} : vector<16xf32> to vector<1xf32>
        %squeeze3A_70 = vector.extract %slice3A_69[0] : f32 from vector<1xf32>
        %broadcast_in_dim3A_71 = vector.broadcast %squeeze3A_70 : f32 to vector<16xf32>
        %select_n3A_72 = arith.select %eq3A_61, %broadcast_in_dim3A_71, %select_n3A_58 : vector<16xi1>, vector<16xf32>
        %eq3A_73 = arith.constant 3 : i32
        %eq3A_74 = vector.broadcast %eq3A_73 : i32 to vector<16xi32>
        %eq3A_75 = arith.cmpi eq, %iota3A, %eq3A_74 : vector<16xi32>
        %mul3A_76 = arith.constant 16 : i32
        %mul3A_77 = arith.muli %scan3A_33, %mul3A_76 : i32
        %add3A_78 = arith.constant 3 : i32
        %add3A_79 = arith.addi %mul3A_77, %add3A_78 : i32
        %get3A_80 = arith.index_cast %add3A_79 : i32 to index
        %get3A_81 = arith.constant 0 : index
        %get3A_82 = tpu.vector_load %arg15[%get3A_80, %get3A_81] {strides = array<i32>} : memref<112x16xf32, #tpu.memory_space<vmem>>, vector<16xf32>,
        %slice3A_83 = vector.extract_strided_slice %get3A_82 {offsets = [0], sizes = [1], strides = [1]} : vector<16xf32> to vector<1xf32>
        %squeeze3A_84 = vector.extract %slice3A_83[0] : f32 from vector<1xf32>
        %broadcast_in_dim3A_85 = vector.broadcast %squeeze3A_84 : f32 to vector<16xf32>
        %select_n3A_86 = arith.select %eq3A_75, %broadcast_in_dim3A_85, %select_n3A_72 : vector<16xi1>, vector<16xf32>
        %eq3A_87 = arith.constant 4 : i32
        %eq3A_88 = vector.broadcast %eq3A_87 : i32 to vector<16xi32>
        %eq3A_89 = arith.cmpi eq, %iota3A, %eq3A_88 : vector<16xi32>
        %mul3A_90 = arith.constant 16 : i32
        %mul3A_91 = arith.muli %scan3A_33, %mul3A_90 : i32
        %add3A_92 = arith.constant 4 : i32
        %add3A_93 = arith.addi %mul3A_91, %add3A_92 : i32
        %get3A_94 = arith.index_cast %add3A_93 : i32 to index
        %get3A_95 = arith.constant 0 : index
        %get3A_96 = tpu.vector_load %arg15[%get3A_94, %get3A_95] {strides = array<i32>} : memref<112x16xf32, #tpu.memory_space<vmem>>, vector<16xf32>,
        %slice3A_97 = vector.extract_strided_slice %get3A_96 {offsets = [0], sizes = [1], strides = [1]} : vector<16xf32> to vector<1xf32>
        %squeeze3A_98 = vector.extract %slice3A_97[0] : f32 from vector<1xf32>
        %broadcast_in_dim3A_99 = vector.broadcast %squeeze3A_98 : f32 to vector<16xf32>
        %select_n3A_100 = arith.select %eq3A_89, %broadcast_in_dim3A_99, %select_n3A_86 : vector<16xi1>, vector<16xf32>
        %eq3A_101 = arith.constant 5 : i32
        %eq3A_102 = vector.broadcast %eq3A_101 : i32 to vector<16xi32>
        %eq3A_103 = arith.cmpi eq, %iota3A, %eq3A_102 : vector<16xi32>
        %mul3A_104 = arith.constant 16 : i32
        %mul3A_105 = arith.muli %scan3A_33, %mul3A_104 : i32
        %add3A_106 = arith.constant 5 : i32
        %add3A_107 = arith.addi %mul3A_105, %add3A_106 : i32
        %get3A_108 = arith.index_cast %add3A_107 : i32 to index
        %get3A_109 = arith.constant 0 : index
        %get3A_110 = tpu.vector_load %arg15[%get3A_108, %get3A_109] {strides = array<i32>} : memref<112x16xf32, #tpu.memory_space<vmem>>, vector<16xf32>,
        %slice3A_111 = vector.extract_strided_slice %get3A_110 {offsets = [0], sizes = [1], strides = [1]} : vector<16xf32> to vector<1xf32>
        %squeeze3A_112 = vector.extract %slice3A_111[0] : f32 from vector<1xf32>
        %broadcast_in_dim3A_113 = vector.broadcast %squeeze3A_112 : f32 to vector<16xf32>
        %select_n3A_114 = arith.select %eq3A_103, %broadcast_in_dim3A_113, %select_n3A_100 : vector<16xi1>, vector<16xf32>
        %eq3A_115 = arith.constant 6 : i32
        %eq3A_116 = vector.broadcast %eq3A_115 : i32 to vector<16xi32>
        %eq3A_117 = arith.cmpi eq, %iota3A, %eq3A_116 : vector<16xi32>
        %mul3A_118 = arith.constant 16 : i32
        %mul3A_119 = arith.muli %scan3A_33, %mul3A_118 : i32
        %add3A_120 = arith.constant 6 : i32
        %add3A_121 = arith.addi %mul3A_119, %add3A_120 : i32
        %get3A_122 = arith.index_cast %add3A_121 : i32 to index
        %get3A_123 = arith.constant 0 : index
        %get3A_124 = tpu.vector_load %arg15[%get3A_122, %get3A_123] {strides = array<i32>} : memref<112x16xf32, #tpu.memory_space<vmem>>, vector<16xf32>,
        %slice3A_125 = vector.extract_strided_slice %get3A_124 {offsets = [0], sizes = [1], strides = [1]} : vector<16xf32> to vector<1xf32>
        %squeeze3A_126 = vector.extract %slice3A_125[0] : f32 from vector<1xf32>
        %broadcast_in_dim3A_127 = vector.broadcast %squeeze3A_126 : f32 to vector<16xf32>
        %select_n3A_128 = arith.select %eq3A_117, %broadcast_in_dim3A_127, %select_n3A_114 : vector<16xi1>, vector<16xf32>
        %eq3A_129 = arith.constant 7 : i32
        %eq3A_130 = vector.broadcast %eq3A_129 : i32 to vector<16xi32>
        %eq3A_131 = arith.cmpi eq, %iota3A, %eq3A_130 : vector<16xi32>
        %mul3A_132 = arith.constant 16 : i32
        %mul3A_133 = arith.muli %scan3A_33, %mul3A_132 : i32
        %add3A_134 = arith.constant 7 : i32
        %add3A_135 = arith.addi %mul3A_133, %add3A_134 : i32
        %get3A_136 = arith.index_cast %add3A_135 : i32 to index
        %get3A_137 = arith.constant 0 : index
        %get3A_138 = tpu.vector_load %arg15[%get3A_136, %get3A_137] {strides = array<i32>} : memref<112x16xf32, #tpu.memory_space<vmem>>, vector<16xf32>,
        %slice3A_139 = vector.extract_strided_slice %get3A_138 {offsets = [0], sizes = [1], strides = [1]} : vector<16xf32> to vector<1xf32>
        %squeeze3A_140 = vector.extract %slice3A_139[0] : f32 from vector<1xf32>
        %broadcast_in_dim3A_141 = vector.broadcast %squeeze3A_140 : f32 to vector<16xf32>
        %select_n3A_142 = arith.select %eq3A_131, %broadcast_in_dim3A_141, %select_n3A_128 : vector<16xi1>, vector<16xf32>
        %eq3A_143 = arith.constant 8 : i32
        %eq3A_144 = vector.broadcast %eq3A_143 : i32 to vector<16xi32>
        %eq3A_145 = arith.cmpi eq, %iota3A, %eq3A_144 : vector<16xi32>
        %mul3A_146 = arith.constant 16 : i32
        %mul3A_147 = arith.muli %scan3A_33, %mul3A_146 : i32
        %add3A_148 = arith.constant 8 : i32
        %add3A_149 = arith.addi %mul3A_147, %add3A_148 : i32
        %get3A_150 = arith.index_cast %add3A_149 : i32 to index
        %get3A_151 = arith.constant 0 : index
        %get3A_152 = tpu.vector_load %arg15[%get3A_150, %get3A_151] {strides = array<i32>} : memref<112x16xf32, #tpu.memory_space<vmem>>, vector<16xf32>,
        %slice3A_153 = vector.extract_strided_slice %get3A_152 {offsets = [0], sizes = [1], strides = [1]} : vector<16xf32> to vector<1xf32>
        %squeeze3A_154 = vector.extract %slice3A_153[0] : f32 from vector<1xf32>
        %broadcast_in_dim3A_155 = vector.broadcast %squeeze3A_154 : f32 to vector<16xf32>
        %select_n3A_156 = arith.select %eq3A_145, %broadcast_in_dim3A_155, %select_n3A_142 : vector<16xi1>, vector<16xf32>
        %eq3A_157 = arith.constant 9 : i32
        %eq3A_158 = vector.broadcast %eq3A_157 : i32 to vector<16xi32>
        %eq3A_159 = arith.cmpi eq, %iota3A, %eq3A_158 : vector<16xi32>
        %mul3A_160 = arith.constant 16 : i32
        %mul3A_161 = arith.muli %scan3A_33, %mul3A_160 : i32
        %add3A_162 = arith.constant 9 : i32
        %add3A_163 = arith.addi %mul3A_161, %add3A_162 : i32
        %get3A_164 = arith.index_cast %add3A_163 : i32 to index
        %get3A_165 = arith.constant 0 : index
        %get3A_166 = tpu.vector_load %arg15[%get3A_164, %get3A_165] {strides = array<i32>} : memref<112x16xf32, #tpu.memory_space<vmem>>, vector<16xf32>,
        %slice3A_167 = vector.extract_strided_slice %get3A_166 {offsets = [0], sizes = [1], strides = [1]} : vector<16xf32> to vector<1xf32>
        %squeeze3A_168 = vector.extract %slice3A_167[0] : f32 from vector<1xf32>
        %broadcast_in_dim3A_169 = vector.broadcast %squeeze3A_168 : f32 to vector<16xf32>
        %select_n3A_170 = arith.select %eq3A_159, %broadcast_in_dim3A_169, %select_n3A_156 : vector<16xi1>, vector<16xf32>
        %eq3A_171 = arith.constant 10 : i32
        %eq3A_172 = vector.broadcast %eq3A_171 : i32 to vector<16xi32>
        %eq3A_173 = arith.cmpi eq, %iota3A, %eq3A_172 : vector<16xi32>
        %mul3A_174 = arith.constant 16 : i32
        %mul3A_175 = arith.muli %scan3A_33, %mul3A_174 : i32
        %add3A_176 = arith.constant 10 : i32
        %add3A_177 = arith.addi %mul3A_175, %add3A_176 : i32
        %get3A_178 = arith.index_cast %add3A_177 : i32 to index
        %get3A_179 = arith.constant 0 : index
        %get3A_180 = tpu.vector_load %arg15[%get3A_178, %get3A_179] {strides = array<i32>} : memref<112x16xf32, #tpu.memory_space<vmem>>, vector<16xf32>,
        %slice3A_181 = vector.extract_strided_slice %get3A_180 {offsets = [0], sizes = [1], strides = [1]} : vector<16xf32> to vector<1xf32>
        %squeeze3A_182 = vector.extract %slice3A_181[0] : f32 from vector<1xf32>
        %broadcast_in_dim3A_183 = vector.broadcast %squeeze3A_182 : f32 to vector<16xf32>
        %select_n3A_184 = arith.select %eq3A_173, %broadcast_in_dim3A_183, %select_n3A_170 : vector<16xi1>, vector<16xf32>
        %eq3A_185 = arith.constant 11 : i32
        %eq3A_186 = vector.broadcast %eq3A_185 : i32 to vector<16xi32>
        %eq3A_187 = arith.cmpi eq, %iota3A, %eq3A_186 : vector<16xi32>
        %mul3A_188 = arith.constant 16 : i32
        %mul3A_189 = arith.muli %scan3A_33, %mul3A_188 : i32
        %add3A_190 = arith.constant 11 : i32
        %add3A_191 = arith.addi %mul3A_189, %add3A_190 : i32
        %get3A_192 = arith.index_cast %add3A_191 : i32 to index
        %get3A_193 = arith.constant 0 : index
        %get3A_194 = tpu.vector_load %arg15[%get3A_192, %get3A_193] {strides = array<i32>} : memref<112x16xf32, #tpu.memory_space<vmem>>, vector<16xf32>,
        %slice3A_195 = vector.extract_strided_slice %get3A_194 {offsets = [0], sizes = [1], strides = [1]} : vector<16xf32> to vector<1xf32>
        %squeeze3A_196 = vector.extract %slice3A_195[0] : f32 from vector<1xf32>
        %broadcast_in_dim3A_197 = vector.broadcast %squeeze3A_196 : f32 to vector<16xf32>
        %select_n3A_198 = arith.select %eq3A_187, %broadcast_in_dim3A_197, %select_n3A_184 : vector<16xi1>, vector<16xf32>
        %eq3A_199 = arith.constant 12 : i32
        %eq3A_200 = vector.broadcast %eq3A_199 : i32 to vector<16xi32>
        %eq3A_201 = arith.cmpi eq, %iota3A, %eq3A_200 : vector<16xi32>
        %mul3A_202 = arith.constant 16 : i32
        %mul3A_203 = arith.muli %scan3A_33, %mul3A_202 : i32
        %add3A_204 = arith.constant 12 : i32
        %add3A_205 = arith.addi %mul3A_203, %add3A_204 : i32
        %get3A_206 = arith.index_cast %add3A_205 : i32 to index
        %get3A_207 = arith.constant 0 : index
        %get3A_208 = tpu.vector_load %arg15[%get3A_206, %get3A_207] {strides = array<i32>} : memref<112x16xf32, #tpu.memory_space<vmem>>, vector<16xf32>,
        %slice3A_209 = vector.extract_strided_slice %get3A_208 {offsets = [0], sizes = [1], strides = [1]} : vector<16xf32> to vector<1xf32>
        %squeeze3A_210 = vector.extract %slice3A_209[0] : f32 from vector<1xf32>
        %broadcast_in_dim3A_211 = vector.broadcast %squeeze3A_210 : f32 to vector<16xf32>
        %select_n3A_212 = arith.select %eq3A_201, %broadcast_in_dim3A_211, %select_n3A_198 : vector<16xi1>, vector<16xf32>
        %eq3A_213 = arith.constant 13 : i32
        %eq3A_214 = vector.broadcast %eq3A_213 : i32 to vector<16xi32>
        %eq3A_215 = arith.cmpi eq, %iota3A, %eq3A_214 : vector<16xi32>
        %mul3A_216 = arith.constant 16 : i32
        %mul3A_217 = arith.muli %scan3A_33, %mul3A_216 : i32
        %add3A_218 = arith.constant 13 : i32
        %add3A_219 = arith.addi %mul3A_217, %add3A_218 : i32
        %get3A_220 = arith.index_cast %add3A_219 : i32 to index
        %get3A_221 = arith.constant 0 : index
        %get3A_222 = tpu.vector_load %arg15[%get3A_220, %get3A_221] {strides = array<i32>} : memref<112x16xf32, #tpu.memory_space<vmem>>, vector<16xf32>,
        %slice3A_223 = vector.extract_strided_slice %get3A_222 {offsets = [0], sizes = [1], strides = [1]} : vector<16xf32> to vector<1xf32>
        %squeeze3A_224 = vector.extract %slice3A_223[0] : f32 from vector<1xf32>
        %broadcast_in_dim3A_225 = vector.broadcast %squeeze3A_224 : f32 to vector<16xf32>
        %select_n3A_226 = arith.select %eq3A_215, %broadcast_in_dim3A_225, %select_n3A_212 : vector<16xi1>, vector<16xf32>
        %eq3A_227 = arith.constant 14 : i32
        %eq3A_228 = vector.broadcast %eq3A_227 : i32 to vector<16xi32>
        %eq3A_229 = arith.cmpi eq, %iota3A, %eq3A_228 : vector<16xi32>
        %mul3A_230 = arith.constant 16 : i32
        %mul3A_231 = arith.muli %scan3A_33, %mul3A_230 : i32
        %add3A_232 = arith.constant 14 : i32
        %add3A_233 = arith.addi %mul3A_231, %add3A_232 : i32
        %get3A_234 = arith.index_cast %add3A_233 : i32 to index
        %get3A_235 = arith.constant 0 : index
        %get3A_236 = tpu.vector_load %arg15[%get3A_234, %get3A_235] {strides = array<i32>} : memref<112x16xf32, #tpu.memory_space<vmem>>, vector<16xf32>,
        %slice3A_237 = vector.extract_strided_slice %get3A_236 {offsets = [0], sizes = [1], strides = [1]} : vector<16xf32> to vector<1xf32>
        %squeeze3A_238 = vector.extract %slice3A_237[0] : f32 from vector<1xf32>
        %broadcast_in_dim3A_239 = vector.broadcast %squeeze3A_238 : f32 to vector<16xf32>
        %select_n3A_240 = arith.select %eq3A_229, %broadcast_in_dim3A_239, %select_n3A_226 : vector<16xi1>, vector<16xf32>
        %eq3A_241 = arith.constant 15 : i32
        %eq3A_242 = vector.broadcast %eq3A_241 : i32 to vector<16xi32>
        %eq3A_243 = arith.cmpi eq, %iota3A, %eq3A_242 : vector<16xi32>
        %mul3A_244 = arith.constant 16 : i32
        %mul3A_245 = arith.muli %scan3A_33, %mul3A_244 : i32
        %add3A_246 = arith.constant 15 : i32
        %add3A_247 = arith.addi %mul3A_245, %add3A_246 : i32
        %get3A_248 = arith.index_cast %add3A_247 : i32 to index
        %get3A_249 = arith.constant 0 : index
        %get3A_250 = tpu.vector_load %arg15[%get3A_248, %get3A_249] {strides = array<i32>} : memref<112x16xf32, #tpu.memory_space<vmem>>, vector<16xf32>,
        %slice3A_251 = vector.extract_strided_slice %get3A_250 {offsets = [0], sizes = [1], strides = [1]} : vector<16xf32> to vector<1xf32>
        %squeeze3A_252 = vector.extract %slice3A_251[0] : f32 from vector<1xf32>
        %broadcast_in_dim3A_253 = vector.broadcast %squeeze3A_252 : f32 to vector<16xf32>
        %select_n3A_254 = arith.select %eq3A_243, %broadcast_in_dim3A_253, %select_n3A_240 : vector<16xi1>, vector<16xf32>
        %mul3A_255 = arith.constant 16 : i32
        %mul3A_256 = arith.muli %scan3A_33, %mul3A_255 : i32
        %swap3A = arith.index_cast %mul3A_256 : i32 to index
        %swap3A_257 = tpu.vector_load %arg16[%swap3A] {strides = array<i32>} : memref<112xf32, #tpu.memory_space<vmem>>, vector<16xf32>,
        tpu.vector_store %arg16[%swap3A], %select_n3A_254 {strides = array<i32>} : memref<112xf32, #tpu.memory_space<vmem>>, vector<16xf32>,
        %scan3A_258 = arith.constant 0 : i32
        scf.yield %scan3A_258 : i32
      }
      %scan3A_31 = arith.constant 7 : i32
      "tpu.region"() ({
        %run_scoped3A = tpu.sem_alloc : memref<!tpu.dma_semaphore, #tpu.memory_space<semaphore_mem>>
        %dma_start3A = tpu.memref_slice %arg8[%arg0, %multiple_of3A_24] : memref<2x50176xf32, #tpu.memory_space<hbm>> -> memref<1x112xf32, #tpu.memory_space<hbm>>
        %dma_start3A_33 = tpu.memref_squeeze %dma_start3A : memref<1x112xf32, #tpu.memory_space<hbm>> -> memref<112xf32, #tpu.memory_space<hbm>>
        %dma_start3A_34 = tpu.memref_slice %arg8[%arg0, %multiple_of3A_24] : memref<2x50176xf32, #tpu.memory_space<hbm>> -> memref<1x112xf32, #tpu.memory_space<hbm>>
        %dma_start3A_35 = tpu.memref_squeeze %dma_start3A_34 : memref<1x112xf32, #tpu.memory_space<hbm>> -> memref<112xf32, #tpu.memory_space<hbm>>
        tpu.enqueue_dma source(%arg16 : memref<112xf32, #tpu.memory_space<vmem>>) target(%dma_start3A_35 : memref<112xf32, #tpu.memory_space<hbm>>) target_semaphore(%run_scoped3A : memref<!tpu.dma_semaphore, #tpu.memory_space<semaphore_mem>>)
        %dma_wait3A = tpu.memref_slice %arg8[%arg0, %multiple_of3A_24] : memref<2x50176xf32, #tpu.memory_space<hbm>> -> memref<1x112xf32, #tpu.memory_space<hbm>>
        %dma_wait3A_36 = tpu.memref_squeeze %dma_wait3A : memref<1x112xf32, #tpu.memory_space<hbm>> -> memref<112xf32, #tpu.memory_space<hbm>>
        %dma_wait3A_37 = tpu.memref_slice %arg8[%arg0, %multiple_of3A_24] : memref<2x50176xf32, #tpu.memory_space<hbm>> -> memref<1x112xf32, #tpu.memory_space<hbm>>
        %dma_wait3A_38 = tpu.memref_squeeze %dma_wait3A_37 : memref<1x112xf32, #tpu.memory_space<hbm>> -> memref<112xf32, #tpu.memory_space<hbm>>
        tpu.wait_dma2 semaphore(%run_scoped3A : memref<!tpu.dma_semaphore, #tpu.memory_space<semaphore_mem>>) src(%arg16 : memref<112xf32, #tpu.memory_space<vmem>>) dst(%dma_wait3A_38 : memref<112xf32, #tpu.memory_space<hbm>>)
        tpu.yield
      }) : () -> ()
      %scan3A_32 = arith.constant 0 : i32
      scf.yield %scan3A_32 : i32
    }
    %scan3A_16 = arith.constant 28 : i32
    return
  }
}

#map = affine_map<(d0, d1) -> (0, 0)>
#map1 = affine_map<(d0, d1) -> (0)>
module attributes {stable_mosaic.version = 14 : i64} {
  func.func @_agg_body(%arg0: i32, %arg1: i32, %arg2: memref<100800x32xf32, #tpu.memory_space<hbm>>, %arg3: memref<6400x128xi32, #tpu.memory_space<hbm>>, %arg4: memref<6400x128xi32, #tpu.memory_space<hbm>>, %arg5: memref<819200xf32, #tpu.memory_space<hbm>>, %arg6: memref<2x50176xf32, #tpu.memory_space<hbm>>, %arg7: memref<3136x32xf32, #tpu.memory_space<hbm>>, %arg8: memref<50176x64xf32, #tpu.memory_space<hbm>>, %arg9: memref<8x128xi32, #tpu.memory_space<vmem>>, %arg10: memref<8x128xi32, #tpu.memory_space<vmem>>, %arg11: memref<128xi32, #tpu.memory_space<vmem>>, %arg12: memref<1024xf32, #tpu.memory_space<vmem>>, %arg13: memref<128x32xf32, #tpu.memory_space<vmem>>, %arg14: memref<128x32xf32, #tpu.memory_space<vmem>>, %arg15: memref<112x32xf32, #tpu.memory_space<vmem>>, %arg16: memref<112x32xf32, #tpu.memory_space<vmem>>, %arg17: memref<112xf32, #tpu.memory_space<vmem>>, %arg18: memref<112xf32, #tpu.memory_space<vmem>>, %arg19: memref<50176x32xf32, #tpu.memory_space<vmem_shared>>, %arg20: memref<!tpu.dma_semaphore, #tpu.memory_space<semaphore_mem>>) attributes {dimension_semantics = [#tpu.dimension_semantics<core_parallel>, #tpu.dimension_semantics<subcore_parallel>], iteration_bounds = array<i64: 2, 16>, scalar_prefetch = 0 : i64, scratch_operands = 12 : i64, tpu.core_type = #tpu.core_type<sc_vector_subcore>, window_params = [{transform_indices = #map}, {transform_indices = #map}, {transform_indices = #map}, {transform_indices = #map1}, {transform_indices = #map}, {transform_indices = #map}, {transform_indices = #map}]} {
    %mul3A = arith.constant 50400 : i32
    %mul3A_0 = arith.muli %arg0, %mul3A : i32
    %iota3A = tpu.iota {dimensions = array<i32: 0>} : vector<16xi32>
    %mul3A_1 = arith.constant 3136 : i32
    %mul3A_2 = arith.muli %arg1, %mul3A_1 : i32
    %multiple_of3A = tpu.assume_multiple %mul3A_2, 8 : i32
    "tpu.region"() ({
      %run_scoped3A = tpu.sem_alloc : memref<!tpu.dma_semaphore, #tpu.memory_space<semaphore_mem>>
      %dma_start3A = arith.constant 0 : i32
      %dma_start3A_17 = tpu.memref_slice %arg19[%multiple_of3A, %dma_start3A] : memref<50176x32xf32, #tpu.memory_space<vmem_shared>> -> memref<3136x32xf32, #tpu.memory_space<vmem_shared>>
      tpu.enqueue_dma source(%arg7 : memref<3136x32xf32, #tpu.memory_space<hbm>>) target(%dma_start3A_17 : memref<3136x32xf32, #tpu.memory_space<vmem_shared>>) target_semaphore(%run_scoped3A : memref<!tpu.dma_semaphore, #tpu.memory_space<semaphore_mem>>)
      %dma_wait3A = arith.constant 0 : i32
      %dma_wait3A_18 = tpu.memref_slice %arg19[%multiple_of3A, %dma_wait3A] : memref<50176x32xf32, #tpu.memory_space<vmem_shared>> -> memref<3136x32xf32, #tpu.memory_space<vmem_shared>>
      tpu.wait_dma2 semaphore(%run_scoped3A : memref<!tpu.dma_semaphore, #tpu.memory_space<semaphore_mem>>) src(%arg7 : memref<3136x32xf32, #tpu.memory_space<hbm>>) dst(%dma_wait3A_18 : memref<3136x32xf32, #tpu.memory_space<vmem_shared>>)
      tpu.yield
    }) : () -> ()
    %barrier3A = arith.constant 0 : index
    tpu.barrier barrier_id(%barrier3A)
    %scan3A = arith.constant 0 : i32
    %scan3A_3 = arith.constant 0 : i32
    %scan3A_4 = arith.constant 50 : i32
    %scan3A_5 = arith.addi %scan3A_3, %scan3A_4 : i32
    %scan3A_6 = arith.constant 1 : i32
    %scan3A_7 = scf.for %scan3A_17 = %scan3A_3 to %scan3A_5 step %scan3A_6 iter_args(%scan3A_18 = %scan3A) -> (i32)  : i32 {
      %mul3A_19 = arith.constant 51200 : i32
      %mul3A_20 = arith.muli %arg1, %mul3A_19 : i32
      %mul3A_21 = arith.constant 1024 : i32
      %mul3A_22 = arith.muli %scan3A_17, %mul3A_21 : i32
      %add3A = arith.addi %mul3A_20, %mul3A_22 : i32
      %multiple_of3A_23 = tpu.assume_multiple %add3A, 1024 : i32
      %jit3A = arith.constant 128 : i32
      %div3A = arith.divsi %multiple_of3A_23, %jit3A : i32
      %sign3A = arith.constant 0 : i32
      %sign3A_24 = arith.cmpi sgt, %multiple_of3A_23, %sign3A : i32
      %sign3A_25 = arith.extui %sign3A_24 : i1 to i32
      %sign3A_26 = arith.constant 0 : i32
      %sign3A_27 = arith.cmpi slt, %multiple_of3A_23, %sign3A_26 : i32
      %sign3A_28 = arith.extui %sign3A_27 : i1 to i32
      %sign3A_29 = arith.subi %sign3A_25, %sign3A_28 : i32
      %sign3A_30 = arith.constant 0 : i32
      %sign3A_31 = arith.cmpi sgt, %jit3A, %sign3A_30 : i32
      %sign3A_32 = arith.extui %sign3A_31 : i1 to i32
      %sign3A_33 = arith.constant 0 : i32
      %sign3A_34 = arith.cmpi slt, %jit3A, %sign3A_33 : i32
      %sign3A_35 = arith.extui %sign3A_34 : i1 to i32
      %sign3A_36 = arith.subi %sign3A_32, %sign3A_35 : i32
      %ne3A = arith.cmpi ne, %sign3A_29, %sign3A_36 : i32
      %rem3A = arith.remsi %multiple_of3A_23, %jit3A : i32
      %ne3A_37 = arith.constant 0 : i32
      %ne3A_38 = arith.cmpi ne, %rem3A, %ne3A_37 : i32
      %and3A = arith.andi %ne3A, %ne3A_38 : i1
      %sub3A = arith.constant 1 : i32
      %sub3A_39 = arith.subi %div3A, %sub3A : i32
      %select_n3A = arith.select %and3A, %sub3A_39, %div3A : i32
      %multiple_of3A_40 = tpu.assume_multiple %select_n3A, 8 : i32
      "tpu.region"() ({
        %run_scoped3A = tpu.sem_alloc : memref<!tpu.dma_semaphore, #tpu.memory_space<semaphore_mem>>
        %dma_start3A = arith.constant 0 : i32
        %dma_start3A_49 = tpu.memref_slice %arg3[%multiple_of3A_40, %dma_start3A] : memref<6400x128xi32, #tpu.memory_space<hbm>> -> memref<8x128xi32, #tpu.memory_space<hbm>>
        %dma_start3A_50 = arith.constant 0 : i32
        %dma_start3A_51 = tpu.memref_slice %arg3[%multiple_of3A_40, %dma_start3A_50] : memref<6400x128xi32, #tpu.memory_space<hbm>> -> memref<8x128xi32, #tpu.memory_space<hbm>>
        tpu.enqueue_dma source(%dma_start3A_51 : memref<8x128xi32, #tpu.memory_space<hbm>>) target(%arg9 : memref<8x128xi32, #tpu.memory_space<vmem>>) target_semaphore(%run_scoped3A : memref<!tpu.dma_semaphore, #tpu.memory_space<semaphore_mem>>)
        %dma_wait3A = arith.constant 0 : i32
        %dma_wait3A_52 = tpu.memref_slice %arg3[%multiple_of3A_40, %dma_wait3A] : memref<6400x128xi32, #tpu.memory_space<hbm>> -> memref<8x128xi32, #tpu.memory_space<hbm>>
        %dma_wait3A_53 = arith.constant 0 : i32
        %dma_wait3A_54 = tpu.memref_slice %arg3[%multiple_of3A_40, %dma_wait3A_53] : memref<6400x128xi32, #tpu.memory_space<hbm>> -> memref<8x128xi32, #tpu.memory_space<hbm>>
        tpu.wait_dma2 semaphore(%run_scoped3A : memref<!tpu.dma_semaphore, #tpu.memory_space<semaphore_mem>>) src(%dma_wait3A_54 : memref<8x128xi32, #tpu.memory_space<hbm>>) dst(%arg9 : memref<8x128xi32, #tpu.memory_space<vmem>>)
        tpu.yield
      }) : () -> ()
      "tpu.region"() ({
        %run_scoped3A = tpu.sem_alloc : memref<!tpu.dma_semaphore, #tpu.memory_space<semaphore_mem>>
        %dma_start3A = arith.constant 0 : i32
        %dma_start3A_49 = tpu.memref_slice %arg4[%multiple_of3A_40, %dma_start3A] : memref<6400x128xi32, #tpu.memory_space<hbm>> -> memref<8x128xi32, #tpu.memory_space<hbm>>
        %dma_start3A_50 = arith.constant 0 : i32
        %dma_start3A_51 = tpu.memref_slice %arg4[%multiple_of3A_40, %dma_start3A_50] : memref<6400x128xi32, #tpu.memory_space<hbm>> -> memref<8x128xi32, #tpu.memory_space<hbm>>
        tpu.enqueue_dma source(%dma_start3A_51 : memref<8x128xi32, #tpu.memory_space<hbm>>) target(%arg10 : memref<8x128xi32, #tpu.memory_space<vmem>>) target_semaphore(%run_scoped3A : memref<!tpu.dma_semaphore, #tpu.memory_space<semaphore_mem>>)
        %dma_wait3A = arith.constant 0 : i32
        %dma_wait3A_52 = tpu.memref_slice %arg4[%multiple_of3A_40, %dma_wait3A] : memref<6400x128xi32, #tpu.memory_space<hbm>> -> memref<8x128xi32, #tpu.memory_space<hbm>>
        %dma_wait3A_53 = arith.constant 0 : i32
        %dma_wait3A_54 = tpu.memref_slice %arg4[%multiple_of3A_40, %dma_wait3A_53] : memref<6400x128xi32, #tpu.memory_space<hbm>> -> memref<8x128xi32, #tpu.memory_space<hbm>>
        tpu.wait_dma2 semaphore(%run_scoped3A : memref<!tpu.dma_semaphore, #tpu.memory_space<semaphore_mem>>) src(%dma_wait3A_54 : memref<8x128xi32, #tpu.memory_space<hbm>>) dst(%arg10 : memref<8x128xi32, #tpu.memory_space<vmem>>)
        tpu.yield
      }) : () -> ()
      "tpu.region"() ({
        %run_scoped3A = tpu.sem_alloc : memref<!tpu.dma_semaphore, #tpu.memory_space<semaphore_mem>>
        %dma_start3A = tpu.memref_slice %arg5[%multiple_of3A_23] : memref<819200xf32, #tpu.memory_space<hbm>> -> memref<1024xf32, #tpu.memory_space<hbm>>
        %dma_start3A_49 = tpu.memref_slice %arg5[%multiple_of3A_23] : memref<819200xf32, #tpu.memory_space<hbm>> -> memref<1024xf32, #tpu.memory_space<hbm>>
        tpu.enqueue_dma source(%dma_start3A_49 : memref<1024xf32, #tpu.memory_space<hbm>>) target(%arg12 : memref<1024xf32, #tpu.memory_space<vmem>>) target_semaphore(%run_scoped3A : memref<!tpu.dma_semaphore, #tpu.memory_space<semaphore_mem>>)
        %dma_wait3A = tpu.memref_slice %arg5[%multiple_of3A_23] : memref<819200xf32, #tpu.memory_space<hbm>> -> memref<1024xf32, #tpu.memory_space<hbm>>
        %dma_wait3A_50 = tpu.memref_slice %arg5[%multiple_of3A_23] : memref<819200xf32, #tpu.memory_space<hbm>> -> memref<1024xf32, #tpu.memory_space<hbm>>
        tpu.wait_dma2 semaphore(%run_scoped3A : memref<!tpu.dma_semaphore, #tpu.memory_space<semaphore_mem>>) src(%dma_wait3A_50 : memref<1024xf32, #tpu.memory_space<hbm>>) dst(%arg12 : memref<1024xf32, #tpu.memory_space<vmem>>)
        tpu.yield
      }) : () -> ()
      %scan3A_41 = arith.constant 0 : i32
      %scan3A_42 = arith.constant 0 : i32
      %scan3A_43 = arith.constant 8 : i32
      %scan3A_44 = arith.addi %scan3A_42, %scan3A_43 : i32
      %scan3A_45 = arith.constant 1 : i32
      %scan3A_46 = scf.for %scan3A_49 = %scan3A_42 to %scan3A_44 step %scan3A_45 iter_args(%scan3A_50 = %scan3A_41) -> (i32)  : i32 {
        %get3A = arith.index_cast %scan3A_49 : i32 to index
        %get3A_51 = arith.constant 0 : index
        %get3A_52 = tpu.vector_load %arg9[%get3A, %get3A_51] {strides = array<i32>} : memref<8x128xi32, #tpu.memory_space<vmem>>, vector<16xi32>,
        %add3A_53 = vector.broadcast %mul3A_0 : i32 to vector<16xi32>
        %add3A_54 = arith.addi %get3A_52, %add3A_53 : vector<16xi32>
        %swap3A = arith.constant 0 : index
        %swap3A_55 = tpu.vector_load %arg11[%swap3A] {strides = array<i32>} : memref<128xi32, #tpu.memory_space<vmem>>, vector<16xi32>,
        tpu.vector_store %arg11[%swap3A], %add3A_54 {strides = array<i32>} : memref<128xi32, #tpu.memory_space<vmem>>, vector<16xi32>,
        %get3A_56 = arith.index_cast %scan3A_49 : i32 to index
        %get3A_57 = arith.constant 16 : index
        %get3A_58 = tpu.vector_load %arg9[%get3A_56, %get3A_57] {strides = array<i32>} : memref<8x128xi32, #tpu.memory_space<vmem>>, vector<16xi32>,
        %add3A_59 = vector.broadcast %mul3A_0 : i32 to vector<16xi32>
        %add3A_60 = arith.addi %get3A_58, %add3A_59 : vector<16xi32>
        %swap3A_61 = arith.constant 16 : index
        %swap3A_62 = tpu.vector_load %arg11[%swap3A_61] {strides = array<i32>} : memref<128xi32, #tpu.memory_space<vmem>>, vector<16xi32>,
        tpu.vector_store %arg11[%swap3A_61], %add3A_60 {strides = array<i32>} : memref<128xi32, #tpu.memory_space<vmem>>, vector<16xi32>,
        %get3A_63 = arith.index_cast %scan3A_49 : i32 to index
        %get3A_64 = arith.constant 32 : index
        %get3A_65 = tpu.vector_load %arg9[%get3A_63, %get3A_64] {strides = array<i32>} : memref<8x128xi32, #tpu.memory_space<vmem>>, vector<16xi32>,
        %add3A_66 = vector.broadcast %mul3A_0 : i32 to vector<16xi32>
        %add3A_67 = arith.addi %get3A_65, %add3A_66 : vector<16xi32>
        %swap3A_68 = arith.constant 32 : index
        %swap3A_69 = tpu.vector_load %arg11[%swap3A_68] {strides = array<i32>} : memref<128xi32, #tpu.memory_space<vmem>>, vector<16xi32>,
        tpu.vector_store %arg11[%swap3A_68], %add3A_67 {strides = array<i32>} : memref<128xi32, #tpu.memory_space<vmem>>, vector<16xi32>,
        %get3A_70 = arith.index_cast %scan3A_49 : i32 to index
        %get3A_71 = arith.constant 48 : index
        %get3A_72 = tpu.vector_load %arg9[%get3A_70, %get3A_71] {strides = array<i32>} : memref<8x128xi32, #tpu.memory_space<vmem>>, vector<16xi32>,
        %add3A_73 = vector.broadcast %mul3A_0 : i32 to vector<16xi32>
        %add3A_74 = arith.addi %get3A_72, %add3A_73 : vector<16xi32>
        %swap3A_75 = arith.constant 48 : index
        %swap3A_76 = tpu.vector_load %arg11[%swap3A_75] {strides = array<i32>} : memref<128xi32, #tpu.memory_space<vmem>>, vector<16xi32>,
        tpu.vector_store %arg11[%swap3A_75], %add3A_74 {strides = array<i32>} : memref<128xi32, #tpu.memory_space<vmem>>, vector<16xi32>,
        %get3A_77 = arith.index_cast %scan3A_49 : i32 to index
        %get3A_78 = arith.constant 64 : index
        %get3A_79 = tpu.vector_load %arg9[%get3A_77, %get3A_78] {strides = array<i32>} : memref<8x128xi32, #tpu.memory_space<vmem>>, vector<16xi32>,
        %add3A_80 = vector.broadcast %mul3A_0 : i32 to vector<16xi32>
        %add3A_81 = arith.addi %get3A_79, %add3A_80 : vector<16xi32>
        %swap3A_82 = arith.constant 64 : index
        %swap3A_83 = tpu.vector_load %arg11[%swap3A_82] {strides = array<i32>} : memref<128xi32, #tpu.memory_space<vmem>>, vector<16xi32>,
        tpu.vector_store %arg11[%swap3A_82], %add3A_81 {strides = array<i32>} : memref<128xi32, #tpu.memory_space<vmem>>, vector<16xi32>,
        %get3A_84 = arith.index_cast %scan3A_49 : i32 to index
        %get3A_85 = arith.constant 80 : index
        %get3A_86 = tpu.vector_load %arg9[%get3A_84, %get3A_85] {strides = array<i32>} : memref<8x128xi32, #tpu.memory_space<vmem>>, vector<16xi32>,
        %add3A_87 = vector.broadcast %mul3A_0 : i32 to vector<16xi32>
        %add3A_88 = arith.addi %get3A_86, %add3A_87 : vector<16xi32>
        %swap3A_89 = arith.constant 80 : index
        %swap3A_90 = tpu.vector_load %arg11[%swap3A_89] {strides = array<i32>} : memref<128xi32, #tpu.memory_space<vmem>>, vector<16xi32>,
        tpu.vector_store %arg11[%swap3A_89], %add3A_88 {strides = array<i32>} : memref<128xi32, #tpu.memory_space<vmem>>, vector<16xi32>,
        %get3A_91 = arith.index_cast %scan3A_49 : i32 to index
        %get3A_92 = arith.constant 96 : index
        %get3A_93 = tpu.vector_load %arg9[%get3A_91, %get3A_92] {strides = array<i32>} : memref<8x128xi32, #tpu.memory_space<vmem>>, vector<16xi32>,
        %add3A_94 = vector.broadcast %mul3A_0 : i32 to vector<16xi32>
        %add3A_95 = arith.addi %get3A_93, %add3A_94 : vector<16xi32>
        %swap3A_96 = arith.constant 96 : index
        %swap3A_97 = tpu.vector_load %arg11[%swap3A_96] {strides = array<i32>} : memref<128xi32, #tpu.memory_space<vmem>>, vector<16xi32>,
        tpu.vector_store %arg11[%swap3A_96], %add3A_95 {strides = array<i32>} : memref<128xi32, #tpu.memory_space<vmem>>, vector<16xi32>,
        %get3A_98 = arith.index_cast %scan3A_49 : i32 to index
        %get3A_99 = arith.constant 112 : index
        %get3A_100 = tpu.vector_load %arg9[%get3A_98, %get3A_99] {strides = array<i32>} : memref<8x128xi32, #tpu.memory_space<vmem>>, vector<16xi32>,
        %add3A_101 = vector.broadcast %mul3A_0 : i32 to vector<16xi32>
        %add3A_102 = arith.addi %get3A_100, %add3A_101 : vector<16xi32>
        %swap3A_103 = arith.constant 112 : index
        %swap3A_104 = tpu.vector_load %arg11[%swap3A_103] {strides = array<i32>} : memref<128xi32, #tpu.memory_space<vmem>>, vector<16xi32>,
        tpu.vector_store %arg11[%swap3A_103], %add3A_102 {strides = array<i32>} : memref<128xi32, #tpu.memory_space<vmem>>, vector<16xi32>,
        %dma_start3A = arith.constant 0 : i32
        %dma_start3A_105 = arith.constant 0 : i32
        %dma_start3A_106 = tpu.memref_slice %arg2[%dma_start3A, %dma_start3A_105] : memref<100800x32xf32, #tpu.memory_space<hbm>> -> memref<100800x32xf32, #tpu.memory_space<hbm>>
        tpu.enqueue_indirect_dma source(%dma_start3A_106 : memref<100800x32xf32, #tpu.memory_space<hbm>>) target(%arg13 : memref<128x32xf32, #tpu.memory_space<vmem>>) offsets(%arg11 : memref<128xi32, #tpu.memory_space<vmem>>) semaphore(%arg20 : memref<!tpu.dma_semaphore, #tpu.memory_space<semaphore_mem>>)
        %dma_wait3A = arith.constant 0 : i32
        %dma_wait3A_107 = arith.constant 0 : i32
        %dma_wait3A_108 = tpu.memref_slice %arg2[%dma_wait3A, %dma_wait3A_107] : memref<100800x32xf32, #tpu.memory_space<hbm>> -> memref<100800x32xf32, #tpu.memory_space<hbm>>
        tpu.wait_indirect_dma semaphore(%arg20 : memref<!tpu.dma_semaphore, #tpu.memory_space<semaphore_mem>>) src(%dma_wait3A_108 : memref<100800x32xf32, #tpu.memory_space<hbm>>) dst(%arg13 : memref<128x32xf32, #tpu.memory_space<vmem>>)
        %scan3A_109 = arith.constant 0 : i32
        %scan3A_110 = arith.constant 0 : i32
        %scan3A_111 = arith.constant 8 : i32
        %scan3A_112 = arith.addi %scan3A_110, %scan3A_111 : i32
        %scan3A_113 = arith.constant 1 : i32
        %scan3A_114 = scf.for %scan3A_117 = %scan3A_110 to %scan3A_112 step %scan3A_113 iter_args(%scan3A_118 = %scan3A_109) -> (i32)  : i32 {
          %mul3A_119 = arith.constant 128 : i32
          %mul3A_120 = arith.muli %scan3A_49, %mul3A_119 : i32
          %mul3A_121 = arith.constant 16 : i32
          %mul3A_122 = arith.muli %scan3A_117, %mul3A_121 : i32
          %add3A_123 = arith.addi %mul3A_120, %mul3A_122 : i32
          %get3A_124 = arith.index_cast %add3A_123 : i32 to index
          %get3A_125 = tpu.vector_load %arg12[%get3A_124] {strides = array<i32>} : memref<1024xf32, #tpu.memory_space<vmem>>, vector<16xf32>,
          %mul3A_126 = arith.constant 16 : i32
          %mul3A_127 = arith.muli %scan3A_117, %mul3A_126 : i32
          %add3A_128 = arith.constant 0 : i32
          %add3A_129 = arith.addi %mul3A_127, %add3A_128 : i32
          %slice3A = vector.extract_strided_slice %get3A_125 {offsets = [0], sizes = [1], strides = [1]} : vector<16xf32> to vector<1xf32>
          %squeeze3A = vector.extract %slice3A[0] : f32 from vector<1xf32>
          %get3A_130 = arith.index_cast %add3A_129 : i32 to index
          %get3A_131 = arith.constant 0 : index
          %get3A_132 = tpu.vector_load %arg13[%get3A_130, %get3A_131] {strides = array<i32>} : memref<128x32xf32, #tpu.memory_space<vmem>>, vector<16xf32>,
          %mul3A_133 = vector.broadcast %squeeze3A : f32 to vector<16xf32>
          %mul3A_134 = arith.mulf %get3A_132, %mul3A_133 : vector<16xf32>
          %swap3A_135 = arith.index_cast %add3A_129 : i32 to index
          %swap3A_136 = arith.constant 0 : index
          %swap3A_137 = tpu.vector_load %arg14[%swap3A_135, %swap3A_136] {strides = array<i32>} : memref<128x32xf32, #tpu.memory_space<vmem>>, vector<16xf32>,
          tpu.vector_store %arg14[%swap3A_135, %swap3A_136], %mul3A_134 {strides = array<i32>} : memref<128x32xf32, #tpu.memory_space<vmem>>, vector<16xf32>,
          %get3A_138 = arith.index_cast %add3A_129 : i32 to index
          %get3A_139 = arith.constant 16 : index
          %get3A_140 = tpu.vector_load %arg13[%get3A_138, %get3A_139] {strides = array<i32>} : memref<128x32xf32, #tpu.memory_space<vmem>>, vector<16xf32>,
          %mul3A_141 = vector.broadcast %squeeze3A : f32 to vector<16xf32>
          %mul3A_142 = arith.mulf %get3A_140, %mul3A_141 : vector<16xf32>
          %swap3A_143 = arith.index_cast %add3A_129 : i32 to index
          %swap3A_144 = arith.constant 16 : index
          %swap3A_145 = tpu.vector_load %arg14[%swap3A_143, %swap3A_144] {strides = array<i32>} : memref<128x32xf32, #tpu.memory_space<vmem>>, vector<16xf32>,
          tpu.vector_store %arg14[%swap3A_143, %swap3A_144], %mul3A_142 {strides = array<i32>} : memref<128x32xf32, #tpu.memory_space<vmem>>, vector<16xf32>,
          %mul3A_146 = arith.constant 16 : i32
          %mul3A_147 = arith.muli %scan3A_117, %mul3A_146 : i32
          %add3A_148 = arith.constant 1 : i32
          %add3A_149 = arith.addi %mul3A_147, %add3A_148 : i32
          %slice3A_150 = vector.extract_strided_slice %get3A_125 {offsets = [1], sizes = [1], strides = [1]} : vector<16xf32> to vector<1xf32>
          %squeeze3A_151 = vector.extract %slice3A_150[0] : f32 from vector<1xf32>
          %get3A_152 = arith.index_cast %add3A_149 : i32 to index
          %get3A_153 = arith.constant 0 : index
          %get3A_154 = tpu.vector_load %arg13[%get3A_152, %get3A_153] {strides = array<i32>} : memref<128x32xf32, #tpu.memory_space<vmem>>, vector<16xf32>,
          %mul3A_155 = vector.broadcast %squeeze3A_151 : f32 to vector<16xf32>
          %mul3A_156 = arith.mulf %get3A_154, %mul3A_155 : vector<16xf32>
          %swap3A_157 = arith.index_cast %add3A_149 : i32 to index
          %swap3A_158 = arith.constant 0 : index
          %swap3A_159 = tpu.vector_load %arg14[%swap3A_157, %swap3A_158] {strides = array<i32>} : memref<128x32xf32, #tpu.memory_space<vmem>>, vector<16xf32>,
          tpu.vector_store %arg14[%swap3A_157, %swap3A_158], %mul3A_156 {strides = array<i32>} : memref<128x32xf32, #tpu.memory_space<vmem>>, vector<16xf32>,
          %get3A_160 = arith.index_cast %add3A_149 : i32 to index
          %get3A_161 = arith.constant 16 : index
          %get3A_162 = tpu.vector_load %arg13[%get3A_160, %get3A_161] {strides = array<i32>} : memref<128x32xf32, #tpu.memory_space<vmem>>, vector<16xf32>,
          %mul3A_163 = vector.broadcast %squeeze3A_151 : f32 to vector<16xf32>
          %mul3A_164 = arith.mulf %get3A_162, %mul3A_163 : vector<16xf32>
          %swap3A_165 = arith.index_cast %add3A_149 : i32 to index
          %swap3A_166 = arith.constant 16 : index
          %swap3A_167 = tpu.vector_load %arg14[%swap3A_165, %swap3A_166] {strides = array<i32>} : memref<128x32xf32, #tpu.memory_space<vmem>>, vector<16xf32>,
          tpu.vector_store %arg14[%swap3A_165, %swap3A_166], %mul3A_164 {strides = array<i32>} : memref<128x32xf32, #tpu.memory_space<vmem>>, vector<16xf32>,
          %mul3A_168 = arith.constant 16 : i32
          %mul3A_169 = arith.muli %scan3A_117, %mul3A_168 : i32
          %add3A_170 = arith.constant 2 : i32
          %add3A_171 = arith.addi %mul3A_169, %add3A_170 : i32
          %slice3A_172 = vector.extract_strided_slice %get3A_125 {offsets = [2], sizes = [1], strides = [1]} : vector<16xf32> to vector<1xf32>
          %squeeze3A_173 = vector.extract %slice3A_172[0] : f32 from vector<1xf32>
          %get3A_174 = arith.index_cast %add3A_171 : i32 to index
          %get3A_175 = arith.constant 0 : index
          %get3A_176 = tpu.vector_load %arg13[%get3A_174, %get3A_175] {strides = array<i32>} : memref<128x32xf32, #tpu.memory_space<vmem>>, vector<16xf32>,
          %mul3A_177 = vector.broadcast %squeeze3A_173 : f32 to vector<16xf32>
          %mul3A_178 = arith.mulf %get3A_176, %mul3A_177 : vector<16xf32>
          %swap3A_179 = arith.index_cast %add3A_171 : i32 to index
          %swap3A_180 = arith.constant 0 : index
          %swap3A_181 = tpu.vector_load %arg14[%swap3A_179, %swap3A_180] {strides = array<i32>} : memref<128x32xf32, #tpu.memory_space<vmem>>, vector<16xf32>,
          tpu.vector_store %arg14[%swap3A_179, %swap3A_180], %mul3A_178 {strides = array<i32>} : memref<128x32xf32, #tpu.memory_space<vmem>>, vector<16xf32>,
          %get3A_182 = arith.index_cast %add3A_171 : i32 to index
          %get3A_183 = arith.constant 16 : index
          %get3A_184 = tpu.vector_load %arg13[%get3A_182, %get3A_183] {strides = array<i32>} : memref<128x32xf32, #tpu.memory_space<vmem>>, vector<16xf32>,
          %mul3A_185 = vector.broadcast %squeeze3A_173 : f32 to vector<16xf32>
          %mul3A_186 = arith.mulf %get3A_184, %mul3A_185 : vector<16xf32>
          %swap3A_187 = arith.index_cast %add3A_171 : i32 to index
          %swap3A_188 = arith.constant 16 : index
          %swap3A_189 = tpu.vector_load %arg14[%swap3A_187, %swap3A_188] {strides = array<i32>} : memref<128x32xf32, #tpu.memory_space<vmem>>, vector<16xf32>,
          tpu.vector_store %arg14[%swap3A_187, %swap3A_188], %mul3A_186 {strides = array<i32>} : memref<128x32xf32, #tpu.memory_space<vmem>>, vector<16xf32>,
          %mul3A_190 = arith.constant 16 : i32
          %mul3A_191 = arith.muli %scan3A_117, %mul3A_190 : i32
          %add3A_192 = arith.constant 3 : i32
          %add3A_193 = arith.addi %mul3A_191, %add3A_192 : i32
          %slice3A_194 = vector.extract_strided_slice %get3A_125 {offsets = [3], sizes = [1], strides = [1]} : vector<16xf32> to vector<1xf32>
          %squeeze3A_195 = vector.extract %slice3A_194[0] : f32 from vector<1xf32>
          %get3A_196 = arith.index_cast %add3A_193 : i32 to index
          %get3A_197 = arith.constant 0 : index
          %get3A_198 = tpu.vector_load %arg13[%get3A_196, %get3A_197] {strides = array<i32>} : memref<128x32xf32, #tpu.memory_space<vmem>>, vector<16xf32>,
          %mul3A_199 = vector.broadcast %squeeze3A_195 : f32 to vector<16xf32>
          %mul3A_200 = arith.mulf %get3A_198, %mul3A_199 : vector<16xf32>
          %swap3A_201 = arith.index_cast %add3A_193 : i32 to index
          %swap3A_202 = arith.constant 0 : index
          %swap3A_203 = tpu.vector_load %arg14[%swap3A_201, %swap3A_202] {strides = array<i32>} : memref<128x32xf32, #tpu.memory_space<vmem>>, vector<16xf32>,
          tpu.vector_store %arg14[%swap3A_201, %swap3A_202], %mul3A_200 {strides = array<i32>} : memref<128x32xf32, #tpu.memory_space<vmem>>, vector<16xf32>,
          %get3A_204 = arith.index_cast %add3A_193 : i32 to index
          %get3A_205 = arith.constant 16 : index
          %get3A_206 = tpu.vector_load %arg13[%get3A_204, %get3A_205] {strides = array<i32>} : memref<128x32xf32, #tpu.memory_space<vmem>>, vector<16xf32>,
          %mul3A_207 = vector.broadcast %squeeze3A_195 : f32 to vector<16xf32>
          %mul3A_208 = arith.mulf %get3A_206, %mul3A_207 : vector<16xf32>
          %swap3A_209 = arith.index_cast %add3A_193 : i32 to index
          %swap3A_210 = arith.constant 16 : index
          %swap3A_211 = tpu.vector_load %arg14[%swap3A_209, %swap3A_210] {strides = array<i32>} : memref<128x32xf32, #tpu.memory_space<vmem>>, vector<16xf32>,
          tpu.vector_store %arg14[%swap3A_209, %swap3A_210], %mul3A_208 {strides = array<i32>} : memref<128x32xf32, #tpu.memory_space<vmem>>, vector<16xf32>,
          %mul3A_212 = arith.constant 16 : i32
          %mul3A_213 = arith.muli %scan3A_117, %mul3A_212 : i32
          %add3A_214 = arith.constant 4 : i32
          %add3A_215 = arith.addi %mul3A_213, %add3A_214 : i32
          %slice3A_216 = vector.extract_strided_slice %get3A_125 {offsets = [4], sizes = [1], strides = [1]} : vector<16xf32> to vector<1xf32>
          %squeeze3A_217 = vector.extract %slice3A_216[0] : f32 from vector<1xf32>
          %get3A_218 = arith.index_cast %add3A_215 : i32 to index
          %get3A_219 = arith.constant 0 : index
          %get3A_220 = tpu.vector_load %arg13[%get3A_218, %get3A_219] {strides = array<i32>} : memref<128x32xf32, #tpu.memory_space<vmem>>, vector<16xf32>,
          %mul3A_221 = vector.broadcast %squeeze3A_217 : f32 to vector<16xf32>
          %mul3A_222 = arith.mulf %get3A_220, %mul3A_221 : vector<16xf32>
          %swap3A_223 = arith.index_cast %add3A_215 : i32 to index
          %swap3A_224 = arith.constant 0 : index
          %swap3A_225 = tpu.vector_load %arg14[%swap3A_223, %swap3A_224] {strides = array<i32>} : memref<128x32xf32, #tpu.memory_space<vmem>>, vector<16xf32>,
          tpu.vector_store %arg14[%swap3A_223, %swap3A_224], %mul3A_222 {strides = array<i32>} : memref<128x32xf32, #tpu.memory_space<vmem>>, vector<16xf32>,
          %get3A_226 = arith.index_cast %add3A_215 : i32 to index
          %get3A_227 = arith.constant 16 : index
          %get3A_228 = tpu.vector_load %arg13[%get3A_226, %get3A_227] {strides = array<i32>} : memref<128x32xf32, #tpu.memory_space<vmem>>, vector<16xf32>,
          %mul3A_229 = vector.broadcast %squeeze3A_217 : f32 to vector<16xf32>
          %mul3A_230 = arith.mulf %get3A_228, %mul3A_229 : vector<16xf32>
          %swap3A_231 = arith.index_cast %add3A_215 : i32 to index
          %swap3A_232 = arith.constant 16 : index
          %swap3A_233 = tpu.vector_load %arg14[%swap3A_231, %swap3A_232] {strides = array<i32>} : memref<128x32xf32, #tpu.memory_space<vmem>>, vector<16xf32>,
          tpu.vector_store %arg14[%swap3A_231, %swap3A_232], %mul3A_230 {strides = array<i32>} : memref<128x32xf32, #tpu.memory_space<vmem>>, vector<16xf32>,
          %mul3A_234 = arith.constant 16 : i32
          %mul3A_235 = arith.muli %scan3A_117, %mul3A_234 : i32
          %add3A_236 = arith.constant 5 : i32
          %add3A_237 = arith.addi %mul3A_235, %add3A_236 : i32
          %slice3A_238 = vector.extract_strided_slice %get3A_125 {offsets = [5], sizes = [1], strides = [1]} : vector<16xf32> to vector<1xf32>
          %squeeze3A_239 = vector.extract %slice3A_238[0] : f32 from vector<1xf32>
          %get3A_240 = arith.index_cast %add3A_237 : i32 to index
          %get3A_241 = arith.constant 0 : index
          %get3A_242 = tpu.vector_load %arg13[%get3A_240, %get3A_241] {strides = array<i32>} : memref<128x32xf32, #tpu.memory_space<vmem>>, vector<16xf32>,
          %mul3A_243 = vector.broadcast %squeeze3A_239 : f32 to vector<16xf32>
          %mul3A_244 = arith.mulf %get3A_242, %mul3A_243 : vector<16xf32>
          %swap3A_245 = arith.index_cast %add3A_237 : i32 to index
          %swap3A_246 = arith.constant 0 : index
          %swap3A_247 = tpu.vector_load %arg14[%swap3A_245, %swap3A_246] {strides = array<i32>} : memref<128x32xf32, #tpu.memory_space<vmem>>, vector<16xf32>,
          tpu.vector_store %arg14[%swap3A_245, %swap3A_246], %mul3A_244 {strides = array<i32>} : memref<128x32xf32, #tpu.memory_space<vmem>>, vector<16xf32>,
          %get3A_248 = arith.index_cast %add3A_237 : i32 to index
          %get3A_249 = arith.constant 16 : index
          %get3A_250 = tpu.vector_load %arg13[%get3A_248, %get3A_249] {strides = array<i32>} : memref<128x32xf32, #tpu.memory_space<vmem>>, vector<16xf32>,
          %mul3A_251 = vector.broadcast %squeeze3A_239 : f32 to vector<16xf32>
          %mul3A_252 = arith.mulf %get3A_250, %mul3A_251 : vector<16xf32>
          %swap3A_253 = arith.index_cast %add3A_237 : i32 to index
          %swap3A_254 = arith.constant 16 : index
          %swap3A_255 = tpu.vector_load %arg14[%swap3A_253, %swap3A_254] {strides = array<i32>} : memref<128x32xf32, #tpu.memory_space<vmem>>, vector<16xf32>,
          tpu.vector_store %arg14[%swap3A_253, %swap3A_254], %mul3A_252 {strides = array<i32>} : memref<128x32xf32, #tpu.memory_space<vmem>>, vector<16xf32>,
          %mul3A_256 = arith.constant 16 : i32
          %mul3A_257 = arith.muli %scan3A_117, %mul3A_256 : i32
          %add3A_258 = arith.constant 6 : i32
          %add3A_259 = arith.addi %mul3A_257, %add3A_258 : i32
          %slice3A_260 = vector.extract_strided_slice %get3A_125 {offsets = [6], sizes = [1], strides = [1]} : vector<16xf32> to vector<1xf32>
          %squeeze3A_261 = vector.extract %slice3A_260[0] : f32 from vector<1xf32>
          %get3A_262 = arith.index_cast %add3A_259 : i32 to index
          %get3A_263 = arith.constant 0 : index
          %get3A_264 = tpu.vector_load %arg13[%get3A_262, %get3A_263] {strides = array<i32>} : memref<128x32xf32, #tpu.memory_space<vmem>>, vector<16xf32>,
          %mul3A_265 = vector.broadcast %squeeze3A_261 : f32 to vector<16xf32>
          %mul3A_266 = arith.mulf %get3A_264, %mul3A_265 : vector<16xf32>
          %swap3A_267 = arith.index_cast %add3A_259 : i32 to index
          %swap3A_268 = arith.constant 0 : index
          %swap3A_269 = tpu.vector_load %arg14[%swap3A_267, %swap3A_268] {strides = array<i32>} : memref<128x32xf32, #tpu.memory_space<vmem>>, vector<16xf32>,
          tpu.vector_store %arg14[%swap3A_267, %swap3A_268], %mul3A_266 {strides = array<i32>} : memref<128x32xf32, #tpu.memory_space<vmem>>, vector<16xf32>,
          %get3A_270 = arith.index_cast %add3A_259 : i32 to index
          %get3A_271 = arith.constant 16 : index
          %get3A_272 = tpu.vector_load %arg13[%get3A_270, %get3A_271] {strides = array<i32>} : memref<128x32xf32, #tpu.memory_space<vmem>>, vector<16xf32>,
          %mul3A_273 = vector.broadcast %squeeze3A_261 : f32 to vector<16xf32>
          %mul3A_274 = arith.mulf %get3A_272, %mul3A_273 : vector<16xf32>
          %swap3A_275 = arith.index_cast %add3A_259 : i32 to index
          %swap3A_276 = arith.constant 16 : index
          %swap3A_277 = tpu.vector_load %arg14[%swap3A_275, %swap3A_276] {strides = array<i32>} : memref<128x32xf32, #tpu.memory_space<vmem>>, vector<16xf32>,
          tpu.vector_store %arg14[%swap3A_275, %swap3A_276], %mul3A_274 {strides = array<i32>} : memref<128x32xf32, #tpu.memory_space<vmem>>, vector<16xf32>,
          %mul3A_278 = arith.constant 16 : i32
          %mul3A_279 = arith.muli %scan3A_117, %mul3A_278 : i32
          %add3A_280 = arith.constant 7 : i32
          %add3A_281 = arith.addi %mul3A_279, %add3A_280 : i32
          %slice3A_282 = vector.extract_strided_slice %get3A_125 {offsets = [7], sizes = [1], strides = [1]} : vector<16xf32> to vector<1xf32>
          %squeeze3A_283 = vector.extract %slice3A_282[0] : f32 from vector<1xf32>
          %get3A_284 = arith.index_cast %add3A_281 : i32 to index
          %get3A_285 = arith.constant 0 : index
          %get3A_286 = tpu.vector_load %arg13[%get3A_284, %get3A_285] {strides = array<i32>} : memref<128x32xf32, #tpu.memory_space<vmem>>, vector<16xf32>,
          %mul3A_287 = vector.broadcast %squeeze3A_283 : f32 to vector<16xf32>
          %mul3A_288 = arith.mulf %get3A_286, %mul3A_287 : vector<16xf32>
          %swap3A_289 = arith.index_cast %add3A_281 : i32 to index
          %swap3A_290 = arith.constant 0 : index
          %swap3A_291 = tpu.vector_load %arg14[%swap3A_289, %swap3A_290] {strides = array<i32>} : memref<128x32xf32, #tpu.memory_space<vmem>>, vector<16xf32>,
          tpu.vector_store %arg14[%swap3A_289, %swap3A_290], %mul3A_288 {strides = array<i32>} : memref<128x32xf32, #tpu.memory_space<vmem>>, vector<16xf32>,
          %get3A_292 = arith.index_cast %add3A_281 : i32 to index
          %get3A_293 = arith.constant 16 : index
          %get3A_294 = tpu.vector_load %arg13[%get3A_292, %get3A_293] {strides = array<i32>} : memref<128x32xf32, #tpu.memory_space<vmem>>, vector<16xf32>,
          %mul3A_295 = vector.broadcast %squeeze3A_283 : f32 to vector<16xf32>
          %mul3A_296 = arith.mulf %get3A_294, %mul3A_295 : vector<16xf32>
          %swap3A_297 = arith.index_cast %add3A_281 : i32 to index
          %swap3A_298 = arith.constant 16 : index
          %swap3A_299 = tpu.vector_load %arg14[%swap3A_297, %swap3A_298] {strides = array<i32>} : memref<128x32xf32, #tpu.memory_space<vmem>>, vector<16xf32>,
          tpu.vector_store %arg14[%swap3A_297, %swap3A_298], %mul3A_296 {strides = array<i32>} : memref<128x32xf32, #tpu.memory_space<vmem>>, vector<16xf32>,
          %mul3A_300 = arith.constant 16 : i32
          %mul3A_301 = arith.muli %scan3A_117, %mul3A_300 : i32
          %add3A_302 = arith.constant 8 : i32
          %add3A_303 = arith.addi %mul3A_301, %add3A_302 : i32
          %slice3A_304 = vector.extract_strided_slice %get3A_125 {offsets = [8], sizes = [1], strides = [1]} : vector<16xf32> to vector<1xf32>
          %squeeze3A_305 = vector.extract %slice3A_304[0] : f32 from vector<1xf32>
          %get3A_306 = arith.index_cast %add3A_303 : i32 to index
          %get3A_307 = arith.constant 0 : index
          %get3A_308 = tpu.vector_load %arg13[%get3A_306, %get3A_307] {strides = array<i32>} : memref<128x32xf32, #tpu.memory_space<vmem>>, vector<16xf32>,
          %mul3A_309 = vector.broadcast %squeeze3A_305 : f32 to vector<16xf32>
          %mul3A_310 = arith.mulf %get3A_308, %mul3A_309 : vector<16xf32>
          %swap3A_311 = arith.index_cast %add3A_303 : i32 to index
          %swap3A_312 = arith.constant 0 : index
          %swap3A_313 = tpu.vector_load %arg14[%swap3A_311, %swap3A_312] {strides = array<i32>} : memref<128x32xf32, #tpu.memory_space<vmem>>, vector<16xf32>,
          tpu.vector_store %arg14[%swap3A_311, %swap3A_312], %mul3A_310 {strides = array<i32>} : memref<128x32xf32, #tpu.memory_space<vmem>>, vector<16xf32>,
          %get3A_314 = arith.index_cast %add3A_303 : i32 to index
          %get3A_315 = arith.constant 16 : index
          %get3A_316 = tpu.vector_load %arg13[%get3A_314, %get3A_315] {strides = array<i32>} : memref<128x32xf32, #tpu.memory_space<vmem>>, vector<16xf32>,
          %mul3A_317 = vector.broadcast %squeeze3A_305 : f32 to vector<16xf32>
          %mul3A_318 = arith.mulf %get3A_316, %mul3A_317 : vector<16xf32>
          %swap3A_319 = arith.index_cast %add3A_303 : i32 to index
          %swap3A_320 = arith.constant 16 : index
          %swap3A_321 = tpu.vector_load %arg14[%swap3A_319, %swap3A_320] {strides = array<i32>} : memref<128x32xf32, #tpu.memory_space<vmem>>, vector<16xf32>,
          tpu.vector_store %arg14[%swap3A_319, %swap3A_320], %mul3A_318 {strides = array<i32>} : memref<128x32xf32, #tpu.memory_space<vmem>>, vector<16xf32>,
          %mul3A_322 = arith.constant 16 : i32
          %mul3A_323 = arith.muli %scan3A_117, %mul3A_322 : i32
          %add3A_324 = arith.constant 9 : i32
          %add3A_325 = arith.addi %mul3A_323, %add3A_324 : i32
          %slice3A_326 = vector.extract_strided_slice %get3A_125 {offsets = [9], sizes = [1], strides = [1]} : vector<16xf32> to vector<1xf32>
          %squeeze3A_327 = vector.extract %slice3A_326[0] : f32 from vector<1xf32>
          %get3A_328 = arith.index_cast %add3A_325 : i32 to index
          %get3A_329 = arith.constant 0 : index
          %get3A_330 = tpu.vector_load %arg13[%get3A_328, %get3A_329] {strides = array<i32>} : memref<128x32xf32, #tpu.memory_space<vmem>>, vector<16xf32>,
          %mul3A_331 = vector.broadcast %squeeze3A_327 : f32 to vector<16xf32>
          %mul3A_332 = arith.mulf %get3A_330, %mul3A_331 : vector<16xf32>
          %swap3A_333 = arith.index_cast %add3A_325 : i32 to index
          %swap3A_334 = arith.constant 0 : index
          %swap3A_335 = tpu.vector_load %arg14[%swap3A_333, %swap3A_334] {strides = array<i32>} : memref<128x32xf32, #tpu.memory_space<vmem>>, vector<16xf32>,
          tpu.vector_store %arg14[%swap3A_333, %swap3A_334], %mul3A_332 {strides = array<i32>} : memref<128x32xf32, #tpu.memory_space<vmem>>, vector<16xf32>,
          %get3A_336 = arith.index_cast %add3A_325 : i32 to index
          %get3A_337 = arith.constant 16 : index
          %get3A_338 = tpu.vector_load %arg13[%get3A_336, %get3A_337] {strides = array<i32>} : memref<128x32xf32, #tpu.memory_space<vmem>>, vector<16xf32>,
          %mul3A_339 = vector.broadcast %squeeze3A_327 : f32 to vector<16xf32>
          %mul3A_340 = arith.mulf %get3A_338, %mul3A_339 : vector<16xf32>
          %swap3A_341 = arith.index_cast %add3A_325 : i32 to index
          %swap3A_342 = arith.constant 16 : index
          %swap3A_343 = tpu.vector_load %arg14[%swap3A_341, %swap3A_342] {strides = array<i32>} : memref<128x32xf32, #tpu.memory_space<vmem>>, vector<16xf32>,
          tpu.vector_store %arg14[%swap3A_341, %swap3A_342], %mul3A_340 {strides = array<i32>} : memref<128x32xf32, #tpu.memory_space<vmem>>, vector<16xf32>,
          %mul3A_344 = arith.constant 16 : i32
          %mul3A_345 = arith.muli %scan3A_117, %mul3A_344 : i32
          %add3A_346 = arith.constant 10 : i32
          %add3A_347 = arith.addi %mul3A_345, %add3A_346 : i32
          %slice3A_348 = vector.extract_strided_slice %get3A_125 {offsets = [10], sizes = [1], strides = [1]} : vector<16xf32> to vector<1xf32>
          %squeeze3A_349 = vector.extract %slice3A_348[0] : f32 from vector<1xf32>
          %get3A_350 = arith.index_cast %add3A_347 : i32 to index
          %get3A_351 = arith.constant 0 : index
          %get3A_352 = tpu.vector_load %arg13[%get3A_350, %get3A_351] {strides = array<i32>} : memref<128x32xf32, #tpu.memory_space<vmem>>, vector<16xf32>,
          %mul3A_353 = vector.broadcast %squeeze3A_349 : f32 to vector<16xf32>
          %mul3A_354 = arith.mulf %get3A_352, %mul3A_353 : vector<16xf32>
          %swap3A_355 = arith.index_cast %add3A_347 : i32 to index
          %swap3A_356 = arith.constant 0 : index
          %swap3A_357 = tpu.vector_load %arg14[%swap3A_355, %swap3A_356] {strides = array<i32>} : memref<128x32xf32, #tpu.memory_space<vmem>>, vector<16xf32>,
          tpu.vector_store %arg14[%swap3A_355, %swap3A_356], %mul3A_354 {strides = array<i32>} : memref<128x32xf32, #tpu.memory_space<vmem>>, vector<16xf32>,
          %get3A_358 = arith.index_cast %add3A_347 : i32 to index
          %get3A_359 = arith.constant 16 : index
          %get3A_360 = tpu.vector_load %arg13[%get3A_358, %get3A_359] {strides = array<i32>} : memref<128x32xf32, #tpu.memory_space<vmem>>, vector<16xf32>,
          %mul3A_361 = vector.broadcast %squeeze3A_349 : f32 to vector<16xf32>
          %mul3A_362 = arith.mulf %get3A_360, %mul3A_361 : vector<16xf32>
          %swap3A_363 = arith.index_cast %add3A_347 : i32 to index
          %swap3A_364 = arith.constant 16 : index
          %swap3A_365 = tpu.vector_load %arg14[%swap3A_363, %swap3A_364] {strides = array<i32>} : memref<128x32xf32, #tpu.memory_space<vmem>>, vector<16xf32>,
          tpu.vector_store %arg14[%swap3A_363, %swap3A_364], %mul3A_362 {strides = array<i32>} : memref<128x32xf32, #tpu.memory_space<vmem>>, vector<16xf32>,
          %mul3A_366 = arith.constant 16 : i32
          %mul3A_367 = arith.muli %scan3A_117, %mul3A_366 : i32
          %add3A_368 = arith.constant 11 : i32
          %add3A_369 = arith.addi %mul3A_367, %add3A_368 : i32
          %slice3A_370 = vector.extract_strided_slice %get3A_125 {offsets = [11], sizes = [1], strides = [1]} : vector<16xf32> to vector<1xf32>
          %squeeze3A_371 = vector.extract %slice3A_370[0] : f32 from vector<1xf32>
          %get3A_372 = arith.index_cast %add3A_369 : i32 to index
          %get3A_373 = arith.constant 0 : index
          %get3A_374 = tpu.vector_load %arg13[%get3A_372, %get3A_373] {strides = array<i32>} : memref<128x32xf32, #tpu.memory_space<vmem>>, vector<16xf32>,
          %mul3A_375 = vector.broadcast %squeeze3A_371 : f32 to vector<16xf32>
          %mul3A_376 = arith.mulf %get3A_374, %mul3A_375 : vector<16xf32>
          %swap3A_377 = arith.index_cast %add3A_369 : i32 to index
          %swap3A_378 = arith.constant 0 : index
          %swap3A_379 = tpu.vector_load %arg14[%swap3A_377, %swap3A_378] {strides = array<i32>} : memref<128x32xf32, #tpu.memory_space<vmem>>, vector<16xf32>,
          tpu.vector_store %arg14[%swap3A_377, %swap3A_378], %mul3A_376 {strides = array<i32>} : memref<128x32xf32, #tpu.memory_space<vmem>>, vector<16xf32>,
          %get3A_380 = arith.index_cast %add3A_369 : i32 to index
          %get3A_381 = arith.constant 16 : index
          %get3A_382 = tpu.vector_load %arg13[%get3A_380, %get3A_381] {strides = array<i32>} : memref<128x32xf32, #tpu.memory_space<vmem>>, vector<16xf32>,
          %mul3A_383 = vector.broadcast %squeeze3A_371 : f32 to vector<16xf32>
          %mul3A_384 = arith.mulf %get3A_382, %mul3A_383 : vector<16xf32>
          %swap3A_385 = arith.index_cast %add3A_369 : i32 to index
          %swap3A_386 = arith.constant 16 : index
          %swap3A_387 = tpu.vector_load %arg14[%swap3A_385, %swap3A_386] {strides = array<i32>} : memref<128x32xf32, #tpu.memory_space<vmem>>, vector<16xf32>,
          tpu.vector_store %arg14[%swap3A_385, %swap3A_386], %mul3A_384 {strides = array<i32>} : memref<128x32xf32, #tpu.memory_space<vmem>>, vector<16xf32>,
          %mul3A_388 = arith.constant 16 : i32
          %mul3A_389 = arith.muli %scan3A_117, %mul3A_388 : i32
          %add3A_390 = arith.constant 12 : i32
          %add3A_391 = arith.addi %mul3A_389, %add3A_390 : i32
          %slice3A_392 = vector.extract_strided_slice %get3A_125 {offsets = [12], sizes = [1], strides = [1]} : vector<16xf32> to vector<1xf32>
          %squeeze3A_393 = vector.extract %slice3A_392[0] : f32 from vector<1xf32>
          %get3A_394 = arith.index_cast %add3A_391 : i32 to index
          %get3A_395 = arith.constant 0 : index
          %get3A_396 = tpu.vector_load %arg13[%get3A_394, %get3A_395] {strides = array<i32>} : memref<128x32xf32, #tpu.memory_space<vmem>>, vector<16xf32>,
          %mul3A_397 = vector.broadcast %squeeze3A_393 : f32 to vector<16xf32>
          %mul3A_398 = arith.mulf %get3A_396, %mul3A_397 : vector<16xf32>
          %swap3A_399 = arith.index_cast %add3A_391 : i32 to index
          %swap3A_400 = arith.constant 0 : index
          %swap3A_401 = tpu.vector_load %arg14[%swap3A_399, %swap3A_400] {strides = array<i32>} : memref<128x32xf32, #tpu.memory_space<vmem>>, vector<16xf32>,
          tpu.vector_store %arg14[%swap3A_399, %swap3A_400], %mul3A_398 {strides = array<i32>} : memref<128x32xf32, #tpu.memory_space<vmem>>, vector<16xf32>,
          %get3A_402 = arith.index_cast %add3A_391 : i32 to index
          %get3A_403 = arith.constant 16 : index
          %get3A_404 = tpu.vector_load %arg13[%get3A_402, %get3A_403] {strides = array<i32>} : memref<128x32xf32, #tpu.memory_space<vmem>>, vector<16xf32>,
          %mul3A_405 = vector.broadcast %squeeze3A_393 : f32 to vector<16xf32>
          %mul3A_406 = arith.mulf %get3A_404, %mul3A_405 : vector<16xf32>
          %swap3A_407 = arith.index_cast %add3A_391 : i32 to index
          %swap3A_408 = arith.constant 16 : index
          %swap3A_409 = tpu.vector_load %arg14[%swap3A_407, %swap3A_408] {strides = array<i32>} : memref<128x32xf32, #tpu.memory_space<vmem>>, vector<16xf32>,
          tpu.vector_store %arg14[%swap3A_407, %swap3A_408], %mul3A_406 {strides = array<i32>} : memref<128x32xf32, #tpu.memory_space<vmem>>, vector<16xf32>,
          %mul3A_410 = arith.constant 16 : i32
          %mul3A_411 = arith.muli %scan3A_117, %mul3A_410 : i32
          %add3A_412 = arith.constant 13 : i32
          %add3A_413 = arith.addi %mul3A_411, %add3A_412 : i32
          %slice3A_414 = vector.extract_strided_slice %get3A_125 {offsets = [13], sizes = [1], strides = [1]} : vector<16xf32> to vector<1xf32>
          %squeeze3A_415 = vector.extract %slice3A_414[0] : f32 from vector<1xf32>
          %get3A_416 = arith.index_cast %add3A_413 : i32 to index
          %get3A_417 = arith.constant 0 : index
          %get3A_418 = tpu.vector_load %arg13[%get3A_416, %get3A_417] {strides = array<i32>} : memref<128x32xf32, #tpu.memory_space<vmem>>, vector<16xf32>,
          %mul3A_419 = vector.broadcast %squeeze3A_415 : f32 to vector<16xf32>
          %mul3A_420 = arith.mulf %get3A_418, %mul3A_419 : vector<16xf32>
          %swap3A_421 = arith.index_cast %add3A_413 : i32 to index
          %swap3A_422 = arith.constant 0 : index
          %swap3A_423 = tpu.vector_load %arg14[%swap3A_421, %swap3A_422] {strides = array<i32>} : memref<128x32xf32, #tpu.memory_space<vmem>>, vector<16xf32>,
          tpu.vector_store %arg14[%swap3A_421, %swap3A_422], %mul3A_420 {strides = array<i32>} : memref<128x32xf32, #tpu.memory_space<vmem>>, vector<16xf32>,
          %get3A_424 = arith.index_cast %add3A_413 : i32 to index
          %get3A_425 = arith.constant 16 : index
          %get3A_426 = tpu.vector_load %arg13[%get3A_424, %get3A_425] {strides = array<i32>} : memref<128x32xf32, #tpu.memory_space<vmem>>, vector<16xf32>,
          %mul3A_427 = vector.broadcast %squeeze3A_415 : f32 to vector<16xf32>
          %mul3A_428 = arith.mulf %get3A_426, %mul3A_427 : vector<16xf32>
          %swap3A_429 = arith.index_cast %add3A_413 : i32 to index
          %swap3A_430 = arith.constant 16 : index
          %swap3A_431 = tpu.vector_load %arg14[%swap3A_429, %swap3A_430] {strides = array<i32>} : memref<128x32xf32, #tpu.memory_space<vmem>>, vector<16xf32>,
          tpu.vector_store %arg14[%swap3A_429, %swap3A_430], %mul3A_428 {strides = array<i32>} : memref<128x32xf32, #tpu.memory_space<vmem>>, vector<16xf32>,
          %mul3A_432 = arith.constant 16 : i32
          %mul3A_433 = arith.muli %scan3A_117, %mul3A_432 : i32
          %add3A_434 = arith.constant 14 : i32
          %add3A_435 = arith.addi %mul3A_433, %add3A_434 : i32
          %slice3A_436 = vector.extract_strided_slice %get3A_125 {offsets = [14], sizes = [1], strides = [1]} : vector<16xf32> to vector<1xf32>
          %squeeze3A_437 = vector.extract %slice3A_436[0] : f32 from vector<1xf32>
          %get3A_438 = arith.index_cast %add3A_435 : i32 to index
          %get3A_439 = arith.constant 0 : index
          %get3A_440 = tpu.vector_load %arg13[%get3A_438, %get3A_439] {strides = array<i32>} : memref<128x32xf32, #tpu.memory_space<vmem>>, vector<16xf32>,
          %mul3A_441 = vector.broadcast %squeeze3A_437 : f32 to vector<16xf32>
          %mul3A_442 = arith.mulf %get3A_440, %mul3A_441 : vector<16xf32>
          %swap3A_443 = arith.index_cast %add3A_435 : i32 to index
          %swap3A_444 = arith.constant 0 : index
          %swap3A_445 = tpu.vector_load %arg14[%swap3A_443, %swap3A_444] {strides = array<i32>} : memref<128x32xf32, #tpu.memory_space<vmem>>, vector<16xf32>,
          tpu.vector_store %arg14[%swap3A_443, %swap3A_444], %mul3A_442 {strides = array<i32>} : memref<128x32xf32, #tpu.memory_space<vmem>>, vector<16xf32>,
          %get3A_446 = arith.index_cast %add3A_435 : i32 to index
          %get3A_447 = arith.constant 16 : index
          %get3A_448 = tpu.vector_load %arg13[%get3A_446, %get3A_447] {strides = array<i32>} : memref<128x32xf32, #tpu.memory_space<vmem>>, vector<16xf32>,
          %mul3A_449 = vector.broadcast %squeeze3A_437 : f32 to vector<16xf32>
          %mul3A_450 = arith.mulf %get3A_448, %mul3A_449 : vector<16xf32>
          %swap3A_451 = arith.index_cast %add3A_435 : i32 to index
          %swap3A_452 = arith.constant 16 : index
          %swap3A_453 = tpu.vector_load %arg14[%swap3A_451, %swap3A_452] {strides = array<i32>} : memref<128x32xf32, #tpu.memory_space<vmem>>, vector<16xf32>,
          tpu.vector_store %arg14[%swap3A_451, %swap3A_452], %mul3A_450 {strides = array<i32>} : memref<128x32xf32, #tpu.memory_space<vmem>>, vector<16xf32>,
          %mul3A_454 = arith.constant 16 : i32
          %mul3A_455 = arith.muli %scan3A_117, %mul3A_454 : i32
          %add3A_456 = arith.constant 15 : i32
          %add3A_457 = arith.addi %mul3A_455, %add3A_456 : i32
          %slice3A_458 = vector.extract_strided_slice %get3A_125 {offsets = [15], sizes = [1], strides = [1]} : vector<16xf32> to vector<1xf32>
          %squeeze3A_459 = vector.extract %slice3A_458[0] : f32 from vector<1xf32>
          %get3A_460 = arith.index_cast %add3A_457 : i32 to index
          %get3A_461 = arith.constant 0 : index
          %get3A_462 = tpu.vector_load %arg13[%get3A_460, %get3A_461] {strides = array<i32>} : memref<128x32xf32, #tpu.memory_space<vmem>>, vector<16xf32>,
          %mul3A_463 = vector.broadcast %squeeze3A_459 : f32 to vector<16xf32>
          %mul3A_464 = arith.mulf %get3A_462, %mul3A_463 : vector<16xf32>
          %swap3A_465 = arith.index_cast %add3A_457 : i32 to index
          %swap3A_466 = arith.constant 0 : index
          %swap3A_467 = tpu.vector_load %arg14[%swap3A_465, %swap3A_466] {strides = array<i32>} : memref<128x32xf32, #tpu.memory_space<vmem>>, vector<16xf32>,
          tpu.vector_store %arg14[%swap3A_465, %swap3A_466], %mul3A_464 {strides = array<i32>} : memref<128x32xf32, #tpu.memory_space<vmem>>, vector<16xf32>,
          %get3A_468 = arith.index_cast %add3A_457 : i32 to index
          %get3A_469 = arith.constant 16 : index
          %get3A_470 = tpu.vector_load %arg13[%get3A_468, %get3A_469] {strides = array<i32>} : memref<128x32xf32, #tpu.memory_space<vmem>>, vector<16xf32>,
          %mul3A_471 = vector.broadcast %squeeze3A_459 : f32 to vector<16xf32>
          %mul3A_472 = arith.mulf %get3A_470, %mul3A_471 : vector<16xf32>
          %swap3A_473 = arith.index_cast %add3A_457 : i32 to index
          %swap3A_474 = arith.constant 16 : index
          %swap3A_475 = tpu.vector_load %arg14[%swap3A_473, %swap3A_474] {strides = array<i32>} : memref<128x32xf32, #tpu.memory_space<vmem>>, vector<16xf32>,
          tpu.vector_store %arg14[%swap3A_473, %swap3A_474], %mul3A_472 {strides = array<i32>} : memref<128x32xf32, #tpu.memory_space<vmem>>, vector<16xf32>,
          %scan3A_476 = arith.constant 0 : i32
          scf.yield %scan3A_476 : i32
        }
        %scan3A_115 = arith.constant 8 : i32
        "tpu.region"() ({
          %run_scoped3A = tpu.sem_alloc : memref<!tpu.dma_semaphore, #tpu.memory_space<semaphore_mem>>
          %dma_start3A_117 = arith.constant 0 : i32
          %dma_start3A_118 = tpu.memref_slice %arg10[%scan3A_49, %dma_start3A_117] : memref<8x128xi32, #tpu.memory_space<vmem>> -> memref<1x128xi32, #tpu.memory_space<vmem>>
          %dma_start3A_119 = tpu.memref_squeeze %dma_start3A_118 : memref<1x128xi32, #tpu.memory_space<vmem>> -> memref<128xi32, #tpu.memory_space<vmem>>
          %dma_start3A_120 = arith.constant 0 : i32
          %dma_start3A_121 = arith.constant 0 : i32
          %dma_start3A_122 = tpu.memref_slice %arg19[%dma_start3A_120, %dma_start3A_121] : memref<50176x32xf32, #tpu.memory_space<vmem_shared>> -> memref<50176x32xf32, #tpu.memory_space<vmem_shared>>
          tpu.enqueue_indirect_dma source(%arg14 : memref<128x32xf32, #tpu.memory_space<vmem>>) target(%dma_start3A_122 : memref<50176x32xf32, #tpu.memory_space<vmem_shared>>) offsets(%dma_start3A_119 : memref<128xi32, #tpu.memory_space<vmem>>) semaphore(%run_scoped3A : memref<!tpu.dma_semaphore, #tpu.memory_space<semaphore_mem>>) {add = true}
          %dma_wait3A_123 = arith.constant 0 : i32
          %dma_wait3A_124 = tpu.memref_slice %arg10[%scan3A_49, %dma_wait3A_123] : memref<8x128xi32, #tpu.memory_space<vmem>> -> memref<1x128xi32, #tpu.memory_space<vmem>>
          %dma_wait3A_125 = tpu.memref_squeeze %dma_wait3A_124 : memref<1x128xi32, #tpu.memory_space<vmem>> -> memref<128xi32, #tpu.memory_space<vmem>>
          %dma_wait3A_126 = arith.constant 0 : i32
          %dma_wait3A_127 = arith.constant 0 : i32
          %dma_wait3A_128 = tpu.memref_slice %arg19[%dma_wait3A_126, %dma_wait3A_127] : memref<50176x32xf32, #tpu.memory_space<vmem_shared>> -> memref<50176x32xf32, #tpu.memory_space<vmem_shared>>
          tpu.wait_indirect_dma semaphore(%run_scoped3A : memref<!tpu.dma_semaphore, #tpu.memory_space<semaphore_mem>>) src(%arg14 : memref<128x32xf32, #tpu.memory_space<vmem>>) dst(%dma_wait3A_128 : memref<50176x32xf32, #tpu.memory_space<vmem_shared>>)
          tpu.yield
        }) : () -> ()
        %scan3A_116 = arith.constant 0 : i32
        scf.yield %scan3A_116 : i32
      }
      %scan3A_47 = arith.constant 8 : i32
      %scan3A_48 = arith.constant 0 : i32
      scf.yield %scan3A_48 : i32
    }
    %scan3A_8 = arith.constant 50 : i32
    %barrier3A_9 = arith.constant 0 : index
    tpu.barrier barrier_id(%barrier3A_9)
    %scan3A_10 = arith.constant 0 : i32
    %scan3A_11 = arith.constant 0 : i32
    %scan3A_12 = arith.constant 28 : i32
    %scan3A_13 = arith.addi %scan3A_11, %scan3A_12 : i32
    %scan3A_14 = arith.constant 1 : i32
    %scan3A_15 = scf.for %scan3A_17 = %scan3A_11 to %scan3A_13 step %scan3A_14 iter_args(%scan3A_18 = %scan3A_10) -> (i32)  : i32 {
      %mul3A_19 = arith.constant 3136 : i32
      %mul3A_20 = arith.muli %arg1, %mul3A_19 : i32
      %mul3A_21 = arith.constant 112 : i32
      %mul3A_22 = arith.muli %scan3A_17, %mul3A_21 : i32
      %add3A = arith.addi %mul3A_20, %mul3A_22 : i32
      %multiple_of3A_23 = tpu.assume_multiple %add3A, 8 : i32
      "tpu.region"() ({
        %run_scoped3A_40 = tpu.sem_alloc : memref<!tpu.dma_semaphore, #tpu.memory_space<semaphore_mem>>
        %dma_start3A = arith.constant 0 : i32
        %dma_start3A_41 = tpu.memref_slice %arg19[%multiple_of3A_23, %dma_start3A] : memref<50176x32xf32, #tpu.memory_space<vmem_shared>> -> memref<112x32xf32, #tpu.memory_space<vmem_shared>>
        %dma_start3A_42 = arith.constant 0 : i32
        %dma_start3A_43 = tpu.memref_slice %arg19[%multiple_of3A_23, %dma_start3A_42] : memref<50176x32xf32, #tpu.memory_space<vmem_shared>> -> memref<112x32xf32, #tpu.memory_space<vmem_shared>>
        tpu.enqueue_dma source(%dma_start3A_43 : memref<112x32xf32, #tpu.memory_space<vmem_shared>>) target(%arg15 : memref<112x32xf32, #tpu.memory_space<vmem>>) target_semaphore(%run_scoped3A_40 : memref<!tpu.dma_semaphore, #tpu.memory_space<semaphore_mem>>)
        %dma_wait3A = arith.constant 0 : i32
        %dma_wait3A_44 = tpu.memref_slice %arg19[%multiple_of3A_23, %dma_wait3A] : memref<50176x32xf32, #tpu.memory_space<vmem_shared>> -> memref<112x32xf32, #tpu.memory_space<vmem_shared>>
        %dma_wait3A_45 = arith.constant 0 : i32
        %dma_wait3A_46 = tpu.memref_slice %arg19[%multiple_of3A_23, %dma_wait3A_45] : memref<50176x32xf32, #tpu.memory_space<vmem_shared>> -> memref<112x32xf32, #tpu.memory_space<vmem_shared>>
        tpu.wait_dma2 semaphore(%run_scoped3A_40 : memref<!tpu.dma_semaphore, #tpu.memory_space<semaphore_mem>>) src(%dma_wait3A_46 : memref<112x32xf32, #tpu.memory_space<vmem_shared>>) dst(%arg15 : memref<112x32xf32, #tpu.memory_space<vmem>>)
        tpu.yield
      }) : () -> ()
      %run_scoped3A = arith.constant 0 : i32
      "tpu.region"() ({
        %run_scoped3A_40 = tpu.sem_alloc : memref<!tpu.dma_semaphore, #tpu.memory_space<semaphore_mem>>
        %dma_start3A = tpu.memref_slice %arg6[%run_scoped3A, %multiple_of3A_23] : memref<2x50176xf32, #tpu.memory_space<hbm>> -> memref<1x112xf32, #tpu.memory_space<hbm>>
        %dma_start3A_41 = tpu.memref_squeeze %dma_start3A : memref<1x112xf32, #tpu.memory_space<hbm>> -> memref<112xf32, #tpu.memory_space<hbm>>
        %dma_start3A_42 = tpu.memref_slice %arg6[%run_scoped3A, %multiple_of3A_23] : memref<2x50176xf32, #tpu.memory_space<hbm>> -> memref<1x112xf32, #tpu.memory_space<hbm>>
        %dma_start3A_43 = tpu.memref_squeeze %dma_start3A_42 : memref<1x112xf32, #tpu.memory_space<hbm>> -> memref<112xf32, #tpu.memory_space<hbm>>
        tpu.enqueue_dma source(%dma_start3A_43 : memref<112xf32, #tpu.memory_space<hbm>>) target(%arg17 : memref<112xf32, #tpu.memory_space<vmem>>) target_semaphore(%run_scoped3A_40 : memref<!tpu.dma_semaphore, #tpu.memory_space<semaphore_mem>>)
        %dma_wait3A = tpu.memref_slice %arg6[%run_scoped3A, %multiple_of3A_23] : memref<2x50176xf32, #tpu.memory_space<hbm>> -> memref<1x112xf32, #tpu.memory_space<hbm>>
        %dma_wait3A_44 = tpu.memref_squeeze %dma_wait3A : memref<1x112xf32, #tpu.memory_space<hbm>> -> memref<112xf32, #tpu.memory_space<hbm>>
        %dma_wait3A_45 = tpu.memref_slice %arg6[%run_scoped3A, %multiple_of3A_23] : memref<2x50176xf32, #tpu.memory_space<hbm>> -> memref<1x112xf32, #tpu.memory_space<hbm>>
        %dma_wait3A_46 = tpu.memref_squeeze %dma_wait3A_45 : memref<1x112xf32, #tpu.memory_space<hbm>> -> memref<112xf32, #tpu.memory_space<hbm>>
        tpu.wait_dma2 semaphore(%run_scoped3A_40 : memref<!tpu.dma_semaphore, #tpu.memory_space<semaphore_mem>>) src(%dma_wait3A_46 : memref<112xf32, #tpu.memory_space<hbm>>) dst(%arg17 : memref<112xf32, #tpu.memory_space<vmem>>)
        tpu.yield
      }) : () -> ()
      %run_scoped3A_24 = arith.constant 1 : i32
      "tpu.region"() ({
        %run_scoped3A_40 = tpu.sem_alloc : memref<!tpu.dma_semaphore, #tpu.memory_space<semaphore_mem>>
        %dma_start3A = tpu.memref_slice %arg6[%run_scoped3A_24, %multiple_of3A_23] : memref<2x50176xf32, #tpu.memory_space<hbm>> -> memref<1x112xf32, #tpu.memory_space<hbm>>
        %dma_start3A_41 = tpu.memref_squeeze %dma_start3A : memref<1x112xf32, #tpu.memory_space<hbm>> -> memref<112xf32, #tpu.memory_space<hbm>>
        %dma_start3A_42 = tpu.memref_slice %arg6[%run_scoped3A_24, %multiple_of3A_23] : memref<2x50176xf32, #tpu.memory_space<hbm>> -> memref<1x112xf32, #tpu.memory_space<hbm>>
        %dma_start3A_43 = tpu.memref_squeeze %dma_start3A_42 : memref<1x112xf32, #tpu.memory_space<hbm>> -> memref<112xf32, #tpu.memory_space<hbm>>
        tpu.enqueue_dma source(%dma_start3A_43 : memref<112xf32, #tpu.memory_space<hbm>>) target(%arg18 : memref<112xf32, #tpu.memory_space<vmem>>) target_semaphore(%run_scoped3A_40 : memref<!tpu.dma_semaphore, #tpu.memory_space<semaphore_mem>>)
        %dma_wait3A = tpu.memref_slice %arg6[%run_scoped3A_24, %multiple_of3A_23] : memref<2x50176xf32, #tpu.memory_space<hbm>> -> memref<1x112xf32, #tpu.memory_space<hbm>>
        %dma_wait3A_44 = tpu.memref_squeeze %dma_wait3A : memref<1x112xf32, #tpu.memory_space<hbm>> -> memref<112xf32, #tpu.memory_space<hbm>>
        %dma_wait3A_45 = tpu.memref_slice %arg6[%run_scoped3A_24, %multiple_of3A_23] : memref<2x50176xf32, #tpu.memory_space<hbm>> -> memref<1x112xf32, #tpu.memory_space<hbm>>
        %dma_wait3A_46 = tpu.memref_squeeze %dma_wait3A_45 : memref<1x112xf32, #tpu.memory_space<hbm>> -> memref<112xf32, #tpu.memory_space<hbm>>
        tpu.wait_dma2 semaphore(%run_scoped3A_40 : memref<!tpu.dma_semaphore, #tpu.memory_space<semaphore_mem>>) src(%dma_wait3A_46 : memref<112xf32, #tpu.memory_space<hbm>>) dst(%arg18 : memref<112xf32, #tpu.memory_space<vmem>>)
        tpu.yield
      }) : () -> ()
      %scan3A_25 = arith.constant 0 : i32
      %scan3A_26 = arith.constant 0 : i32
      %scan3A_27 = arith.constant 7 : i32
      %scan3A_28 = arith.addi %scan3A_26, %scan3A_27 : i32
      %scan3A_29 = arith.constant 1 : i32
      %scan3A_30 = scf.for %scan3A_40 = %scan3A_26 to %scan3A_28 step %scan3A_29 iter_args(%scan3A_41 = %scan3A_25) -> (i32)  : i32 {
        %mul3A_42 = arith.constant 16 : i32
        %mul3A_43 = arith.muli %scan3A_40, %mul3A_42 : i32
        %get3A = arith.index_cast %mul3A_43 : i32 to index
        %get3A_44 = tpu.vector_load %arg17[%get3A] {strides = array<i32>} : memref<112xf32, #tpu.memory_space<vmem>>, vector<16xf32>,
        %mul3A_45 = arith.constant 16 : i32
        %mul3A_46 = arith.muli %scan3A_40, %mul3A_45 : i32
        %get3A_47 = arith.index_cast %mul3A_46 : i32 to index
        %get3A_48 = tpu.vector_load %arg18[%get3A_47] {strides = array<i32>} : memref<112xf32, #tpu.memory_space<vmem>>, vector<16xf32>,
        %add3A_49 = arith.addf %get3A_44, %get3A_48 : vector<16xf32>
        %gt3A = arith.constant 0.000000e+00 : f32
        %gt3A_50 = vector.broadcast %gt3A : f32 to vector<16xf32>
        %gt3A_51 = arith.cmpf ogt, %add3A_49, %gt3A_50 : vector<16xf32>
        %jit3A = arith.constant 1.000000e+00 : f32
        %broadcast_in_dim3A = vector.broadcast %jit3A : f32 to vector<16xf32>
        %select_n3A = arith.select %gt3A_51, %add3A_49, %broadcast_in_dim3A : vector<16xi1>, vector<16xf32>
        %div3A = arith.constant 1.000000e+00 : f32
        %div3A_52 = vector.broadcast %div3A : f32 to vector<16xf32>
        %div3A_53 = arith.divf %div3A_52, %select_n3A : vector<16xf32>
        %mul3A_54 = arith.constant 16 : i32
        %mul3A_55 = arith.muli %scan3A_40, %mul3A_54 : i32
        %add3A_56 = arith.constant 0 : i32
        %add3A_57 = arith.addi %mul3A_55, %add3A_56 : i32
        %slice3A = vector.extract_strided_slice %div3A_53 {offsets = [0], sizes = [1], strides = [1]} : vector<16xf32> to vector<1xf32>
        %squeeze3A = vector.extract %slice3A[0] : f32 from vector<1xf32>
        %get3A_58 = arith.index_cast %add3A_57 : i32 to index
        %get3A_59 = arith.constant 0 : index
        %get3A_60 = tpu.vector_load %arg15[%get3A_58, %get3A_59] {strides = array<i32>} : memref<112x32xf32, #tpu.memory_space<vmem>>, vector<16xf32>,
        %mul3A_61 = vector.broadcast %squeeze3A : f32 to vector<16xf32>
        %mul3A_62 = arith.mulf %get3A_60, %mul3A_61 : vector<16xf32>
        %swap3A = arith.index_cast %add3A_57 : i32 to index
        %swap3A_63 = arith.constant 0 : index
        %swap3A_64 = tpu.vector_load %arg16[%swap3A, %swap3A_63] {strides = array<i32>} : memref<112x32xf32, #tpu.memory_space<vmem>>, vector<16xf32>,
        tpu.vector_store %arg16[%swap3A, %swap3A_63], %mul3A_62 {strides = array<i32>} : memref<112x32xf32, #tpu.memory_space<vmem>>, vector<16xf32>,
        %get3A_65 = arith.index_cast %add3A_57 : i32 to index
        %get3A_66 = arith.constant 16 : index
        %get3A_67 = tpu.vector_load %arg15[%get3A_65, %get3A_66] {strides = array<i32>} : memref<112x32xf32, #tpu.memory_space<vmem>>, vector<16xf32>,
        %mul3A_68 = vector.broadcast %squeeze3A : f32 to vector<16xf32>
        %mul3A_69 = arith.mulf %get3A_67, %mul3A_68 : vector<16xf32>
        %swap3A_70 = arith.index_cast %add3A_57 : i32 to index
        %swap3A_71 = arith.constant 16 : index
        %swap3A_72 = tpu.vector_load %arg16[%swap3A_70, %swap3A_71] {strides = array<i32>} : memref<112x32xf32, #tpu.memory_space<vmem>>, vector<16xf32>,
        tpu.vector_store %arg16[%swap3A_70, %swap3A_71], %mul3A_69 {strides = array<i32>} : memref<112x32xf32, #tpu.memory_space<vmem>>, vector<16xf32>,
        %mul3A_73 = arith.constant 16 : i32
        %mul3A_74 = arith.muli %scan3A_40, %mul3A_73 : i32
        %add3A_75 = arith.constant 1 : i32
        %add3A_76 = arith.addi %mul3A_74, %add3A_75 : i32
        %slice3A_77 = vector.extract_strided_slice %div3A_53 {offsets = [1], sizes = [1], strides = [1]} : vector<16xf32> to vector<1xf32>
        %squeeze3A_78 = vector.extract %slice3A_77[0] : f32 from vector<1xf32>
        %get3A_79 = arith.index_cast %add3A_76 : i32 to index
        %get3A_80 = arith.constant 0 : index
        %get3A_81 = tpu.vector_load %arg15[%get3A_79, %get3A_80] {strides = array<i32>} : memref<112x32xf32, #tpu.memory_space<vmem>>, vector<16xf32>,
        %mul3A_82 = vector.broadcast %squeeze3A_78 : f32 to vector<16xf32>
        %mul3A_83 = arith.mulf %get3A_81, %mul3A_82 : vector<16xf32>
        %swap3A_84 = arith.index_cast %add3A_76 : i32 to index
        %swap3A_85 = arith.constant 0 : index
        %swap3A_86 = tpu.vector_load %arg16[%swap3A_84, %swap3A_85] {strides = array<i32>} : memref<112x32xf32, #tpu.memory_space<vmem>>, vector<16xf32>,
        tpu.vector_store %arg16[%swap3A_84, %swap3A_85], %mul3A_83 {strides = array<i32>} : memref<112x32xf32, #tpu.memory_space<vmem>>, vector<16xf32>,
        %get3A_87 = arith.index_cast %add3A_76 : i32 to index
        %get3A_88 = arith.constant 16 : index
        %get3A_89 = tpu.vector_load %arg15[%get3A_87, %get3A_88] {strides = array<i32>} : memref<112x32xf32, #tpu.memory_space<vmem>>, vector<16xf32>,
        %mul3A_90 = vector.broadcast %squeeze3A_78 : f32 to vector<16xf32>
        %mul3A_91 = arith.mulf %get3A_89, %mul3A_90 : vector<16xf32>
        %swap3A_92 = arith.index_cast %add3A_76 : i32 to index
        %swap3A_93 = arith.constant 16 : index
        %swap3A_94 = tpu.vector_load %arg16[%swap3A_92, %swap3A_93] {strides = array<i32>} : memref<112x32xf32, #tpu.memory_space<vmem>>, vector<16xf32>,
        tpu.vector_store %arg16[%swap3A_92, %swap3A_93], %mul3A_91 {strides = array<i32>} : memref<112x32xf32, #tpu.memory_space<vmem>>, vector<16xf32>,
        %mul3A_95 = arith.constant 16 : i32
        %mul3A_96 = arith.muli %scan3A_40, %mul3A_95 : i32
        %add3A_97 = arith.constant 2 : i32
        %add3A_98 = arith.addi %mul3A_96, %add3A_97 : i32
        %slice3A_99 = vector.extract_strided_slice %div3A_53 {offsets = [2], sizes = [1], strides = [1]} : vector<16xf32> to vector<1xf32>
        %squeeze3A_100 = vector.extract %slice3A_99[0] : f32 from vector<1xf32>
        %get3A_101 = arith.index_cast %add3A_98 : i32 to index
        %get3A_102 = arith.constant 0 : index
        %get3A_103 = tpu.vector_load %arg15[%get3A_101, %get3A_102] {strides = array<i32>} : memref<112x32xf32, #tpu.memory_space<vmem>>, vector<16xf32>,
        %mul3A_104 = vector.broadcast %squeeze3A_100 : f32 to vector<16xf32>
        %mul3A_105 = arith.mulf %get3A_103, %mul3A_104 : vector<16xf32>
        %swap3A_106 = arith.index_cast %add3A_98 : i32 to index
        %swap3A_107 = arith.constant 0 : index
        %swap3A_108 = tpu.vector_load %arg16[%swap3A_106, %swap3A_107] {strides = array<i32>} : memref<112x32xf32, #tpu.memory_space<vmem>>, vector<16xf32>,
        tpu.vector_store %arg16[%swap3A_106, %swap3A_107], %mul3A_105 {strides = array<i32>} : memref<112x32xf32, #tpu.memory_space<vmem>>, vector<16xf32>,
        %get3A_109 = arith.index_cast %add3A_98 : i32 to index
        %get3A_110 = arith.constant 16 : index
        %get3A_111 = tpu.vector_load %arg15[%get3A_109, %get3A_110] {strides = array<i32>} : memref<112x32xf32, #tpu.memory_space<vmem>>, vector<16xf32>,
        %mul3A_112 = vector.broadcast %squeeze3A_100 : f32 to vector<16xf32>
        %mul3A_113 = arith.mulf %get3A_111, %mul3A_112 : vector<16xf32>
        %swap3A_114 = arith.index_cast %add3A_98 : i32 to index
        %swap3A_115 = arith.constant 16 : index
        %swap3A_116 = tpu.vector_load %arg16[%swap3A_114, %swap3A_115] {strides = array<i32>} : memref<112x32xf32, #tpu.memory_space<vmem>>, vector<16xf32>,
        tpu.vector_store %arg16[%swap3A_114, %swap3A_115], %mul3A_113 {strides = array<i32>} : memref<112x32xf32, #tpu.memory_space<vmem>>, vector<16xf32>,
        %mul3A_117 = arith.constant 16 : i32
        %mul3A_118 = arith.muli %scan3A_40, %mul3A_117 : i32
        %add3A_119 = arith.constant 3 : i32
        %add3A_120 = arith.addi %mul3A_118, %add3A_119 : i32
        %slice3A_121 = vector.extract_strided_slice %div3A_53 {offsets = [3], sizes = [1], strides = [1]} : vector<16xf32> to vector<1xf32>
        %squeeze3A_122 = vector.extract %slice3A_121[0] : f32 from vector<1xf32>
        %get3A_123 = arith.index_cast %add3A_120 : i32 to index
        %get3A_124 = arith.constant 0 : index
        %get3A_125 = tpu.vector_load %arg15[%get3A_123, %get3A_124] {strides = array<i32>} : memref<112x32xf32, #tpu.memory_space<vmem>>, vector<16xf32>,
        %mul3A_126 = vector.broadcast %squeeze3A_122 : f32 to vector<16xf32>
        %mul3A_127 = arith.mulf %get3A_125, %mul3A_126 : vector<16xf32>
        %swap3A_128 = arith.index_cast %add3A_120 : i32 to index
        %swap3A_129 = arith.constant 0 : index
        %swap3A_130 = tpu.vector_load %arg16[%swap3A_128, %swap3A_129] {strides = array<i32>} : memref<112x32xf32, #tpu.memory_space<vmem>>, vector<16xf32>,
        tpu.vector_store %arg16[%swap3A_128, %swap3A_129], %mul3A_127 {strides = array<i32>} : memref<112x32xf32, #tpu.memory_space<vmem>>, vector<16xf32>,
        %get3A_131 = arith.index_cast %add3A_120 : i32 to index
        %get3A_132 = arith.constant 16 : index
        %get3A_133 = tpu.vector_load %arg15[%get3A_131, %get3A_132] {strides = array<i32>} : memref<112x32xf32, #tpu.memory_space<vmem>>, vector<16xf32>,
        %mul3A_134 = vector.broadcast %squeeze3A_122 : f32 to vector<16xf32>
        %mul3A_135 = arith.mulf %get3A_133, %mul3A_134 : vector<16xf32>
        %swap3A_136 = arith.index_cast %add3A_120 : i32 to index
        %swap3A_137 = arith.constant 16 : index
        %swap3A_138 = tpu.vector_load %arg16[%swap3A_136, %swap3A_137] {strides = array<i32>} : memref<112x32xf32, #tpu.memory_space<vmem>>, vector<16xf32>,
        tpu.vector_store %arg16[%swap3A_136, %swap3A_137], %mul3A_135 {strides = array<i32>} : memref<112x32xf32, #tpu.memory_space<vmem>>, vector<16xf32>,
        %mul3A_139 = arith.constant 16 : i32
        %mul3A_140 = arith.muli %scan3A_40, %mul3A_139 : i32
        %add3A_141 = arith.constant 4 : i32
        %add3A_142 = arith.addi %mul3A_140, %add3A_141 : i32
        %slice3A_143 = vector.extract_strided_slice %div3A_53 {offsets = [4], sizes = [1], strides = [1]} : vector<16xf32> to vector<1xf32>
        %squeeze3A_144 = vector.extract %slice3A_143[0] : f32 from vector<1xf32>
        %get3A_145 = arith.index_cast %add3A_142 : i32 to index
        %get3A_146 = arith.constant 0 : index
        %get3A_147 = tpu.vector_load %arg15[%get3A_145, %get3A_146] {strides = array<i32>} : memref<112x32xf32, #tpu.memory_space<vmem>>, vector<16xf32>,
        %mul3A_148 = vector.broadcast %squeeze3A_144 : f32 to vector<16xf32>
        %mul3A_149 = arith.mulf %get3A_147, %mul3A_148 : vector<16xf32>
        %swap3A_150 = arith.index_cast %add3A_142 : i32 to index
        %swap3A_151 = arith.constant 0 : index
        %swap3A_152 = tpu.vector_load %arg16[%swap3A_150, %swap3A_151] {strides = array<i32>} : memref<112x32xf32, #tpu.memory_space<vmem>>, vector<16xf32>,
        tpu.vector_store %arg16[%swap3A_150, %swap3A_151], %mul3A_149 {strides = array<i32>} : memref<112x32xf32, #tpu.memory_space<vmem>>, vector<16xf32>,
        %get3A_153 = arith.index_cast %add3A_142 : i32 to index
        %get3A_154 = arith.constant 16 : index
        %get3A_155 = tpu.vector_load %arg15[%get3A_153, %get3A_154] {strides = array<i32>} : memref<112x32xf32, #tpu.memory_space<vmem>>, vector<16xf32>,
        %mul3A_156 = vector.broadcast %squeeze3A_144 : f32 to vector<16xf32>
        %mul3A_157 = arith.mulf %get3A_155, %mul3A_156 : vector<16xf32>
        %swap3A_158 = arith.index_cast %add3A_142 : i32 to index
        %swap3A_159 = arith.constant 16 : index
        %swap3A_160 = tpu.vector_load %arg16[%swap3A_158, %swap3A_159] {strides = array<i32>} : memref<112x32xf32, #tpu.memory_space<vmem>>, vector<16xf32>,
        tpu.vector_store %arg16[%swap3A_158, %swap3A_159], %mul3A_157 {strides = array<i32>} : memref<112x32xf32, #tpu.memory_space<vmem>>, vector<16xf32>,
        %mul3A_161 = arith.constant 16 : i32
        %mul3A_162 = arith.muli %scan3A_40, %mul3A_161 : i32
        %add3A_163 = arith.constant 5 : i32
        %add3A_164 = arith.addi %mul3A_162, %add3A_163 : i32
        %slice3A_165 = vector.extract_strided_slice %div3A_53 {offsets = [5], sizes = [1], strides = [1]} : vector<16xf32> to vector<1xf32>
        %squeeze3A_166 = vector.extract %slice3A_165[0] : f32 from vector<1xf32>
        %get3A_167 = arith.index_cast %add3A_164 : i32 to index
        %get3A_168 = arith.constant 0 : index
        %get3A_169 = tpu.vector_load %arg15[%get3A_167, %get3A_168] {strides = array<i32>} : memref<112x32xf32, #tpu.memory_space<vmem>>, vector<16xf32>,
        %mul3A_170 = vector.broadcast %squeeze3A_166 : f32 to vector<16xf32>
        %mul3A_171 = arith.mulf %get3A_169, %mul3A_170 : vector<16xf32>
        %swap3A_172 = arith.index_cast %add3A_164 : i32 to index
        %swap3A_173 = arith.constant 0 : index
        %swap3A_174 = tpu.vector_load %arg16[%swap3A_172, %swap3A_173] {strides = array<i32>} : memref<112x32xf32, #tpu.memory_space<vmem>>, vector<16xf32>,
        tpu.vector_store %arg16[%swap3A_172, %swap3A_173], %mul3A_171 {strides = array<i32>} : memref<112x32xf32, #tpu.memory_space<vmem>>, vector<16xf32>,
        %get3A_175 = arith.index_cast %add3A_164 : i32 to index
        %get3A_176 = arith.constant 16 : index
        %get3A_177 = tpu.vector_load %arg15[%get3A_175, %get3A_176] {strides = array<i32>} : memref<112x32xf32, #tpu.memory_space<vmem>>, vector<16xf32>,
        %mul3A_178 = vector.broadcast %squeeze3A_166 : f32 to vector<16xf32>
        %mul3A_179 = arith.mulf %get3A_177, %mul3A_178 : vector<16xf32>
        %swap3A_180 = arith.index_cast %add3A_164 : i32 to index
        %swap3A_181 = arith.constant 16 : index
        %swap3A_182 = tpu.vector_load %arg16[%swap3A_180, %swap3A_181] {strides = array<i32>} : memref<112x32xf32, #tpu.memory_space<vmem>>, vector<16xf32>,
        tpu.vector_store %arg16[%swap3A_180, %swap3A_181], %mul3A_179 {strides = array<i32>} : memref<112x32xf32, #tpu.memory_space<vmem>>, vector<16xf32>,
        %mul3A_183 = arith.constant 16 : i32
        %mul3A_184 = arith.muli %scan3A_40, %mul3A_183 : i32
        %add3A_185 = arith.constant 6 : i32
        %add3A_186 = arith.addi %mul3A_184, %add3A_185 : i32
        %slice3A_187 = vector.extract_strided_slice %div3A_53 {offsets = [6], sizes = [1], strides = [1]} : vector<16xf32> to vector<1xf32>
        %squeeze3A_188 = vector.extract %slice3A_187[0] : f32 from vector<1xf32>
        %get3A_189 = arith.index_cast %add3A_186 : i32 to index
        %get3A_190 = arith.constant 0 : index
        %get3A_191 = tpu.vector_load %arg15[%get3A_189, %get3A_190] {strides = array<i32>} : memref<112x32xf32, #tpu.memory_space<vmem>>, vector<16xf32>,
        %mul3A_192 = vector.broadcast %squeeze3A_188 : f32 to vector<16xf32>
        %mul3A_193 = arith.mulf %get3A_191, %mul3A_192 : vector<16xf32>
        %swap3A_194 = arith.index_cast %add3A_186 : i32 to index
        %swap3A_195 = arith.constant 0 : index
        %swap3A_196 = tpu.vector_load %arg16[%swap3A_194, %swap3A_195] {strides = array<i32>} : memref<112x32xf32, #tpu.memory_space<vmem>>, vector<16xf32>,
        tpu.vector_store %arg16[%swap3A_194, %swap3A_195], %mul3A_193 {strides = array<i32>} : memref<112x32xf32, #tpu.memory_space<vmem>>, vector<16xf32>,
        %get3A_197 = arith.index_cast %add3A_186 : i32 to index
        %get3A_198 = arith.constant 16 : index
        %get3A_199 = tpu.vector_load %arg15[%get3A_197, %get3A_198] {strides = array<i32>} : memref<112x32xf32, #tpu.memory_space<vmem>>, vector<16xf32>,
        %mul3A_200 = vector.broadcast %squeeze3A_188 : f32 to vector<16xf32>
        %mul3A_201 = arith.mulf %get3A_199, %mul3A_200 : vector<16xf32>
        %swap3A_202 = arith.index_cast %add3A_186 : i32 to index
        %swap3A_203 = arith.constant 16 : index
        %swap3A_204 = tpu.vector_load %arg16[%swap3A_202, %swap3A_203] {strides = array<i32>} : memref<112x32xf32, #tpu.memory_space<vmem>>, vector<16xf32>,
        tpu.vector_store %arg16[%swap3A_202, %swap3A_203], %mul3A_201 {strides = array<i32>} : memref<112x32xf32, #tpu.memory_space<vmem>>, vector<16xf32>,
        %mul3A_205 = arith.constant 16 : i32
        %mul3A_206 = arith.muli %scan3A_40, %mul3A_205 : i32
        %add3A_207 = arith.constant 7 : i32
        %add3A_208 = arith.addi %mul3A_206, %add3A_207 : i32
        %slice3A_209 = vector.extract_strided_slice %div3A_53 {offsets = [7], sizes = [1], strides = [1]} : vector<16xf32> to vector<1xf32>
        %squeeze3A_210 = vector.extract %slice3A_209[0] : f32 from vector<1xf32>
        %get3A_211 = arith.index_cast %add3A_208 : i32 to index
        %get3A_212 = arith.constant 0 : index
        %get3A_213 = tpu.vector_load %arg15[%get3A_211, %get3A_212] {strides = array<i32>} : memref<112x32xf32, #tpu.memory_space<vmem>>, vector<16xf32>,
        %mul3A_214 = vector.broadcast %squeeze3A_210 : f32 to vector<16xf32>
        %mul3A_215 = arith.mulf %get3A_213, %mul3A_214 : vector<16xf32>
        %swap3A_216 = arith.index_cast %add3A_208 : i32 to index
        %swap3A_217 = arith.constant 0 : index
        %swap3A_218 = tpu.vector_load %arg16[%swap3A_216, %swap3A_217] {strides = array<i32>} : memref<112x32xf32, #tpu.memory_space<vmem>>, vector<16xf32>,
        tpu.vector_store %arg16[%swap3A_216, %swap3A_217], %mul3A_215 {strides = array<i32>} : memref<112x32xf32, #tpu.memory_space<vmem>>, vector<16xf32>,
        %get3A_219 = arith.index_cast %add3A_208 : i32 to index
        %get3A_220 = arith.constant 16 : index
        %get3A_221 = tpu.vector_load %arg15[%get3A_219, %get3A_220] {strides = array<i32>} : memref<112x32xf32, #tpu.memory_space<vmem>>, vector<16xf32>,
        %mul3A_222 = vector.broadcast %squeeze3A_210 : f32 to vector<16xf32>
        %mul3A_223 = arith.mulf %get3A_221, %mul3A_222 : vector<16xf32>
        %swap3A_224 = arith.index_cast %add3A_208 : i32 to index
        %swap3A_225 = arith.constant 16 : index
        %swap3A_226 = tpu.vector_load %arg16[%swap3A_224, %swap3A_225] {strides = array<i32>} : memref<112x32xf32, #tpu.memory_space<vmem>>, vector<16xf32>,
        tpu.vector_store %arg16[%swap3A_224, %swap3A_225], %mul3A_223 {strides = array<i32>} : memref<112x32xf32, #tpu.memory_space<vmem>>, vector<16xf32>,
        %mul3A_227 = arith.constant 16 : i32
        %mul3A_228 = arith.muli %scan3A_40, %mul3A_227 : i32
        %add3A_229 = arith.constant 8 : i32
        %add3A_230 = arith.addi %mul3A_228, %add3A_229 : i32
        %slice3A_231 = vector.extract_strided_slice %div3A_53 {offsets = [8], sizes = [1], strides = [1]} : vector<16xf32> to vector<1xf32>
        %squeeze3A_232 = vector.extract %slice3A_231[0] : f32 from vector<1xf32>
        %get3A_233 = arith.index_cast %add3A_230 : i32 to index
        %get3A_234 = arith.constant 0 : index
        %get3A_235 = tpu.vector_load %arg15[%get3A_233, %get3A_234] {strides = array<i32>} : memref<112x32xf32, #tpu.memory_space<vmem>>, vector<16xf32>,
        %mul3A_236 = vector.broadcast %squeeze3A_232 : f32 to vector<16xf32>
        %mul3A_237 = arith.mulf %get3A_235, %mul3A_236 : vector<16xf32>
        %swap3A_238 = arith.index_cast %add3A_230 : i32 to index
        %swap3A_239 = arith.constant 0 : index
        %swap3A_240 = tpu.vector_load %arg16[%swap3A_238, %swap3A_239] {strides = array<i32>} : memref<112x32xf32, #tpu.memory_space<vmem>>, vector<16xf32>,
        tpu.vector_store %arg16[%swap3A_238, %swap3A_239], %mul3A_237 {strides = array<i32>} : memref<112x32xf32, #tpu.memory_space<vmem>>, vector<16xf32>,
        %get3A_241 = arith.index_cast %add3A_230 : i32 to index
        %get3A_242 = arith.constant 16 : index
        %get3A_243 = tpu.vector_load %arg15[%get3A_241, %get3A_242] {strides = array<i32>} : memref<112x32xf32, #tpu.memory_space<vmem>>, vector<16xf32>,
        %mul3A_244 = vector.broadcast %squeeze3A_232 : f32 to vector<16xf32>
        %mul3A_245 = arith.mulf %get3A_243, %mul3A_244 : vector<16xf32>
        %swap3A_246 = arith.index_cast %add3A_230 : i32 to index
        %swap3A_247 = arith.constant 16 : index
        %swap3A_248 = tpu.vector_load %arg16[%swap3A_246, %swap3A_247] {strides = array<i32>} : memref<112x32xf32, #tpu.memory_space<vmem>>, vector<16xf32>,
        tpu.vector_store %arg16[%swap3A_246, %swap3A_247], %mul3A_245 {strides = array<i32>} : memref<112x32xf32, #tpu.memory_space<vmem>>, vector<16xf32>,
        %mul3A_249 = arith.constant 16 : i32
        %mul3A_250 = arith.muli %scan3A_40, %mul3A_249 : i32
        %add3A_251 = arith.constant 9 : i32
        %add3A_252 = arith.addi %mul3A_250, %add3A_251 : i32
        %slice3A_253 = vector.extract_strided_slice %div3A_53 {offsets = [9], sizes = [1], strides = [1]} : vector<16xf32> to vector<1xf32>
        %squeeze3A_254 = vector.extract %slice3A_253[0] : f32 from vector<1xf32>
        %get3A_255 = arith.index_cast %add3A_252 : i32 to index
        %get3A_256 = arith.constant 0 : index
        %get3A_257 = tpu.vector_load %arg15[%get3A_255, %get3A_256] {strides = array<i32>} : memref<112x32xf32, #tpu.memory_space<vmem>>, vector<16xf32>,
        %mul3A_258 = vector.broadcast %squeeze3A_254 : f32 to vector<16xf32>
        %mul3A_259 = arith.mulf %get3A_257, %mul3A_258 : vector<16xf32>
        %swap3A_260 = arith.index_cast %add3A_252 : i32 to index
        %swap3A_261 = arith.constant 0 : index
        %swap3A_262 = tpu.vector_load %arg16[%swap3A_260, %swap3A_261] {strides = array<i32>} : memref<112x32xf32, #tpu.memory_space<vmem>>, vector<16xf32>,
        tpu.vector_store %arg16[%swap3A_260, %swap3A_261], %mul3A_259 {strides = array<i32>} : memref<112x32xf32, #tpu.memory_space<vmem>>, vector<16xf32>,
        %get3A_263 = arith.index_cast %add3A_252 : i32 to index
        %get3A_264 = arith.constant 16 : index
        %get3A_265 = tpu.vector_load %arg15[%get3A_263, %get3A_264] {strides = array<i32>} : memref<112x32xf32, #tpu.memory_space<vmem>>, vector<16xf32>,
        %mul3A_266 = vector.broadcast %squeeze3A_254 : f32 to vector<16xf32>
        %mul3A_267 = arith.mulf %get3A_265, %mul3A_266 : vector<16xf32>
        %swap3A_268 = arith.index_cast %add3A_252 : i32 to index
        %swap3A_269 = arith.constant 16 : index
        %swap3A_270 = tpu.vector_load %arg16[%swap3A_268, %swap3A_269] {strides = array<i32>} : memref<112x32xf32, #tpu.memory_space<vmem>>, vector<16xf32>,
        tpu.vector_store %arg16[%swap3A_268, %swap3A_269], %mul3A_267 {strides = array<i32>} : memref<112x32xf32, #tpu.memory_space<vmem>>, vector<16xf32>,
        %mul3A_271 = arith.constant 16 : i32
        %mul3A_272 = arith.muli %scan3A_40, %mul3A_271 : i32
        %add3A_273 = arith.constant 10 : i32
        %add3A_274 = arith.addi %mul3A_272, %add3A_273 : i32
        %slice3A_275 = vector.extract_strided_slice %div3A_53 {offsets = [10], sizes = [1], strides = [1]} : vector<16xf32> to vector<1xf32>
        %squeeze3A_276 = vector.extract %slice3A_275[0] : f32 from vector<1xf32>
        %get3A_277 = arith.index_cast %add3A_274 : i32 to index
        %get3A_278 = arith.constant 0 : index
        %get3A_279 = tpu.vector_load %arg15[%get3A_277, %get3A_278] {strides = array<i32>} : memref<112x32xf32, #tpu.memory_space<vmem>>, vector<16xf32>,
        %mul3A_280 = vector.broadcast %squeeze3A_276 : f32 to vector<16xf32>
        %mul3A_281 = arith.mulf %get3A_279, %mul3A_280 : vector<16xf32>
        %swap3A_282 = arith.index_cast %add3A_274 : i32 to index
        %swap3A_283 = arith.constant 0 : index
        %swap3A_284 = tpu.vector_load %arg16[%swap3A_282, %swap3A_283] {strides = array<i32>} : memref<112x32xf32, #tpu.memory_space<vmem>>, vector<16xf32>,
        tpu.vector_store %arg16[%swap3A_282, %swap3A_283], %mul3A_281 {strides = array<i32>} : memref<112x32xf32, #tpu.memory_space<vmem>>, vector<16xf32>,
        %get3A_285 = arith.index_cast %add3A_274 : i32 to index
        %get3A_286 = arith.constant 16 : index
        %get3A_287 = tpu.vector_load %arg15[%get3A_285, %get3A_286] {strides = array<i32>} : memref<112x32xf32, #tpu.memory_space<vmem>>, vector<16xf32>,
        %mul3A_288 = vector.broadcast %squeeze3A_276 : f32 to vector<16xf32>
        %mul3A_289 = arith.mulf %get3A_287, %mul3A_288 : vector<16xf32>
        %swap3A_290 = arith.index_cast %add3A_274 : i32 to index
        %swap3A_291 = arith.constant 16 : index
        %swap3A_292 = tpu.vector_load %arg16[%swap3A_290, %swap3A_291] {strides = array<i32>} : memref<112x32xf32, #tpu.memory_space<vmem>>, vector<16xf32>,
        tpu.vector_store %arg16[%swap3A_290, %swap3A_291], %mul3A_289 {strides = array<i32>} : memref<112x32xf32, #tpu.memory_space<vmem>>, vector<16xf32>,
        %mul3A_293 = arith.constant 16 : i32
        %mul3A_294 = arith.muli %scan3A_40, %mul3A_293 : i32
        %add3A_295 = arith.constant 11 : i32
        %add3A_296 = arith.addi %mul3A_294, %add3A_295 : i32
        %slice3A_297 = vector.extract_strided_slice %div3A_53 {offsets = [11], sizes = [1], strides = [1]} : vector<16xf32> to vector<1xf32>
        %squeeze3A_298 = vector.extract %slice3A_297[0] : f32 from vector<1xf32>
        %get3A_299 = arith.index_cast %add3A_296 : i32 to index
        %get3A_300 = arith.constant 0 : index
        %get3A_301 = tpu.vector_load %arg15[%get3A_299, %get3A_300] {strides = array<i32>} : memref<112x32xf32, #tpu.memory_space<vmem>>, vector<16xf32>,
        %mul3A_302 = vector.broadcast %squeeze3A_298 : f32 to vector<16xf32>
        %mul3A_303 = arith.mulf %get3A_301, %mul3A_302 : vector<16xf32>
        %swap3A_304 = arith.index_cast %add3A_296 : i32 to index
        %swap3A_305 = arith.constant 0 : index
        %swap3A_306 = tpu.vector_load %arg16[%swap3A_304, %swap3A_305] {strides = array<i32>} : memref<112x32xf32, #tpu.memory_space<vmem>>, vector<16xf32>,
        tpu.vector_store %arg16[%swap3A_304, %swap3A_305], %mul3A_303 {strides = array<i32>} : memref<112x32xf32, #tpu.memory_space<vmem>>, vector<16xf32>,
        %get3A_307 = arith.index_cast %add3A_296 : i32 to index
        %get3A_308 = arith.constant 16 : index
        %get3A_309 = tpu.vector_load %arg15[%get3A_307, %get3A_308] {strides = array<i32>} : memref<112x32xf32, #tpu.memory_space<vmem>>, vector<16xf32>,
        %mul3A_310 = vector.broadcast %squeeze3A_298 : f32 to vector<16xf32>
        %mul3A_311 = arith.mulf %get3A_309, %mul3A_310 : vector<16xf32>
        %swap3A_312 = arith.index_cast %add3A_296 : i32 to index
        %swap3A_313 = arith.constant 16 : index
        %swap3A_314 = tpu.vector_load %arg16[%swap3A_312, %swap3A_313] {strides = array<i32>} : memref<112x32xf32, #tpu.memory_space<vmem>>, vector<16xf32>,
        tpu.vector_store %arg16[%swap3A_312, %swap3A_313], %mul3A_311 {strides = array<i32>} : memref<112x32xf32, #tpu.memory_space<vmem>>, vector<16xf32>,
        %mul3A_315 = arith.constant 16 : i32
        %mul3A_316 = arith.muli %scan3A_40, %mul3A_315 : i32
        %add3A_317 = arith.constant 12 : i32
        %add3A_318 = arith.addi %mul3A_316, %add3A_317 : i32
        %slice3A_319 = vector.extract_strided_slice %div3A_53 {offsets = [12], sizes = [1], strides = [1]} : vector<16xf32> to vector<1xf32>
        %squeeze3A_320 = vector.extract %slice3A_319[0] : f32 from vector<1xf32>
        %get3A_321 = arith.index_cast %add3A_318 : i32 to index
        %get3A_322 = arith.constant 0 : index
        %get3A_323 = tpu.vector_load %arg15[%get3A_321, %get3A_322] {strides = array<i32>} : memref<112x32xf32, #tpu.memory_space<vmem>>, vector<16xf32>,
        %mul3A_324 = vector.broadcast %squeeze3A_320 : f32 to vector<16xf32>
        %mul3A_325 = arith.mulf %get3A_323, %mul3A_324 : vector<16xf32>
        %swap3A_326 = arith.index_cast %add3A_318 : i32 to index
        %swap3A_327 = arith.constant 0 : index
        %swap3A_328 = tpu.vector_load %arg16[%swap3A_326, %swap3A_327] {strides = array<i32>} : memref<112x32xf32, #tpu.memory_space<vmem>>, vector<16xf32>,
        tpu.vector_store %arg16[%swap3A_326, %swap3A_327], %mul3A_325 {strides = array<i32>} : memref<112x32xf32, #tpu.memory_space<vmem>>, vector<16xf32>,
        %get3A_329 = arith.index_cast %add3A_318 : i32 to index
        %get3A_330 = arith.constant 16 : index
        %get3A_331 = tpu.vector_load %arg15[%get3A_329, %get3A_330] {strides = array<i32>} : memref<112x32xf32, #tpu.memory_space<vmem>>, vector<16xf32>,
        %mul3A_332 = vector.broadcast %squeeze3A_320 : f32 to vector<16xf32>
        %mul3A_333 = arith.mulf %get3A_331, %mul3A_332 : vector<16xf32>
        %swap3A_334 = arith.index_cast %add3A_318 : i32 to index
        %swap3A_335 = arith.constant 16 : index
        %swap3A_336 = tpu.vector_load %arg16[%swap3A_334, %swap3A_335] {strides = array<i32>} : memref<112x32xf32, #tpu.memory_space<vmem>>, vector<16xf32>,
        tpu.vector_store %arg16[%swap3A_334, %swap3A_335], %mul3A_333 {strides = array<i32>} : memref<112x32xf32, #tpu.memory_space<vmem>>, vector<16xf32>,
        %mul3A_337 = arith.constant 16 : i32
        %mul3A_338 = arith.muli %scan3A_40, %mul3A_337 : i32
        %add3A_339 = arith.constant 13 : i32
        %add3A_340 = arith.addi %mul3A_338, %add3A_339 : i32
        %slice3A_341 = vector.extract_strided_slice %div3A_53 {offsets = [13], sizes = [1], strides = [1]} : vector<16xf32> to vector<1xf32>
        %squeeze3A_342 = vector.extract %slice3A_341[0] : f32 from vector<1xf32>
        %get3A_343 = arith.index_cast %add3A_340 : i32 to index
        %get3A_344 = arith.constant 0 : index
        %get3A_345 = tpu.vector_load %arg15[%get3A_343, %get3A_344] {strides = array<i32>} : memref<112x32xf32, #tpu.memory_space<vmem>>, vector<16xf32>,
        %mul3A_346 = vector.broadcast %squeeze3A_342 : f32 to vector<16xf32>
        %mul3A_347 = arith.mulf %get3A_345, %mul3A_346 : vector<16xf32>
        %swap3A_348 = arith.index_cast %add3A_340 : i32 to index
        %swap3A_349 = arith.constant 0 : index
        %swap3A_350 = tpu.vector_load %arg16[%swap3A_348, %swap3A_349] {strides = array<i32>} : memref<112x32xf32, #tpu.memory_space<vmem>>, vector<16xf32>,
        tpu.vector_store %arg16[%swap3A_348, %swap3A_349], %mul3A_347 {strides = array<i32>} : memref<112x32xf32, #tpu.memory_space<vmem>>, vector<16xf32>,
        %get3A_351 = arith.index_cast %add3A_340 : i32 to index
        %get3A_352 = arith.constant 16 : index
        %get3A_353 = tpu.vector_load %arg15[%get3A_351, %get3A_352] {strides = array<i32>} : memref<112x32xf32, #tpu.memory_space<vmem>>, vector<16xf32>,
        %mul3A_354 = vector.broadcast %squeeze3A_342 : f32 to vector<16xf32>
        %mul3A_355 = arith.mulf %get3A_353, %mul3A_354 : vector<16xf32>
        %swap3A_356 = arith.index_cast %add3A_340 : i32 to index
        %swap3A_357 = arith.constant 16 : index
        %swap3A_358 = tpu.vector_load %arg16[%swap3A_356, %swap3A_357] {strides = array<i32>} : memref<112x32xf32, #tpu.memory_space<vmem>>, vector<16xf32>,
        tpu.vector_store %arg16[%swap3A_356, %swap3A_357], %mul3A_355 {strides = array<i32>} : memref<112x32xf32, #tpu.memory_space<vmem>>, vector<16xf32>,
        %mul3A_359 = arith.constant 16 : i32
        %mul3A_360 = arith.muli %scan3A_40, %mul3A_359 : i32
        %add3A_361 = arith.constant 14 : i32
        %add3A_362 = arith.addi %mul3A_360, %add3A_361 : i32
        %slice3A_363 = vector.extract_strided_slice %div3A_53 {offsets = [14], sizes = [1], strides = [1]} : vector<16xf32> to vector<1xf32>
        %squeeze3A_364 = vector.extract %slice3A_363[0] : f32 from vector<1xf32>
        %get3A_365 = arith.index_cast %add3A_362 : i32 to index
        %get3A_366 = arith.constant 0 : index
        %get3A_367 = tpu.vector_load %arg15[%get3A_365, %get3A_366] {strides = array<i32>} : memref<112x32xf32, #tpu.memory_space<vmem>>, vector<16xf32>,
        %mul3A_368 = vector.broadcast %squeeze3A_364 : f32 to vector<16xf32>
        %mul3A_369 = arith.mulf %get3A_367, %mul3A_368 : vector<16xf32>
        %swap3A_370 = arith.index_cast %add3A_362 : i32 to index
        %swap3A_371 = arith.constant 0 : index
        %swap3A_372 = tpu.vector_load %arg16[%swap3A_370, %swap3A_371] {strides = array<i32>} : memref<112x32xf32, #tpu.memory_space<vmem>>, vector<16xf32>,
        tpu.vector_store %arg16[%swap3A_370, %swap3A_371], %mul3A_369 {strides = array<i32>} : memref<112x32xf32, #tpu.memory_space<vmem>>, vector<16xf32>,
        %get3A_373 = arith.index_cast %add3A_362 : i32 to index
        %get3A_374 = arith.constant 16 : index
        %get3A_375 = tpu.vector_load %arg15[%get3A_373, %get3A_374] {strides = array<i32>} : memref<112x32xf32, #tpu.memory_space<vmem>>, vector<16xf32>,
        %mul3A_376 = vector.broadcast %squeeze3A_364 : f32 to vector<16xf32>
        %mul3A_377 = arith.mulf %get3A_375, %mul3A_376 : vector<16xf32>
        %swap3A_378 = arith.index_cast %add3A_362 : i32 to index
        %swap3A_379 = arith.constant 16 : index
        %swap3A_380 = tpu.vector_load %arg16[%swap3A_378, %swap3A_379] {strides = array<i32>} : memref<112x32xf32, #tpu.memory_space<vmem>>, vector<16xf32>,
        tpu.vector_store %arg16[%swap3A_378, %swap3A_379], %mul3A_377 {strides = array<i32>} : memref<112x32xf32, #tpu.memory_space<vmem>>, vector<16xf32>,
        %mul3A_381 = arith.constant 16 : i32
        %mul3A_382 = arith.muli %scan3A_40, %mul3A_381 : i32
        %add3A_383 = arith.constant 15 : i32
        %add3A_384 = arith.addi %mul3A_382, %add3A_383 : i32
        %slice3A_385 = vector.extract_strided_slice %div3A_53 {offsets = [15], sizes = [1], strides = [1]} : vector<16xf32> to vector<1xf32>
        %squeeze3A_386 = vector.extract %slice3A_385[0] : f32 from vector<1xf32>
        %get3A_387 = arith.index_cast %add3A_384 : i32 to index
        %get3A_388 = arith.constant 0 : index
        %get3A_389 = tpu.vector_load %arg15[%get3A_387, %get3A_388] {strides = array<i32>} : memref<112x32xf32, #tpu.memory_space<vmem>>, vector<16xf32>,
        %mul3A_390 = vector.broadcast %squeeze3A_386 : f32 to vector<16xf32>
        %mul3A_391 = arith.mulf %get3A_389, %mul3A_390 : vector<16xf32>
        %swap3A_392 = arith.index_cast %add3A_384 : i32 to index
        %swap3A_393 = arith.constant 0 : index
        %swap3A_394 = tpu.vector_load %arg16[%swap3A_392, %swap3A_393] {strides = array<i32>} : memref<112x32xf32, #tpu.memory_space<vmem>>, vector<16xf32>,
        tpu.vector_store %arg16[%swap3A_392, %swap3A_393], %mul3A_391 {strides = array<i32>} : memref<112x32xf32, #tpu.memory_space<vmem>>, vector<16xf32>,
        %get3A_395 = arith.index_cast %add3A_384 : i32 to index
        %get3A_396 = arith.constant 16 : index
        %get3A_397 = tpu.vector_load %arg15[%get3A_395, %get3A_396] {strides = array<i32>} : memref<112x32xf32, #tpu.memory_space<vmem>>, vector<16xf32>,
        %mul3A_398 = vector.broadcast %squeeze3A_386 : f32 to vector<16xf32>
        %mul3A_399 = arith.mulf %get3A_397, %mul3A_398 : vector<16xf32>
        %swap3A_400 = arith.index_cast %add3A_384 : i32 to index
        %swap3A_401 = arith.constant 16 : index
        %swap3A_402 = tpu.vector_load %arg16[%swap3A_400, %swap3A_401] {strides = array<i32>} : memref<112x32xf32, #tpu.memory_space<vmem>>, vector<16xf32>,
        tpu.vector_store %arg16[%swap3A_400, %swap3A_401], %mul3A_399 {strides = array<i32>} : memref<112x32xf32, #tpu.memory_space<vmem>>, vector<16xf32>,
        %scan3A_403 = arith.constant 0 : i32
        scf.yield %scan3A_403 : i32
      }
      %scan3A_31 = arith.constant 7 : i32
      %eq3A = arith.constant 0 : i32
      %eq3A_32 = arith.cmpi eq, %arg0, %eq3A : i32
      %convert_element_type3A = arith.extui %eq3A_32 : i1 to i32
      %cond3A = arith.constant 0 : i32
      %cond3A_33 = arith.cmpi ne, %convert_element_type3A, %cond3A : i32
      scf.if %cond3A_33 {
        "tpu.region"() ({
          %run_scoped3A_40 = tpu.sem_alloc : memref<!tpu.dma_semaphore, #tpu.memory_space<semaphore_mem>>
          %dma_start3A = arith.constant 0 : i32
          %dma_start3A_41 = tpu.memref_slice %arg8[%multiple_of3A_23, %dma_start3A] : memref<50176x64xf32, #tpu.memory_space<hbm>> -> memref<112x32xf32, #tpu.memory_space<hbm>>
          %dma_start3A_42 = arith.constant 0 : i32
          %dma_start3A_43 = tpu.memref_slice %arg8[%multiple_of3A_23, %dma_start3A_42] : memref<50176x64xf32, #tpu.memory_space<hbm>> -> memref<112x32xf32, #tpu.memory_space<hbm>>
          tpu.enqueue_dma source(%arg16 : memref<112x32xf32, #tpu.memory_space<vmem>>) target(%dma_start3A_43 : memref<112x32xf32, #tpu.memory_space<hbm>>) target_semaphore(%run_scoped3A_40 : memref<!tpu.dma_semaphore, #tpu.memory_space<semaphore_mem>>)
          %dma_wait3A = arith.constant 0 : i32
          %dma_wait3A_44 = tpu.memref_slice %arg8[%multiple_of3A_23, %dma_wait3A] : memref<50176x64xf32, #tpu.memory_space<hbm>> -> memref<112x32xf32, #tpu.memory_space<hbm>>
          %dma_wait3A_45 = arith.constant 0 : i32
          %dma_wait3A_46 = tpu.memref_slice %arg8[%multiple_of3A_23, %dma_wait3A_45] : memref<50176x64xf32, #tpu.memory_space<hbm>> -> memref<112x32xf32, #tpu.memory_space<hbm>>
          tpu.wait_dma2 semaphore(%run_scoped3A_40 : memref<!tpu.dma_semaphore, #tpu.memory_space<semaphore_mem>>) src(%arg16 : memref<112x32xf32, #tpu.memory_space<vmem>>) dst(%dma_wait3A_46 : memref<112x32xf32, #tpu.memory_space<hbm>>)
          tpu.yield
        }) : () -> ()
      } else {
      }
      %eq3A_34 = arith.constant 1 : i32
      %eq3A_35 = arith.cmpi eq, %arg0, %eq3A_34 : i32
      %convert_element_type3A_36 = arith.extui %eq3A_35 : i1 to i32
      %cond3A_37 = arith.constant 0 : i32
      %cond3A_38 = arith.cmpi ne, %convert_element_type3A_36, %cond3A_37 : i32
      scf.if %cond3A_38 {
        "tpu.region"() ({
          %run_scoped3A_40 = tpu.sem_alloc : memref<!tpu.dma_semaphore, #tpu.memory_space<semaphore_mem>>
          %dma_start3A = arith.constant 32 : i32
          %dma_start3A_41 = tpu.memref_slice %arg8[%multiple_of3A_23, %dma_start3A] : memref<50176x64xf32, #tpu.memory_space<hbm>> -> memref<112x32xf32, #tpu.memory_space<hbm>>
          %dma_start3A_42 = arith.constant 32 : i32
          %dma_start3A_43 = tpu.memref_slice %arg8[%multiple_of3A_23, %dma_start3A_42] : memref<50176x64xf32, #tpu.memory_space<hbm>> -> memref<112x32xf32, #tpu.memory_space<hbm>>
          tpu.enqueue_dma source(%arg16 : memref<112x32xf32, #tpu.memory_space<vmem>>) target(%dma_start3A_43 : memref<112x32xf32, #tpu.memory_space<hbm>>) target_semaphore(%run_scoped3A_40 : memref<!tpu.dma_semaphore, #tpu.memory_space<semaphore_mem>>)
          %dma_wait3A = arith.constant 32 : i32
          %dma_wait3A_44 = tpu.memref_slice %arg8[%multiple_of3A_23, %dma_wait3A] : memref<50176x64xf32, #tpu.memory_space<hbm>> -> memref<112x32xf32, #tpu.memory_space<hbm>>
          %dma_wait3A_45 = arith.constant 32 : i32
          %dma_wait3A_46 = tpu.memref_slice %arg8[%multiple_of3A_23, %dma_wait3A_45] : memref<50176x64xf32, #tpu.memory_space<hbm>> -> memref<112x32xf32, #tpu.memory_space<hbm>>
          tpu.wait_dma2 semaphore(%run_scoped3A_40 : memref<!tpu.dma_semaphore, #tpu.memory_space<semaphore_mem>>) src(%arg16 : memref<112x32xf32, #tpu.memory_space<vmem>>) dst(%dma_wait3A_46 : memref<112x32xf32, #tpu.memory_space<hbm>>)
          tpu.yield
        }) : () -> ()
      } else {
      }
      %scan3A_39 = arith.constant 0 : i32
      scf.yield %scan3A_39 : i32
    }
    %scan3A_16 = arith.constant 28 : i32
    return
  }
}

module attributes {stable_mosaic.version = 14 : i64} {
  func.func @_proj_body(%arg0: i32, %arg1: memref<400x128xf32, #tpu.memory_space<vmem>>, %arg2: memref<128x64xf32, #tpu.memory_space<vmem>>, %arg3: memref<128x64xf32, #tpu.memory_space<vmem>>, %arg4: memref<128x64xf32, #tpu.memory_space<vmem>>, %arg5: memref<128x16xf32, #tpu.memory_space<vmem>>, %arg6: memref<400x80xf32, #tpu.memory_space<vmem>>, %arg7: memref<400x80xf32, #tpu.memory_space<vmem>>, %arg8: memref<400x32xf32, #tpu.memory_space<vmem>>, %arg9: memref<400x32xf32, #tpu.memory_space<vmem>>) attributes {dimension_semantics = [#tpu.dimension_semantics<arbitrary>], iteration_bounds = array<i64: 126>, scalar_prefetch = 0 : i64, scratch_operands = 0 : i64, tpu.core_type = #tpu.core_type<tc>, window_params = [{transform_indices = @transform_0, window_bounds = array<i64: 400, 128>}, {pipeline_mode = #tpu.pipeline_mode<synchronous>, transform_indices = @transform_1, window_bounds = array<i64: 128, 64>}, {pipeline_mode = #tpu.pipeline_mode<synchronous>, transform_indices = @transform_2, window_bounds = array<i64: 128, 64>}, {pipeline_mode = #tpu.pipeline_mode<synchronous>, transform_indices = @transform_3, window_bounds = array<i64: 128, 64>}, {pipeline_mode = #tpu.pipeline_mode<synchronous>, transform_indices = @transform_4, window_bounds = array<i64: 128, 16>}, {transform_indices = @transform_5, window_bounds = array<i64: 400, 80>}, {transform_indices = @transform_6, window_bounds = array<i64: 400, 80>}, {transform_indices = @transform_7, window_bounds = array<i64: 400, 32>}, {transform_indices = @transform_8, window_bounds = array<i64: 400, 32>}]} {
    %get3A = arith.constant 0 : index
    %get3A_0 = arith.constant 0 : index
    %get3A_1 = vector.load %arg1[%get3A, %get3A_0] : memref<400x128xf32, #tpu.memory_space<vmem>>, vector<400x128xf32>
    %get3A_2 = arith.constant 0 : index
    %get3A_3 = arith.constant 0 : index
    %get3A_4 = vector.load %arg3[%get3A_2, %get3A_3] : memref<128x64xf32, #tpu.memory_space<vmem>>, vector<128x64xf32>
    %dot_general3A = arith.constant dense<0.000000e+00> : vector<400x64xf32>
    %dot_general3A_5 = tpu.matmul %get3A_1, %get3A_4, %dot_general3A {dimension_numbers = #tpu.dot_dimension_numbers<[1], [0], [0], [1], [0, 0, 1, 1], [], []>, transpose_lhs_hint = false} : vector<400x128xf32>, vector<128x64xf32>, vector<400x64xf32> -> vector<400x64xf32>
    %get3A_6 = arith.constant 0 : index
    %get3A_7 = arith.constant 0 : index
    %get3A_8 = vector.load %arg2[%get3A_6, %get3A_7] : memref<128x64xf32, #tpu.memory_space<vmem>>, vector<128x64xf32>
    %dot_general3A_9 = arith.constant dense<0.000000e+00> : vector<400x64xf32>
    %dot_general3A_10 = tpu.matmul %get3A_1, %get3A_8, %dot_general3A_9 {dimension_numbers = #tpu.dot_dimension_numbers<[1], [0], [0], [1], [0, 0, 1, 1], [], []>, transpose_lhs_hint = false} : vector<400x128xf32>, vector<128x64xf32>, vector<400x64xf32> -> vector<400x64xf32>
    %get3A_11 = arith.constant 0 : index
    %get3A_12 = arith.constant 0 : index
    %get3A_13 = vector.load %arg4[%get3A_11, %get3A_12] : memref<128x64xf32, #tpu.memory_space<vmem>>, vector<128x64xf32>
    %dot_general3A_14 = arith.constant dense<0.000000e+00> : vector<400x64xf32>
    %dot_general3A_15 = tpu.matmul %get3A_1, %get3A_13, %dot_general3A_14 {dimension_numbers = #tpu.dot_dimension_numbers<[1], [0], [0], [1], [0, 0, 1, 1], [], []>, transpose_lhs_hint = false} : vector<400x128xf32>, vector<128x64xf32>, vector<400x64xf32> -> vector<400x64xf32>
    %get3A_16 = arith.constant 0 : index
    %get3A_17 = arith.constant 0 : index
    %get3A_18 = vector.load %arg5[%get3A_16, %get3A_17] : memref<128x16xf32, #tpu.memory_space<vmem>>, vector<128x16xf32>
    %dot_general3A_19 = arith.constant dense<0.000000e+00> : vector<400x16xf32>
    %dot_general3A_20 = tpu.matmul %get3A_1, %get3A_18, %dot_general3A_19 {dimension_numbers = #tpu.dot_dimension_numbers<[1], [0], [0], [1], [0, 0, 1, 1], [], []>, transpose_lhs_hint = false} : vector<400x128xf32>, vector<128x16xf32>, vector<400x16xf32> -> vector<400x16xf32>
    %concatenate3A = tpu.concatenate %dot_general3A_5, %dot_general3A_20 in 1 : vector<400x64xf32>, vector<400x16xf32> -> vector<400x80xf32>
    %swap3A = arith.constant 0 : index
    %swap3A_21 = arith.constant 0 : index
    %swap3A_22 = vector.load %arg6[%swap3A, %swap3A_21] : memref<400x80xf32, #tpu.memory_space<vmem>>, vector<400x80xf32>
    tpu.vector_store %arg6[%swap3A, %swap3A_21], %concatenate3A {strides = array<i32>} : memref<400x80xf32, #tpu.memory_space<vmem>>, vector<400x80xf32>,
    %concatenate3A_23 = tpu.concatenate %dot_general3A_10, %dot_general3A_20 in 1 : vector<400x64xf32>, vector<400x16xf32> -> vector<400x80xf32>
    %swap3A_24 = arith.constant 0 : index
    %swap3A_25 = arith.constant 0 : index
    %swap3A_26 = vector.load %arg7[%swap3A_24, %swap3A_25] : memref<400x80xf32, #tpu.memory_space<vmem>>, vector<400x80xf32>
    tpu.vector_store %arg7[%swap3A_24, %swap3A_25], %concatenate3A_23 {strides = array<i32>} : memref<400x80xf32, #tpu.memory_space<vmem>>, vector<400x80xf32>,
    %slice3A = vector.extract_strided_slice %dot_general3A_15 {offsets = [0, 0], sizes = [400, 32], strides = [1, 1]} : vector<400x64xf32> to vector<400x32xf32>
    %swap3A_27 = arith.constant 0 : index
    %swap3A_28 = arith.constant 0 : index
    %swap3A_29 = vector.load %arg8[%swap3A_27, %swap3A_28] : memref<400x32xf32, #tpu.memory_space<vmem>>, vector<400x32xf32>
    tpu.vector_store %arg8[%swap3A_27, %swap3A_28], %slice3A {strides = array<i32>} : memref<400x32xf32, #tpu.memory_space<vmem>>, vector<400x32xf32>,
    %slice3A_30 = vector.extract_strided_slice %dot_general3A_15 {offsets = [0, 32], sizes = [400, 32], strides = [1, 1]} : vector<400x64xf32> to vector<400x32xf32>
    %swap3A_31 = arith.constant 0 : index
    %swap3A_32 = arith.constant 0 : index
    %swap3A_33 = vector.load %arg9[%swap3A_31, %swap3A_32] : memref<400x32xf32, #tpu.memory_space<vmem>>, vector<400x32xf32>
    tpu.vector_store %arg9[%swap3A_31, %swap3A_32], %slice3A_30 {strides = array<i32>} : memref<400x32xf32, #tpu.memory_space<vmem>>, vector<400x32xf32>,
    return
  }
  func.func @transform_0(%arg0: i32) -> (i32, i32) {
    %c0_i32 = arith.constant 0 : i32
    %c0_i32_0 = arith.constant 0 : i32
    return %arg0, %c0_i32 : i32, i32
  }
  func.func @transform_1(%arg0: i32) -> (i32, i32) {
    %c0_i32 = arith.constant 0 : i32
    %c0_i32_0 = arith.constant 0 : i32
    %c0_i32_1 = arith.constant 0 : i32
    return %c0_i32, %c0_i32_0 : i32, i32
  }
  func.func @transform_2(%arg0: i32) -> (i32, i32) {
    %c0_i32 = arith.constant 0 : i32
    %c0_i32_0 = arith.constant 0 : i32
    %c0_i32_1 = arith.constant 0 : i32
    return %c0_i32, %c0_i32_0 : i32, i32
  }
  func.func @transform_3(%arg0: i32) -> (i32, i32) {
    %c0_i32 = arith.constant 0 : i32
    %c0_i32_0 = arith.constant 0 : i32
    %c0_i32_1 = arith.constant 0 : i32
    return %c0_i32, %c0_i32_0 : i32, i32
  }
  func.func @transform_4(%arg0: i32) -> (i32, i32) {
    %c0_i32 = arith.constant 0 : i32
    %c0_i32_0 = arith.constant 0 : i32
    %c0_i32_1 = arith.constant 0 : i32
    return %c0_i32, %c0_i32_0 : i32, i32
  }
  func.func @transform_5(%arg0: i32) -> (i32, i32) {
    %c0_i32 = arith.constant 0 : i32
    %c0_i32_0 = arith.constant 0 : i32
    return %arg0, %c0_i32 : i32, i32
  }
  func.func @transform_6(%arg0: i32) -> (i32, i32) {
    %c0_i32 = arith.constant 0 : i32
    %c0_i32_0 = arith.constant 0 : i32
    return %arg0, %c0_i32 : i32, i32
  }
  func.func @transform_7(%arg0: i32) -> (i32, i32) {
    %c0_i32 = arith.constant 0 : i32
    %c0_i32_0 = arith.constant 0 : i32
    return %arg0, %c0_i32 : i32, i32
  }
  func.func @transform_8(%arg0: i32) -> (i32, i32) {
    %c0_i32 = arith.constant 0 : i32
    %c0_i32_0 = arith.constant 0 : i32
    return %arg0, %c0_i32 : i32, i32
  }
}

</mosaic_0001>

<sc_bundles>
// kernel: kernel.5.cloned.1.call-start
scs
__scs_entry_jumppad:
0x0: {  	(pc) =	sbr.rel $0x88, $3  }
0x1: {  	(tag) =	ssettag $0x0;
	lr =	simm.s32 $0x1  }
0x2: {  	[smem:$0x3F9B] =	sst lr;
	_ =	strace $0xD0000000  }
0x3: {  	_ = 	snop  }
0x4: {  	_ = 	snop  }
0x5: {  	_ = 	snop  }
0x6: {  	_ = 	snop  }
0x7: {  	_ = 	snop  }
__scs_overlays_trampoline_lowered:
0x8: {  	[smem:$0x3FAA] =	sst s0  }
0x9: {  	[smem:$0x3FAB] =	sst s1  }
0xa: {  	[smem:$0x3FAC] =	sst s2  }
0xb: {  	[smem:$0x3FAD] =	sst s3  }
0xc: {  	[smem:$0x3FAE] =	sst s4  }
0xd: {  	[smem:$0x3FAF] =	sst s5  }
0xe: {  	[smem:$0x3FB0] =	sst s6  }
0xf: {  	[smem:$0x3FB1] =	sst s7  }
0x10: {  	[smem:$0x3FB2] =	sst s8  }
0x11: {  	[smem:$0x3FB3] =	sst s9;
	s0 =	simm.s32 @!p0 $0x0  }
0x12: {  	s1 =	sld [smem:$0x3F99];
	s0 =	simm.s32 @p0 $0x1  }
0x13: {  	[smem:$0x3FB4] =	sst s0;
	s0 =	simm.s32 @!p1 $0x0  }
0x14: {  	s2 =	sld [smem:$0x3F98];
	s0 =	simm.s32 @p1 $0x1  }
0x15: {  	[smem:$0x3FB5] =	sst s0;
	s0 =	simm.s32 @!p2 $0x0  }
0x16: {  	s3 =	sld [smem:$0x3FDB];
	s0 =	simm.s32 @p2 $0x1  }
0x17: {  	s4 =	simm.s32 $0x1BF5;
	[smem:$0x3FB7] =	sst s0  }
0x18: {  	s0 =	sld [smem:$0x3F9A];
	_ =	swait.ge [sflag:s4], $0x0  }
0x19: {  	s7 =	sld [smem:$0x3F9B]  }
0x1a: {  	s8 =	sadd.s32 $0xFFFFE003, lr  }
0x1b: {  	s9 =	sadd.s32 $0xFFFFFEF7, lr;
	s5 =	simm.s32 $0xFFFFFFFF;
	p2 =	slt.u32 s8, $0xFFFFF086  }
0x1c: {  	p1 =	slt.u32 s9, $0xF7A;
	s5 =	simm.s32 @!p2 $0x0  }
0x1d: {  	s5 =	simm.s32 @p1 $0x1;
	p0 =	seq.s32 s7, s2  }
0x1e: {  	s7 =	smul.u32 @!p0 $0xF7A, s2;
	p2 =	seq.s32 @!p0 s5, $0x0  }
0x1f: {  	s9 =	smul.u32 $0xF7A, s1;
	s8 =	simm.s32 @!p0 $0x1BF5;
	p2 =	por !p2, p0  }
0x20: {  	[sflag:s8] =	ssyncset.s32 @!p0 $0xFFFFF086;
	s6 =	sadd.s32 @!p0 s3, s7;
	s7 =	simm.s32 @!p0 $0x108  }
0x21: {  	s3 =	sadd.s32 s3, s9;
	s6 =	sadd.s32 @!p0 $0x88, s6;
	s7 =	simm.s32 @p2 $0x1082  }
0x22: {  	[simem:s7], [sflag:s8] =	dma.local @!p0 [hbm:s6], $0xF7A  }
0x23: {  	s9 =	sor.u32 $0xD0000000, s2;
	s6 =	simm.s32 $0x108;
	_ =	swait.ge @!p0 [sflag:s8], $0x0  }
0x24: {  	s3 =	sadd.s32 $0x88, s3;
	s6 =	simm.s32 @!p1 $0x1082;
	[sflag:s4] =	ssyncset.s32 $0xFFFFF086  }
0x25: {  	[simem:s6], [sflag:s4] =	dma.local [hbm:s3], $0xF7A  }
0x26: {  	[smem:$0x3F9B] =	sst s1;
	(tag) =	ssettag s2;
	_ =	strace s9  }
0x27: {  	s1 =	sld [smem:$0x3FAB]  }
0x28: {  	s2 =	sld [smem:$0x3FAC]  }
0x29: {  	s4 =	sld [smem:$0x3FAE]  }
0x2a: {  	p0 =	seq.s32 s5, $0x0;
	s5 =	sld [smem:$0x3FAF]  }
0x2b: {  	s6 =	sld [smem:$0x3FB0]  }
0x2c: {  	s7 =	sld [smem:$0x3FB1]  }
0x2d: {  	s3 =	simm.s32 $0x108;
	s8 =	sld [smem:$0x3FB2]  }
0x2e: {  	s3 =	simm.s32 @!p0 $0x1082;
	s9 =	sld [smem:$0x3FB3]  }
0x2f: {  	lr =	sadd.s32 s0, s3;
	s0 =	sld [smem:$0x3FAA]  }
0x30: {  	s3 =	sld [smem:$0x3FAD]  }
0x31: {  	[smem:$0x3FB6] =	sst s10  }
0x32: {  	s10 =	sld [smem:$0x3FB4];
	_ =	sdelay $0x3  }
0x33: {  	p0 =	seq.s32 s10, $0x1;
	s10 =	sld [smem:$0x3FB6];
	_ =	sdelay $0x3  }
0x34: {  	[smem:$0x3FB6] =	sst s10  }
0x35: {  	s10 =	sld [smem:$0x3FB5];
	_ =	sdelay $0x3  }
0x36: {  	p1 =	seq.s32 s10, $0x1;
	s10 =	sld [smem:$0x3FB6];
	_ =	sdelay $0x3  }
0x37: {  	[smem:$0x3FB6] =	sst s10  }
0x38: {  	s10 =	sld [smem:$0x3FB7]  }
0x39: {  	_ = 	snop;
	(pc) =	sbr.ind lr, $3  }
0x3a: {  	_ = 	snop  }
0x3b: {  	_ = 	snop  }
0x3c: {  	p2 =	seq.s32 s10, $0x1;
	s10 =	sld [smem:$0x3FB6]  }
0x3d: {  	_ =	shalt  }
0x3e: {  	_ =	shalt  }
0x3f: {  	_ =	shalt  }
0x40: {  	_ =	shalt  }
0x41: {  	_ =	shalt  }
0x42: {  	_ =	shalt  }
0x43: {  	_ =	shalt  }
0x44: {  	_ =	shalt  }
0x45: {  	_ =	shalt  }
0x46: {  	_ =	shalt  }
0x47: {  	_ =	shalt  }
0x48: {  	_ =	shalt  }
0x49: {  	_ =	shalt  }
0x4a: {  	_ =	shalt  }
0x4b: {  	_ =	shalt  }
0x4c: {  	_ =	shalt  }
0x4d: {  	_ =	shalt  }
0x4e: {  	_ =	shalt  }
0x4f: {  	_ =	shalt  }
0x50: {  	_ =	shalt  }
0x51: {  	_ =	shalt  }
0x52: {  	_ =	shalt  }
0x53: {  	_ =	shalt  }
0x54: {  	_ =	shalt  }
0x55: {  	_ =	shalt  }
0x56: {  	_ =	shalt  }
0x57: {  	_ =	shalt  }
0x58: {  	_ =	shalt  }
0x59: {  	_ =	shalt  }
0x5a: {  	_ =	shalt  }
0x5b: {  	_ =	shalt  }
0x5c: {  	_ =	shalt  }
0x5d: {  	_ =	shalt  }
0x5e: {  	_ =	shalt  }
0x5f: {  	_ =	shalt  }
0x60: {  	_ =	shalt  }
0x61: {  	_ =	shalt  }
0x62: {  	_ =	shalt  }
0x63: {  	_ =	shalt  }
0x64: {  	_ =	shalt  }
0x65: {  	_ =	shalt  }
0x66: {  	_ =	shalt  }
0x67: {  	_ =	shalt  }
0x68: {  	_ =	shalt  }
0x69: {  	_ =	shalt  }
0x6a: {  	_ =	shalt  }
0x6b: {  	_ =	shalt  }
0x6c: {  	_ =	shalt  }
0x6d: {  	_ =	shalt  }
0x6e: {  	_ =	shalt  }
0x6f: {  	_ =	shalt  }
0x70: {  	_ =	shalt  }
0x71: {  	_ =	shalt  }
0x72: {  	_ =	shalt  }
0x73: {  	_ =	shalt  }
0x74: {  	_ =	shalt  }
0x75: {  	_ =	shalt  }
0x76: {  	_ =	shalt  }
0x77: {  	_ =	shalt  }
0x78: {  	_ =	shalt  }
0x79: {  	_ =	shalt  }
0x7a: {  	_ =	shalt  }
0x7b: {  	_ =	shalt  }
0x7c: {  	_ =	shalt  }
0x7d: {  	_ =	shalt  }
0x7e: {  	_ =	shalt  }
0x7f: {  	_ =	shalt  }
0x80: {  	_ =	shalt  }
0x81: {  	_ =	shalt  }
0x82: {  	_ =	shalt  }
0x83: {  	_ =	shalt  }
0x84: {  	_ =	shalt  }
0x85: {  	_ =	shalt  }
0x86: {  	_ =	shalt  }
0x87: {  	_ =	shalt  }
.Lfunc_end0:
.L_simem_size_0:
called_computation_lowered:
.L_overlay_start_0:
0x88: {  	s2 =	sld [smem:$0x3FD9]  }
0x89: {  	s3 =	sld [smem:$0x3FFE];
	_ =	sdelay $0x1  }
0x8a: {  	s1 =	srdreg.scid  }
0x8b: {  	s0 =	sand.u32 $0x1, s1  }
0x8c: {  	s17 =	sshll.u32 s0, $0xA;
	s2 =	sadd.s32 s3, s2  }
0x8d: {  	s2 =	sadd.s32 s2, s17  }
0x8e: {  	[smem:$0x3FC2] =	sst s2  }
0x8f: {  	_ = 	snop  }
0x90: {  	s2 =	sld [smem:$0x3FD0];
	(tm) =	ssettm $0x1  }
0x91: {  	s18 =	sld [smem:$0x3FFB];
	_ =	sdelay $0x3  }
0x92: {  	_ =	strace s18  }
0x93: {  	s3 =	sld [smem:$0x3FFC];
	_ =	sdelay $0x3  }
0x94: {  	_ =	strace s3  }
0x95: {  	s3 =	sld [smem:$0x3FFD];
	_ =	sdelay $0x3  }
0x96: {  	_ =	strace s3  }
0x97: {  	_ =	strace $0x8FFFFFFF  }
0x98: {  	s19 =	sld [smem:$0x3FDB];
	_ =	sdelay $0x1  }
0x99: {  	s4 =	simm.s32 $_scs_section_size  }
0x9a: {  	s5 =	simm.s32 $_size__tile_overlayer_lowered;
	s6 =	simm.s32 $_tile_overlayer_lowered  }
0x9b: {  	s22 =	simm.s32 $0x1BFF;
	s21 =	sshll.u32 s6, $0x1;
	s3 =	sadd.s32 s4, s19  }
0x9c: {  	s7 =	simm.s32 $0x0;
	s20 =	sshll.u32 s5, $0x1;
	s5 =	sadd.s32 s21, s3  }
0x9d: {  	[timem:s7], [sflag:s22] =	dma.local [hbm:s5], s20  }
0x9e: {  	_ =	swait.ge [sflag:s22], s20  }
0x9f: {  	s4 =	ssub.s32 $0x0, s20;
	[sflag:s22] =	ssyncset.done $0x0  }
0xa0: {  	[sflag:s22] =	ssyncadd.s32 s4;
	_ =	sdelay $0x1  }
0xa1: {  	s23 =	simm.s32 $0x1B8B  }
0xa2: {  	_ =	swait.ge [sflag:s23], $0x1  }
0xa3: {  	[sflag:s23] =	ssyncset.done $0x0  }
0xa4: {  	s25 =	simm.s32 $0x1B8E;
	s24 =	sld [smem:$0x3FFE];
	[sflag:s23] =	ssyncadd.s32 $0xFFFFFFFF  }
0xa5: {  	s26 =	simm.s32 $execute0_lowered;
	[smem:$0x3FD2] =	sst s25  }
0xa6: {  	s5 =	sshll.u32 s26, $0x1;
	_ =	strace $0x80000046;
	[dreg:$0x1] =	wrdreg $0xFFFFFFFF  }
0xa7: {  	s28 =	simm.s32 $_size_execute0_lowered;
	s3 =	sadd.s32 s3, s5;
	[dreg:$0x0] =	wrdreg $0x0  }
0xa8: {  	s5 =	sshll.u32 s28, $0x1;
	[dreg:$0x2] =	wrdreg s3  }
0xa9: {  	[dreg:$0x3] =	wrdreg s5  }
0xaa: {  	[dreg:$0x4] =	wrdreg $0xC0  }
0xab: {  	_ =	task [dreg:s7], $0x5FFFF  }
0xac: {  	[dreg:$0x1] =	wrdreg $0xFFFFFFFF  }
0xad: {  	[dreg:$0x0] =	wrdreg $0x60  }
0xae: {  	[dreg:$0x2] =	wrdreg s24  }
0xaf: {  	[dreg:$0x3] =	wrdreg s2  }
0xb0: {  	[dreg:$0x4] =	wrdreg $0x6B700  }
0xb1: {  	[dreg:$0x5] =	wrdreg $0x9  }
0xb2: {  	_ =	task.clear_ibuf [dreg:s7], $0x6FFFF;
	_ =	strace $0x90000046  }
0xb3: {  	s29 =	simm.s32 $0x9;
	_ =	strace $0x80000048  }
0xb4: {  	_ =	swait.ge [sflag:s29], $0x1  }
0xb5: {  	[sflag:s29] =	ssyncadd.s32 $0xFFFFFFFF  }
0xb6: {  	_ =	strace $0x90000048  }
0xb7: {  	_ =	sfence  }
0xb8: {  	s30 =	sld [smem:$0x0];
	_ =	sdelay $0x2  }
0xb9: {  	s31 =	sshll.u32 s1, $0xD;
	s1 =	sshrl.u32 s1, $0x2  }
0xba: {  	s3 =	sand.u32 $0x4000, s31;
	s1 =	sadd.s32 s1, s30  }
0xbb: {  	s0 =	sor.u32 s3, s0;
	s1 =	sshll.u32 s1, $0x11  }
0xbc: {  	s0 =	sor.u32 s1, s0  }
0xbd: {  	s0 =	sadd.s32 $0x8F2B, s0  }
0xbe: {  	[sflag:s0] =	ssyncadd.remote.s32 $0x1  }
0xbf: {  	_ =	sfence.sel $0xFFFF  }
0xc0: {  	[dreg:$0x0] =	wrdreg $0xFFFFFFFF;
	(pc) =	sbr.abs _section_cstart, $3  }
0xc1: {  	[dreg:$0x1] =	wrdreg $0xFFFFFFFF  }
0xc2: {  	_ =	task.clear_ibuf [dreg:s7], $0x2FFFF;
	_ =	strace $0x9FFFFFFF  }
0xc3: {  	(tm) =	ssettm $0x7FFFFFFF  }
tec
execute0_lowered:
.L_overlay_start_1:
0x0: {  	(tag) =	ssettag $0x1  }
0x1: {  	s0 =	rddreg [dreg:$0x0]  }
0x2: {  	s1 =	rddreg [dreg:$0x1]  }
0x3: {  	s2 =	rddreg [dreg:$0x2]  }
0x4: {  	s3 =	simm.s32 $0x0;
	s5 =	srdreg.scid;
	s14 =	stileid.u32  }
0x5: {  	s17 =	simm.s32 $0x2;
	s18 =	simm.s32 $0x400;
	s19 =	simm.s32 $0x80  }
0x6: {  	s20 =	simm.s32 $0x800;
	s21 =	simm.s32 $0x1;
	s22 =	simm.s32 $0x3000  }
0x7: {  	s23 =	simm.s32 $0x5C00;
	s24 =	simm.s32 $0x5800;
	s28 =	simm.s32 $0x0  }
0x8: {  	[smem:$0x7FF] =	sst s3;
	s4 =	sadd.s32 $0x7DE00, s0;
	s6 =	sadd.s32 $0x2C00, s0  }
0x9: {  	s7 =	sadd.s32 $0xF9000, s0;
	s5 =	sand.u32 $0x1, s5;
	s9 =	sadd.s32 $0x113A00, s0  }
0xa: {  	s8 =	sadd.s32 $0x112000, s0;
	s12 =	smul.u32 $0x31000, s14;
	s10 =	sadd.s32 $0x12CA00, s0  }
0xb: {  	s29 =	sshll.u32 s14, $0x1;
	_ =	strace $0x80000047;
	s25 =	ssub.s32 $0x2, s5  }
0xc: {  	vm0 =	vmmov $0x1;
	[dreg:$0x4] =	wrdreg s8;
	s11 =	sshrl.u32 s25, $0x1;
	s12 =	sshrl.u32 s12, $0x2  }
0xd: {  	vm1 =	vcmask $0x704;
	vm2 =	vcmask $0xB08;
	vm3 =	vcmask $0xF0C;
	s26 =	ssub.s32 s25, s11;
	s11 =	smul.u32 $0xC40, s14;
	s14 =	sshll.u32 s14, $0x6  }
0xe: {  	vm4 =	vcmask $0x1310;
	vm5 =	vcmask $0x1714;
	vm6 =	vcmask $0x1B18;
	s8 =	sor.u32 s5, s29;
	s13 =	sadd.s32 s12, s2;
	s30 =	sor.u32 $0x1C02, s14  }
0xf: {  	vm7 =	vcmask $0x1F1C;
	vm8 =	vcmask $0x2320;
	vm9 =	vcmask $0x2724;
	s12 =	smul.u32 $0x6400, s8;
	s0 =	smax.u32 s26, $0x1;
	[dreg:$0x5] =	wrdreg s30  }
0x10: {  	vm10 =	vcmask $0x2B28;
	vm11 =	vcmask $0x2F2C;
	vm12 =	vcmask $0x3330;
	s25 =	simm.s32 $0x6400;
	s31 =	sshrl.u32 s13, $0x3;
	[dreg:$0x6] =	wrdreg s0  }
0x11: {  	vm13 =	vcmask $0x3734;
	vm14 =	vcmask $0x3B38;
	vm15 =	vmmov $0x7fff;
	s14 =	smul.u32 $0xC400, s5;
	s26 =	simm.s32 $0x6B00;
	[dreg:$0x7] =	wrdreg s31  }
.LBB2_1:
0x12: {  	s0 =	rddreg [dreg:$0x4]  }
0x13: {  	s5 =	rddreg [dreg:$0x5]  }
0x14: {  	s8 =	rddreg [dreg:$0x7]  }
0x15: {  	[spmem:s8], [sflag:s5] =	dma.local [hbm:s0], $0x1880  }
0x16: {  	_ =	swait.ge [sflag:s17], $0x1880  }
0x17: {  	[sflag:s17] =	ssyncset.done $0x0  }
0x18: {  	[sflag:s17] =	ssyncadd.s32 $0xFFFFE780  }
0x19: {  	s29 =	simm.s32 $0x0;
	[bflag:$0x0] =	sbarrier.arrive $0xFFFF  }
.LBB2_2:
0x1a: {  	s0 =	sshll.u32 s29, $0xA  }
0x1b: {  	s0 =	sadd.s32 s12, s0  }
0x1c: {  	s30 =	sshrl.u32 s0, $0x3  }
0x1d: {  	s31 =	simm.s32 $0x0;
	s0 =	sadd.s32 s1, s30  }
0x1e: {  	[tilespmem:s31], [sflag:$0x2] =	stream.linear.gather [hbm4b:s0+s31], $0x400, $0x38;
	[tilespmem:$0x12F70] =	vst v63  }
0x1f: {  	_ =	swait.ge [sflag:s17], $0x400  }
0x20: {  	[sflag:s17] =	ssyncset.done $0x0  }
0x21: {  	s16 =	sadd.s32 s7, s30;
	[sflag:s17] =	ssyncadd.s32 $0xFFFFFC00  }
0x22: {  	[tilespmem:s18], [sflag:$0x2] =	stream.linear.gather [hbm4b:s16+s31], $0x400, $0x38;
	[tilespmem:$0x12F70] =	vst v63  }
0x23: {  	_ =	swait.ge [sflag:s17], $0x400  }
0x24: {  	[sflag:s17] =	ssyncset.done $0x0  }
0x25: {  	s13 =	simm.s32 $0x5800;
	[sflag:s17] =	ssyncadd.s32 $0xFFFFFC00  }
.LBB2_3:
0x26: {  	s0 =	sshll.u32 s31, $0x7  }
0x27: {  	[tilespmem:s20], [sflag:$0x1] =	stream.indirect.gather [hbm4b:s4+s19], $0x50, s0, s19, $0xb8;
	[tilespmem:$0x12F70] =	vst v63  }
0x28: {  	_ =	swait.ge [sflag:s21], $0x2800  }
0x29: {  	[sflag:s21] =	ssyncset.done $0x0  }
0x2a: {  	s5 =	sadd.s32 $0x400, s0;
	[sflag:s21] =	ssyncadd.s32 $0xFFFFD800  }
0x2b: {  	[tilespmem:s22], [sflag:$0x1] =	stream.indirect.gather [hbm4b:s6+s19], $0x50, s5, s19, $0xb8;
	[tilespmem:$0x12F70] =	vst v63  }
0x2c: {  	_ =	swait.ge [sflag:s21], $0x2800  }
0x2d: {  	s8 =	simm.s32 $0x5C80;
	[sflag:s21] =	ssyncset.done $0x0  }
0x2e: {  	s15 =	simm.s32 $0x0;
	s0 =	smov.u32 s13;
	[sflag:s21] =	ssyncadd.s32 $0xFFFFD800  }
.LBB2_4:
0x2f: {  	s16 =	sshra.s32 s15, $0x2  }
0x30: {  	v19 =	vld [tilespmem:s16+$0x800]  }
0x31: {  	v28 =	vld [tilespmem:s16+$0x3000]  }
0x32: {  	v18 =	vld [tilespmem:s16+$0x810]  }
0x33: {  	v14 =	vld [tilespmem:s16+$0x3010]  }
0x34: {  	v26 =	vld [tilespmem:s16+$0x820]  }
0x35: {  	v38 =	vld [tilespmem:s16+$0x3020]  }
0x36: {  	v43 =	vld [tilespmem:s16+$0x830]  }
0x37: {  	v44 =	vld [tilespmem:s16+$0x3030]  }
0x38: {  	v0 =	vld [tilespmem:s16+$0x840]  }
0x39: {  	v21 =	vld [tilespmem:s16+$0x3040]  }
0x3a: {  	v47 =	vld [tilespmem:s16+$0x850]  }
0x3b: {  	v48 =	vld [tilespmem:s16+$0x3050]  }
0x3c: {  	v49 =	vld [tilespmem:s16+$0x860]  }
0x3d: {  	v50 =	vld [tilespmem:s16+$0x3060]  }
0x3e: {  	v51 =	vld [tilespmem:s16+$0x870]  }
0x3f: {  	v52 =	vld [tilespmem:s16+$0x3070]  }
0x40: {  	v53 =	vld [tilespmem:s16+$0x880]  }
0x41: {  	v54 =	vld [tilespmem:s16+$0x3080]  }
0x42: {  	v22 =	vld [tilespmem:s16+$0x890]  }
0x43: {  	v23 =	vld [tilespmem:s16+$0x3090]  }
0x44: {  	v55 =	vld [tilespmem:s16+$0x8A0]  }
0x45: {  	v56 =	vld [tilespmem:s16+$0x30A0]  }
0x46: {  	v57 =	vld [tilespmem:s16+$0x8B0]  }
0x47: {  	v58 =	vld [tilespmem:s16+$0x30B0]  }
0x48: {  	v59 =	vld [tilespmem:s16+$0x8C0]  }
0x49: {  	v60 =	vld [tilespmem:s16+$0x30C0]  }
0x4a: {  	v61 =	vld [tilespmem:s16+$0x8D0]  }
0x4b: {  	v62 =	vld [tilespmem:s16+$0x30D0]  }
0x4c: {  	v24 =	vld [tilespmem:s16+$0x8E0]  }
0x4d: {  	v25 =	vld [tilespmem:s16+$0x30E0]  }
0x4e: {  	v63 =	vld [tilespmem:s16+$0x8F0]  }
0x4f: {  	v1 =	vld [tilespmem:s16+$0x900]  }
0x50: {  	v3 =	vld [tilespmem:s16+$0x3100]  }
0x51: {  	v17 =	vld [tilespmem:s16+$0x910]  }
0x52: {  	v15 =	vld [tilespmem:s16+$0x3110]  }
0x53: {  	v39 =	vld [tilespmem:s16+$0x920]  }
0x54: {  	v37 =	vld [tilespmem:s16+$0x3120]  }
0x55: {  	v2 =	vld [tilespmem:s16+$0x930]  }
0x56: {  	v27 =	vld [tilespmem:s16+$0x3130]  }
0x57: {  	v10 =	vld [tilespmem:s16+$0x940]  }
0x58: {  	v5 =	vld [tilespmem:s16+$0x3140]  }
0x59: {  	v8 =	vld [tilespmem:s16+$0x950]  }
0x5a: {  	v33 =	vld [tilespmem:s16+$0x970]  }
0x5b: {  	v30 =	vld [tilespmem:s16+$0x3170]  }
0x5c: {  	v4 =	vld [tilespmem:s16+$0x980]  }
0x5d: {  	v29 =	vld [tilespmem:s16+$0x3180]  }
0x5e: {  	v20 =	vld [tilespmem:s16+$0x31A0]  }
0x5f: {  	v31 =	vld [tilespmem:s16+$0x9B0]  }
0x60: {  	v32 =	vld [tilespmem:s16+$0x31B0]  }
0x61: {  	v34 =	vld [tilespmem:s16+$0x9C0]  }
0x62: {  	v35 =	vld [tilespmem:s16+$0x31C0]  }
0x63: {  	v36 =	vld [tilespmem:s16+$0x9D0]  }
0x64: {  	v40 =	vld [tilespmem:s16+$0x31D0]  }
0x65: {  	v9 =	vld [tilespmem:s16+$0x9E0]  }
0x66: {  	v6 =	vld [tilespmem:s16+$0x31E0]  }
0x67: {  	v7 =	vld [tilespmem:s16+$0x9F0]  }
0x68: {  	v11 =	vld [tilespmem:s16+$0xA10]  }
0x69: {  	v45 =	vld [tilespmem:s16+$0x3210]  }
0x6a: {  	v41 =	vld [tilespmem:s16+$0xA20]  }
0x6b: {  	v42 =	vld [tilespmem:s16+$0x3220]  }
0x6c: {  	v16 =	vld [tilespmem:s16+$0xA30]  }
0x6d: {  	v13 =	vld [tilespmem:s16+$0x3230]  }
0x6e: {  	v12 =	vld [tilespmem:s16+$0xA40]  }
0x6f: {  	v46 =	vld [tilespmem:s16+$0x3260]  }
0x70: {  	[tilespmem:$0x1FCF0] =	vst v0;
	v0 =	vld [tilespmem:s16+$0x30F0]  }
0x71: {  	[tilespmem:$0x1FD50] =	vst v2;
	v2 =	vld [tilespmem:s16+$0x3150]  }
0x72: {  	[tilespmem:$0x1FD20] =	vst v23;
	v23 =	vld [tilespmem:s16+$0x960]  }
0x73: {  	[tilespmem:$0x1FD00] =	vst v21;
	v21 =	vld [tilespmem:s16+$0x3160]  }
0x74: {  	[tilespmem:$0x1FDC0] =	vst v29;
	v29 =	vld [tilespmem:s16+$0x990]  }
0x75: {  	[tilespmem:$0x1FD30] =	vst v24;
	v24 =	vld [tilespmem:s16+$0x3190]  }
0x76: {  	[tilespmem:$0x1FD40] =	vst v25;
	v25 =	vld [tilespmem:s16+$0x9A0]  }
0x77: {  	[tilespmem:$0x1FDB0] =	vst v4;
	v4 =	vld [tilespmem:s16+$0x31F0]  }
0x78: {  	[tilespmem:$0x1FD60] =	vst v27;
	v27 =	vld [tilespmem:s16+$0xA00]  }
0x79: {  	[tilespmem:$0x1FD10] =	vst v22;
	v22 =	vld [tilespmem:s16+$0x3200]  }
0x7a: {  	[tilespmem:$0x1FDD0] =	vst v11;
	v11 =	vld [tilespmem:s16+$0x3240]  }
0x7b: {  	[tilespmem:$0x1FD80] =	vst v32;
	v32 =	vld [tilespmem:s16+$0xA50]  }
0x7c: {  	[tilespmem:$0x1FD70] =	vst v31;
	v31 =	vld [tilespmem:s16+$0x3250]  }
0x7d: {  	[tilespmem:$0x1FD90] =	vst v34;
	v34 =	vld [tilespmem:s16+$0xA60]  }
0x7e: {  	[tilespmem:$0x1FDE0] =	vst v36;
	v36 =	vld [tilespmem:s16+$0xA70]  }
0x7f: {  	[tilespmem:$0x1FDF0] =	vst v40;
	v40 =	vld [tilespmem:s16+$0x3270]  }
0x80: {  	[tilespmem:$0x1FE10] =	vst v46;
	v46 =	vld [tilespmem:s16+$0xA80]  }
0x81: {  	[tilespmem:$0x1FE20] =	vst v41;
	v41 =	vld [tilespmem:s16+$0xA90]  }
0x82: {  	[tilespmem:$0x1FE30] =	vst v42;
	v42 =	vld [tilespmem:s16+$0x3290]  }
0x83: {  	[tilespmem:$0x1FDA0] =	vst v35;
	v35 =	vld [tilespmem:s16+$0x32D0]  }
0x84: {  	v19 =	vmul.f32 v28, v19;
	v28 =	vld [tilespmem:s16+$0x3380]  }
0x85: {  	v14 =	vmul.f32 v14, v18;
	v18 =	vld [tilespmem:s16+$0xB90]  }
0x86: {  	v26 =	vmul.f32 v38, v26;
	v38 =	vmul.f32 v48, v47;
	v47 =	vld [tilespmem:s16+$0xBA0]  }
0x87: {  	v44 =	vmul.f32 v44, v43;
	v43 =	vld [tilespmem:s16+$0xBB0]  }
0x88: {  	v48 =	vmul.f32 v50, v49;
	v49 =	vmul.f32 v54, v53;
	v53 =	vld [tilespmem:s16+$0x33C0]  }
0x89: {  	[tilespmem:$0x1FE50] =	vst v42;
	v42 =	vld [tilespmem:s16+$0xAB0]  }
0x8a: {  	v52 =	vmul.f32 v52, v51;
	v51 =	vmul.f32 v13, v16;
	v16 =	vld [tilespmem:s16+$0x3420]  }
0x8b: {  	v50 =	vmul.f32 v56, v55;
	v56 =	vld [tilespmem:$0x1FCF0]  }
0x8c: {  	v58 =	vmul.f32 v58, v57;
	v57 =	vld [tilespmem:$0x1FD00]  }
0x8d: {  	v54 =	vld [tilespmem:$0x1FD10]  }
0x8e: {  	[tilespmem:$0x1FEC0] =	vst v42;
	v42 =	vld [tilespmem:s16+$0x32C0]  }
0x8f: {  	v55 =	vld [tilespmem:$0x1FD20]  }
0x90: {  	v60 =	vmul.f32 v60, v59;
	v59 =	vld [tilespmem:$0x1FD40]  }
0x91: {  	v19 =	vadd.f32 v14, v19;
	v14 =	vld [tilespmem:s16+$0x3390]  }
0x92: {  	v58 =	vadd.f32 v58, v50;
	v50 =	vld [tilespmem:s16+$0xBD0]  }
0x93: {  	v38 =	vadd.f32 v48, v38;
	[tilespmem:$0x1FF50] =	vst v42;
	v42 =	vld [tilespmem:s16+$0xAF0]  }
0x94: {  	v19 =	vadd.f32 v26, v19;
	v26 =	vld [tilespmem:s16+$0x33A0]  }
0x95: {  	v48 =	vadd.f32 v52, v38;
	v38 =	vld [tilespmem:s16+$0xBC0]  }
0x96: {  	v1 =	vmul.f32 v3, v1;
	v3 =	vadd.f32 v60, v58;
	v58 =	vld [tilespmem:$0x1FD30]  }
0x97: {  	v60 =	vmul.f32 v30, v33;
	v30 =	vld [tilespmem:s16+$0x33F0]  }
0x98: {  	[tilespmem:$0x1FEA0] =	vst v42;
	v42 =	vld [tilespmem:s16+$0x32F0]  }
0x99: {  	v33 =	vld [tilespmem:$0x1FD90]  }
0x9a: {  	[tilespmem:$0x1FE90] =	vst v40;
	v40 =	vld [tilespmem:s16+$0x3280]  }
0x9b: {  	[tilespmem:$0x1FE80] =	vst v36;
	v36 =	vld [tilespmem:s16+$0xAA0]  }
0x9c: {  	[tilespmem:$0x1FE40] =	vst v41;
	v41 =	vld [tilespmem:s16+$0x32A0]  }
0x9d: {  	[tilespmem:$0x1FEB0] =	vst v42;
	v42 =	vld [tilespmem:s16+$0xB00]  }
0x9e: {  	[tilespmem:$0x1FE00] =	vst v34;
	v34 =	vld [tilespmem:s16+$0x32E0]  }
0x9f: {  	v0 =	vmul.f32 v0, v63;
	v63 =	vmul.f32 v15, v17;
	v15 =	vld [tilespmem:s16+$0x33D0]  }
0xa0: {  	v2 =	vmul.f32 v2, v8;
	v8 =	vld [tilespmem:s16+$0xBE0]  }
0xa1: {  	v17 =	vld [tilespmem:s16+$0x33E0]  }
0xa2: {  	[tilespmem:$0x1FEE0] =	vst v42;
	v42 =	vld [tilespmem:s16+$0x3300]  }
0xa3: {  	v4 =	vmul.f32 v4, v7;
	v7 =	vld [tilespmem:s16+$0x3400]  }
0xa4: {  	v20 =	vmul.f32 v20, v25;
	v25 =	vld [tilespmem:$0x1FD70]  }
0xa5: {  	v62 =	vmul.f32 v62, v61;
	v61 =	vmul.f32 v24, v29;
	v29 =	vld [tilespmem:$0x1FD80]  }
0xa6: {  	v11 =	vmul.f32 v11, v12;
	v12 =	vld [tilespmem:s16+$0xC20]  }
0xa7: {  	[tilespmem:$0x1FEF0] =	vst v42;
	v42 =	vld [tilespmem:s16+$0xB10]  }
0xa8: {  	v19 =	vadd.f32 v44, v19;
	v44 =	vld [tilespmem:s16+$0x33B0]  }
0xa9: {  	v52 =	vsub.f32 v56, v57;
	v56 =	vmul.f32 v37, v39;
	v37 =	vadd.f32 v62, v3;
	v3 =	vld [tilespmem:s16+$0xBF0]  }
0xaa: {  	v62 =	vld [tilespmem:$0x1FD50]  }
0xab: {  	v39 =	vld [tilespmem:$0x1FDA0]  }
0xac: {  	[tilespmem:$0x1FF80] =	vst v42;
	v42 =	vld [tilespmem:s16+$0x3310]  }
0xad: {  	v48 =	vadd.f32 v49, v48;
	v49 =	vmul.f32 v22, v27;
	v22 =	vld [tilespmem:s16+$0x3410]  }
0xae: {  	v5 =	vmul.f32 v5, v10;
	v10 =	vsub.f32 v54, v55;
	v54 =	vld [tilespmem:$0x1FDB0]  }
0xaf: {  	v55 =	vld [tilespmem:$0x1FDC0]  }
0xb0: {  	v27 =	vld [tilespmem:s16+$0x3430]  }
0xb1: {  	[tilespmem:$0x1FF90] =	vst v42;
	v42 =	vld [tilespmem:s16+$0xB20]  }
0xb2: {  	v0 =	vadd.f32 v1, v0;
	v1 =	vld [tilespmem:s16+$0xC00]  }
0xb3: {  	v2 =	vadd.f32 v2, v5;
	v5 =	vadd.f32 v20, v61;
	v20 =	vld [tilespmem:s16+$0xC10]  }
0xb4: {  	v61 =	vld [tilespmem:$0x1FE00]  }
0xb5: {  	v14 =	vmul.f32 v14, v18;
	v18 =	vld [tilespmem:s16+$0xCA0]  }
0xb6: {  	[tilespmem:$0x1FF00] =	vst v42;
	v42 =	vld [tilespmem:s16+$0x3320]  }
0xb7: {  	v0 =	vadd.f32 v63, v0;
	v63 =	vld [tilespmem:$0x1FD60]  }
0xb8: {  	v57 =	vmul.f32 v21, v23;
	v21 =	vsub.f32 v58, v59;
	v58 =	vld [tilespmem:$0x1FDE0]  }
0xb9: {  	v59 =	vld [tilespmem:$0x1FDF0]  }
0xba: {  	v2 =	vadd.f32 v57, v2;
	v57 =	vmul.f32 v31, v32;
	v32 =	vld [tilespmem:s16+$0x3440]  }
0xbb: {  	[tilespmem:$0x1FF10] =	vst v42;
	v42 =	vld [tilespmem:s16+$0xB30]  }
0xbc: {  	[tilespmem:$0x1FE60] =	vst v36;
	v36 =	vld [tilespmem:s16+$0x32B0]  }
0xbd: {  	[tilespmem:$0x1FE70] =	vst v41;
	v41 =	vld [tilespmem:s16+$0xAC0]  }
0xbe: {  	v6 =	vmul.f32 v6, v9;
	v9 =	vmul.f32 v29, v25;
	v29 =	vld [tilespmem:s16+$0xC40]  }
0xbf: {  	v15 =	vmul.f32 v15, v50;
	v50 =	vld [tilespmem:s16+$0xCB0]  }
0xc0: {  	[tilespmem:$0x1FF20] =	vst v42;
	v42 =	vld [tilespmem:s16+$0x3330]  }
0xc1: {  	v0 =	vadd.f32 v56, v0;
	v56 =	vld [tilespmem:$0x1FDD0]  }
0xc2: {  	v23 =	vmul.f32 v39, v33;
	v39 =	vld [tilespmem:$0x1FE20]  }
0xc3: {  	v13 =	vsub.f32 v54, v55;
	v54 =	vld [tilespmem:$0x1FE60]  }
0xc4: {  	v55 =	vld [tilespmem:$0x1FE70];
	v5 =	vadd.f32 v9, v5  }
0xc5: {  	[tilespmem:$0x1FF30] =	vst v42;
	v42 =	vld [tilespmem:s16+$0xB40]  }
0xc6: {  	v5 =	vadd.f32 v23, v5;
	v23 =	vld [tilespmem:s16+$0xC30]  }
0xc7: {  	v24 =	vsub.f32 v62, v63;
	v62 =	vld [tilespmem:$0x1FE10]  }
0xc8: {  	v63 =	vmul.f32 v40, v46;
	v40 =	vld [tilespmem:$0x1FE30]  }
0xc9: {  	v9 =	vadd.f32 v11, v51;
	v46 =	vld [tilespmem:$0x1FE50]  }
0xca: {  	[tilespmem:$0x1FF60] =	vst v42;
	v42 =	vld [tilespmem:s16+$0x3340]  }
0xcb: {  	v9 =	vadd.f32 v57, v9;
	v57 =	vld [tilespmem:$0x1FE90]  }
0xcc: {  	[tilespmem:$0x1FF40] =	vst v41;
	v41 =	vld [tilespmem:s16+$0xAD0]  }
0xcd: {  	v2 =	vadd.f32 v60, v2;
	v60 =	vmul.f32 v52, v52;
	[tilespmem:$0x1FED0] =	vst v36;
	v36 =	vld [tilespmem:s16+$0xAE0]  }
0xce: {  	v4 =	vadd.f32 v4, v6;
	(xrf2) =	vadd.scan.msk.f32 $0xffff, v19;
	v6 =	vmul.f32 v45, v56;
	v45 =	vld [tilespmem:$0x1FE40]  }
0xcf: {  	v10 =	vmul.f32 v10, v10;
	(xrf2) =	vadd.scan.msk.f32 $0xffff, v60;
	[tilespmem:$0x1FF70] =	vst v42;
	v42 =	vld [tilespmem:s16+$0xB50]  }
0xd0: {  	(xrf2) =	vadd.scan.msk.f32 $0xffff, v48;
	v56 =	vld [tilespmem:$0x1FE80]  }
0xd1: {  	(xrf2) =	vadd.scan.msk.f32 $0xffff, v10;
	v60 =	vmul.f32 v24, v24;
	v24 =	vld [tilespmem:s16+$0x3460]  }
0xd2: {  	(xrf2) =	vadd.scan.msk.f32 $0xffff, v37;
	v37 =	vld [tilespmem:s16+$0xC70]  }
0xd3: {  	v11 =	vmul.f32 v62, v61;
	v61 =	vld [tilespmem:$0x1FEC0]  }
0xd4: {  	[tilespmem:$0x1FFC0] =	vst v42;
	v42 =	vld [tilespmem:s16+$0x3350]  }
0xd5: {  	v62 =	vld [tilespmem:$0x1FED0]  }
0xd6: {  	v51 =	vmul.f32 v34, v36;
	v34 =	vld [tilespmem:s16+$0xC50]  }
0xd7: {  	v36 =	vld [tilespmem:s16+$0xC60]  }
0xd8: {  	v4 =	vadd.f32 v49, v4;
	v25 =	vsub.f32 v58, v59;
	v49 =	vmul.f32 v35, v41;
	v58 =	vld [tilespmem:$0x1FEA0]  }
0xd9: {  	[tilespmem:$0x1FFD0] =	vst v42;
	v42 =	vld [tilespmem:s16+$0xB60]  }
0xda: {  	v9 =	vadd.f32 v11, v9;
	v11 =	vadd.f32 v51, v49;
	v49 =	vld [tilespmem:$0x1FF40]  }
0xdb: {  	v51 =	vld [tilespmem:$0x1FF50]  }
0xdc: {  	v31 =	vmul.f32 v46, v45;
	v59 =	vld [tilespmem:$0x1FEB0]  }
0xdd: {  	v4 =	vadd.f32 v6, v4;
	v6 =	vsub.f32 v39, v40;
	v39 =	vld [tilespmem:$0x1FEE0]  }
0xde: {  	v21 =	vmul.f32 v21, v21;
	v19 =	vmul.f32 v55, v54;
	v52 =	vadd.f32 v31, v63;
	[tilespmem:$0x1FFE0] =	vst v42;
	v42 =	vld [tilespmem:s16+$0x3360]  }
0xdf: {  	v40 =	vld [tilespmem:$0x1FEF0]  }
0xe0: {  	(xrf2) =	vadd.scan.msk.f32 $0xffff, v21;
	v31 =	vld [tilespmem:s16+$0x3450];
	v21 =	vmul.f32 v62, v61;
	v10 =	vadd.f32 v19, v52  }
0xe1: {  	v52 =	vmul.f32 v25, v25;
	v25 =	vld [tilespmem:s16+$0x3480]  }
0xe2: {  	v10 =	vadd.f32 v21, v10;
	v21 =	vld [tilespmem:s16+$0x3470];
	v33 =	vmul.f32 v59, v58  }
0xe3: {  	[tilespmem:$0x1FFF0] =	vst v42;
	v42 =	vld [tilespmem:s16+$0xB70]  }
0xe4: {  	v63 =	vadd.f32 v33, v11;
	v11 =	vmul.f32 v40, v39;
	v40 =	vld [tilespmem:s16+$0xC80]  }
0xe5: {  	v35 =	vsub.f32 v56, v57;
	v57 =	vld [tilespmem:$0x1FF80]  }
0xe6: {  	v39 =	vsub.f32 v49, v51;
	v51 =	vld [tilespmem:s16+$0x34B0]  }
0xe7: {  	v41 =	vld [tilespmem:$0x1FF00]  }
0xe8: {  	[tilespmem:$0x1FFB0] =	vst v42;
	v42 =	vld [tilespmem:s16+$0x3370]  }
0xe9: {  	v45 =	vld [tilespmem:$0x1FF10]  }
0xea: {  	v46 =	vld [tilespmem:$0x1FF20]  }
0xeb: {  	v48 =	vld [tilespmem:$0x1FF30]  }
0xec: {  	(xrf2) =	vadd.scan.msk.f32 $0xffff, v0;
	v55 =	vld [tilespmem:$0x1FF60]  }
0xed: {  	(xrf2) =	vadd.scan.msk.f32 $0xffff, v60;
	v60 =	vld [tilespmem:$0x1FFB0];
	[tilespmem:$0x1FFA0] =	vst v42  }
0xee: {  	v59 =	vld [tilespmem:$0x1FFA0]  }
0xef: {  	v56 =	vld [tilespmem:$0x1FF70]  }
0xf0: {  	v13 =	vmul.f32 v13, v13;
	v42 =	vld [tilespmem:s16+$0xB80]  }
0xf1: {  	v33 =	vmul.f32 v45, v41;
	v19 =	vmul.f32 v48, v46;
	v61 =	vld [tilespmem:$0x1FFC0]  }
0xf2: {  	v26 =	vmul.f32 v26, v47;
	(xrf2) =	vadd.scan.msk.f32 $0xffff, v2;
	v62 =	vld [tilespmem:$0x1FFD0]  }
0xf3: {  	v8 =	vmul.f32 v17, v8;
	(xrf2) =	vadd.scan.msk.f32 $0xffff, v13;
	v58 =	vld [tilespmem:$0x1FF90];
	v54 =	vadd.f32 v19, v33;
	v33 =	vmul.f32 v59, v60  }
0xf4: {  	v0, _, _ =	vpop (xrf2);
	v6 =	vmul.f32 v6, v6;
	(xrf2) =	vadd.scan.msk.f32 $0xffff, v5;
	v11 =	vadd.f32 v11, v63;
	v63 =	vmul.f32 v35, v35;
	v35 =	vld [tilespmem:s16+$0x34A0]  }
0xf5: {  	v19 =	vmul.f32 v56, v55;
	v48 =	vld [tilespmem:$0x1FFE0];
	v28 =	vmul.f32 v28, v42;
	v42, _, _ =	vpop (xrf2);
	(xrf2) =	vadd.scan.msk.f32 $0xffff, v52  }
0xf6: {  	v12 =	vmul.f32 v16, v12;
	v1 =	vsub.f32 v1, v7;
	v46 =	vmul.f32 v53, v38;
	v49 =	vld [tilespmem:$0x1FFF0];
	v2, _, _ =	vpop (xrf2);
	(xrf2) =	vadd.scan.msk.f32 $0xffff, v4  }
0xf7: {  	v41 =	vld [tilespmem:s16+$0xC90];
	v13 =	vadd.f32 v19, v54;
	v19 =	vmul.f32 v62, v61;
	v28 =	vadd.f32 v28, v33;
	v33, _, _ =	vpop (xrf2);
	(xrf2) =	vadd.scan.msk.f32 $0xffff, v6  }
0xf8: {  	v3 =	vmul.f32 v30, v3;
	v5 =	vsub.f32 v57, v58;
	v45 =	vld [tilespmem:s16+$0x3490];
	v15 =	vadd.f32 v15, v46;
	v6, _, _ =	vpop (xrf2);
	(xrf2) =	vadd.scan.msk.f32 $0xffff, v9  }
0xf9: {  	v1 =	vmul.f32 v1, v1;
	v39 =	vmul.f32 v39, v39;
	v46 =	vld [tilespmem:s16+$0xCF0];
	v38, _, _ =	vpop (xrf2);
	(xrf2) =	vadd.scan.msk.f32 $0xffff, v63  }
0xfa: {  	v57 =	vsub.f32 v43, v44;
	v53 =	vmul.f32 v22, v20;
	v8 =	vadd.f32 v8, v15;
	v56 =	vld [tilespmem:s16+$0x34C0];
	v4, _, _ =	vpop (xrf2);
	(xrf2) =	vadd.scan.msk.f32 $0xffff, v10  }
0xfb: {  	v55 =	vmul.f32 v5, v5;
	v54 =	vld [tilespmem:s16+$0xCC0];
	v13 =	vadd.f32 v19, v13;
	v9 =	vsub.f32 v48, v49;
	v19, _, _ =	vpop (xrf2);
	(xrf2) =	vadd.scan.msk.f32 $0xffff, v39  }
0xfc: {  	v58 =	vmul.f32 v27, v23;
	v44 =	vmul.f32 v25, v40;
	v59 =	vld [tilespmem:s16+$0xCD0];
	v14 =	vadd.f32 v14, v28;
	v5, _, _ =	vpop (xrf2);
	(xrf2) =	vadd.scan.msk.f32 $0xffff, v11  }
0xfd: {  	v12 =	vadd.f32 v12, v53;
	v3 =	vadd.f32 v3, v8;
	v60 =	vld [tilespmem:s16+$0x34D0];
	v9 =	vmul.f32 v9, v9;
	v23, _, _ =	vpop (xrf2);
	(xrf2) =	vadd.scan.msk.f32 $0xffff, v55  }
0xfe: {  	v61 =	vmul.f32 v24, v36;
	v62 =	vmul.f32 v21, v37;
	v52 =	vadd.f32 v26, v14;
	v63 =	vld [tilespmem:s16+$0xCE0];
	v8, _, _ =	vpop (xrf2);
	(xrf2) =	vadd.scan.msk.f32 $0xffff, v13  }
0xff: {  	v30 =	vmul.f32 v57, v57;
	v12 =	vadd.f32 v58, v12;
	v36 =	vmul.f32 v32, v29;
	v39 =	vld [tilespmem:s16+$0x34E0];
	v21, _, _ =	vpop (xrf2);
	(xrf2) =	vadd.scan.msk.f32 $0xffff, v9  }
0x100: {  	v43 =	vadd.f32 v62, v61;
	v49 =	vmul.f32 v51, v50;
	v50 =	vmul.f32 v56, v54;
	v51 =	vld [tilespmem:s16+$0x34F0];
	v27, _, _ =	vpop (xrf2);
	(xrf2) =	vadd.scan.msk.f32 $0xffff, v52  }
0x101: {  	v53 =	vmul.f32 v45, v41;
	v37 =	vsub.f32 v34, v31;
	v48 =	vadd.f32 v36, v12;
	v47, _, _ =	vpop (xrf2);
	(xrf2) =	vadd.scan.msk.f32 $0xffff, v30  }
0x102: {  	v7 =	vmul.f32 v60, v59;
	v10 =	vadd.f32 v44, v43;
	v11 =	vadd.f32 v50, v49;
	v16, _, _ =	vpop (xrf2);
	(xrf2) =	vadd.scan.msk.f32 $0xffff, v3  }
0x103: {  	v55 =	vsub.f32 v18, v35;
	v52 =	vmul.f32 v37, v37;
	v54, _, _ =	vpop (xrf2);
	(xrf2) =	vadd.scan.msk.f32 $0xffff, v1  }
0x104: {  	v56 =	vadd.f32 v53, v10;
	v58 =	vadd.f32 v7, v11;
	v59 =	vmul.f32 v39, v63;
	v12, _, _ =	vpop (xrf2);
	(xrf2) =	vadd.scan.msk.f32 $0xffff, v48  }
0x105: {  	v60 =	vsub.f32 v46, v51;
	v1 =	vmul.f32 v55, v55;
	v57, _, _ =	vpop (xrf2);
	(xrf2) =	vadd.scan.msk.f32 $0xffff, v52  }
0x106: {  	v62 =	vadd.f32 v59, v58;
	v11, _, _ =	vpop (xrf2);
	(xrf2) =	vadd.scan.msk.f32 $0xffff, v56  }
0x107: {  	v9 =	vmul.f32 v60, v60;
	v61, _, _ =	vpop (xrf2);
	(xrf2) =	vadd.scan.msk.f32 $0xffff, v1  }
0x108: {  	v32 =	vbroadcast v42, $0xF;
	v19 =	vbroadcast v19, $0xF;
	v63, _, _ =	vpop (xrf2);
	(xrf2) =	vadd.scan.msk.f32 $0xffff, v62  }
0x109: {  	v40 =	vbroadcast v23, $0xF;
	v37 =	vbroadcast v38, $0xF;
	v35, _, _ =	vpop (xrf2);
	(xrf2) =	vadd.scan.msk.f32 $0xffff, v9  }
0x10a: {  	v34 =	vbroadcast v33, $0xF;
	v36 =	vnsel vm0, $0x0, v32;
	v21 =	vbroadcast v21, $0xF;
	v38, _, _ =	vpop (xrf2)  }
0x10b: {  	v19 =	vnsel vm3, $0x0, v19;
	v20 =	vnsel vm4, $0x0, v40;
	v7 =	vnsel vm2, $0x0, v37;
	v39, _, _ =	vpop (xrf2)  }
0x10c: {  	v42 =	vbroadcast v47, $0xF;
	v21 =	vnsel vm5, $0x0, v21;
	v17 =	vbroadcast v54, $0xF;
	v41, _, _ =	vpop (xrf2)  }
0x10d: {  	v14 =	vnsel vm1, $0x0, v34;
	v7 =	vadd.f32 v19, v7;
	v20 =	vadd.f32 v21, v20;
	v43, _, _ =	vpop (xrf2)  }
0x10e: {  	v23 =	vnsel vm6, $0x0, v42;
	v10 =	vbroadcast v57, $0xF;
	v17 =	vnsel vm7, $0x0, v17;
	v44, _, _ =	vpop (xrf2)  }
0x10f: {  	v1 =	vadd.f32 v14, v36;
	v13 =	vbroadcast v61, $0xF;
	v15 =	vbroadcast v35, $0xF;
	v45, _, _ =	vpop (xrf2)  }
0x110: {  	v17 =	vadd.f32 v17, v23;
	v10 =	vnsel vm8, $0x0, v10;
	v9 =	vbroadcast v39, $0xF;
	v46, _, _ =	vpop (xrf2)  }
0x111: {  	v13 =	vnsel vm9, $0x0, v13;
	v15 =	vnsel vm10, $0x0, v15;
	v24 =	vbroadcast v43, $0xF;
	v47, _, _ =	vpop (xrf2)  }
0x112: {  	v9 =	vnsel vm11, $0x0, v9;
	v26 =	vbroadcast v45, $0xF;
	v29 =	vbroadcast v47, $0xF;
	v48, _, _ =	vpop (xrf2)  }
0x113: {  	v10 =	vadd.f32 v13, v10;
	v9 =	vadd.f32 v9, v15;
	v24 =	vnsel vm12, $0x0, v24;
	v50, _, _ =	vpop (xrf2)  }
0x114: {  	v26 =	vnsel vm13, $0x0, v26;
	v49 =	vnsel vm14, $0x0, v29;
	v19 =	vsel vm15, $0x0, v50  }
0x115: {  	v51 =	vadd.f32 v26, v24;
	v14 =	vadd.f32 v19, v49  }
0x116: {  	v1 =	vadd.f32 v7, v1;
	v52 =	vadd.f32 v17, v20  }
0x117: {  	v9 =	vadd.f32 v9, v10;
	v53 =	vadd.f32 v14, v51;
	_ =	sdelay $0x1  }
0x118: {  	v1 =	vadd.f32 v52, v1;
	v54 =	vadd.f32 v53, v9;
	_ =	sdelay $0x1  }
0x119: {  	v1 =	vadd.f32 v54, v1;
	_ =	sdelay $0x1  }
0x11a: {  	v1 =	vadd.f32 $9.999999970e-07, v1;
	_ =	sdelay $0x1  }
0x11b: {  	v55 =	vshra.s32 v1, $0x1;
	v56 =	vmul.f32 $5.000000000e-01, v1  }
0x11c: {  	v7 =	vsub.s32 $0x5F3759DF, v55  }
0x11d: {  	v57 =	vmul.f32 v7, v56;
	_ =	sdelay $0x1  }
0x11e: {  	v0 =	vbroadcast v0, $0xF;
	v10 =	vmul.f32 v7, v57  }
0x11f: {  	v2 =	vbroadcast v2, $0xF  }
0x120: {  	v0 =	vnsel vm0, $0x0, v0;
	v10 =	vsub.f32 $1.500000000e+00, v10  }
0x121: {  	v2 =	vnsel vm1, $0x0, v2;
	v6 =	vbroadcast v6, $0xF;
	v4 =	vbroadcast v4, $0xF  }
0x122: {  	v0 =	vadd.f32 v2, v0;
	v5 =	vbroadcast v5, $0xF;
	v7 =	vmul.f32 v7, v10  }
0x123: {  	v6 =	vnsel vm2, $0x0, v6;
	v4 =	vnsel vm3, $0x0, v4;
	v8 =	vbroadcast v8, $0xF  }
0x124: {  	v5 =	vnsel vm4, $0x0, v5;
	v58 =	vbroadcast v27, $0xF;
	v60 =	vmul.f32 v7, v56  }
0x125: {  	v8 =	vnsel vm5, $0x0, v8;
	v12 =	vbroadcast v12, $0xF;
	v11 =	vbroadcast v11, $0xF  }
0x126: {  	v25 =	vadd.f32 v8, v5;
	v59 =	vbroadcast v16, $0xF;
	v14 =	vmul.f32 v60, v7  }
0x127: {  	v12 =	vnsel vm8, $0x0, v12;
	v11 =	vnsel vm9, $0x0, v11;
	v3 =	vbroadcast v63, $0xF  }
0x128: {  	v13 =	vnsel vm7, $0x0, v59;
	v61 =	vbroadcast v38, $0xF;
	v14 =	vsub.f32 $1.500000000e+00, v14  }
0x129: {  	v3 =	vnsel vm10, $0x0, v3;
	v62 =	vbroadcast v41, $0xF;
	v63 =	vbroadcast v44, $0xF  }
0x12a: {  	v15 =	vnsel vm11, $0x0, v61;
	v21 =	vbroadcast v46, $0xF;
	v7 =	vmul.f32 v14, v7  }
0x12b: {  	v16 =	vnsel vm12, $0x0, v62;
	v3 =	vadd.f32 v15, v3;
	v22 =	vnsel vm13, $0x0, v63  }
0x12c: {  	v30 =	vadd.f32 v22, v16;
	v23 =	vnsel vm14, $0x0, v21;
	v26 =	vmul.f32 v7, v56  }
0x12d: {  	v24 =	vadd.f32 v4, v6;
	v27 =	vsel vm15, $0x0, v48;
	v29 =	vadd.f32 v11, v12  }
0x12e: {  	v6 =	vadd.f32 v27, v23;
	v10 =	vnsel vm6, $0x0, v58;
	v5 =	vmul.f32 v26, v7  }
0x12f: {  	v0 =	vadd.f32 v24, v0;
	v28 =	vadd.f32 v13, v10  }
0x130: {  	v3 =	vadd.f32 v3, v29;
	v32 =	vsub.f32 $1.500000000e+00, v5  }
0x131: {  	v33 =	vadd.f32 v6, v30;
	v31 =	vadd.f32 v28, v25  }
0x132: {  	v4 =	vmul.f32 v32, v7  }
0x133: {  	v34 =	vadd.f32 v33, v3;
	v0 =	vadd.f32 v31, v0  }
0x134: {  	v1 =	vmul.f32 v4, v1  }
0x135: {  	v0 =	vadd.f32 v34, v0  }
0x136: {  	v1 =	vsub.f32 $0.0e+00, v1  }
0x137: {  	v0 =	vmul.f32 $1.250000000e-01, v0  }
0x138: {  	v1 =	vmul.f32 $1.250000000e-01, v1  }
0x139: {  	v0 =	vmax.f32 v0, $-5.000000000e+00  }
0x13a: {  	v0 =	vmin.f32 v0, $5.000000000e+00;
	v1 =	vmax.f32 v1, $-5.000000000e+00  }
0x13b: {  	v0 =	vmul.f32 $1.442695020e+00, v0;
	v1 =	vmin.f32 v1, $5.000000000e+00  }
0x13c: {  	v1 =	vmul.f32 $1.442695020e+00, v1  }
0x13d: {  	(erf) = vpow2.f32 v0  }
0x13e: {  	(erf) = vpow2.f32 v1;
	_ =	sdelay $0x7  }
0x13f: {  	v0 =	vpop (erf)  }
0x140: {  	v1 =	vpop (erf)  }
0x141: {  	v1 =	vmul.f32 v1, v0  }
0x142: {  	v35 =	vbroadcast v0, $0x1  }
0x143: {  	v36 =	vnsel vm0, $0x0, v0;
	v37 =	vbroadcast v0, $0x2;
	[tilespmem:s0+$0x0] =	vst v1  }
0x144: {  	v39 =	vbroadcast v0, $0x3;
	v38 =	vnsel vm0, $0x0, v35;
	[tilespmem:s8+$0xFFFFFF80] =	vst v36  }
0x145: {  	v41 =	vbroadcast v0, $0x4;
	v40 =	vnsel vm0, $0x0, v37;
	[tilespmem:s8+$0xFFFFFF90] =	vst v38  }
0x146: {  	v43 =	vbroadcast v0, $0x5;
	v42 =	vnsel vm0, $0x0, v39;
	[tilespmem:s8+$0xFFFFFFA0] =	vst v40  }
0x147: {  	v45 =	vbroadcast v0, $0x6;
	v44 =	vnsel vm0, $0x0, v41;
	[tilespmem:s8+$0xFFFFFFB0] =	vst v42  }
0x148: {  	v47 =	vbroadcast v0, $0x7;
	v46 =	vnsel vm0, $0x0, v43;
	[tilespmem:s8+$0xFFFFFFC0] =	vst v44  }
0x149: {  	v49 =	vbroadcast v0, $0x8;
	v48 =	vnsel vm0, $0x0, v45;
	[tilespmem:s8+$0xFFFFFFD0] =	vst v46  }
0x14a: {  	v51 =	vbroadcast v0, $0x9;
	v50 =	vnsel vm0, $0x0, v47;
	[tilespmem:s8+$0xFFFFFFE0] =	vst v48  }
0x14b: {  	v53 =	vbroadcast v0, $0xA;
	v52 =	vnsel vm0, $0x0, v49;
	[tilespmem:s8+$0xFFFFFFF0] =	vst v50  }
0x14c: {  	v55 =	vbroadcast v0, $0xB;
	v54 =	vnsel vm0, $0x0, v51;
	[tilespmem:s8+$0x0] =	vst v52  }
0x14d: {  	v57 =	vbroadcast v0, $0xC;
	v56 =	vnsel vm0, $0x0, v53;
	[tilespmem:s8+$0x10] =	vst v54  }
0x14e: {  	p0 =	sne.s32 s15, $0x8C00;
	v59 =	vbroadcast v0, $0xD;
	v58 =	vnsel vm0, $0x0, v55;
	[tilespmem:s8+$0x20] =	vst v56  }
.Ltmp0:
0x14f: {  	v61 =	vbroadcast v0, $0xE;
	v60 =	vnsel vm0, $0x0, v57;
	[tilespmem:s8+$0x30] =	vst v58;
	(pc) =	sbr.rel @p0 .LBB2_4-.Ltmp0, $4  }
0x150: {  	v62 =	vnsel vm0, $0x0, v59;
	v0 =	vbroadcast v0, $0xF;
	[tilespmem:s8+$0x40] =	vst v60  }
0x151: {  	v63 =	vnsel vm0, $0x0, v61;
	[tilespmem:s8+$0x50] =	vst v62  }
0x152: {  	v0 =	vnsel vm0, $0x0, v0;
	[tilespmem:s8+$0x60] =	vst v63  }
0x153: {  	s15 =	sadd.s32 $0x1400, s15;
	s0 =	sadd.s32 $0x10, s0;
	[tilespmem:s8+$0x70] =	vst v0;
	s8 =	sadd.s32 $0x100, s8  }
0x154: {  	s31 =	sadd.s32 $0x1, s31  }
0x155: {  	p0 =	sne.s32 s31, $0x8  }
.Ltmp1:
0x156: {  	_ = 	snop;
	(pc) =	sbr.rel @p0 .LBB2_3-.Ltmp1, $4  }
0x157: {  	[spmem:s2] =	stream.indirect.scatter.add.f32 [tilespmem:s23], [sflag:$0x2], $0x10, s5, s19, $0xb8;
	[tilespmem:$0x12F70] =	vst v63  }
0x158: {  	_ =	swait.ge [sflag:s17], $0x800  }
0x159: {  	[sflag:s17] =	ssyncset.done $0x0  }
0x15a: {  	s13 =	sadd.s32 $0x80, s13;
	[sflag:s17] =	ssyncadd.s32 $0xFFFFF800  }
0x15b: {  	s29 =	sadd.s32 $0x1, s29  }
0x15c: {  	p0 =	sne.s32 s29, $0x19  }
.Ltmp2:
0x15d: {  	s0 =	sadd.s32 s9, s30;
	(pc) =	sbr.rel @p0 .LBB2_2-.Ltmp2, $4  }
0x15e: {  	[hbm4b:s0+s3] =	stream.linear.scatter [tilespmem:s24], [sflag:$0x2], $0x400, $0x38;
	[tilespmem:$0x12F70] =	vst v63  }
0x15f: {  	_ =	swait.ge [sflag:s17], $0x400  }
0x160: {  	[sflag:s17] =	ssyncset.done $0x0  }
0x161: {  	[sflag:s17] =	ssyncadd.s32 $0xFFFFFC00  }
0x162: {  	[bflag:$0x0] =	sbarrier.arrive $0xFFFF;
	s0 =	simm.s32 $0x0  }
.LBB2_8:
0x163: {  	s5 =	smul.u32 $0x70, s0;
	_ =	sdelay $0x1  }
0x164: {  	s5 =	sadd.s32 s11, s5  }
0x165: {  	s8 =	sshll.u32 s5, $0x4  }
0x166: {  	s8 =	sand.u32 $0x3FFFFFF0, s8  }
0x167: {  	s8 =	sadd.s32 s8, s2  }
0x168: {  	[tilespmem:s25], [sflag:$0x2] =	stream.linear.gather [spmem:s8], $0x700, $0x38;
	[tilespmem:$0x12F70] =	vst v63  }
0x169: {  	_ =	swait.ge [sflag:s17], $0x700  }
0x16a: {  	[sflag:s17] =	ssyncset.done $0x0  }
0x16b: {  	s13 =	simm.s32 $0x6480;
	[sflag:s17] =	ssyncadd.s32 $0xFFFFF900  }
0x16c: {  	v0 =	vld.msk [tilespmem:s13+$0xFFFFFFA0 ss:$0x0], $0xffff  }
0x16d: {  	s15 =	simm.s32 $0x40;
	s8 =	simm.s32 $0x0;
	v1 =	vld.msk [tilespmem:s13+$0xFFFFFF90 ss:$0x0], $0xffff  }
.LBB2_9:
0x16e: {  	p0 =	sne.s32 s15, $0x180;
	v2 =	vld [tilespmem:s13+$0xFFFFFF80]  }
0x16f: {  	v3 =	vld.msk [tilespmem:s13+$0xFFFFFFB0 ss:$0x0], $0xffff  }
0x170: {  	v4 =	vld.msk [tilespmem:s13+$0xFFFFFFC0 ss:$0x0], $0xffff  }
0x171: {  	v5 =	vld.msk [tilespmem:s13+$0xFFFFFFD0 ss:$0x0], $0xffff  }
0x172: {  	v6 =	vld.msk [tilespmem:s13+$0xFFFFFFE0 ss:$0x0], $0xffff  }
0x173: {  	vm2 =	vmmov $0x3;
	v1 =	vsel vm1, v1, v2;
	v2 =	vld.msk [tilespmem:s13+$0xFFFFFFF0 ss:$0x0], $0xffff  }
0x174: {  	vm3 =	vmmov $0x7;
	v0 =	vsel vm2, v1, v0;
	v1 =	vld.msk [tilespmem:s13+$0x0 ss:$0x0], $0xffff  }
0x175: {  	vm4 =	vmmov $0xf;
	v0 =	vsel vm3, v0, v3;
	v3 =	vld.msk [tilespmem:s13+$0x10 ss:$0x0], $0xffff  }
0x176: {  	vm5 =	vmmov $0x1f;
	v0 =	vsel vm4, v0, v4;
	v4 =	vld.msk [tilespmem:s13+$0x20 ss:$0x0], $0xffff  }
0x177: {  	vm6 =	vmmov $0x3f;
	v0 =	vsel vm5, v0, v5;
	v5 =	vld.msk [tilespmem:s13+$0x30 ss:$0x0], $0xffff  }
0x178: {  	vm7 =	vmmov $0x7f;
	v0 =	vsel vm6, v0, v6;
	v6 =	vld.msk [tilespmem:s13+$0x40 ss:$0x0], $0xffff  }
0x179: {  	vm8 =	vmmov $0xff;
	v0 =	vsel vm7, v0, v2;
	v2 =	vld.msk [tilespmem:s13+$0x50 ss:$0x0], $0xffff  }
0x17a: {  	vm9 =	vmmov $0x1ff;
	v0 =	vsel vm8, v0, v1;
	v1 =	vld.msk [tilespmem:s13+$0x60 ss:$0x0], $0xffff  }
0x17b: {  	vm10 =	vmmov $0x3ff;
	v0 =	vsel vm9, v0, v3;
	v3 =	vld.msk [tilespmem:s13+$0x70 ss:$0x0], $0xffff  }
0x17c: {  	vm11 =	vmmov $0x7ff;
	v0 =	vsel vm10, v0, v4  }
0x17d: {  	vm12 =	vmmov $0xfff;
	v0 =	vsel vm11, v0, v5  }
0x17e: {  	vm13 =	vmmov $0x1fff;
	v0 =	vsel vm12, v0, v6  }
0x17f: {  	vm14 =	vmmov $0x3fff;
	v0 =	vsel vm13, v0, v2  }
.Ltmp3:
0x180: {  	v0 =	vsel vm14, v0, v1;
	(pc) =	sbr.rel @p0 .LBB2_9-.Ltmp3, $4  }
0x181: {  	s16 =	sshra.s32 s8, $0x2;
	s8 =	smov.u32 s15;
	v0 =	vsel vm15, v0, v3  }
0x182: {  	s13 =	sadd.s32 $0x100, s13;
	[tilespmem:s16+$0x6B00] =	vst v0  }
0x183: {  	v0 =	vld.msk [tilespmem:s13+$0xFFFFFFA0 ss:$0x0], $0xffff  }
0x184: {  	s15 =	sadd.s32 $0x40, s15;
	v1 =	vld.msk [tilespmem:s13+$0xFFFFFF90 ss:$0x0], $0xffff  }
0x185: {  	v2 =	vld [tilespmem:s13+$0xFFFFFF80];
	_ =	sdelay $0x1  }
0x186: {  	v3 =	vld.msk [tilespmem:s13+$0xFFFFFFB0 ss:$0x0], $0xffff  }
0x187: {  	v4 =	vld.msk [tilespmem:s13+$0xFFFFFFC0 ss:$0x0], $0xffff  }
0x188: {  	v5 =	vld.msk [tilespmem:s13+$0xFFFFFFD0 ss:$0x0], $0xffff  }
0x189: {  	v6 =	vld.msk [tilespmem:s13+$0xFFFFFFE0 ss:$0x0], $0xffff;
	v1 =	vsel vm1, v1, v2  }
0x18a: {  	v55 =	vld.msk [tilespmem:s13+$0xFFFFFFF0 ss:$0x0], $0xffff;
	v0 =	vsel vm2, v1, v0  }
0x18b: {  	v56 =	vld.msk [tilespmem:s13+$0x0 ss:$0x0], $0xffff;
	v0 =	vsel vm3, v0, v3  }
0x18c: {  	v57 =	vld.msk [tilespmem:s13+$0x10 ss:$0x0], $0xffff;
	v0 =	vsel vm4, v0, v4  }
0x18d: {  	v58 =	vld.msk [tilespmem:s13+$0x20 ss:$0x0], $0xffff;
	v0 =	vsel vm5, v0, v5  }
0x18e: {  	v59 =	vld.msk [tilespmem:s13+$0x30 ss:$0x0], $0xffff;
	v0 =	vsel vm6, v0, v6  }
0x18f: {  	v60 =	vld.msk [tilespmem:s13+$0x40 ss:$0x0], $0xffff;
	v0 =	vsel vm7, v0, v55  }
0x190: {  	v61 =	vld.msk [tilespmem:s13+$0x50 ss:$0x0], $0xffff;
	v0 =	vsel vm8, v0, v56  }
0x191: {  	v62 =	vld.msk [tilespmem:s13+$0x60 ss:$0x0], $0xffff;
	v0 =	vsel vm9, v0, v57  }
0x192: {  	v63 =	vld.msk [tilespmem:s13+$0x70 ss:$0x0], $0xffff;
	v0 =	vsel vm10, v0, v58  }
0x193: {  	v0 =	vsel vm11, v0, v59  }
0x194: {  	v0 =	vsel vm12, v0, v60  }
0x195: {  	v0 =	vsel vm13, v0, v61  }
0x196: {  	s5 =	sadd.s32 s14, s5;
	s0 =	sadd.s32 $0x1, s0;
	v0 =	vsel vm14, v0, v62  }
0x197: {  	s8 =	sshra.s32 s8, $0x2;
	s5 =	sshrl.u32 s5, $0x3;
	p0 =	sne.s32 s0, $0x1C;
	v0 =	vsel vm15, v0, v63  }
.Ltmp4:
0x198: {  	s5 =	sadd.s32 s10, s5;
	[tilespmem:s8+$0x6B00] =	vst v0;
	(pc) =	sbr.rel @p0 .LBB2_8-.Ltmp4, $4  }
0x199: {  	[hbm4b:s5+s3] =	stream.linear.scatter [tilespmem:s26], [sflag:$0x2], $0x70, $0x38;
	[tilespmem:$0x12F70] =	vst v63  }
0x19a: {  	_ =	swait.ge [sflag:s17], $0x70  }
0x19b: {  	[sflag:s17] =	ssyncset.done $0x0  }
0x19c: {  	[sflag:s17] =	ssyncadd.s32 $0xFFFFFF90  }
0x19d: {  	s28 =	sadd.s32 $0x1, s28;
	s0 =	rddreg [dreg:$0x6]  }
0x19e: {  	p0 =	sne.s32 s28, s0  }
.Ltmp5:
0x19f: {  	vm2 =	vcmask $0xB08;
	(pc) =	sbr.rel @p0 .LBB2_1-.Ltmp5, $4  }
0x1a0: {  	vm3 =	vcmask $0xF0C;
	vm4 =	vcmask $0x1310;
	vm5 =	vcmask $0x1714  }
0x1a1: {  	vm6 =	vcmask $0x1B18;
	vm7 =	vcmask $0x1F1C;
	vm8 =	vcmask $0x2320  }
0x1a2: {  	vm9 =	vcmask $0x2724;
	vm10 =	vcmask $0x2B28;
	vm11 =	vcmask $0x2F2C  }
0x1a3: {  	vm12 =	vcmask $0x3330;
	vm13 =	vcmask $0x3734;
	vm14 =	vcmask $0x3B38  }
0x1a4: {  	_ =	sfence.sel $0x180000  }
0x1a5: {  	[bflag:$0x0] =	sbarrier.arrive $0xFFFF  }
0x1a6: {  	_ =	strace $0x90000047  }
0x1a7: {  	s0 =	stileid.u32;
	[bflag:$0x2] =	sbarrier.arrive $0xFFFF  }
0x1a8: {  	p0 =	sne.s32 s0, $0x0;
	s0 =	rddreg [dreg:$0x3]  }
0x1a9: {  	s0 =	sadd.s32 @!p0 $0x100000, s0  }
0x1aa: {  	[sflag:s0] =	ssyncadd.tile.s32 @!p0 $0x1;
	_ =	shalt  }
.Lfunc_end2:
_tile_overlayer_lowered:
.L_overlay_start_2:
0x1ab: {  	(tag) =	ssettag $0x2  }
0x1ac: {  	s0 =	rddreg [dreg:$0x0];
	s2 =	stileid.u32  }
0x1ad: {  	s1 =	rddreg [dreg:$0x1];
	p0 =	sne.s32 s2, $0x0  }
0x1ae: {  	s3 =	rddreg [dreg:$0x2];
	[bflag:$0x3] =	sbarrier.arrive $0xFFFF;
	s2 =	simm.s32 @!p0 $0x1C02  }
0x1af: {  	[timem:s3], [sflag:s2] =	dma.local @!p0 [hbm:s0], s1  }
0x1b0: {  	s0 =	simm.s32 @!p0 $0x2  }
0x1b1: {  	_ =	swait.ge @!p0 [sflag:s0], s1  }
0x1b2: {  	s1 =	ssub.s32 @!p0 $0x0, s1;
	[sflag:s0] =	ssyncset.done @!p0 $0x0  }
0x1b3: {  	[sflag:s0] =	ssyncadd.s32 @!p0 s1  }
0x1b4: {  	[bflag:$0x3] =	sbarrier.arrive $0xFFFF  }
0x1b5: {  	_ =	shalt  }

// kernel: kernel.8.cloned.1.call-start
scs
__scs_entry_jumppad:
0x0: {  	(pc) =	sbr.rel $0x88, $3  }
0x1: {  	(tag) =	ssettag $0x0;
	lr =	simm.s32 $0x1  }
0x2: {  	[smem:$0x3F9B] =	sst lr;
	_ =	strace $0xD0000000  }
0x3: {  	_ = 	snop  }
0x4: {  	_ = 	snop  }
0x5: {  	_ = 	snop  }
0x6: {  	_ = 	snop  }
0x7: {  	_ = 	snop  }
__scs_overlays_trampoline_lowered:
0x8: {  	[smem:$0x3FAA] =	sst s0  }
0x9: {  	[smem:$0x3FAB] =	sst s1  }
0xa: {  	[smem:$0x3FAC] =	sst s2  }
0xb: {  	[smem:$0x3FAD] =	sst s3  }
0xc: {  	[smem:$0x3FAE] =	sst s4  }
0xd: {  	[smem:$0x3FAF] =	sst s5  }
0xe: {  	[smem:$0x3FB0] =	sst s6  }
0xf: {  	[smem:$0x3FB1] =	sst s7  }
0x10: {  	[smem:$0x3FB2] =	sst s8  }
0x11: {  	[smem:$0x3FB3] =	sst s9;
	s0 =	simm.s32 @!p0 $0x0  }
0x12: {  	s1 =	sld [smem:$0x3F99];
	s0 =	simm.s32 @p0 $0x1  }
0x13: {  	[smem:$0x3FB4] =	sst s0;
	s0 =	simm.s32 @!p1 $0x0  }
0x14: {  	s2 =	sld [smem:$0x3F98];
	s0 =	simm.s32 @p1 $0x1  }
0x15: {  	[smem:$0x3FB5] =	sst s0;
	s0 =	simm.s32 @!p2 $0x0  }
0x16: {  	s3 =	sld [smem:$0x3FDB];
	s0 =	simm.s32 @p2 $0x1  }
0x17: {  	s4 =	simm.s32 $0x1BF5;
	[smem:$0x3FB7] =	sst s0  }
0x18: {  	s0 =	sld [smem:$0x3F9A];
	_ =	swait.ge [sflag:s4], $0x0  }
0x19: {  	s7 =	sld [smem:$0x3F9B]  }
0x1a: {  	s8 =	sadd.s32 $0xFFFFE003, lr  }
0x1b: {  	s9 =	sadd.s32 $0xFFFFFEF7, lr;
	s5 =	simm.s32 $0xFFFFFFFF;
	p2 =	slt.u32 s8, $0xFFFFF086  }
0x1c: {  	p1 =	slt.u32 s9, $0xF7A;
	s5 =	simm.s32 @!p2 $0x0  }
0x1d: {  	s5 =	simm.s32 @p1 $0x1;
	p0 =	seq.s32 s7, s2  }
0x1e: {  	s7 =	smul.u32 @!p0 $0xF7A, s2;
	p2 =	seq.s32 @!p0 s5, $0x0  }
0x1f: {  	s9 =	smul.u32 $0xF7A, s1;
	s8 =	simm.s32 @!p0 $0x1BF5;
	p2 =	por !p2, p0  }
0x20: {  	[sflag:s8] =	ssyncset.s32 @!p0 $0xFFFFF086;
	s6 =	sadd.s32 @!p0 s3, s7;
	s7 =	simm.s32 @!p0 $0x108  }
0x21: {  	s3 =	sadd.s32 s3, s9;
	s6 =	sadd.s32 @!p0 $0x88, s6;
	s7 =	simm.s32 @p2 $0x1082  }
0x22: {  	[simem:s7], [sflag:s8] =	dma.local @!p0 [hbm:s6], $0xF7A  }
0x23: {  	s9 =	sor.u32 $0xD0000000, s2;
	s6 =	simm.s32 $0x108;
	_ =	swait.ge @!p0 [sflag:s8], $0x0  }
0x24: {  	s3 =	sadd.s32 $0x88, s3;
	s6 =	simm.s32 @!p1 $0x1082;
	[sflag:s4] =	ssyncset.s32 $0xFFFFF086  }
0x25: {  	[simem:s6], [sflag:s4] =	dma.local [hbm:s3], $0xF7A  }
0x26: {  	[smem:$0x3F9B] =	sst s1;
	(tag) =	ssettag s2;
	_ =	strace s9  }
0x27: {  	s1 =	sld [smem:$0x3FAB]  }
0x28: {  	s2 =	sld [smem:$0x3FAC]  }
0x29: {  	s4 =	sld [smem:$0x3FAE]  }
0x2a: {  	p0 =	seq.s32 s5, $0x0;
	s5 =	sld [smem:$0x3FAF]  }
0x2b: {  	s6 =	sld [smem:$0x3FB0]  }
0x2c: {  	s7 =	sld [smem:$0x3FB1]  }
0x2d: {  	s3 =	simm.s32 $0x108;
	s8 =	sld [smem:$0x3FB2]  }
0x2e: {  	s3 =	simm.s32 @!p0 $0x1082;
	s9 =	sld [smem:$0x3FB3]  }
0x2f: {  	lr =	sadd.s32 s0, s3;
	s0 =	sld [smem:$0x3FAA]  }
0x30: {  	s3 =	sld [smem:$0x3FAD]  }
0x31: {  	[smem:$0x3FB6] =	sst s10  }
0x32: {  	s10 =	sld [smem:$0x3FB4];
	_ =	sdelay $0x3  }
0x33: {  	p0 =	seq.s32 s10, $0x1;
	s10 =	sld [smem:$0x3FB6];
	_ =	sdelay $0x3  }
0x34: {  	[smem:$0x3FB6] =	sst s10  }
0x35: {  	s10 =	sld [smem:$0x3FB5];
	_ =	sdelay $0x3  }
0x36: {  	p1 =	seq.s32 s10, $0x1;
	s10 =	sld [smem:$0x3FB6];
	_ =	sdelay $0x3  }
0x37: {  	[smem:$0x3FB6] =	sst s10  }
0x38: {  	s10 =	sld [smem:$0x3FB7]  }
0x39: {  	_ = 	snop;
	(pc) =	sbr.ind lr, $3  }
0x3a: {  	_ = 	snop  }
0x3b: {  	_ = 	snop  }
0x3c: {  	p2 =	seq.s32 s10, $0x1;
	s10 =	sld [smem:$0x3FB6]  }
0x3d: {  	_ =	shalt  }
0x3e: {  	_ =	shalt  }
0x3f: {  	_ =	shalt  }
0x40: {  	_ =	shalt  }
0x41: {  	_ =	shalt  }
0x42: {  	_ =	shalt  }
0x43: {  	_ =	shalt  }
0x44: {  	_ =	shalt  }
0x45: {  	_ =	shalt  }
0x46: {  	_ =	shalt  }
0x47: {  	_ =	shalt  }
0x48: {  	_ =	shalt  }
0x49: {  	_ =	shalt  }
0x4a: {  	_ =	shalt  }
0x4b: {  	_ =	shalt  }
0x4c: {  	_ =	shalt  }
0x4d: {  	_ =	shalt  }
0x4e: {  	_ =	shalt  }
0x4f: {  	_ =	shalt  }
0x50: {  	_ =	shalt  }
0x51: {  	_ =	shalt  }
0x52: {  	_ =	shalt  }
0x53: {  	_ =	shalt  }
0x54: {  	_ =	shalt  }
0x55: {  	_ =	shalt  }
0x56: {  	_ =	shalt  }
0x57: {  	_ =	shalt  }
0x58: {  	_ =	shalt  }
0x59: {  	_ =	shalt  }
0x5a: {  	_ =	shalt  }
0x5b: {  	_ =	shalt  }
0x5c: {  	_ =	shalt  }
0x5d: {  	_ =	shalt  }
0x5e: {  	_ =	shalt  }
0x5f: {  	_ =	shalt  }
0x60: {  	_ =	shalt  }
0x61: {  	_ =	shalt  }
0x62: {  	_ =	shalt  }
0x63: {  	_ =	shalt  }
0x64: {  	_ =	shalt  }
0x65: {  	_ =	shalt  }
0x66: {  	_ =	shalt  }
0x67: {  	_ =	shalt  }
0x68: {  	_ =	shalt  }
0x69: {  	_ =	shalt  }
0x6a: {  	_ =	shalt  }
0x6b: {  	_ =	shalt  }
0x6c: {  	_ =	shalt  }
0x6d: {  	_ =	shalt  }
0x6e: {  	_ =	shalt  }
0x6f: {  	_ =	shalt  }
0x70: {  	_ =	shalt  }
0x71: {  	_ =	shalt  }
0x72: {  	_ =	shalt  }
0x73: {  	_ =	shalt  }
0x74: {  	_ =	shalt  }
0x75: {  	_ =	shalt  }
0x76: {  	_ =	shalt  }
0x77: {  	_ =	shalt  }
0x78: {  	_ =	shalt  }
0x79: {  	_ =	shalt  }
0x7a: {  	_ =	shalt  }
0x7b: {  	_ =	shalt  }
0x7c: {  	_ =	shalt  }
0x7d: {  	_ =	shalt  }
0x7e: {  	_ =	shalt  }
0x7f: {  	_ =	shalt  }
0x80: {  	_ =	shalt  }
0x81: {  	_ =	shalt  }
0x82: {  	_ =	shalt  }
0x83: {  	_ =	shalt  }
0x84: {  	_ =	shalt  }
0x85: {  	_ =	shalt  }
0x86: {  	_ =	shalt  }
0x87: {  	_ =	shalt  }
.Lfunc_end0:
.L_simem_size_0:
called_computation.1_lowered:
.L_overlay_start_0:
0x88: {  	s2 =	sld [smem:$0x3FD9]  }
0x89: {  	s3 =	sld [smem:$0x3FFE];
	_ =	sdelay $0x1  }
0x8a: {  	s1 =	srdreg.scid  }
0x8b: {  	s0 =	sand.u32 $0x1, s1  }
0x8c: {  	s17 =	sshll.u32 s0, $0xA;
	s2 =	sadd.s32 s3, s2  }
0x8d: {  	s2 =	sadd.s32 s2, s17  }
0x8e: {  	[smem:$0x3FC2] =	sst s2  }
0x8f: {  	_ = 	snop  }
0x90: {  	s2 =	sld [smem:$0x3FD0];
	(tm) =	ssettm $0x1  }
0x91: {  	s18 =	sld [smem:$0x3FFB];
	_ =	sdelay $0x3  }
0x92: {  	_ =	strace s18  }
0x93: {  	s3 =	sld [smem:$0x3FFC];
	_ =	sdelay $0x3  }
0x94: {  	_ =	strace s3  }
0x95: {  	s3 =	sld [smem:$0x3FFD];
	_ =	sdelay $0x3  }
0x96: {  	_ =	strace s3  }
0x97: {  	_ =	strace $0x8FFFFFFF  }
0x98: {  	s19 =	sld [smem:$0x3FDB];
	_ =	sdelay $0x1  }
0x99: {  	s4 =	simm.s32 $_scs_section_size  }
0x9a: {  	s5 =	simm.s32 $_size__tile_overlayer_lowered;
	s6 =	simm.s32 $_tile_overlayer_lowered  }
0x9b: {  	s22 =	simm.s32 $0x1BFF;
	s21 =	sshll.u32 s6, $0x1;
	s3 =	sadd.s32 s4, s19  }
0x9c: {  	s7 =	simm.s32 $0x0;
	s20 =	sshll.u32 s5, $0x1;
	s5 =	sadd.s32 s21, s3  }
0x9d: {  	[timem:s7], [sflag:s22] =	dma.local [hbm:s5], s20  }
0x9e: {  	_ =	swait.ge [sflag:s22], s20  }
0x9f: {  	s4 =	ssub.s32 $0x0, s20;
	[sflag:s22] =	ssyncset.done $0x0  }
0xa0: {  	[sflag:s22] =	ssyncadd.s32 s4;
	_ =	sdelay $0x1  }
0xa1: {  	s23 =	simm.s32 $0x1B8B  }
0xa2: {  	_ =	swait.ge [sflag:s23], $0x1  }
0xa3: {  	[sflag:s23] =	ssyncset.done $0x0  }
0xa4: {  	s25 =	simm.s32 $0x1B8E;
	s24 =	sld [smem:$0x3FFE];
	[sflag:s23] =	ssyncadd.s32 $0xFFFFFFFF  }
0xa5: {  	s26 =	simm.s32 $execute0_lowered;
	[smem:$0x3FD2] =	sst s25  }
0xa6: {  	s5 =	sshll.u32 s26, $0x1;
	_ =	strace $0x80000049;
	[dreg:$0x1] =	wrdreg $0xFFFFFFFF  }
0xa7: {  	s28 =	simm.s32 $_size_execute0_lowered;
	s3 =	sadd.s32 s3, s5;
	[dreg:$0x0] =	wrdreg $0x0  }
0xa8: {  	s5 =	sshll.u32 s28, $0x1;
	[dreg:$0x2] =	wrdreg s3  }
0xa9: {  	[dreg:$0x3] =	wrdreg s5  }
0xaa: {  	[dreg:$0x4] =	wrdreg $0xC0  }
0xab: {  	_ =	task [dreg:s7], $0x5FFFF  }
0xac: {  	[dreg:$0x1] =	wrdreg $0xFFFFFFFF  }
0xad: {  	[dreg:$0x0] =	wrdreg $0x60  }
0xae: {  	[dreg:$0x2] =	wrdreg s24  }
0xaf: {  	[dreg:$0x3] =	wrdreg s2  }
0xb0: {  	[dreg:$0x4] =	wrdreg $0x49600  }
0xb1: {  	[dreg:$0x5] =	wrdreg $0x9  }
0xb2: {  	_ =	task.clear_ibuf [dreg:s7], $0x6FFFF;
	_ =	strace $0x90000049  }
0xb3: {  	s29 =	simm.s32 $0x9;
	_ =	strace $0x8000004B  }
0xb4: {  	_ =	swait.ge [sflag:s29], $0x1  }
0xb5: {  	[sflag:s29] =	ssyncadd.s32 $0xFFFFFFFF  }
0xb6: {  	_ =	strace $0x9000004B  }
0xb7: {  	_ =	sfence  }
0xb8: {  	s30 =	sld [smem:$0x0];
	_ =	sdelay $0x2  }
0xb9: {  	s31 =	sshll.u32 s1, $0xD;
	s1 =	sshrl.u32 s1, $0x2  }
0xba: {  	s3 =	sand.u32 $0x4000, s31;
	s1 =	sadd.s32 s1, s30  }
0xbb: {  	s0 =	sor.u32 s3, s0;
	s1 =	sshll.u32 s1, $0x11  }
0xbc: {  	s0 =	sor.u32 s1, s0  }
0xbd: {  	s0 =	sadd.s32 $0x8F2B, s0  }
0xbe: {  	[sflag:s0] =	ssyncadd.remote.s32 $0x1  }
0xbf: {  	_ =	sfence.sel $0xFFFF  }
0xc0: {  	[dreg:$0x0] =	wrdreg $0xFFFFFFFF;
	(pc) =	sbr.abs _section_cstart, $3  }
0xc1: {  	[dreg:$0x1] =	wrdreg $0xFFFFFFFF  }
0xc2: {  	_ =	task.clear_ibuf [dreg:s7], $0x2FFFF;
	_ =	strace $0x9FFFFFFF  }
0xc3: {  	(tm) =	ssettm $0x7FFFFFFF  }
tec
execute0_lowered:
.L_overlay_start_1:
0x0: {  	(tag) =	ssettag $0x1  }
0x1: {  	s0 =	rddreg [dreg:$0x0]  }
0x2: {  	s2 =	rddreg [dreg:$0x2]  }
0x3: {  	s1 =	simm.s32 $0x0;
	s3 =	srdreg.scid;
	s13 =	stileid.u32  }
0x4: {  	s16 =	simm.s32 $0x2;
	s17 =	simm.s32 $0x400;
	s18 =	simm.s32 $0x80  }
0x5: {  	s19 =	simm.s32 $0x800;
	s20 =	simm.s32 $0xC80;
	s21 =	simm.s32 $0x1  }
0x6: {  	s22 =	simm.s32 $0x3;
	s23 =	simm.s32 $0x1C80;
	s24 =	simm.s32 $0x3  }
0x7: {  	s28 =	simm.s32 $0x48F0;
	s29 =	simm.s32 $0x20;
	s30 =	simm.s32 $0x40  }
0x8: {  	s31 =	simm.s32 $0x3A80;
	[smem:$0x7FF] =	sst s1;
	s4 =	sadd.s32 $0x2B9800, s0  }
0x9: {  	s6 =	sadd.s32 $0xF9000, s0;
	s7 =	sadd.s32 $0x113A00, s0;
	s3 =	sand.u32 $0x1, s3  }
0xa: {  	s8 =	sadd.s32 $0x12CA00, s0;
	s11 =	smul.u32 $0x62000, s13;
	s12 =	sadd.s32 $0x2C00, s0  }
0xb: {  	s25 =	sshll.u32 s13, $0x6;
	_ =	strace $0x8000004A;
	s5 =	ssub.s32 $0x2, s3  }
0xc: {  	s9 =	sshll.u32 s3, $0x2;
	[dreg:$0x5] =	wrdreg s12;
	s15 =	smul.u32 $0xC4E0, s3  }
0xd: {  	s12 =	sor.u32 $0x1C02, s25;
	p0 =	seq.s32 s3, $0x0;
	s25 =	simm.s32 $0x2C80  }
0xe: {  	s10 =	sshrl.u32 s5, $0x1;
	s0 =	sadd.s32 s9, s0;
	s11 =	sshrl.u32 s11, $0x2  }
0xf: {  	[dreg:$0x6] =	wrdreg s12;
	s12 =	smul.u32 $0xC800, s13;
	s5 =	ssub.s32 s5, s10  }
0x10: {  	s22 =	simm.s32 @!p0 $0x2;
	s11 =	sadd.s32 s11, s2;
	s5 =	smax.u32 s5, $0x1  }
0x11: {  	s10 =	smul.u32 $0xC40, s13;
	s26 =	sshrl.u32 s11, $0x3;
	[dreg:$0x7] =	wrdreg s5  }
0x12: {  	s14 =	sadd.s32 $0x5E00, s0;
	v0 =	vmov s15;
	[dreg:$0x8] =	wrdreg s26;
	s26 =	simm.s32 $0x4880  }
.LBB2_1:
0x13: {  	[dreg:$0x4] =	wrdreg s1  }
0x14: {  	s0 =	rddreg [dreg:$0x5]  }
0x15: {  	s15 =	rddreg [dreg:$0x6]  }
0x16: {  	s3 =	rddreg [dreg:$0x8]  }
0x17: {  	[spmem:s3], [sflag:s15] =	dma.local [hbm:s0], $0x3100  }
0x18: {  	_ =	swait.ge [sflag:s16], $0x3100  }
0x19: {  	[sflag:s16] =	ssyncset.done $0x0  }
0x1a: {  	[sflag:s16] =	ssyncadd.s32 $0xFFFFCF00  }
0x1b: {  	s0 =	simm.s32 $0x0;
	[bflag:$0x0] =	sbarrier.arrive $0xFFFF  }
.LBB2_2:
0x1c: {  	s3 =	sshll.u32 s0, $0xA  }
0x1d: {  	s3 =	sadd.s32 s12, s3  }
0x1e: {  	s1 =	rddreg [dreg:$0x1];
	s5 =	sshrl.u32 s3, $0x3  }
0x1f: {  	s3 =	simm.s32 $0x0;
	s9 =	sadd.s32 s1, s5  }
0x20: {  	[tilespmem:s3], [sflag:$0x2] =	stream.linear.gather [hbm4b:s9+s3], $0x400, $0x38;
	[tilespmem:$0x1D160] =	vst v63  }
0x21: {  	_ =	swait.ge [sflag:s16], $0x400  }
0x22: {  	[sflag:s16] =	ssyncset.done $0x0  }
0x23: {  	s13 =	sadd.s32 s6, s5;
	[sflag:s16] =	ssyncadd.s32 $0xFFFFFC00  }
0x24: {  	[tilespmem:s17], [sflag:$0x2] =	stream.linear.gather [hbm4b:s13+s3], $0x400, $0x38;
	[tilespmem:$0x1D160] =	vst v63  }
0x25: {  	_ =	swait.ge [sflag:s16], $0x400  }
0x26: {  	[sflag:s16] =	ssyncset.done $0x0  }
0x27: {  	s15 =	sadd.s32 s7, s5;
	s5 =	simm.s32 $0x880;
	[sflag:s16] =	ssyncadd.s32 $0xFFFFFC00  }
0x28: {  	[tilespmem:s5], [sflag:$0x2] =	stream.linear.gather [hbm4b:s15+s3], $0x400, $0x38;
	[tilespmem:$0x1D160] =	vst v63  }
0x29: {  	_ =	swait.ge [sflag:s16], $0x400  }
0x2a: {  	[sflag:s16] =	ssyncset.done $0x0  }
0x2b: {  	[sflag:s16] =	ssyncadd.s32 $0xFFFFFC00  }
.LBB2_3:
0x2c: {  	s9 =	sshll.u32 s3, $0x7  }
0x2d: {  	v1 =	vld [tilespmem:s9+$0x0];
	_ =	sdelay $0x4  }
0x2e: {  	v1 =	vadd.s32 v0, v1  }
0x2f: {  	[tilespmem:$0x800] =	vst v1  }
0x30: {  	v1 =	vld [tilespmem:s9+$0x10];
	_ =	sdelay $0x4  }
0x31: {  	v1 =	vadd.s32 v0, v1  }
0x32: {  	[tilespmem:$0x810] =	vst v1  }
0x33: {  	v1 =	vld [tilespmem:s9+$0x20];
	_ =	sdelay $0x4  }
0x34: {  	v1 =	vadd.s32 v0, v1  }
0x35: {  	[tilespmem:$0x820] =	vst v1  }
0x36: {  	v1 =	vld [tilespmem:s9+$0x30];
	_ =	sdelay $0x4  }
0x37: {  	v1 =	vadd.s32 v0, v1  }
0x38: {  	[tilespmem:$0x830] =	vst v1  }
0x39: {  	v1 =	vld [tilespmem:s9+$0x40];
	_ =	sdelay $0x4  }
0x3a: {  	v1 =	vadd.s32 v0, v1  }
0x3b: {  	[tilespmem:$0x840] =	vst v1  }
0x3c: {  	v1 =	vld [tilespmem:s9+$0x50];
	_ =	sdelay $0x4  }
0x3d: {  	v1 =	vadd.s32 v0, v1  }
0x3e: {  	[tilespmem:$0x850] =	vst v1  }
0x3f: {  	v1 =	vld [tilespmem:s9+$0x60];
	_ =	sdelay $0x4  }
0x40: {  	v1 =	vadd.s32 v0, v1  }
0x41: {  	[tilespmem:$0x860] =	vst v1  }
0x42: {  	v1 =	vld [tilespmem:s9+$0x70];
	_ =	sdelay $0x4  }
0x43: {  	v1 =	vadd.s32 v0, v1  }
0x44: {  	[tilespmem:$0x870] =	vst v1  }
0x45: {  	[tilespmem:s20], [sflag:$0x1] =	stream.indirect.gather [hbm4b:s4+s18], $0x20, s19, s18, $0xb8;
	[tilespmem:$0x1D160] =	vst v63  }
0x46: {  	_ =	swait.ge [sflag:s21], $0x1000  }
0x47: {  	[sflag:s21] =	ssyncset.done $0x0  }
0x48: {  	s11 =	simm.s32 $0x0;
	[sflag:s21] =	ssyncadd.s32 $0xFFFFF000  }
0x49: {  	v10 =	vld [tilespmem:s11+$0xC80]  }
0x4a: {  	v9 =	vld [tilespmem:s11+$0xC90]  }
0x4b: {  	v8 =	vld [tilespmem:s11+$0xCA0]  }
0x4c: {  	v7 =	vld [tilespmem:s11+$0xCB0]  }
0x4d: {  	v6 =	vld [tilespmem:s11+$0xCC0]  }
0x4e: {  	v5 =	vld [tilespmem:s11+$0xCD0]  }
0x4f: {  	v3 =	vld [tilespmem:s11+$0xCE0]  }
0x50: {  	v4 =	vld [tilespmem:s11+$0xCF0]  }
0x51: {  	v2 =	vld [tilespmem:s11+$0xD00]  }
0x52: {  	s13 =	simm.s32 $0x800;
	s15 =	smov.u32 s5;
	v1 =	vld [tilespmem:s5+$0x0]  }
.LBB2_4:
0x53: {  	p0 =	sne.s32 s13, $0x3800;
	v11 =	vld [tilespmem:s11+$0xD10]  }
0x54: {  	v12 =	vld [tilespmem:s11+$0xD20]  }
0x55: {  	v13 =	vld [tilespmem:s11+$0xD30]  }
0x56: {  	v14 =	vld [tilespmem:s11+$0xD40]  }
0x57: {  	v15 =	vbroadcast v1, $0x0;
	v16 =	vbroadcast v1, $0x1;
	v17 =	vld [tilespmem:s11+$0xD50]  }
0x58: {  	v18 =	vbroadcast v1, $0x2;
	v19 =	vbroadcast v1, $0x3;
	v20 =	vld [tilespmem:s11+$0xD60]  }
0x59: {  	v10 =	vmul.f32 v15, v10;
	v9 =	vmul.f32 v9, v15;
	v15 =	vld [tilespmem:s11+$0xD70]  }
0x5a: {  	v8 =	vmul.f32 v8, v16;
	v7 =	vmul.f32 v7, v16;
	v16 =	vld [tilespmem:s11+$0xD80]  }
0x5b: {  	v6 =	vmul.f32 v6, v18;
	v5 =	vmul.f32 v5, v18;
	[tilespmem:s11+$0x1C80] =	vst v10;
	v10 =	vld [tilespmem:s11+$0xD90]  }
0x5c: {  	v3 =	vmul.f32 v3, v19;
	v4 =	vmul.f32 v4, v19;
	[tilespmem:s11+$0x1C90] =	vst v9;
	v9 =	vld [tilespmem:s11+$0xDA0]  }
0x5d: {  	v18 =	vbroadcast v1, $0x5;
	[tilespmem:s11+$0x1CA0] =	vst v8;
	v8 =	vbroadcast v1, $0x4;
	v19 =	vld [tilespmem:s11+$0xDB0]  }
0x5e: {  	v21 =	vbroadcast v1, $0x7;
	[tilespmem:s11+$0x1CB0] =	vst v7;
	v7 =	vbroadcast v1, $0x6;
	v22 =	vld [tilespmem:s11+$0xDC0]  }
0x5f: {  	[tilespmem:s11+$0x1CC0] =	vst v6;
	v2 =	vmul.f32 v2, v8;
	v6 =	vmul.f32 v11, v8;
	v8 =	vld [tilespmem:s11+$0xDD0]  }
0x60: {  	v11 =	vmul.f32 v13, v18;
	[tilespmem:s11+$0x1CD0] =	vst v5;
	v5 =	vmul.f32 v12, v18;
	v12 =	vld [tilespmem:s11+$0xDE0]  }
0x61: {  	[tilespmem:s11+$0x1CE0] =	vst v3;
	v3 =	vmul.f32 v14, v7;
	v7 =	vmul.f32 v17, v7;
	v13 =	vld [tilespmem:s11+$0xDF0]  }
0x62: {  	v14 =	vmul.f32 v15, v21;
	[tilespmem:s11+$0x1CF0] =	vst v4;
	v4 =	vmul.f32 v20, v21;
	v15 =	vld [tilespmem:s11+$0xE00]  }
0x63: {  	v17 =	vbroadcast v1, $0x9;
	[tilespmem:s11+$0x1D00] =	vst v2;
	v2 =	vbroadcast v1, $0x8;
	v18 =	vld [tilespmem:s11+$0xE10]  }
0x64: {  	v20 =	vbroadcast v1, $0xB;
	[tilespmem:s11+$0x1D10] =	vst v6;
	v6 =	vbroadcast v1, $0xA;
	v21 =	vld [tilespmem:s11+$0xE20]  }
0x65: {  	[tilespmem:s11+$0x1D20] =	vst v5;
	v5 =	vmul.f32 v16, v2;
	v2 =	vmul.f32 v10, v2;
	v10 =	vld [tilespmem:s11+$0xE30]  }
0x66: {  	v9 =	vmul.f32 v9, v17;
	[tilespmem:s11+$0x1D30] =	vst v11;
	v11 =	vmul.f32 v19, v17;
	v16 =	vld [tilespmem:s11+$0xE40]  }
0x67: {  	[tilespmem:s11+$0x1D40] =	vst v3;
	v3 =	vmul.f32 v22, v6;
	v6 =	vmul.f32 v8, v6;
	v8 =	vld [tilespmem:s11+$0xE50]  }
0x68: {  	[tilespmem:s11+$0x1D50] =	vst v7;
	v7 =	vmul.f32 v12, v20;
	v12 =	vmul.f32 v13, v20;
	v13 =	vld [tilespmem:s11+$0xE60]  }
0x69: {  	v17 =	vbroadcast v1, $0xD;
	[tilespmem:s11+$0x1D60] =	vst v4;
	v4 =	vbroadcast v1, $0xC;
	v19 =	vld [tilespmem:s11+$0xE70]  }
0x6a: {  	[tilespmem:s11+$0x1D70] =	vst v14;
	v14 =	vbroadcast v1, $0xE;
	v1 =	vbroadcast v1, $0xF  }
0x6b: {  	[tilespmem:s11+$0x1D80] =	vst v5;
	v5 =	vmul.f32 v15, v4;
	v4 =	vmul.f32 v18, v4  }
0x6c: {  	v15 =	vmul.f32 v10, v17;
	[tilespmem:s11+$0x1D90] =	vst v2;
	v2 =	vmul.f32 v21, v17  }
0x6d: {  	v16 =	vmul.f32 v16, v14;
	v14 =	vmul.f32 v8, v14;
	[tilespmem:s11+$0x1DA0] =	vst v9  }
0x6e: {  	[tilespmem:s11+$0x1DB0] =	vst v11;
	v11 =	vmul.f32 v13, v1;
	v1 =	vmul.f32 v19, v1  }
0x6f: {  	[tilespmem:s11+$0x1DC0] =	vst v3  }
0x70: {  	[tilespmem:s11+$0x1DD0] =	vst v6  }
0x71: {  	s1 =	sshra.s32 s13, $0x2;
	[tilespmem:s11+$0x1DE0] =	vst v7  }
0x72: {  	v10 =	vld [tilespmem:s1+$0xC80];
	[tilespmem:s11+$0x1DF0] =	vst v12  }
0x73: {  	v9 =	vld [tilespmem:s1+$0xC90];
	[tilespmem:s11+$0x1E00] =	vst v5  }
0x74: {  	v8 =	vld [tilespmem:s1+$0xCA0];
	[tilespmem:s11+$0x1E10] =	vst v4  }
0x75: {  	v7 =	vld [tilespmem:s1+$0xCB0];
	[tilespmem:s11+$0x1E20] =	vst v2  }
0x76: {  	v6 =	vld [tilespmem:s1+$0xCC0];
	[tilespmem:s11+$0x1E30] =	vst v15  }
.Ltmp0:
0x77: {  	v5 =	vld [tilespmem:s1+$0xCD0];
	[tilespmem:s11+$0x1E40] =	vst v16;
	(pc) =	sbr.rel @p0 .LBB2_4-.Ltmp0, $4  }
0x78: {  	v3 =	vld [tilespmem:s1+$0xCE0];
	[tilespmem:s11+$0x1E50] =	vst v14  }
0x79: {  	v4 =	vld [tilespmem:s1+$0xCF0];
	[tilespmem:s11+$0x1E60] =	vst v11  }
0x7a: {  	s15 =	sadd.s32 $0x10, s15;
	v2 =	vld [tilespmem:s1+$0xD00];
	[tilespmem:s11+$0x1E70] =	vst v1;
	s11 =	smov.u32 s1  }
0x7b: {  	s13 =	sadd.s32 $0x800, s13;
	v1 =	vld [tilespmem:s15+$0x0]  }
0x7c: {  	_ =	sdelay $0x3  }
0x7d: {  	v15 =	vbroadcast v1, $0x0;
	_ =	sdelay $0x1  }
0x7e: {  	v20 =	vbroadcast v1, $0x1;
	v10 =	vmul.f32 v15, v10  }
0x7f: {  	v9 =	vmul.f32 v9, v15  }
0x80: {  	v37 =	vbroadcast v1, $0x2;
	v8 =	vmul.f32 v8, v20;
	[tilespmem:s11+$0x1C80] =	vst v10  }
0x81: {  	v7 =	vmul.f32 v7, v20;
	[tilespmem:s11+$0x1C90] =	vst v9  }
0x82: {  	v11 =	vld [tilespmem:s11+$0xD10];
	v40 =	vbroadcast v1, $0x3;
	v6 =	vmul.f32 v6, v37;
	[tilespmem:s11+$0x1CA0] =	vst v8  }
0x83: {  	v12 =	vld [tilespmem:s11+$0xD20];
	v5 =	vmul.f32 v5, v37;
	[tilespmem:s11+$0x1CB0] =	vst v7  }
0x84: {  	v13 =	vld [tilespmem:s11+$0xD30];
	v43 =	vbroadcast v1, $0x4;
	v3 =	vmul.f32 v3, v40;
	[tilespmem:s11+$0x1CC0] =	vst v6  }
0x85: {  	v14 =	vld [tilespmem:s11+$0xD40];
	v4 =	vmul.f32 v4, v40;
	[tilespmem:s11+$0x1CD0] =	vst v5  }
0x86: {  	v16 =	vld [tilespmem:s11+$0xD50];
	v45 =	vbroadcast v1, $0x5;
	v2 =	vmul.f32 v2, v43;
	[tilespmem:s11+$0x1CE0] =	vst v3  }
0x87: {  	v17 =	vld [tilespmem:s11+$0xD60];
	v11 =	vmul.f32 v11, v43;
	[tilespmem:s11+$0x1CF0] =	vst v4  }
0x88: {  	v18 =	vld [tilespmem:s11+$0xD70];
	v47 =	vbroadcast v1, $0x6;
	v12 =	vmul.f32 v12, v45;
	[tilespmem:s11+$0x1D00] =	vst v2  }
0x89: {  	v19 =	vld [tilespmem:s11+$0xD80];
	v13 =	vmul.f32 v13, v45;
	[tilespmem:s11+$0x1D10] =	vst v11  }
0x8a: {  	v46 =	vld [tilespmem:s11+$0xE20];
	v50 =	vbroadcast v1, $0x7;
	v14 =	vmul.f32 v14, v47;
	[tilespmem:s11+$0x1D20] =	vst v12  }
0x8b: {  	v48 =	vld [tilespmem:s11+$0xE30];
	v15 =	vmul.f32 v16, v47;
	[tilespmem:s11+$0x1D30] =	vst v13  }
0x8c: {  	v35 =	vld [tilespmem:s11+$0xD90];
	v53 =	vbroadcast v1, $0x8;
	v52 =	vmul.f32 v17, v50;
	[tilespmem:s11+$0x1D40] =	vst v14  }
0x8d: {  	v36 =	vld [tilespmem:s11+$0xDA0];
	v60 =	vbroadcast v1, $0xD;
	v18 =	vmul.f32 v18, v50;
	[tilespmem:s11+$0x1D50] =	vst v15  }
0x8e: {  	v38 =	vld [tilespmem:s11+$0xDB0];
	v19 =	vmul.f32 v19, v53;
	[tilespmem:s11+$0x1D60] =	vst v52  }
0x8f: {  	v39 =	vld [tilespmem:s11+$0xDC0];
	v61 =	vmul.f32 v46, v60;
	[tilespmem:s11+$0x1D70] =	vst v18  }
0x90: {  	v41 =	vld [tilespmem:s11+$0xDD0];
	v55 =	vbroadcast v1, $0x9;
	v62 =	vmul.f32 v48, v60;
	[tilespmem:s11+$0x1D80] =	vst v19  }
0x91: {  	v3 =	vld [tilespmem:s11+$0xDF0];
	v10 =	vmul.f32 v35, v53;
	[tilespmem:s11+$0x1E20] =	vst v61  }
0x92: {  	v42 =	vld [tilespmem:s11+$0xDE0];
	v57 =	vbroadcast v1, $0xA;
	v9 =	vmul.f32 v36, v55;
	[tilespmem:s11+$0x1E30] =	vst v62  }
0x93: {  	v2 =	vld [tilespmem:s11+$0xE10];
	v8 =	vmul.f32 v38, v55;
	[tilespmem:s11+$0x1D90] =	vst v10  }
0x94: {  	v44 =	vld [tilespmem:s11+$0xE00];
	v58 =	vbroadcast v1, $0xB;
	v7 =	vmul.f32 v39, v57;
	[tilespmem:s11+$0x1DA0] =	vst v9  }
0x95: {  	v49 =	vld [tilespmem:s11+$0xE40];
	v6 =	vmul.f32 v41, v57;
	[tilespmem:s11+$0x1DB0] =	vst v8  }
0x96: {  	v51 =	vld [tilespmem:s11+$0xE50];
	v59 =	vbroadcast v1, $0xC;
	[tilespmem:s11+$0x1DC0] =	vst v7;
	v3 =	vmul.f32 v3, v58  }
0x97: {  	v54 =	vld [tilespmem:s11+$0xE60];
	v5 =	vmul.f32 v42, v58;
	[tilespmem:s11+$0x1DD0] =	vst v6  }
0x98: {  	v56 =	vld [tilespmem:s11+$0xE70];
	v2 =	vmul.f32 v2, v59;
	[tilespmem:s11+$0x1DF0] =	vst v3;
	v3 =	vbroadcast v1, $0xE  }
0x99: {  	v4 =	vmul.f32 v44, v59;
	[tilespmem:s11+$0x1DE0] =	vst v5  }
0x9a: {  	[tilespmem:s11+$0x1E10] =	vst v2;
	v1 =	vbroadcast v1, $0xF;
	v2 =	vmul.f32 v49, v3  }
0x9b: {  	[tilespmem:s11+$0x1E00] =	vst v4;
	v3 =	vmul.f32 v51, v3  }
0x9c: {  	v63 =	vmul.f32 v54, v1;
	[tilespmem:s11+$0x1E40] =	vst v2  }
0x9d: {  	s3 =	sadd.s32 $0x1, s3;
	v1 =	vmul.f32 v56, v1;
	[tilespmem:s11+$0x1E50] =	vst v3  }
0x9e: {  	p0 =	sne.s32 s3, $0x8;
	[tilespmem:s11+$0x1E60] =	vst v63  }
.Ltmp1:
0x9f: {  	s1 =	sadd.s32 $0x400, s9;
	[tilespmem:s11+$0x1E70] =	vst v1;
	(pc) =	sbr.rel @p0 .LBB2_3-.Ltmp1, $4  }
0xa0: {  	[spmem:s2] =	stream.indirect.scatter.add.f32 [tilespmem:s23], [sflag:$0x2], $0x20, s1, s18, $0xb8;
	[tilespmem:$0x1D160] =	vst v63  }
0xa1: {  	_ =	swait.ge [sflag:s16], $0x1000  }
0xa2: {  	[sflag:s16] =	ssyncset.done $0x0  }
0xa3: {  	s5 =	sadd.s32 $0x80, s5;
	[sflag:s16] =	ssyncadd.s32 $0xFFFFF000  }
0xa4: {  	s0 =	sadd.s32 $0x1, s0  }
0xa5: {  	p0 =	sne.s32 s0, $0x32  }
.Ltmp2:
0xa6: {  	_ = 	snop;
	(pc) =	sbr.rel @p0 .LBB2_2-.Ltmp2, $1  }
0xa7: {  	_ =	sdelay $0x3  }
0xa8: {  	[bflag:$0x0] =	sbarrier.arrive $0xFFFF;
	s0 =	simm.s32 $0x0;
	s5 =	simm.s32 $0x0  }
.LBB2_8:
0xa9: {  	s1 =	smul.u32 $0x70, s5;
	_ =	sdelay $0x1  }
0xaa: {  	s9 =	sadd.s32 s10, s1  }
0xab: {  	s1 =	sshll.u32 s9, $0x5  }
0xac: {  	s1 =	sand.u32 $0x3FFFFFE0, s1  }
0xad: {  	s1 =	sadd.s32 s1, s2  }
0xae: {  	[tilespmem:s25], [sflag:$0x3] =	stream.linear.gather [spmem:s1], $0xE00, $0x38;
	[tilespmem:$0x1D160] =	vst v63  }
0xaf: {  	_ =	swait.ge [sflag:s24], $0xE00  }
0xb0: {  	s13 =	sshrl.u32 s9, $0x3;
	[sflag:s24] =	ssyncset.done $0x0  }
0xb1: {  	s1 =	sadd.s32 s8, s13;
	[sflag:s24] =	ssyncadd.s32 $0xFFFFF200  }
0xb2: {  	[tilespmem:s26], [sflag:$0x3] =	stream.linear.gather [hbm4b:s1+s0], $0x70, $0x38;
	[tilespmem:$0x1D160] =	vst v63  }
0xb3: {  	_ =	swait.ge [sflag:s24], $0x70  }
0xb4: {  	[sflag:s24] =	ssyncset.done $0x0  }
0xb5: {  	s1 =	sadd.s32 $0x1880, s1;
	[sflag:s24] =	ssyncadd.s32 $0xFFFFFF90  }
0xb6: {  	[tilespmem:s28], [sflag:$0x3] =	stream.linear.gather [hbm4b:s1+s0], $0x70, $0x38;
	[tilespmem:$0x1D160] =	vst v63  }
0xb7: {  	_ =	swait.ge [sflag:s24], $0x70  }
0xb8: {  	[sflag:s24] =	ssyncset.done $0x0  }
0xb9: {  	s15 =	simm.s32 $0x0;
	[sflag:s24] =	ssyncadd.s32 $0xFFFFFF90  }
0xba: {  	v1 =	vld [tilespmem:s15+$0x4880]  }
0xbb: {  	v2 =	vld [tilespmem:s15+$0x48F0];
	_ =	sdelay $0x4  }
0xbc: {  	v1 =	vadd.f32 v2, v1;
	_ =	sdelay $0x1  }
0xbd: {  	vm0 =	vgt.f32 v1, $0.0e+00  }
0xbe: {  	v1 =	vnsel vm0, $0x3F800000, v1  }
0xbf: {  	(erf) = vrcp.f32 v1;
	_ =	sdelay $0x5  }
0xc0: {  	s11 =	simm.s32 $0x2D80  }
0xc1: {  	v1 =	vld [tilespmem:s11+$0xFFFFFF00];
	_ =	sdelay $0x1  }
0xc2: {  	v2 =	vpop (erf)  }
0xc3: {  	v3 =	vbroadcast v2, $0x0;
	_ =	sdelay $0x1  }
0xc4: {  	v1 =	vmul.f32 v3, v1  }
0xc5: {  	s13 =	simm.s32 $0x3B80  }
0xc6: {  	[tilespmem:s13+$0xFFFFFF00] =	vst v1  }
0xc7: {  	v1 =	vld [tilespmem:s11+$0xFFFFFF10];
	_ =	sdelay $0x4  }
0xc8: {  	v1 =	vmul.f32 v3, v1;
	_ =	sdelay $0x1  }
0xc9: {  	[tilespmem:s13+$0xFFFFFF10] =	vst v1  }
0xca: {  	v1 =	vld [tilespmem:s11+$0xFFFFFF20];
	_ =	sdelay $0x2  }
0xcb: {  	v3 =	vbroadcast v2, $0x1;
	_ =	sdelay $0x1  }
0xcc: {  	v1 =	vmul.f32 v3, v1;
	_ =	sdelay $0x1  }
0xcd: {  	[tilespmem:s13+$0xFFFFFF20] =	vst v1  }
0xce: {  	v1 =	vld [tilespmem:s11+$0xFFFFFF30];
	_ =	sdelay $0x4  }
0xcf: {  	v1 =	vmul.f32 v1, v3;
	_ =	sdelay $0x1  }
0xd0: {  	[tilespmem:s13+$0xFFFFFF30] =	vst v1  }
0xd1: {  	v1 =	vld [tilespmem:s11+$0xFFFFFF40];
	_ =	sdelay $0x2  }
0xd2: {  	v3 =	vbroadcast v2, $0x2;
	_ =	sdelay $0x1  }
0xd3: {  	v1 =	vmul.f32 v1, v3;
	_ =	sdelay $0x1  }
0xd4: {  	[tilespmem:s13+$0xFFFFFF40] =	vst v1  }
0xd5: {  	v1 =	vld [tilespmem:s11+$0xFFFFFF50];
	_ =	sdelay $0x4  }
0xd6: {  	v1 =	vmul.f32 v1, v3;
	_ =	sdelay $0x1  }
0xd7: {  	[tilespmem:s13+$0xFFFFFF50] =	vst v1  }
0xd8: {  	v1 =	vld [tilespmem:s11+$0xFFFFFF60];
	_ =	sdelay $0x2  }
0xd9: {  	v3 =	vbroadcast v2, $0x3;
	_ =	sdelay $0x1  }
0xda: {  	v1 =	vmul.f32 v1, v3;
	_ =	sdelay $0x1  }
0xdb: {  	[tilespmem:s13+$0xFFFFFF60] =	vst v1  }
0xdc: {  	v1 =	vld [tilespmem:s11+$0xFFFFFF70];
	_ =	sdelay $0x4  }
0xdd: {  	v1 =	vmul.f32 v1, v3;
	_ =	sdelay $0x1  }
0xde: {  	[tilespmem:s13+$0xFFFFFF70] =	vst v1  }
0xdf: {  	v1 =	vld [tilespmem:s11+$0xFFFFFF80];
	_ =	sdelay $0x2  }
0xe0: {  	v3 =	vbroadcast v2, $0x4;
	_ =	sdelay $0x1  }
0xe1: {  	v1 =	vmul.f32 v1, v3;
	_ =	sdelay $0x1  }
0xe2: {  	[tilespmem:s13+$0xFFFFFF80] =	vst v1  }
0xe3: {  	v1 =	vld [tilespmem:s11+$0xFFFFFF90];
	_ =	sdelay $0x4  }
0xe4: {  	v1 =	vmul.f32 v1, v3;
	_ =	sdelay $0x1  }
0xe5: {  	[tilespmem:s13+$0xFFFFFF90] =	vst v1  }
0xe6: {  	v1 =	vld [tilespmem:s11+$0xFFFFFFA0];
	_ =	sdelay $0x2  }
0xe7: {  	v3 =	vbroadcast v2, $0x5;
	_ =	sdelay $0x1  }
0xe8: {  	v1 =	vmul.f32 v1, v3;
	_ =	sdelay $0x1  }
0xe9: {  	[tilespmem:s13+$0xFFFFFFA0] =	vst v1  }
0xea: {  	v1 =	vld [tilespmem:s11+$0xFFFFFFB0];
	_ =	sdelay $0x4  }
0xeb: {  	v1 =	vmul.f32 v1, v3;
	_ =	sdelay $0x1  }
0xec: {  	[tilespmem:s13+$0xFFFFFFB0] =	vst v1  }
0xed: {  	v1 =	vld [tilespmem:s11+$0xFFFFFFC0];
	_ =	sdelay $0x2  }
0xee: {  	v3 =	vbroadcast v2, $0x6;
	_ =	sdelay $0x1  }
0xef: {  	v1 =	vmul.f32 v1, v3;
	_ =	sdelay $0x1  }
0xf0: {  	[tilespmem:s13+$0xFFFFFFC0] =	vst v1  }
0xf1: {  	v1 =	vld [tilespmem:s11+$0xFFFFFFD0];
	_ =	sdelay $0x4  }
0xf2: {  	v1 =	vmul.f32 v1, v3;
	_ =	sdelay $0x1  }
0xf3: {  	[tilespmem:s13+$0xFFFFFFD0] =	vst v1  }
0xf4: {  	v1 =	vld [tilespmem:s11+$0xFFFFFFE0];
	_ =	sdelay $0x2  }
0xf5: {  	v3 =	vbroadcast v2, $0x7;
	_ =	sdelay $0x1  }
0xf6: {  	v1 =	vmul.f32 v1, v3;
	_ =	sdelay $0x1  }
0xf7: {  	[tilespmem:s13+$0xFFFFFFE0] =	vst v1  }
0xf8: {  	v1 =	vld [tilespmem:s11+$0xFFFFFFF0];
	_ =	sdelay $0x4  }
0xf9: {  	v1 =	vmul.f32 v1, v3;
	_ =	sdelay $0x1  }
0xfa: {  	[tilespmem:s13+$0xFFFFFFF0] =	vst v1  }
0xfb: {  	v1 =	vld [tilespmem:s11+$0x0];
	_ =	sdelay $0x2  }
0xfc: {  	v3 =	vbroadcast v2, $0x8;
	_ =	sdelay $0x1  }
0xfd: {  	v1 =	vmul.f32 v1, v3;
	_ =	sdelay $0x1  }
0xfe: {  	[tilespmem:s13+$0x0] =	vst v1  }
0xff: {  	v1 =	vld [tilespmem:s11+$0x10];
	_ =	sdelay $0x4  }
0x100: {  	v1 =	vmul.f32 v1, v3;
	_ =	sdelay $0x1  }
0x101: {  	[tilespmem:s13+$0x10] =	vst v1  }
0x102: {  	v1 =	vld [tilespmem:s11+$0x20];
	_ =	sdelay $0x2  }
0x103: {  	v3 =	vbroadcast v2, $0x9;
	_ =	sdelay $0x1  }
0x104: {  	v1 =	vmul.f32 v1, v3;
	_ =	sdelay $0x1  }
0x105: {  	[tilespmem:s13+$0x20] =	vst v1  }
0x106: {  	v1 =	vld [tilespmem:s11+$0x30];
	_ =	sdelay $0x4  }
0x107: {  	v1 =	vmul.f32 v1, v3;
	_ =	sdelay $0x1  }
0x108: {  	[tilespmem:s13+$0x30] =	vst v1  }
0x109: {  	v1 =	vld [tilespmem:s11+$0x40];
	_ =	sdelay $0x2  }
0x10a: {  	v3 =	vbroadcast v2, $0xA;
	_ =	sdelay $0x1  }
0x10b: {  	v1 =	vmul.f32 v1, v3;
	_ =	sdelay $0x1  }
0x10c: {  	[tilespmem:s13+$0x40] =	vst v1  }
0x10d: {  	v1 =	vld [tilespmem:s11+$0x50];
	_ =	sdelay $0x4  }
0x10e: {  	v1 =	vmul.f32 v1, v3;
	_ =	sdelay $0x1  }
0x10f: {  	[tilespmem:s13+$0x50] =	vst v1  }
0x110: {  	v1 =	vld [tilespmem:s11+$0x60];
	_ =	sdelay $0x2  }
0x111: {  	v3 =	vbroadcast v2, $0xB;
	_ =	sdelay $0x1  }
0x112: {  	v1 =	vmul.f32 v1, v3;
	_ =	sdelay $0x1  }
0x113: {  	[tilespmem:s13+$0x60] =	vst v1  }
0x114: {  	v1 =	vld [tilespmem:s11+$0x70];
	_ =	sdelay $0x4  }
0x115: {  	v1 =	vmul.f32 v1, v3;
	_ =	sdelay $0x1  }
0x116: {  	[tilespmem:s13+$0x70] =	vst v1  }
0x117: {  	v1 =	vld [tilespmem:s11+$0x80];
	_ =	sdelay $0x2  }
0x118: {  	v3 =	vbroadcast v2, $0xC;
	_ =	sdelay $0x1  }
0x119: {  	v1 =	vmul.f32 v1, v3;
	_ =	sdelay $0x1  }
0x11a: {  	[tilespmem:s13+$0x80] =	vst v1  }
0x11b: {  	v1 =	vld [tilespmem:s11+$0x90];
	_ =	sdelay $0x4  }
0x11c: {  	v1 =	vmul.f32 v1, v3;
	_ =	sdelay $0x1  }
0x11d: {  	[tilespmem:s13+$0x90] =	vst v1  }
0x11e: {  	v1 =	vld [tilespmem:s11+$0xA0];
	_ =	sdelay $0x2  }
0x11f: {  	v3 =	vbroadcast v2, $0xD;
	_ =	sdelay $0x1  }
0x120: {  	v1 =	vmul.f32 v1, v3;
	_ =	sdelay $0x1  }
0x121: {  	[tilespmem:s13+$0xA0] =	vst v1  }
0x122: {  	v1 =	vld [tilespmem:s11+$0xB0];
	_ =	sdelay $0x4  }
0x123: {  	v1 =	vmul.f32 v1, v3;
	_ =	sdelay $0x1  }
0x124: {  	[tilespmem:s13+$0xB0] =	vst v1  }
0x125: {  	v1 =	vld [tilespmem:s11+$0xC0];
	_ =	sdelay $0x2  }
0x126: {  	v3 =	vbroadcast v2, $0xE;
	_ =	sdelay $0x1  }
0x127: {  	v1 =	vmul.f32 v1, v3;
	_ =	sdelay $0x1  }
0x128: {  	[tilespmem:s13+$0xC0] =	vst v1  }
0x129: {  	v1 =	vld [tilespmem:s11+$0xD0];
	_ =	sdelay $0x4  }
0x12a: {  	v1 =	vmul.f32 v1, v3;
	_ =	sdelay $0x1  }
0x12b: {  	[tilespmem:s13+$0xD0] =	vst v1  }
0x12c: {  	v1 =	vld [tilespmem:s11+$0xE0];
	_ =	sdelay $0x2  }
0x12d: {  	v2 =	vbroadcast v2, $0xF;
	_ =	sdelay $0x1  }
0x12e: {  	v1 =	vmul.f32 v1, v2;
	_ =	sdelay $0x1  }
0x12f: {  	[tilespmem:s13+$0xE0] =	vst v1  }
0x130: {  	v1 =	vld [tilespmem:s11+$0xF0];
	_ =	sdelay $0x4  }
0x131: {  	s3 =	simm.s32 $0x3B80;
	s15 =	simm.s32 $0x40;
	v1 =	vmul.f32 v1, v2  }
.LBB2_9:
0x132: {  	p0 =	sne.s32 s15, $0x180;
	s13 =	sadd.s32 $0x200, s13;
	s11 =	sadd.s32 $0x200, s11  }
0x133: {  	s1 =	sshra.s32 s15, $0x2;
	s15 =	sadd.s32 $0x40, s15;
	[tilespmem:s3+$0xF0] =	vst v1;
	s3 =	smov.u32 s13  }
0x134: {  	v1 =	vld [tilespmem:s1+$0x4880]  }
0x135: {  	v2 =	vld [tilespmem:s1+$0x48F0];
	_ =	sdelay $0x4  }
0x136: {  	v1 =	vadd.f32 v2, v1;
	_ =	sdelay $0x1  }
0x137: {  	vm0 =	vgt.f32 v1, $0.0e+00  }
0x138: {  	v1 =	vnsel vm0, $0x3F800000, v1  }
0x139: {  	(erf) = vrcp.f32 v1;
	_ =	sdelay $0x5  }
0x13a: {  	v2 =	vld [tilespmem:s11+$0xFFFFFF00];
	_ =	sdelay $0x2  }
0x13b: {  	v1 =	vpop (erf)  }
0x13c: {  	v3 =	vbroadcast v1, $0x0;
	_ =	sdelay $0x1  }
0x13d: {  	v2 =	vmul.f32 v3, v2;
	_ =	sdelay $0x1  }
0x13e: {  	[tilespmem:s13+$0xFFFFFF00] =	vst v2  }
0x13f: {  	v2 =	vld [tilespmem:s11+$0xFFFFFF10];
	_ =	sdelay $0x4  }
0x140: {  	v2 =	vmul.f32 v3, v2;
	_ =	sdelay $0x1  }
0x141: {  	[tilespmem:s13+$0xFFFFFF10] =	vst v2  }
0x142: {  	v2 =	vld [tilespmem:s11+$0xFFFFFF20];
	_ =	sdelay $0x1  }
0x143: {  	v3 =	vbroadcast v1, $0x1;
	_ =	sdelay $0x2  }
0x144: {  	v2 =	vmul.f32 v3, v2;
	_ =	sdelay $0x1  }
0x145: {  	[tilespmem:s13+$0xFFFFFF20] =	vst v2  }
0x146: {  	v2 =	vld [tilespmem:s11+$0xFFFFFF30];
	_ =	sdelay $0x4  }
0x147: {  	v2 =	vmul.f32 v2, v3;
	_ =	sdelay $0x1  }
0x148: {  	[tilespmem:s13+$0xFFFFFF30] =	vst v2  }
0x149: {  	v2 =	vld [tilespmem:s11+$0xFFFFFF40];
	_ =	sdelay $0x1  }
0x14a: {  	v3 =	vbroadcast v1, $0x2;
	_ =	sdelay $0x2  }
0x14b: {  	v2 =	vmul.f32 v2, v3;
	_ =	sdelay $0x1  }
0x14c: {  	[tilespmem:s13+$0xFFFFFF40] =	vst v2  }
0x14d: {  	v2 =	vld [tilespmem:s11+$0xFFFFFF50];
	_ =	sdelay $0x4  }
0x14e: {  	v2 =	vmul.f32 v2, v3;
	_ =	sdelay $0x1  }
0x14f: {  	[tilespmem:s13+$0xFFFFFF50] =	vst v2  }
0x150: {  	v2 =	vld [tilespmem:s11+$0xFFFFFF60];
	_ =	sdelay $0x1  }
0x151: {  	v3 =	vbroadcast v1, $0x3;
	_ =	sdelay $0x2  }
0x152: {  	v2 =	vmul.f32 v2, v3;
	_ =	sdelay $0x1  }
0x153: {  	[tilespmem:s13+$0xFFFFFF60] =	vst v2  }
0x154: {  	v2 =	vld [tilespmem:s11+$0xFFFFFF70];
	_ =	sdelay $0x4  }
0x155: {  	v2 =	vmul.f32 v2, v3;
	_ =	sdelay $0x1  }
0x156: {  	[tilespmem:s13+$0xFFFFFF70] =	vst v2  }
0x157: {  	v2 =	vld [tilespmem:s11+$0xFFFFFF80];
	_ =	sdelay $0x1  }
0x158: {  	v3 =	vbroadcast v1, $0x4;
	_ =	sdelay $0x2  }
0x159: {  	v2 =	vmul.f32 v2, v3;
	_ =	sdelay $0x1  }
0x15a: {  	[tilespmem:s13+$0xFFFFFF80] =	vst v2  }
0x15b: {  	v2 =	vld [tilespmem:s11+$0xFFFFFF90];
	_ =	sdelay $0x4  }
0x15c: {  	v2 =	vmul.f32 v2, v3;
	_ =	sdelay $0x1  }
0x15d: {  	[tilespmem:s13+$0xFFFFFF90] =	vst v2  }
0x15e: {  	v2 =	vld [tilespmem:s11+$0xFFFFFFA0];
	_ =	sdelay $0x1  }
0x15f: {  	v3 =	vbroadcast v1, $0x5;
	_ =	sdelay $0x2  }
0x160: {  	v2 =	vmul.f32 v2, v3;
	_ =	sdelay $0x1  }
0x161: {  	[tilespmem:s13+$0xFFFFFFA0] =	vst v2  }
0x162: {  	v2 =	vld [tilespmem:s11+$0xFFFFFFB0];
	_ =	sdelay $0x4  }
0x163: {  	v2 =	vmul.f32 v2, v3;
	_ =	sdelay $0x1  }
0x164: {  	[tilespmem:s13+$0xFFFFFFB0] =	vst v2  }
0x165: {  	v2 =	vld [tilespmem:s11+$0xFFFFFFC0];
	_ =	sdelay $0x1  }
0x166: {  	v3 =	vbroadcast v1, $0x6;
	_ =	sdelay $0x2  }
0x167: {  	v2 =	vmul.f32 v2, v3;
	_ =	sdelay $0x1  }
0x168: {  	[tilespmem:s13+$0xFFFFFFC0] =	vst v2  }
0x169: {  	v2 =	vld [tilespmem:s11+$0xFFFFFFD0];
	_ =	sdelay $0x4  }
0x16a: {  	v2 =	vmul.f32 v2, v3;
	_ =	sdelay $0x1  }
0x16b: {  	[tilespmem:s13+$0xFFFFFFD0] =	vst v2  }
0x16c: {  	v2 =	vld [tilespmem:s11+$0xFFFFFFE0];
	_ =	sdelay $0x1  }
0x16d: {  	v3 =	vbroadcast v1, $0x7;
	_ =	sdelay $0x2  }
0x16e: {  	v2 =	vmul.f32 v2, v3;
	_ =	sdelay $0x1  }
0x16f: {  	[tilespmem:s13+$0xFFFFFFE0] =	vst v2  }
0x170: {  	v2 =	vld [tilespmem:s11+$0xFFFFFFF0];
	_ =	sdelay $0x4  }
0x171: {  	v2 =	vmul.f32 v2, v3;
	_ =	sdelay $0x1  }
0x172: {  	[tilespmem:s13+$0xFFFFFFF0] =	vst v2  }
0x173: {  	v2 =	vld [tilespmem:s11+$0x0];
	_ =	sdelay $0x1  }
0x174: {  	v3 =	vbroadcast v1, $0x8;
	_ =	sdelay $0x2  }
0x175: {  	v2 =	vmul.f32 v2, v3;
	_ =	sdelay $0x1  }
0x176: {  	[tilespmem:s13+$0x0] =	vst v2  }
0x177: {  	v2 =	vld [tilespmem:s11+$0x10];
	_ =	sdelay $0x4  }
0x178: {  	v2 =	vmul.f32 v2, v3;
	_ =	sdelay $0x1  }
0x179: {  	[tilespmem:s13+$0x10] =	vst v2  }
0x17a: {  	v2 =	vld [tilespmem:s11+$0x20];
	_ =	sdelay $0x1  }
0x17b: {  	v3 =	vbroadcast v1, $0x9;
	_ =	sdelay $0x2  }
0x17c: {  	v2 =	vmul.f32 v2, v3;
	_ =	sdelay $0x1  }
0x17d: {  	[tilespmem:s13+$0x20] =	vst v2  }
0x17e: {  	v2 =	vld [tilespmem:s11+$0x30];
	_ =	sdelay $0x4  }
0x17f: {  	v2 =	vmul.f32 v2, v3;
	_ =	sdelay $0x1  }
0x180: {  	[tilespmem:s13+$0x30] =	vst v2  }
0x181: {  	v2 =	vld [tilespmem:s11+$0x40];
	_ =	sdelay $0x1  }
0x182: {  	v3 =	vbroadcast v1, $0xA;
	_ =	sdelay $0x2  }
0x183: {  	v2 =	vmul.f32 v2, v3;
	_ =	sdelay $0x1  }
0x184: {  	[tilespmem:s13+$0x40] =	vst v2  }
0x185: {  	v2 =	vld [tilespmem:s11+$0x50];
	_ =	sdelay $0x4  }
0x186: {  	v2 =	vmul.f32 v2, v3;
	_ =	sdelay $0x1  }
0x187: {  	[tilespmem:s13+$0x50] =	vst v2  }
0x188: {  	v2 =	vld [tilespmem:s11+$0x60];
	_ =	sdelay $0x1  }
0x189: {  	v3 =	vbroadcast v1, $0xB;
	_ =	sdelay $0x2  }
0x18a: {  	v2 =	vmul.f32 v2, v3;
	_ =	sdelay $0x1  }
0x18b: {  	[tilespmem:s13+$0x60] =	vst v2  }
0x18c: {  	v2 =	vld [tilespmem:s11+$0x70];
	_ =	sdelay $0x4  }
0x18d: {  	v2 =	vmul.f32 v2, v3;
	_ =	sdelay $0x1  }
0x18e: {  	[tilespmem:s13+$0x70] =	vst v2  }
0x18f: {  	v2 =	vld [tilespmem:s11+$0x80];
	_ =	sdelay $0x1  }
0x190: {  	v3 =	vbroadcast v1, $0xC;
	_ =	sdelay $0x2  }
0x191: {  	v2 =	vmul.f32 v2, v3;
	_ =	sdelay $0x1  }
0x192: {  	[tilespmem:s13+$0x80] =	vst v2  }
0x193: {  	v2 =	vld [tilespmem:s11+$0x90];
	_ =	sdelay $0x4  }
0x194: {  	v2 =	vmul.f32 v2, v3;
	_ =	sdelay $0x1  }
0x195: {  	[tilespmem:s13+$0x90] =	vst v2  }
0x196: {  	v2 =	vld [tilespmem:s11+$0xA0];
	_ =	sdelay $0x1  }
0x197: {  	v3 =	vbroadcast v1, $0xD;
	_ =	sdelay $0x2  }
0x198: {  	v2 =	vmul.f32 v2, v3;
	_ =	sdelay $0x1  }
0x199: {  	[tilespmem:s13+$0xA0] =	vst v2  }
0x19a: {  	v2 =	vld [tilespmem:s11+$0xB0];
	_ =	sdelay $0x4  }
0x19b: {  	v2 =	vmul.f32 v2, v3;
	_ =	sdelay $0x1  }
0x19c: {  	[tilespmem:s13+$0xB0] =	vst v2  }
0x19d: {  	v2 =	vld [tilespmem:s11+$0xC0];
	_ =	sdelay $0x1  }
0x19e: {  	v3 =	vbroadcast v1, $0xE;
	_ =	sdelay $0x2  }
0x19f: {  	v2 =	vmul.f32 v2, v3;
	_ =	sdelay $0x1  }
0x1a0: {  	[tilespmem:s13+$0xC0] =	vst v2  }
0x1a1: {  	v2 =	vld [tilespmem:s11+$0xD0];
	_ =	sdelay $0x4  }
0x1a2: {  	v2 =	vmul.f32 v2, v3;
	_ =	sdelay $0x1  }
0x1a3: {  	[tilespmem:s13+$0xD0] =	vst v2  }
0x1a4: {  	v2 =	vld [tilespmem:s11+$0xE0];
	_ =	sdelay $0x1  }
0x1a5: {  	v1 =	vbroadcast v1, $0xF;
	_ =	sdelay $0x2  }
0x1a6: {  	v2 =	vmul.f32 v2, v1;
	_ =	sdelay $0x1  }
0x1a7: {  	[tilespmem:s13+$0xE0] =	vst v2  }
0x1a8: {  	v2 =	vld [tilespmem:s11+$0xF0]  }
.Ltmp3:
0x1a9: {  	(pc) =	sbr.rel @p0 .LBB2_9-.Ltmp3, $2  }
0x1aa: {  	_ =	sdelay $0x2  }
0x1ab: {  	v1 =	vmul.f32 v2, v1  }
0x1ac: {  	s5 =	sadd.s32 $0x1, s5  }
0x1ad: {  	s1 =	sshll.u32 s9, $0x3;
	p0 =	sne.s32 s5, $0x1C  }
.Ltmp4:
0x1ae: {  	[tilespmem:s3+$0xF0] =	vst v1;
	s1 =	sadd.s32 s14, s1;
	(pc) =	sbr.rel @p0 .LBB2_8-.Ltmp4, $4  }
0x1af: {  	[hbm4b:s1+s29] =	stream.strided.scatter [tilespmem:s31], [sflag:s22], $0xE00, s30, s29, $0x38;
	[tilespmem:$0x1D160] =	vst v63  }
0x1b0: {  	_ =	swait.ge [sflag:s22], $0xE00  }
0x1b1: {  	[sflag:s22] =	ssyncset.done $0x0  }
0x1b2: {  	[sflag:s22] =	ssyncadd.s32 $0xFFFFF200  }
0x1b3: {  	s1 =	rddreg [dreg:$0x4]  }
0x1b4: {  	s0 =	rddreg [dreg:$0x7];
	s1 =	sadd.s32 $0x1, s1  }
0x1b5: {  	p0 =	sne.s32 s1, s0  }
.Ltmp5:
0x1b6: {  	_ = 	snop;
	(pc) =	sbr.rel @p0 .LBB2_1-.Ltmp5, $1  }
0x1b7: {  	_ =	sdelay $0x3  }
0x1b8: {  	_ =	sfence.sel $0x180000  }
0x1b9: {  	[bflag:$0x0] =	sbarrier.arrive $0xFFFF  }
0x1ba: {  	_ =	strace $0x9000004A  }
0x1bb: {  	s0 =	stileid.u32;
	[bflag:$0x2] =	sbarrier.arrive $0xFFFF  }
0x1bc: {  	p0 =	sne.s32 s0, $0x0;
	s0 =	rddreg [dreg:$0x3]  }
0x1bd: {  	s0 =	sadd.s32 @!p0 $0x100000, s0  }
0x1be: {  	[sflag:s0] =	ssyncadd.tile.s32 @!p0 $0x1;
	_ =	shalt  }
.Lfunc_end2:
_tile_overlayer_lowered:
.L_overlay_start_2:
0x1bf: {  	(tag) =	ssettag $0x2  }
0x1c0: {  	s0 =	rddreg [dreg:$0x0];
	s2 =	stileid.u32  }
0x1c1: {  	s1 =	rddreg [dreg:$0x1];
	p0 =	sne.s32 s2, $0x0  }
0x1c2: {  	s3 =	rddreg [dreg:$0x2];
	[bflag:$0x3] =	sbarrier.arrive $0xFFFF;
	s2 =	simm.s32 @!p0 $0x1C02  }
0x1c3: {  	[timem:s3], [sflag:s2] =	dma.local @!p0 [hbm:s0], s1  }
0x1c4: {  	s0 =	simm.s32 @!p0 $0x2  }
0x1c5: {  	_ =	swait.ge @!p0 [sflag:s0], s1  }
0x1c6: {  	s1 =	ssub.s32 @!p0 $0x0, s1;
	[sflag:s0] =	ssyncset.done @!p0 $0x0  }
0x1c7: {  	[sflag:s0] =	ssyncadd.s32 @!p0 s1  }
0x1c8: {  	[bflag:$0x3] =	sbarrier.arrive $0xFFFF  }
0x1c9: {  	_ =	shalt  }

</sc_bundles>
